<compile_context>
chip_gen: v7x
topology: tpu7x:2x2x1
jax: 0.10.2.dev20260603
libtpu: 0.0.44.dev20260713+nightly
codegen_flags: <defaults>
</compile_context>

<pallas_src>
import functools

import jax
import jax.numpy as jnp
from jax import lax
from jax.experimental import pallas as pl
from jax.experimental.pallas import tpu as pltpu
from jax.experimental.pallas import tpu_sc as plsc

_N_EXPERTS = 8
_FFW = 1024
_FH = _FFW // 2
_D = 768
_T = 64
_NW = _T // 16
_LIMIT = 7.0
_ALPHA = 1.702


def _swiglu(hg, hx):
    g = jnp.minimum(hg, _LIMIT)
    xl = jnp.clip(hx, -_LIMIT, _LIMIT)
    return g * jax.nn.sigmoid(_ALPHA * g) * (xl + 1.0)


def _expert_body(x_ref, w1a_ref, w1b_ref, b1g_ref, b1x_ref, w2a_ref,
                 w2b_ref, b2_ref, y_ref):
    x = x_ref[...]
    dn = (((1,), (1,)), ((), ()))
    h2 = b2_ref[0]
    for w1_ref, w2_ref, lo in ((w1a_ref, w2a_ref, 0), (w1b_ref, w2b_ref, _FH)):
        hg = jax.lax.dot_general(x, w1_ref[0, :, 0:_D], dn,
                                 preferred_element_type=jnp.float32)
        hg = hg + b1g_ref[0, :, lo:lo + _FH]
        hx = jax.lax.dot_general(x, w1_ref[0, :, _D:2 * _D], dn,
                                 preferred_element_type=jnp.float32)
        hx = hx + b1x_ref[0, :, lo:lo + _FH]
        act = _swiglu(hg, hx)
        h2 = h2 + jax.lax.dot_general(act, w2_ref[0], dn,
                                      preferred_element_type=jnp.float32)
    y_ref[...] = h2.reshape(1, _T, _D)


def _combine_body(w_ref, y_ref, out_ref):
    acc = w_ref[:, 0:1] * y_ref[0]
    for e in range(1, _N_EXPERTS):
        acc = acc + w_ref[:, e:e + 1] * y_ref[e]
    out_ref[...] = acc


def _route_sc_body(x_hbm, gw_hbm, w_hbm, x_v, gw_v, w_v):
    wid = lax.axis_index("c") * 16 + lax.axis_index("s")

    @pl.when(wid < _NW)
    def _():
        base = wid * 16
        pltpu.sync_copy(x_hbm.at[pl.ds(base, 16)], x_v)
        pltpu.sync_copy(gw_hbm, gw_v)
        lanes = lax.broadcasted_iota(jnp.int32, (16,), 0)

        def tbody(t, rows):
            accs = [jnp.zeros((16,), jnp.float32)] * _N_EXPERTS
            for c in range(_D // 16):
                cb = c * 16
                xc = x_v[t, pl.ds(cb, 16)]
                for e in range(_N_EXPERTS):
                    accs[e] = accs[e] + xc * gw_v[e, pl.ds(cb, 16)]
            def hsum(v):
                for k in (8, 4, 2, 1):
                    perm = (lanes ^ k).reshape(16, 1)
                    v = v + lax.gather(
                        v, perm,
                        lax.GatherDimensionNumbers(
                            offset_dims=(), collapsed_slice_dims=(0,),
                            start_index_map=(0,)),
                        (1,),
                        mode=lax.GatherScatterMode.PROMISE_IN_BOUNDS)
                return v

            return tuple(
                jnp.where(lanes == t, hsum(accs[e]), rows[e])
                for e in range(_N_EXPERTS))

        rows = lax.fori_loop(
            0, 16, tbody,
            tuple(jnp.zeros((16,), jnp.float32) for _ in range(_N_EXPERTS)))

        idx = [jnp.full((16,), e, jnp.int32) for e in range(_N_EXPERTS)]
        big = jnp.full((16,), _N_EXPERTS, jnp.int32)
        m1 = rows[0]
        for r in rows[1:]:
            m1 = jnp.maximum(m1, r)
        a1 = big
        for e in range(_N_EXPERTS - 1, -1, -1):
            a1 = jnp.where(rows[e] == m1, idx[e], a1)
        neg = jnp.full((16,), -3.0e38, jnp.float32)
        rows2 = [jnp.where(idx[e] == a1, neg, rows[e])
                 for e in range(_N_EXPERTS)]
        m2 = rows2[0]
        for r in rows2[1:]:
            m2 = jnp.maximum(m2, r)
        a2 = big
        for e in range(_N_EXPERTS - 1, -1, -1):
            a2 = jnp.where(rows2[e] == m2, idx[e], a2)
        e2 = jnp.exp(m2 - m1)
        denom = 1.0 + e2
        p1 = 1.0 / denom
        p2 = e2 / denom
        zero = jnp.zeros((16,), jnp.float32)
        for e in range(_N_EXPERTS):
            w_v[e, :] = jnp.where(idx[e] == a1, p1,
                                  jnp.where(idx[e] == a2, p2, zero))
        pltpu.sync_copy(w_v, w_hbm.at[wid])


@functools.cache
def _make_route_sc():
    mesh = plsc.VectorSubcoreMesh(core_axis_name="c", subcore_axis_name="s")
    return functools.partial(
        pl.kernel,
        mesh=mesh,
        out_type=jax.ShapeDtypeStruct((_NW, _N_EXPERTS, 16), jnp.float32),
        scratch_types=[
            pltpu.VMEM((16, _D), jnp.float32),
            pltpu.VMEM((_N_EXPERTS, _D), jnp.float32),
            pltpu.VMEM((_N_EXPERTS, 16), jnp.float32),
        ],
    )(_route_sc_body)


@jax.jit
def kernel(x, gate_w, dense_1_w, dense_1_b, dense_2_w, dense_2_b):
    B, L, D = x.shape
    T = B * L
    x_f = x.reshape(T, D)
    w1r = dense_1_w.reshape(_N_EXPERTS, _FFW, 2 * D)
    b1g = dense_1_b[:, 0::2].reshape(_N_EXPERTS, 1, _FFW)
    b1x = dense_1_b[:, 1::2].reshape(_N_EXPERTS, 1, _FFW)
    b2 = dense_2_b.reshape(_N_EXPERTS, 1, _D)

    w_chunks = _make_route_sc()(x_f, gate_w.T)

    y = pl.pallas_call(
        _expert_body,
        grid=(_N_EXPERTS,),
        in_specs=[
            pl.BlockSpec((T, D), lambda e: (0, 0)),
            pl.BlockSpec((1, _FH, 2 * D), lambda e: (e, 0, 0)),
            pl.BlockSpec((1, _FH, 2 * D), lambda e: (e, 1, 0)),
            pl.BlockSpec((1, 1, _FFW), lambda e: (e, 0, 0)),
            pl.BlockSpec((1, 1, _FFW), lambda e: (e, 0, 0)),
            pl.BlockSpec((1, D, _FH), lambda e: (e, 0, 0)),
            pl.BlockSpec((1, D, _FH), lambda e: (e, 0, 1)),
            pl.BlockSpec((1, 1, D), lambda e: (e, 0, 0)),
        ],
        out_specs=pl.BlockSpec((1, T, D), lambda e: (e, 0, 0)),
        out_shape=jax.ShapeDtypeStruct((_N_EXPERTS, T, D), jnp.float32),
        compiler_params=pltpu.CompilerParams(
            dimension_semantics=("arbitrary",)),
    )(x_f, w1r, w1r, b1g, b1x, dense_2_w, dense_2_w, b2)

    w_chunks_b, y_b = lax.optimization_barrier((w_chunks, y))
    w_dense = w_chunks_b.transpose(0, 2, 1).reshape(T, _N_EXPERTS)

    out = pl.pallas_call(
        _combine_body,
        in_specs=[pl.BlockSpec((T, _N_EXPERTS), lambda: (0, 0)),
                  pl.BlockSpec((_N_EXPERTS, T, D), lambda: (0, 0, 0))],
        out_specs=pl.BlockSpec((T, D), lambda: (0, 0)),
        out_shape=jax.ShapeDtypeStruct((T, D), jnp.float32),
    )(w_dense, y_b)
    return out.reshape(B, L, D)

# --- scband reference (transcript-rebuilt; emitter-appended) ---
"""Pipeline reference for scband-mo-e-11785390260960 (READ-ONLY COPY).

The authoritative reference and input builder live on the scoring server;
editing this copy changes nothing except your own understanding.
"""

import jax, jax.numpy as jnp
import numpy as np

N_EXPERTS = 8
TOP_K = 2
FFW = 1024
D_MODEL = 768
SWIGLU_LIMIT = 7.0
SWIGLU_ALPHA = 1.702


def setup_inputs(seed: int = 0) -> dict:
    key = jax.random.key(seed)
    k_x, k_g, k_w1, k_w2 = jax.random.split(key, 4)
    B, L, D = 8, 8, D_MODEL
    x = jax.random.normal(k_x, (B, L, D), dtype=jnp.float32)
    # flax nn.Dense default kernel init is lecun_normal: std = 1/sqrt(fan_in)
    gate_w = jax.random.normal(k_g, (D, N_EXPERTS), dtype=jnp.float32) / np.sqrt(D)
    dense_1_w = jax.random.normal(k_w1, (N_EXPERTS, 2 * FFW, D), dtype=jnp.float32) / np.sqrt(D)
    dense_1_b = jnp.zeros((N_EXPERTS, 2 * FFW), dtype=jnp.float32)
    dense_2_w = jax.random.normal(k_w2, (N_EXPERTS, D, FFW), dtype=jnp.float32) / np.sqrt(FFW)
    dense_2_b = jnp.zeros((N_EXPERTS, D), dtype=jnp.float32)
    return {
        'x': x,
        'gate_w': gate_w,
        'dense_1_w': dense_1_w,
        'dense_1_b': dense_1_b,
        'dense_2_w': dense_2_w,
        'dense_2_b': dense_2_b,
    }


def swiglu(x, alpha=SWIGLU_ALPHA, limit=SWIGLU_LIMIT):
    g, _x = x[..., 0::2], x[..., 1::2]
    g = jnp.clip(g, None, limit)
    _x = jnp.clip(_x, -limit, limit)
    return g * jax.nn.sigmoid(alpha * g) * (_x + 1)


def reference(x, gate_w, dense_1_w, dense_1_b, dense_2_w, dense_2_b):
    B, L, D = x.shape
    x_f = x.reshape(B * L, D)
    gate = x_f @ gate_w  # nn.Dense(n_experts, use_bias=False)
    weights, selected_experts = jax.lax.top_k(gate, k=TOP_K)
    weights = jax.nn.softmax(weights, axis=-1)
    # gather full expert weights per token (SparseCore-style gather)
    w1 = jnp.take(dense_1_w, selected_experts, axis=0)  # [T, k, 2F, D]
    b1 = jnp.take(dense_1_b, selected_experts, axis=0)  # [T, k, 2F]
    h = jnp.einsum('beck,bk->bec', w1, x_f) + b1
    h = swiglu(h)
    w2 = jnp.take(dense_2_w, selected_experts, axis=0)  # [T, k, D, F]
    b2 = jnp.take(dense_2_b, selected_experts, axis=0)  # [T, k, D]
    h = jnp.einsum('beck,bek->bec', w2, h) + b2
    out = jnp.einsum('bec,be->bc', h, weights).reshape(B, L, D)
    return out

if __name__ == "__main__":
    import jax
    _d = setup_inputs()
    print(jax.jit(kernel)(*tuple(_d.values())))

</pallas_src>

<mosaic_0001>
#map = affine_map<(d0, d1) -> (0, 0)>
#map1 = affine_map<(d0, d1) -> (0, 0, 0)>
module attributes {stable_mosaic.version = 14 : i64} {
  func.func @_route_sc_body(%arg0: i32, %arg1: i32, %arg2: memref<64x768xf32, #tpu.memory_space<hbm>>, %arg3: memref<8x768xf32, #tpu.memory_space<hbm>>, %arg4: memref<4x8x16xf32, #tpu.memory_space<hbm>>, %arg5: memref<16x768xf32, #tpu.memory_space<vmem>>, %arg6: memref<8x768xf32, #tpu.memory_space<vmem>>, %arg7: memref<8x16xf32, #tpu.memory_space<vmem>>) attributes {dimension_semantics = [#tpu.dimension_semantics<core_parallel>, #tpu.dimension_semantics<subcore_parallel>], iteration_bounds = array<i64: 2, 16>, scalar_prefetch = 0 : i64, scratch_operands = 3 : i64, tpu.core_type = #tpu.core_type<sc_vector_subcore>, window_params = [{transform_indices = #map}, {transform_indices = #map}, {transform_indices = #map1}]} {
    %mul3A = arith.constant 16 : i32
    %mul3A_0 = arith.muli %arg0, %mul3A : i32
    %add3A = arith.addi %mul3A_0, %arg1 : i32
    %lt3A = arith.constant 4 : i32
    %lt3A_1 = arith.cmpi slt, %add3A, %lt3A : i32
    %convert_element_type3A = arith.extui %lt3A_1 : i1 to i32
    %cond3A = arith.constant 0 : i32
    %cond3A_2 = arith.cmpi ne, %convert_element_type3A, %cond3A : i32
    scf.if %cond3A_2 {
      %mul3A_3 = arith.constant 16 : i32
      %mul3A_4 = arith.muli %add3A, %mul3A_3 : i32
      "tpu.region"() ({
        %run_scoped3A = tpu.sem_alloc : memref<!tpu.dma_semaphore, #tpu.memory_space<semaphore_mem>>
        %dma_start3A = arith.constant 0 : i32
        %dma_start3A_191 = tpu.memref_slice %arg2[%mul3A_4, %dma_start3A] : memref<64x768xf32, #tpu.memory_space<hbm>> -> memref<16x768xf32, #tpu.memory_space<hbm>>
        %dma_start3A_192 = arith.constant 0 : i32
        %dma_start3A_193 = tpu.memref_slice %arg2[%mul3A_4, %dma_start3A_192] : memref<64x768xf32, #tpu.memory_space<hbm>> -> memref<16x768xf32, #tpu.memory_space<hbm>>
        tpu.enqueue_dma source(%dma_start3A_193 : memref<16x768xf32, #tpu.memory_space<hbm>>) target(%arg5 : memref<16x768xf32, #tpu.memory_space<vmem>>) target_semaphore(%run_scoped3A : memref<!tpu.dma_semaphore, #tpu.memory_space<semaphore_mem>>)
        %dma_wait3A = arith.constant 0 : i32
        %dma_wait3A_194 = tpu.memref_slice %arg2[%mul3A_4, %dma_wait3A] : memref<64x768xf32, #tpu.memory_space<hbm>> -> memref<16x768xf32, #tpu.memory_space<hbm>>
        %dma_wait3A_195 = arith.constant 0 : i32
        %dma_wait3A_196 = tpu.memref_slice %arg2[%mul3A_4, %dma_wait3A_195] : memref<64x768xf32, #tpu.memory_space<hbm>> -> memref<16x768xf32, #tpu.memory_space<hbm>>
        tpu.wait_dma2 semaphore(%run_scoped3A : memref<!tpu.dma_semaphore, #tpu.memory_space<semaphore_mem>>) src(%dma_wait3A_196 : memref<16x768xf32, #tpu.memory_space<hbm>>) dst(%arg5 : memref<16x768xf32, #tpu.memory_space<vmem>>)
        tpu.yield
      }) : () -> ()
      "tpu.region"() ({
        %run_scoped3A = tpu.sem_alloc : memref<!tpu.dma_semaphore, #tpu.memory_space<semaphore_mem>>
        tpu.enqueue_dma source(%arg3 : memref<8x768xf32, #tpu.memory_space<hbm>>) target(%arg6 : memref<8x768xf32, #tpu.memory_space<vmem>>) target_semaphore(%run_scoped3A : memref<!tpu.dma_semaphore, #tpu.memory_space<semaphore_mem>>)
        tpu.wait_dma2 semaphore(%run_scoped3A : memref<!tpu.dma_semaphore, #tpu.memory_space<semaphore_mem>>) src(%arg3 : memref<8x768xf32, #tpu.memory_space<hbm>>) dst(%arg6 : memref<8x768xf32, #tpu.memory_space<vmem>>)
        tpu.yield
      }) : () -> ()
      %iota3A = tpu.iota {dimensions = array<i32: 0>} : vector<16xi32>
      %broadcast_in_dim3A = arith.constant 0.000000e+00 : f32
      %broadcast_in_dim3A_5 = vector.broadcast %broadcast_in_dim3A : f32 to vector<16xf32>
      %broadcast_in_dim3A_6 = arith.constant 0.000000e+00 : f32
      %broadcast_in_dim3A_7 = vector.broadcast %broadcast_in_dim3A_6 : f32 to vector<16xf32>
      %broadcast_in_dim3A_8 = arith.constant 0.000000e+00 : f32
      %broadcast_in_dim3A_9 = vector.broadcast %broadcast_in_dim3A_8 : f32 to vector<16xf32>
      %broadcast_in_dim3A_10 = arith.constant 0.000000e+00 : f32
      %broadcast_in_dim3A_11 = vector.broadcast %broadcast_in_dim3A_10 : f32 to vector<16xf32>
      %broadcast_in_dim3A_12 = arith.constant 0.000000e+00 : f32
      %broadcast_in_dim3A_13 = vector.broadcast %broadcast_in_dim3A_12 : f32 to vector<16xf32>
      %broadcast_in_dim3A_14 = arith.constant 0.000000e+00 : f32
      %broadcast_in_dim3A_15 = vector.broadcast %broadcast_in_dim3A_14 : f32 to vector<16xf32>
      %broadcast_in_dim3A_16 = arith.constant 0.000000e+00 : f32
      %broadcast_in_dim3A_17 = vector.broadcast %broadcast_in_dim3A_16 : f32 to vector<16xf32>
      %broadcast_in_dim3A_18 = arith.constant 0.000000e+00 : f32
      %broadcast_in_dim3A_19 = vector.broadcast %broadcast_in_dim3A_18 : f32 to vector<16xf32>
      %scan3A = arith.constant 0 : i32
      %scan3A_20 = arith.constant 16 : i32
      %scan3A_21 = arith.addi %scan3A, %scan3A_20 : i32
      %scan3A_22 = arith.constant 1 : i32
      %scan3A_23:8 = scf.for %scan3A_191 = %scan3A to %scan3A_21 step %scan3A_22 iter_args(%scan3A_192 = %broadcast_in_dim3A_5, %scan3A_193 = %broadcast_in_dim3A_7, %scan3A_194 = %broadcast_in_dim3A_9, %scan3A_195 = %broadcast_in_dim3A_11, %scan3A_196 = %broadcast_in_dim3A_13, %scan3A_197 = %broadcast_in_dim3A_15, %scan3A_198 = %broadcast_in_dim3A_17, %scan3A_199 = %broadcast_in_dim3A_19) -> (vector<16xf32>, vector<16xf32>, vector<16xf32>, vector<16xf32>, vector<16xf32>, vector<16xf32>, vector<16xf32>, vector<16xf32>)  : i32 {
        %broadcast_in_dim3A_200 = arith.constant 0.000000e+00 : f32
        %broadcast_in_dim3A_201 = vector.broadcast %broadcast_in_dim3A_200 : f32 to vector<16xf32>
        %get3A = arith.index_cast %scan3A_191 : i32 to index
        %get3A_202 = arith.constant 0 : index
        %get3A_203 = tpu.vector_load %arg5[%get3A, %get3A_202] {strides = array<i32>} : memref<16x768xf32, #tpu.memory_space<vmem>>, vector<1x16xf32>,
        %get3A_204 = vector.shape_cast %get3A_203 : vector<1x16xf32> to vector<16xf32>
        %get3A_205 = arith.constant 0 : i32
        %get3A_206 = arith.index_cast %get3A_205 : i32 to index
        %get3A_207 = arith.constant 0 : index
        %get3A_208 = tpu.vector_load %arg6[%get3A_206, %get3A_207] {strides = array<i32>} : memref<8x768xf32, #tpu.memory_space<vmem>>, vector<1x16xf32>,
        %get3A_209 = vector.shape_cast %get3A_208 : vector<1x16xf32> to vector<16xf32>
        %mul3A_210 = arith.mulf %get3A_204, %get3A_209 : vector<16xf32>
        %add3A_211 = arith.addf %broadcast_in_dim3A_201, %mul3A_210 : vector<16xf32>
        %get3A_212 = arith.constant 1 : i32
        %get3A_213 = arith.index_cast %get3A_212 : i32 to index
        %get3A_214 = arith.constant 0 : index
        %get3A_215 = tpu.vector_load %arg6[%get3A_213, %get3A_214] {strides = array<i32>} : memref<8x768xf32, #tpu.memory_space<vmem>>, vector<1x16xf32>,
        %get3A_216 = vector.shape_cast %get3A_215 : vector<1x16xf32> to vector<16xf32>
        %mul3A_217 = arith.mulf %get3A_204, %get3A_216 : vector<16xf32>
        %add3A_218 = arith.addf %broadcast_in_dim3A_201, %mul3A_217 : vector<16xf32>
        %get3A_219 = arith.constant 2 : i32
        %get3A_220 = arith.index_cast %get3A_219 : i32 to index
        %get3A_221 = arith.constant 0 : index
        %get3A_222 = tpu.vector_load %arg6[%get3A_220, %get3A_221] {strides = array<i32>} : memref<8x768xf32, #tpu.memory_space<vmem>>, vector<1x16xf32>,
        %get3A_223 = vector.shape_cast %get3A_222 : vector<1x16xf32> to vector<16xf32>
        %mul3A_224 = arith.mulf %get3A_204, %get3A_223 : vector<16xf32>
        %add3A_225 = arith.addf %broadcast_in_dim3A_201, %mul3A_224 : vector<16xf32>
        %get3A_226 = arith.constant 3 : i32
        %get3A_227 = arith.index_cast %get3A_226 : i32 to index
        %get3A_228 = arith.constant 0 : index
        %get3A_229 = tpu.vector_load %arg6[%get3A_227, %get3A_228] {strides = array<i32>} : memref<8x768xf32, #tpu.memory_space<vmem>>, vector<1x16xf32>,
        %get3A_230 = vector.shape_cast %get3A_229 : vector<1x16xf32> to vector<16xf32>
        %mul3A_231 = arith.mulf %get3A_204, %get3A_230 : vector<16xf32>
        %add3A_232 = arith.addf %broadcast_in_dim3A_201, %mul3A_231 : vector<16xf32>
        %get3A_233 = arith.constant 4 : i32
        %get3A_234 = arith.index_cast %get3A_233 : i32 to index
        %get3A_235 = arith.constant 0 : index
        %get3A_236 = tpu.vector_load %arg6[%get3A_234, %get3A_235] {strides = array<i32>} : memref<8x768xf32, #tpu.memory_space<vmem>>, vector<1x16xf32>,
        %get3A_237 = vector.shape_cast %get3A_236 : vector<1x16xf32> to vector<16xf32>
        %mul3A_238 = arith.mulf %get3A_204, %get3A_237 : vector<16xf32>
        %add3A_239 = arith.addf %broadcast_in_dim3A_201, %mul3A_238 : vector<16xf32>
        %get3A_240 = arith.constant 5 : i32
        %get3A_241 = arith.index_cast %get3A_240 : i32 to index
        %get3A_242 = arith.constant 0 : index
        %get3A_243 = tpu.vector_load %arg6[%get3A_241, %get3A_242] {strides = array<i32>} : memref<8x768xf32, #tpu.memory_space<vmem>>, vector<1x16xf32>,
        %get3A_244 = vector.shape_cast %get3A_243 : vector<1x16xf32> to vector<16xf32>
        %mul3A_245 = arith.mulf %get3A_204, %get3A_244 : vector<16xf32>
        %add3A_246 = arith.addf %broadcast_in_dim3A_201, %mul3A_245 : vector<16xf32>
        %get3A_247 = arith.constant 6 : i32
        %get3A_248 = arith.index_cast %get3A_247 : i32 to index
        %get3A_249 = arith.constant 0 : index
        %get3A_250 = tpu.vector_load %arg6[%get3A_248, %get3A_249] {strides = array<i32>} : memref<8x768xf32, #tpu.memory_space<vmem>>, vector<1x16xf32>,
        %get3A_251 = vector.shape_cast %get3A_250 : vector<1x16xf32> to vector<16xf32>
        %mul3A_252 = arith.mulf %get3A_204, %get3A_251 : vector<16xf32>
        %add3A_253 = arith.addf %broadcast_in_dim3A_201, %mul3A_252 : vector<16xf32>
        %get3A_254 = arith.constant 7 : i32
        %get3A_255 = arith.index_cast %get3A_254 : i32 to index
        %get3A_256 = arith.constant 0 : index
        %get3A_257 = tpu.vector_load %arg6[%get3A_255, %get3A_256] {strides = array<i32>} : memref<8x768xf32, #tpu.memory_space<vmem>>, vector<1x16xf32>,
        %get3A_258 = vector.shape_cast %get3A_257 : vector<1x16xf32> to vector<16xf32>
        %mul3A_259 = arith.mulf %get3A_204, %get3A_258 : vector<16xf32>
        %add3A_260 = arith.addf %broadcast_in_dim3A_201, %mul3A_259 : vector<16xf32>
        %get3A_261 = arith.index_cast %scan3A_191 : i32 to index
        %get3A_262 = arith.constant 16 : index
        %get3A_263 = tpu.vector_load %arg5[%get3A_261, %get3A_262] {strides = array<i32>} : memref<16x768xf32, #tpu.memory_space<vmem>>, vector<1x16xf32>,
        %get3A_264 = vector.shape_cast %get3A_263 : vector<1x16xf32> to vector<16xf32>
        %get3A_265 = arith.constant 0 : i32
        %get3A_266 = arith.index_cast %get3A_265 : i32 to index
        %get3A_267 = arith.constant 16 : index
        %get3A_268 = tpu.vector_load %arg6[%get3A_266, %get3A_267] {strides = array<i32>} : memref<8x768xf32, #tpu.memory_space<vmem>>, vector<1x16xf32>,
        %get3A_269 = vector.shape_cast %get3A_268 : vector<1x16xf32> to vector<16xf32>
        %mul3A_270 = arith.mulf %get3A_264, %get3A_269 : vector<16xf32>
        %add3A_271 = arith.addf %add3A_211, %mul3A_270 : vector<16xf32>
        %get3A_272 = arith.constant 1 : i32
        %get3A_273 = arith.index_cast %get3A_272 : i32 to index
        %get3A_274 = arith.constant 16 : index
        %get3A_275 = tpu.vector_load %arg6[%get3A_273, %get3A_274] {strides = array<i32>} : memref<8x768xf32, #tpu.memory_space<vmem>>, vector<1x16xf32>,
        %get3A_276 = vector.shape_cast %get3A_275 : vector<1x16xf32> to vector<16xf32>
        %mul3A_277 = arith.mulf %get3A_264, %get3A_276 : vector<16xf32>
        %add3A_278 = arith.addf %add3A_218, %mul3A_277 : vector<16xf32>
        %get3A_279 = arith.constant 2 : i32
        %get3A_280 = arith.index_cast %get3A_279 : i32 to index
        %get3A_281 = arith.constant 16 : index
        %get3A_282 = tpu.vector_load %arg6[%get3A_280, %get3A_281] {strides = array<i32>} : memref<8x768xf32, #tpu.memory_space<vmem>>, vector<1x16xf32>,
        %get3A_283 = vector.shape_cast %get3A_282 : vector<1x16xf32> to vector<16xf32>
        %mul3A_284 = arith.mulf %get3A_264, %get3A_283 : vector<16xf32>
        %add3A_285 = arith.addf %add3A_225, %mul3A_284 : vector<16xf32>
        %get3A_286 = arith.constant 3 : i32
        %get3A_287 = arith.index_cast %get3A_286 : i32 to index
        %get3A_288 = arith.constant 16 : index
        %get3A_289 = tpu.vector_load %arg6[%get3A_287, %get3A_288] {strides = array<i32>} : memref<8x768xf32, #tpu.memory_space<vmem>>, vector<1x16xf32>,
        %get3A_290 = vector.shape_cast %get3A_289 : vector<1x16xf32> to vector<16xf32>
        %mul3A_291 = arith.mulf %get3A_264, %get3A_290 : vector<16xf32>
        %add3A_292 = arith.addf %add3A_232, %mul3A_291 : vector<16xf32>
        %get3A_293 = arith.constant 4 : i32
        %get3A_294 = arith.index_cast %get3A_293 : i32 to index
        %get3A_295 = arith.constant 16 : index
        %get3A_296 = tpu.vector_load %arg6[%get3A_294, %get3A_295] {strides = array<i32>} : memref<8x768xf32, #tpu.memory_space<vmem>>, vector<1x16xf32>,
        %get3A_297 = vector.shape_cast %get3A_296 : vector<1x16xf32> to vector<16xf32>
        %mul3A_298 = arith.mulf %get3A_264, %get3A_297 : vector<16xf32>
        %add3A_299 = arith.addf %add3A_239, %mul3A_298 : vector<16xf32>
        %get3A_300 = arith.constant 5 : i32
        %get3A_301 = arith.index_cast %get3A_300 : i32 to index
        %get3A_302 = arith.constant 16 : index
        %get3A_303 = tpu.vector_load %arg6[%get3A_301, %get3A_302] {strides = array<i32>} : memref<8x768xf32, #tpu.memory_space<vmem>>, vector<1x16xf32>,
        %get3A_304 = vector.shape_cast %get3A_303 : vector<1x16xf32> to vector<16xf32>
        %mul3A_305 = arith.mulf %get3A_264, %get3A_304 : vector<16xf32>
        %add3A_306 = arith.addf %add3A_246, %mul3A_305 : vector<16xf32>
        %get3A_307 = arith.constant 6 : i32
        %get3A_308 = arith.index_cast %get3A_307 : i32 to index
        %get3A_309 = arith.constant 16 : index
        %get3A_310 = tpu.vector_load %arg6[%get3A_308, %get3A_309] {strides = array<i32>} : memref<8x768xf32, #tpu.memory_space<vmem>>, vector<1x16xf32>,
        %get3A_311 = vector.shape_cast %get3A_310 : vector<1x16xf32> to vector<16xf32>
        %mul3A_312 = arith.mulf %get3A_264, %get3A_311 : vector<16xf32>
        %add3A_313 = arith.addf %add3A_253, %mul3A_312 : vector<16xf32>
        %get3A_314 = arith.constant 7 : i32
        %get3A_315 = arith.index_cast %get3A_314 : i32 to index
        %get3A_316 = arith.constant 16 : index
        %get3A_317 = tpu.vector_load %arg6[%get3A_315, %get3A_316] {strides = array<i32>} : memref<8x768xf32, #tpu.memory_space<vmem>>, vector<1x16xf32>,
        %get3A_318 = vector.shape_cast %get3A_317 : vector<1x16xf32> to vector<16xf32>
        %mul3A_319 = arith.mulf %get3A_264, %get3A_318 : vector<16xf32>
        %add3A_320 = arith.addf %add3A_260, %mul3A_319 : vector<16xf32>
        %get3A_321 = arith.index_cast %scan3A_191 : i32 to index
        %get3A_322 = arith.constant 32 : index
        %get3A_323 = tpu.vector_load %arg5[%get3A_321, %get3A_322] {strides = array<i32>} : memref<16x768xf32, #tpu.memory_space<vmem>>, vector<1x16xf32>,
        %get3A_324 = vector.shape_cast %get3A_323 : vector<1x16xf32> to vector<16xf32>
        %get3A_325 = arith.constant 0 : i32
        %get3A_326 = arith.index_cast %get3A_325 : i32 to index
        %get3A_327 = arith.constant 32 : index
        %get3A_328 = tpu.vector_load %arg6[%get3A_326, %get3A_327] {strides = array<i32>} : memref<8x768xf32, #tpu.memory_space<vmem>>, vector<1x16xf32>,
        %get3A_329 = vector.shape_cast %get3A_328 : vector<1x16xf32> to vector<16xf32>
        %mul3A_330 = arith.mulf %get3A_324, %get3A_329 : vector<16xf32>
        %add3A_331 = arith.addf %add3A_271, %mul3A_330 : vector<16xf32>
        %get3A_332 = arith.constant 1 : i32
        %get3A_333 = arith.index_cast %get3A_332 : i32 to index
        %get3A_334 = arith.constant 32 : index
        %get3A_335 = tpu.vector_load %arg6[%get3A_333, %get3A_334] {strides = array<i32>} : memref<8x768xf32, #tpu.memory_space<vmem>>, vector<1x16xf32>,
        %get3A_336 = vector.shape_cast %get3A_335 : vector<1x16xf32> to vector<16xf32>
        %mul3A_337 = arith.mulf %get3A_324, %get3A_336 : vector<16xf32>
        %add3A_338 = arith.addf %add3A_278, %mul3A_337 : vector<16xf32>
        %get3A_339 = arith.constant 2 : i32
        %get3A_340 = arith.index_cast %get3A_339 : i32 to index
        %get3A_341 = arith.constant 32 : index
        %get3A_342 = tpu.vector_load %arg6[%get3A_340, %get3A_341] {strides = array<i32>} : memref<8x768xf32, #tpu.memory_space<vmem>>, vector<1x16xf32>,
        %get3A_343 = vector.shape_cast %get3A_342 : vector<1x16xf32> to vector<16xf32>
        %mul3A_344 = arith.mulf %get3A_324, %get3A_343 : vector<16xf32>
        %add3A_345 = arith.addf %add3A_285, %mul3A_344 : vector<16xf32>
        %get3A_346 = arith.constant 3 : i32
        %get3A_347 = arith.index_cast %get3A_346 : i32 to index
        %get3A_348 = arith.constant 32 : index
        %get3A_349 = tpu.vector_load %arg6[%get3A_347, %get3A_348] {strides = array<i32>} : memref<8x768xf32, #tpu.memory_space<vmem>>, vector<1x16xf32>,
        %get3A_350 = vector.shape_cast %get3A_349 : vector<1x16xf32> to vector<16xf32>
        %mul3A_351 = arith.mulf %get3A_324, %get3A_350 : vector<16xf32>
        %add3A_352 = arith.addf %add3A_292, %mul3A_351 : vector<16xf32>
        %get3A_353 = arith.constant 4 : i32
        %get3A_354 = arith.index_cast %get3A_353 : i32 to index
        %get3A_355 = arith.constant 32 : index
        %get3A_356 = tpu.vector_load %arg6[%get3A_354, %get3A_355] {strides = array<i32>} : memref<8x768xf32, #tpu.memory_space<vmem>>, vector<1x16xf32>,
        %get3A_357 = vector.shape_cast %get3A_356 : vector<1x16xf32> to vector<16xf32>
        %mul3A_358 = arith.mulf %get3A_324, %get3A_357 : vector<16xf32>
        %add3A_359 = arith.addf %add3A_299, %mul3A_358 : vector<16xf32>
        %get3A_360 = arith.constant 5 : i32
        %get3A_361 = arith.index_cast %get3A_360 : i32 to index
        %get3A_362 = arith.constant 32 : index
        %get3A_363 = tpu.vector_load %arg6[%get3A_361, %get3A_362] {strides = array<i32>} : memref<8x768xf32, #tpu.memory_space<vmem>>, vector<1x16xf32>,
        %get3A_364 = vector.shape_cast %get3A_363 : vector<1x16xf32> to vector<16xf32>
        %mul3A_365 = arith.mulf %get3A_324, %get3A_364 : vector<16xf32>
        %add3A_366 = arith.addf %add3A_306, %mul3A_365 : vector<16xf32>
        %get3A_367 = arith.constant 6 : i32
        %get3A_368 = arith.index_cast %get3A_367 : i32 to index
        %get3A_369 = arith.constant 32 : index
        %get3A_370 = tpu.vector_load %arg6[%get3A_368, %get3A_369] {strides = array<i32>} : memref<8x768xf32, #tpu.memory_space<vmem>>, vector<1x16xf32>,
        %get3A_371 = vector.shape_cast %get3A_370 : vector<1x16xf32> to vector<16xf32>
        %mul3A_372 = arith.mulf %get3A_324, %get3A_371 : vector<16xf32>
        %add3A_373 = arith.addf %add3A_313, %mul3A_372 : vector<16xf32>
        %get3A_374 = arith.constant 7 : i32
        %get3A_375 = arith.index_cast %get3A_374 : i32 to index
        %get3A_376 = arith.constant 32 : index
        %get3A_377 = tpu.vector_load %arg6[%get3A_375, %get3A_376] {strides = array<i32>} : memref<8x768xf32, #tpu.memory_space<vmem>>, vector<1x16xf32>,
        %get3A_378 = vector.shape_cast %get3A_377 : vector<1x16xf32> to vector<16xf32>
        %mul3A_379 = arith.mulf %get3A_324, %get3A_378 : vector<16xf32>
        %add3A_380 = arith.addf %add3A_320, %mul3A_379 : vector<16xf32>
        %get3A_381 = arith.index_cast %scan3A_191 : i32 to index
        %get3A_382 = arith.constant 48 : index
        %get3A_383 = tpu.vector_load %arg5[%get3A_381, %get3A_382] {strides = array<i32>} : memref<16x768xf32, #tpu.memory_space<vmem>>, vector<1x16xf32>,
        %get3A_384 = vector.shape_cast %get3A_383 : vector<1x16xf32> to vector<16xf32>
        %get3A_385 = arith.constant 0 : i32
        %get3A_386 = arith.index_cast %get3A_385 : i32 to index
        %get3A_387 = arith.constant 48 : index
        %get3A_388 = tpu.vector_load %arg6[%get3A_386, %get3A_387] {strides = array<i32>} : memref<8x768xf32, #tpu.memory_space<vmem>>, vector<1x16xf32>,
        %get3A_389 = vector.shape_cast %get3A_388 : vector<1x16xf32> to vector<16xf32>
        %mul3A_390 = arith.mulf %get3A_384, %get3A_389 : vector<16xf32>
        %add3A_391 = arith.addf %add3A_331, %mul3A_390 : vector<16xf32>
        %get3A_392 = arith.constant 1 : i32
        %get3A_393 = arith.index_cast %get3A_392 : i32 to index
        %get3A_394 = arith.constant 48 : index
        %get3A_395 = tpu.vector_load %arg6[%get3A_393, %get3A_394] {strides = array<i32>} : memref<8x768xf32, #tpu.memory_space<vmem>>, vector<1x16xf32>,
        %get3A_396 = vector.shape_cast %get3A_395 : vector<1x16xf32> to vector<16xf32>
        %mul3A_397 = arith.mulf %get3A_384, %get3A_396 : vector<16xf32>
        %add3A_398 = arith.addf %add3A_338, %mul3A_397 : vector<16xf32>
        %get3A_399 = arith.constant 2 : i32
        %get3A_400 = arith.index_cast %get3A_399 : i32 to index
        %get3A_401 = arith.constant 48 : index
        %get3A_402 = tpu.vector_load %arg6[%get3A_400, %get3A_401] {strides = array<i32>} : memref<8x768xf32, #tpu.memory_space<vmem>>, vector<1x16xf32>,
        %get3A_403 = vector.shape_cast %get3A_402 : vector<1x16xf32> to vector<16xf32>
        %mul3A_404 = arith.mulf %get3A_384, %get3A_403 : vector<16xf32>
        %add3A_405 = arith.addf %add3A_345, %mul3A_404 : vector<16xf32>
        %get3A_406 = arith.constant 3 : i32
        %get3A_407 = arith.index_cast %get3A_406 : i32 to index
        %get3A_408 = arith.constant 48 : index
        %get3A_409 = tpu.vector_load %arg6[%get3A_407, %get3A_408] {strides = array<i32>} : memref<8x768xf32, #tpu.memory_space<vmem>>, vector<1x16xf32>,
        %get3A_410 = vector.shape_cast %get3A_409 : vector<1x16xf32> to vector<16xf32>
        %mul3A_411 = arith.mulf %get3A_384, %get3A_410 : vector<16xf32>
        %add3A_412 = arith.addf %add3A_352, %mul3A_411 : vector<16xf32>
        %get3A_413 = arith.constant 4 : i32
        %get3A_414 = arith.index_cast %get3A_413 : i32 to index
        %get3A_415 = arith.constant 48 : index
        %get3A_416 = tpu.vector_load %arg6[%get3A_414, %get3A_415] {strides = array<i32>} : memref<8x768xf32, #tpu.memory_space<vmem>>, vector<1x16xf32>,
        %get3A_417 = vector.shape_cast %get3A_416 : vector<1x16xf32> to vector<16xf32>
        %mul3A_418 = arith.mulf %get3A_384, %get3A_417 : vector<16xf32>
        %add3A_419 = arith.addf %add3A_359, %mul3A_418 : vector<16xf32>
        %get3A_420 = arith.constant 5 : i32
        %get3A_421 = arith.index_cast %get3A_420 : i32 to index
        %get3A_422 = arith.constant 48 : index
        %get3A_423 = tpu.vector_load %arg6[%get3A_421, %get3A_422] {strides = array<i32>} : memref<8x768xf32, #tpu.memory_space<vmem>>, vector<1x16xf32>,
        %get3A_424 = vector.shape_cast %get3A_423 : vector<1x16xf32> to vector<16xf32>
        %mul3A_425 = arith.mulf %get3A_384, %get3A_424 : vector<16xf32>
        %add3A_426 = arith.addf %add3A_366, %mul3A_425 : vector<16xf32>
        %get3A_427 = arith.constant 6 : i32
        %get3A_428 = arith.index_cast %get3A_427 : i32 to index
        %get3A_429 = arith.constant 48 : index
        %get3A_430 = tpu.vector_load %arg6[%get3A_428, %get3A_429] {strides = array<i32>} : memref<8x768xf32, #tpu.memory_space<vmem>>, vector<1x16xf32>,
        %get3A_431 = vector.shape_cast %get3A_430 : vector<1x16xf32> to vector<16xf32>
        %mul3A_432 = arith.mulf %get3A_384, %get3A_431 : vector<16xf32>
        %add3A_433 = arith.addf %add3A_373, %mul3A_432 : vector<16xf32>
        %get3A_434 = arith.constant 7 : i32
        %get3A_435 = arith.index_cast %get3A_434 : i32 to index
        %get3A_436 = arith.constant 48 : index
        %get3A_437 = tpu.vector_load %arg6[%get3A_435, %get3A_436] {strides = array<i32>} : memref<8x768xf32, #tpu.memory_space<vmem>>, vector<1x16xf32>,
        %get3A_438 = vector.shape_cast %get3A_437 : vector<1x16xf32> to vector<16xf32>
        %mul3A_439 = arith.mulf %get3A_384, %get3A_438 : vector<16xf32>
        %add3A_440 = arith.addf %add3A_380, %mul3A_439 : vector<16xf32>
        %get3A_441 = arith.index_cast %scan3A_191 : i32 to index
        %get3A_442 = arith.constant 64 : index
        %get3A_443 = tpu.vector_load %arg5[%get3A_441, %get3A_442] {strides = array<i32>} : memref<16x768xf32, #tpu.memory_space<vmem>>, vector<1x16xf32>,
        %get3A_444 = vector.shape_cast %get3A_443 : vector<1x16xf32> to vector<16xf32>
        %get3A_445 = arith.constant 0 : i32
        %get3A_446 = arith.index_cast %get3A_445 : i32 to index
        %get3A_447 = arith.constant 64 : index
        %get3A_448 = tpu.vector_load %arg6[%get3A_446, %get3A_447] {strides = array<i32>} : memref<8x768xf32, #tpu.memory_space<vmem>>, vector<1x16xf32>,
        %get3A_449 = vector.shape_cast %get3A_448 : vector<1x16xf32> to vector<16xf32>
        %mul3A_450 = arith.mulf %get3A_444, %get3A_449 : vector<16xf32>
        %add3A_451 = arith.addf %add3A_391, %mul3A_450 : vector<16xf32>
        %get3A_452 = arith.constant 1 : i32
        %get3A_453 = arith.index_cast %get3A_452 : i32 to index
        %get3A_454 = arith.constant 64 : index
        %get3A_455 = tpu.vector_load %arg6[%get3A_453, %get3A_454] {strides = array<i32>} : memref<8x768xf32, #tpu.memory_space<vmem>>, vector<1x16xf32>,
        %get3A_456 = vector.shape_cast %get3A_455 : vector<1x16xf32> to vector<16xf32>
        %mul3A_457 = arith.mulf %get3A_444, %get3A_456 : vector<16xf32>
        %add3A_458 = arith.addf %add3A_398, %mul3A_457 : vector<16xf32>
        %get3A_459 = arith.constant 2 : i32
        %get3A_460 = arith.index_cast %get3A_459 : i32 to index
        %get3A_461 = arith.constant 64 : index
        %get3A_462 = tpu.vector_load %arg6[%get3A_460, %get3A_461] {strides = array<i32>} : memref<8x768xf32, #tpu.memory_space<vmem>>, vector<1x16xf32>,
        %get3A_463 = vector.shape_cast %get3A_462 : vector<1x16xf32> to vector<16xf32>
        %mul3A_464 = arith.mulf %get3A_444, %get3A_463 : vector<16xf32>
        %add3A_465 = arith.addf %add3A_405, %mul3A_464 : vector<16xf32>
        %get3A_466 = arith.constant 3 : i32
        %get3A_467 = arith.index_cast %get3A_466 : i32 to index
        %get3A_468 = arith.constant 64 : index
        %get3A_469 = tpu.vector_load %arg6[%get3A_467, %get3A_468] {strides = array<i32>} : memref<8x768xf32, #tpu.memory_space<vmem>>, vector<1x16xf32>,
        %get3A_470 = vector.shape_cast %get3A_469 : vector<1x16xf32> to vector<16xf32>
        %mul3A_471 = arith.mulf %get3A_444, %get3A_470 : vector<16xf32>
        %add3A_472 = arith.addf %add3A_412, %mul3A_471 : vector<16xf32>
        %get3A_473 = arith.constant 4 : i32
        %get3A_474 = arith.index_cast %get3A_473 : i32 to index
        %get3A_475 = arith.constant 64 : index
        %get3A_476 = tpu.vector_load %arg6[%get3A_474, %get3A_475] {strides = array<i32>} : memref<8x768xf32, #tpu.memory_space<vmem>>, vector<1x16xf32>,
        %get3A_477 = vector.shape_cast %get3A_476 : vector<1x16xf32> to vector<16xf32>
        %mul3A_478 = arith.mulf %get3A_444, %get3A_477 : vector<16xf32>
        %add3A_479 = arith.addf %add3A_419, %mul3A_478 : vector<16xf32>
        %get3A_480 = arith.constant 5 : i32
        %get3A_481 = arith.index_cast %get3A_480 : i32 to index
        %get3A_482 = arith.constant 64 : index
        %get3A_483 = tpu.vector_load %arg6[%get3A_481, %get3A_482] {strides = array<i32>} : memref<8x768xf32, #tpu.memory_space<vmem>>, vector<1x16xf32>,
        %get3A_484 = vector.shape_cast %get3A_483 : vector<1x16xf32> to vector<16xf32>
        %mul3A_485 = arith.mulf %get3A_444, %get3A_484 : vector<16xf32>
        %add3A_486 = arith.addf %add3A_426, %mul3A_485 : vector<16xf32>
        %get3A_487 = arith.constant 6 : i32
        %get3A_488 = arith.index_cast %get3A_487 : i32 to index
        %get3A_489 = arith.constant 64 : index
        %get3A_490 = tpu.vector_load %arg6[%get3A_488, %get3A_489] {strides = array<i32>} : memref<8x768xf32, #tpu.memory_space<vmem>>, vector<1x16xf32>,
        %get3A_491 = vector.shape_cast %get3A_490 : vector<1x16xf32> to vector<16xf32>
        %mul3A_492 = arith.mulf %get3A_444, %get3A_491 : vector<16xf32>
        %add3A_493 = arith.addf %add3A_433, %mul3A_492 : vector<16xf32>
        %get3A_494 = arith.constant 7 : i32
        %get3A_495 = arith.index_cast %get3A_494 : i32 to index
        %get3A_496 = arith.constant 64 : index
        %get3A_497 = tpu.vector_load %arg6[%get3A_495, %get3A_496] {strides = array<i32>} : memref<8x768xf32, #tpu.memory_space<vmem>>, vector<1x16xf32>,
        %get3A_498 = vector.shape_cast %get3A_497 : vector<1x16xf32> to vector<16xf32>
        %mul3A_499 = arith.mulf %get3A_444, %get3A_498 : vector<16xf32>
        %add3A_500 = arith.addf %add3A_440, %mul3A_499 : vector<16xf32>
        %get3A_501 = arith.index_cast %scan3A_191 : i32 to index
        %get3A_502 = arith.constant 80 : index
        %get3A_503 = tpu.vector_load %arg5[%get3A_501, %get3A_502] {strides = array<i32>} : memref<16x768xf32, #tpu.memory_space<vmem>>, vector<1x16xf32>,
        %get3A_504 = vector.shape_cast %get3A_503 : vector<1x16xf32> to vector<16xf32>
        %get3A_505 = arith.constant 0 : i32
        %get3A_506 = arith.index_cast %get3A_505 : i32 to index
        %get3A_507 = arith.constant 80 : index
        %get3A_508 = tpu.vector_load %arg6[%get3A_506, %get3A_507] {strides = array<i32>} : memref<8x768xf32, #tpu.memory_space<vmem>>, vector<1x16xf32>,
        %get3A_509 = vector.shape_cast %get3A_508 : vector<1x16xf32> to vector<16xf32>
        %mul3A_510 = arith.mulf %get3A_504, %get3A_509 : vector<16xf32>
        %add3A_511 = arith.addf %add3A_451, %mul3A_510 : vector<16xf32>
        %get3A_512 = arith.constant 1 : i32
        %get3A_513 = arith.index_cast %get3A_512 : i32 to index
        %get3A_514 = arith.constant 80 : index
        %get3A_515 = tpu.vector_load %arg6[%get3A_513, %get3A_514] {strides = array<i32>} : memref<8x768xf32, #tpu.memory_space<vmem>>, vector<1x16xf32>,
        %get3A_516 = vector.shape_cast %get3A_515 : vector<1x16xf32> to vector<16xf32>
        %mul3A_517 = arith.mulf %get3A_504, %get3A_516 : vector<16xf32>
        %add3A_518 = arith.addf %add3A_458, %mul3A_517 : vector<16xf32>
        %get3A_519 = arith.constant 2 : i32
        %get3A_520 = arith.index_cast %get3A_519 : i32 to index
        %get3A_521 = arith.constant 80 : index
        %get3A_522 = tpu.vector_load %arg6[%get3A_520, %get3A_521] {strides = array<i32>} : memref<8x768xf32, #tpu.memory_space<vmem>>, vector<1x16xf32>,
        %get3A_523 = vector.shape_cast %get3A_522 : vector<1x16xf32> to vector<16xf32>
        %mul3A_524 = arith.mulf %get3A_504, %get3A_523 : vector<16xf32>
        %add3A_525 = arith.addf %add3A_465, %mul3A_524 : vector<16xf32>
        %get3A_526 = arith.constant 3 : i32
        %get3A_527 = arith.index_cast %get3A_526 : i32 to index
        %get3A_528 = arith.constant 80 : index
        %get3A_529 = tpu.vector_load %arg6[%get3A_527, %get3A_528] {strides = array<i32>} : memref<8x768xf32, #tpu.memory_space<vmem>>, vector<1x16xf32>,
        %get3A_530 = vector.shape_cast %get3A_529 : vector<1x16xf32> to vector<16xf32>
        %mul3A_531 = arith.mulf %get3A_504, %get3A_530 : vector<16xf32>
        %add3A_532 = arith.addf %add3A_472, %mul3A_531 : vector<16xf32>
        %get3A_533 = arith.constant 4 : i32
        %get3A_534 = arith.index_cast %get3A_533 : i32 to index
        %get3A_535 = arith.constant 80 : index
        %get3A_536 = tpu.vector_load %arg6[%get3A_534, %get3A_535] {strides = array<i32>} : memref<8x768xf32, #tpu.memory_space<vmem>>, vector<1x16xf32>,
        %get3A_537 = vector.shape_cast %get3A_536 : vector<1x16xf32> to vector<16xf32>
        %mul3A_538 = arith.mulf %get3A_504, %get3A_537 : vector<16xf32>
        %add3A_539 = arith.addf %add3A_479, %mul3A_538 : vector<16xf32>
        %get3A_540 = arith.constant 5 : i32
        %get3A_541 = arith.index_cast %get3A_540 : i32 to index
        %get3A_542 = arith.constant 80 : index
        %get3A_543 = tpu.vector_load %arg6[%get3A_541, %get3A_542] {strides = array<i32>} : memref<8x768xf32, #tpu.memory_space<vmem>>, vector<1x16xf32>,
        %get3A_544 = vector.shape_cast %get3A_543 : vector<1x16xf32> to vector<16xf32>
        %mul3A_545 = arith.mulf %get3A_504, %get3A_544 : vector<16xf32>
        %add3A_546 = arith.addf %add3A_486, %mul3A_545 : vector<16xf32>
        %get3A_547 = arith.constant 6 : i32
        %get3A_548 = arith.index_cast %get3A_547 : i32 to index
        %get3A_549 = arith.constant 80 : index
        %get3A_550 = tpu.vector_load %arg6[%get3A_548, %get3A_549] {strides = array<i32>} : memref<8x768xf32, #tpu.memory_space<vmem>>, vector<1x16xf32>,
        %get3A_551 = vector.shape_cast %get3A_550 : vector<1x16xf32> to vector<16xf32>
        %mul3A_552 = arith.mulf %get3A_504, %get3A_551 : vector<16xf32>
        %add3A_553 = arith.addf %add3A_493, %mul3A_552 : vector<16xf32>
        %get3A_554 = arith.constant 7 : i32
        %get3A_555 = arith.index_cast %get3A_554 : i32 to index
        %get3A_556 = arith.constant 80 : index
        %get3A_557 = tpu.vector_load %arg6[%get3A_555, %get3A_556] {strides = array<i32>} : memref<8x768xf32, #tpu.memory_space<vmem>>, vector<1x16xf32>,
        %get3A_558 = vector.shape_cast %get3A_557 : vector<1x16xf32> to vector<16xf32>
        %mul3A_559 = arith.mulf %get3A_504, %get3A_558 : vector<16xf32>
        %add3A_560 = arith.addf %add3A_500, %mul3A_559 : vector<16xf32>
        %get3A_561 = arith.index_cast %scan3A_191 : i32 to index
        %get3A_562 = arith.constant 96 : index
        %get3A_563 = tpu.vector_load %arg5[%get3A_561, %get3A_562] {strides = array<i32>} : memref<16x768xf32, #tpu.memory_space<vmem>>, vector<1x16xf32>,
        %get3A_564 = vector.shape_cast %get3A_563 : vector<1x16xf32> to vector<16xf32>
        %get3A_565 = arith.constant 0 : i32
        %get3A_566 = arith.index_cast %get3A_565 : i32 to index
        %get3A_567 = arith.constant 96 : index
        %get3A_568 = tpu.vector_load %arg6[%get3A_566, %get3A_567] {strides = array<i32>} : memref<8x768xf32, #tpu.memory_space<vmem>>, vector<1x16xf32>,
        %get3A_569 = vector.shape_cast %get3A_568 : vector<1x16xf32> to vector<16xf32>
        %mul3A_570 = arith.mulf %get3A_564, %get3A_569 : vector<16xf32>
        %add3A_571 = arith.addf %add3A_511, %mul3A_570 : vector<16xf32>
        %get3A_572 = arith.constant 1 : i32
        %get3A_573 = arith.index_cast %get3A_572 : i32 to index
        %get3A_574 = arith.constant 96 : index
        %get3A_575 = tpu.vector_load %arg6[%get3A_573, %get3A_574] {strides = array<i32>} : memref<8x768xf32, #tpu.memory_space<vmem>>, vector<1x16xf32>,
        %get3A_576 = vector.shape_cast %get3A_575 : vector<1x16xf32> to vector<16xf32>
        %mul3A_577 = arith.mulf %get3A_564, %get3A_576 : vector<16xf32>
        %add3A_578 = arith.addf %add3A_518, %mul3A_577 : vector<16xf32>
        %get3A_579 = arith.constant 2 : i32
        %get3A_580 = arith.index_cast %get3A_579 : i32 to index
        %get3A_581 = arith.constant 96 : index
        %get3A_582 = tpu.vector_load %arg6[%get3A_580, %get3A_581] {strides = array<i32>} : memref<8x768xf32, #tpu.memory_space<vmem>>, vector<1x16xf32>,
        %get3A_583 = vector.shape_cast %get3A_582 : vector<1x16xf32> to vector<16xf32>
        %mul3A_584 = arith.mulf %get3A_564, %get3A_583 : vector<16xf32>
        %add3A_585 = arith.addf %add3A_525, %mul3A_584 : vector<16xf32>
        %get3A_586 = arith.constant 3 : i32
        %get3A_587 = arith.index_cast %get3A_586 : i32 to index
        %get3A_588 = arith.constant 96 : index
        %get3A_589 = tpu.vector_load %arg6[%get3A_587, %get3A_588] {strides = array<i32>} : memref<8x768xf32, #tpu.memory_space<vmem>>, vector<1x16xf32>,
        %get3A_590 = vector.shape_cast %get3A_589 : vector<1x16xf32> to vector<16xf32>
        %mul3A_591 = arith.mulf %get3A_564, %get3A_590 : vector<16xf32>
        %add3A_592 = arith.addf %add3A_532, %mul3A_591 : vector<16xf32>
        %get3A_593 = arith.constant 4 : i32
        %get3A_594 = arith.index_cast %get3A_593 : i32 to index
        %get3A_595 = arith.constant 96 : index
        %get3A_596 = tpu.vector_load %arg6[%get3A_594, %get3A_595] {strides = array<i32>} : memref<8x768xf32, #tpu.memory_space<vmem>>, vector<1x16xf32>,
        %get3A_597 = vector.shape_cast %get3A_596 : vector<1x16xf32> to vector<16xf32>
        %mul3A_598 = arith.mulf %get3A_564, %get3A_597 : vector<16xf32>
        %add3A_599 = arith.addf %add3A_539, %mul3A_598 : vector<16xf32>
        %get3A_600 = arith.constant 5 : i32
        %get3A_601 = arith.index_cast %get3A_600 : i32 to index
        %get3A_602 = arith.constant 96 : index
        %get3A_603 = tpu.vector_load %arg6[%get3A_601, %get3A_602] {strides = array<i32>} : memref<8x768xf32, #tpu.memory_space<vmem>>, vector<1x16xf32>,
        %get3A_604 = vector.shape_cast %get3A_603 : vector<1x16xf32> to vector<16xf32>
        %mul3A_605 = arith.mulf %get3A_564, %get3A_604 : vector<16xf32>
        %add3A_606 = arith.addf %add3A_546, %mul3A_605 : vector<16xf32>
        %get3A_607 = arith.constant 6 : i32
        %get3A_608 = arith.index_cast %get3A_607 : i32 to index
        %get3A_609 = arith.constant 96 : index
        %get3A_610 = tpu.vector_load %arg6[%get3A_608, %get3A_609] {strides = array<i32>} : memref<8x768xf32, #tpu.memory_space<vmem>>, vector<1x16xf32>,
        %get3A_611 = vector.shape_cast %get3A_610 : vector<1x16xf32> to vector<16xf32>
        %mul3A_612 = arith.mulf %get3A_564, %get3A_611 : vector<16xf32>
        %add3A_613 = arith.addf %add3A_553, %mul3A_612 : vector<16xf32>
        %get3A_614 = arith.constant 7 : i32
        %get3A_615 = arith.index_cast %get3A_614 : i32 to index
        %get3A_616 = arith.constant 96 : index
        %get3A_617 = tpu.vector_load %arg6[%get3A_615, %get3A_616] {strides = array<i32>} : memref<8x768xf32, #tpu.memory_space<vmem>>, vector<1x16xf32>,
        %get3A_618 = vector.shape_cast %get3A_617 : vector<1x16xf32> to vector<16xf32>
        %mul3A_619 = arith.mulf %get3A_564, %get3A_618 : vector<16xf32>
        %add3A_620 = arith.addf %add3A_560, %mul3A_619 : vector<16xf32>
        %get3A_621 = arith.index_cast %scan3A_191 : i32 to index
        %get3A_622 = arith.constant 112 : index
        %get3A_623 = tpu.vector_load %arg5[%get3A_621, %get3A_622] {strides = array<i32>} : memref<16x768xf32, #tpu.memory_space<vmem>>, vector<1x16xf32>,
        %get3A_624 = vector.shape_cast %get3A_623 : vector<1x16xf32> to vector<16xf32>
        %get3A_625 = arith.constant 0 : i32
        %get3A_626 = arith.index_cast %get3A_625 : i32 to index
        %get3A_627 = arith.constant 112 : index
        %get3A_628 = tpu.vector_load %arg6[%get3A_626, %get3A_627] {strides = array<i32>} : memref<8x768xf32, #tpu.memory_space<vmem>>, vector<1x16xf32>,
        %get3A_629 = vector.shape_cast %get3A_628 : vector<1x16xf32> to vector<16xf32>
        %mul3A_630 = arith.mulf %get3A_624, %get3A_629 : vector<16xf32>
        %add3A_631 = arith.addf %add3A_571, %mul3A_630 : vector<16xf32>
        %get3A_632 = arith.constant 1 : i32
        %get3A_633 = arith.index_cast %get3A_632 : i32 to index
        %get3A_634 = arith.constant 112 : index
        %get3A_635 = tpu.vector_load %arg6[%get3A_633, %get3A_634] {strides = array<i32>} : memref<8x768xf32, #tpu.memory_space<vmem>>, vector<1x16xf32>,
        %get3A_636 = vector.shape_cast %get3A_635 : vector<1x16xf32> to vector<16xf32>
        %mul3A_637 = arith.mulf %get3A_624, %get3A_636 : vector<16xf32>
        %add3A_638 = arith.addf %add3A_578, %mul3A_637 : vector<16xf32>
        %get3A_639 = arith.constant 2 : i32
        %get3A_640 = arith.index_cast %get3A_639 : i32 to index
        %get3A_641 = arith.constant 112 : index
        %get3A_642 = tpu.vector_load %arg6[%get3A_640, %get3A_641] {strides = array<i32>} : memref<8x768xf32, #tpu.memory_space<vmem>>, vector<1x16xf32>,
        %get3A_643 = vector.shape_cast %get3A_642 : vector<1x16xf32> to vector<16xf32>
        %mul3A_644 = arith.mulf %get3A_624, %get3A_643 : vector<16xf32>
        %add3A_645 = arith.addf %add3A_585, %mul3A_644 : vector<16xf32>
        %get3A_646 = arith.constant 3 : i32
        %get3A_647 = arith.index_cast %get3A_646 : i32 to index
        %get3A_648 = arith.constant 112 : index
        %get3A_649 = tpu.vector_load %arg6[%get3A_647, %get3A_648] {strides = array<i32>} : memref<8x768xf32, #tpu.memory_space<vmem>>, vector<1x16xf32>,
        %get3A_650 = vector.shape_cast %get3A_649 : vector<1x16xf32> to vector<16xf32>
        %mul3A_651 = arith.mulf %get3A_624, %get3A_650 : vector<16xf32>
        %add3A_652 = arith.addf %add3A_592, %mul3A_651 : vector<16xf32>
        %get3A_653 = arith.constant 4 : i32
        %get3A_654 = arith.index_cast %get3A_653 : i32 to index
        %get3A_655 = arith.constant 112 : index
        %get3A_656 = tpu.vector_load %arg6[%get3A_654, %get3A_655] {strides = array<i32>} : memref<8x768xf32, #tpu.memory_space<vmem>>, vector<1x16xf32>,
        %get3A_657 = vector.shape_cast %get3A_656 : vector<1x16xf32> to vector<16xf32>
        %mul3A_658 = arith.mulf %get3A_624, %get3A_657 : vector<16xf32>
        %add3A_659 = arith.addf %add3A_599, %mul3A_658 : vector<16xf32>
        %get3A_660 = arith.constant 5 : i32
        %get3A_661 = arith.index_cast %get3A_660 : i32 to index
        %get3A_662 = arith.constant 112 : index
        %get3A_663 = tpu.vector_load %arg6[%get3A_661, %get3A_662] {strides = array<i32>} : memref<8x768xf32, #tpu.memory_space<vmem>>, vector<1x16xf32>,
        %get3A_664 = vector.shape_cast %get3A_663 : vector<1x16xf32> to vector<16xf32>
        %mul3A_665 = arith.mulf %get3A_624, %get3A_664 : vector<16xf32>
        %add3A_666 = arith.addf %add3A_606, %mul3A_665 : vector<16xf32>
        %get3A_667 = arith.constant 6 : i32
        %get3A_668 = arith.index_cast %get3A_667 : i32 to index
        %get3A_669 = arith.constant 112 : index
        %get3A_670 = tpu.vector_load %arg6[%get3A_668, %get3A_669] {strides = array<i32>} : memref<8x768xf32, #tpu.memory_space<vmem>>, vector<1x16xf32>,
        %get3A_671 = vector.shape_cast %get3A_670 : vector<1x16xf32> to vector<16xf32>
        %mul3A_672 = arith.mulf %get3A_624, %get3A_671 : vector<16xf32>
        %add3A_673 = arith.addf %add3A_613, %mul3A_672 : vector<16xf32>
        %get3A_674 = arith.constant 7 : i32
        %get3A_675 = arith.index_cast %get3A_674 : i32 to index
        %get3A_676 = arith.constant 112 : index
        %get3A_677 = tpu.vector_load %arg6[%get3A_675, %get3A_676] {strides = array<i32>} : memref<8x768xf32, #tpu.memory_space<vmem>>, vector<1x16xf32>,
        %get3A_678 = vector.shape_cast %get3A_677 : vector<1x16xf32> to vector<16xf32>
        %mul3A_679 = arith.mulf %get3A_624, %get3A_678 : vector<16xf32>
        %add3A_680 = arith.addf %add3A_620, %mul3A_679 : vector<16xf32>
        %get3A_681 = arith.index_cast %scan3A_191 : i32 to index
        %get3A_682 = arith.constant 128 : index
        %get3A_683 = tpu.vector_load %arg5[%get3A_681, %get3A_682] {strides = array<i32>} : memref<16x768xf32, #tpu.memory_space<vmem>>, vector<1x16xf32>,
        %get3A_684 = vector.shape_cast %get3A_683 : vector<1x16xf32> to vector<16xf32>
        %get3A_685 = arith.constant 0 : i32
        %get3A_686 = arith.index_cast %get3A_685 : i32 to index
        %get3A_687 = arith.constant 128 : index
        %get3A_688 = tpu.vector_load %arg6[%get3A_686, %get3A_687] {strides = array<i32>} : memref<8x768xf32, #tpu.memory_space<vmem>>, vector<1x16xf32>,
        %get3A_689 = vector.shape_cast %get3A_688 : vector<1x16xf32> to vector<16xf32>
        %mul3A_690 = arith.mulf %get3A_684, %get3A_689 : vector<16xf32>
        %add3A_691 = arith.addf %add3A_631, %mul3A_690 : vector<16xf32>
        %get3A_692 = arith.constant 1 : i32
        %get3A_693 = arith.index_cast %get3A_692 : i32 to index
        %get3A_694 = arith.constant 128 : index
        %get3A_695 = tpu.vector_load %arg6[%get3A_693, %get3A_694] {strides = array<i32>} : memref<8x768xf32, #tpu.memory_space<vmem>>, vector<1x16xf32>,
        %get3A_696 = vector.shape_cast %get3A_695 : vector<1x16xf32> to vector<16xf32>
        %mul3A_697 = arith.mulf %get3A_684, %get3A_696 : vector<16xf32>
        %add3A_698 = arith.addf %add3A_638, %mul3A_697 : vector<16xf32>
        %get3A_699 = arith.constant 2 : i32
        %get3A_700 = arith.index_cast %get3A_699 : i32 to index
        %get3A_701 = arith.constant 128 : index
        %get3A_702 = tpu.vector_load %arg6[%get3A_700, %get3A_701] {strides = array<i32>} : memref<8x768xf32, #tpu.memory_space<vmem>>, vector<1x16xf32>,
        %get3A_703 = vector.shape_cast %get3A_702 : vector<1x16xf32> to vector<16xf32>
        %mul3A_704 = arith.mulf %get3A_684, %get3A_703 : vector<16xf32>
        %add3A_705 = arith.addf %add3A_645, %mul3A_704 : vector<16xf32>
        %get3A_706 = arith.constant 3 : i32
        %get3A_707 = arith.index_cast %get3A_706 : i32 to index
        %get3A_708 = arith.constant 128 : index
        %get3A_709 = tpu.vector_load %arg6[%get3A_707, %get3A_708] {strides = array<i32>} : memref<8x768xf32, #tpu.memory_space<vmem>>, vector<1x16xf32>,
        %get3A_710 = vector.shape_cast %get3A_709 : vector<1x16xf32> to vector<16xf32>
        %mul3A_711 = arith.mulf %get3A_684, %get3A_710 : vector<16xf32>
        %add3A_712 = arith.addf %add3A_652, %mul3A_711 : vector<16xf32>
        %get3A_713 = arith.constant 4 : i32
        %get3A_714 = arith.index_cast %get3A_713 : i32 to index
        %get3A_715 = arith.constant 128 : index
        %get3A_716 = tpu.vector_load %arg6[%get3A_714, %get3A_715] {strides = array<i32>} : memref<8x768xf32, #tpu.memory_space<vmem>>, vector<1x16xf32>,
        %get3A_717 = vector.shape_cast %get3A_716 : vector<1x16xf32> to vector<16xf32>
        %mul3A_718 = arith.mulf %get3A_684, %get3A_717 : vector<16xf32>
        %add3A_719 = arith.addf %add3A_659, %mul3A_718 : vector<16xf32>
        %get3A_720 = arith.constant 5 : i32
        %get3A_721 = arith.index_cast %get3A_720 : i32 to index
        %get3A_722 = arith.constant 128 : index
        %get3A_723 = tpu.vector_load %arg6[%get3A_721, %get3A_722] {strides = array<i32>} : memref<8x768xf32, #tpu.memory_space<vmem>>, vector<1x16xf32>,
        %get3A_724 = vector.shape_cast %get3A_723 : vector<1x16xf32> to vector<16xf32>
        %mul3A_725 = arith.mulf %get3A_684, %get3A_724 : vector<16xf32>
        %add3A_726 = arith.addf %add3A_666, %mul3A_725 : vector<16xf32>
        %get3A_727 = arith.constant 6 : i32
        %get3A_728 = arith.index_cast %get3A_727 : i32 to index
        %get3A_729 = arith.constant 128 : index
        %get3A_730 = tpu.vector_load %arg6[%get3A_728, %get3A_729] {strides = array<i32>} : memref<8x768xf32, #tpu.memory_space<vmem>>, vector<1x16xf32>,
        %get3A_731 = vector.shape_cast %get3A_730 : vector<1x16xf32> to vector<16xf32>
        %mul3A_732 = arith.mulf %get3A_684, %get3A_731 : vector<16xf32>
        %add3A_733 = arith.addf %add3A_673, %mul3A_732 : vector<16xf32>
        %get3A_734 = arith.constant 7 : i32
        %get3A_735 = arith.index_cast %get3A_734 : i32 to index
        %get3A_736 = arith.constant 128 : index
        %get3A_737 = tpu.vector_load %arg6[%get3A_735, %get3A_736] {strides = array<i32>} : memref<8x768xf32, #tpu.memory_space<vmem>>, vector<1x16xf32>,
        %get3A_738 = vector.shape_cast %get3A_737 : vector<1x16xf32> to vector<16xf32>
        %mul3A_739 = arith.mulf %get3A_684, %get3A_738 : vector<16xf32>
        %add3A_740 = arith.addf %add3A_680, %mul3A_739 : vector<16xf32>
        %get3A_741 = arith.index_cast %scan3A_191 : i32 to index
        %get3A_742 = arith.constant 144 : index
        %get3A_743 = tpu.vector_load %arg5[%get3A_741, %get3A_742] {strides = array<i32>} : memref<16x768xf32, #tpu.memory_space<vmem>>, vector<1x16xf32>,
        %get3A_744 = vector.shape_cast %get3A_743 : vector<1x16xf32> to vector<16xf32>
        %get3A_745 = arith.constant 0 : i32
        %get3A_746 = arith.index_cast %get3A_745 : i32 to index
        %get3A_747 = arith.constant 144 : index
        %get3A_748 = tpu.vector_load %arg6[%get3A_746, %get3A_747] {strides = array<i32>} : memref<8x768xf32, #tpu.memory_space<vmem>>, vector<1x16xf32>,
        %get3A_749 = vector.shape_cast %get3A_748 : vector<1x16xf32> to vector<16xf32>
        %mul3A_750 = arith.mulf %get3A_744, %get3A_749 : vector<16xf32>
        %add3A_751 = arith.addf %add3A_691, %mul3A_750 : vector<16xf32>
        %get3A_752 = arith.constant 1 : i32
        %get3A_753 = arith.index_cast %get3A_752 : i32 to index
        %get3A_754 = arith.constant 144 : index
        %get3A_755 = tpu.vector_load %arg6[%get3A_753, %get3A_754] {strides = array<i32>} : memref<8x768xf32, #tpu.memory_space<vmem>>, vector<1x16xf32>,
        %get3A_756 = vector.shape_cast %get3A_755 : vector<1x16xf32> to vector<16xf32>
        %mul3A_757 = arith.mulf %get3A_744, %get3A_756 : vector<16xf32>
        %add3A_758 = arith.addf %add3A_698, %mul3A_757 : vector<16xf32>
        %get3A_759 = arith.constant 2 : i32
        %get3A_760 = arith.index_cast %get3A_759 : i32 to index
        %get3A_761 = arith.constant 144 : index
        %get3A_762 = tpu.vector_load %arg6[%get3A_760, %get3A_761] {strides = array<i32>} : memref<8x768xf32, #tpu.memory_space<vmem>>, vector<1x16xf32>,
        %get3A_763 = vector.shape_cast %get3A_762 : vector<1x16xf32> to vector<16xf32>
        %mul3A_764 = arith.mulf %get3A_744, %get3A_763 : vector<16xf32>
        %add3A_765 = arith.addf %add3A_705, %mul3A_764 : vector<16xf32>
        %get3A_766 = arith.constant 3 : i32
        %get3A_767 = arith.index_cast %get3A_766 : i32 to index
        %get3A_768 = arith.constant 144 : index
        %get3A_769 = tpu.vector_load %arg6[%get3A_767, %get3A_768] {strides = array<i32>} : memref<8x768xf32, #tpu.memory_space<vmem>>, vector<1x16xf32>,
        %get3A_770 = vector.shape_cast %get3A_769 : vector<1x16xf32> to vector<16xf32>
        %mul3A_771 = arith.mulf %get3A_744, %get3A_770 : vector<16xf32>
        %add3A_772 = arith.addf %add3A_712, %mul3A_771 : vector<16xf32>
        %get3A_773 = arith.constant 4 : i32
        %get3A_774 = arith.index_cast %get3A_773 : i32 to index
        %get3A_775 = arith.constant 144 : index
        %get3A_776 = tpu.vector_load %arg6[%get3A_774, %get3A_775] {strides = array<i32>} : memref<8x768xf32, #tpu.memory_space<vmem>>, vector<1x16xf32>,
        %get3A_777 = vector.shape_cast %get3A_776 : vector<1x16xf32> to vector<16xf32>
        %mul3A_778 = arith.mulf %get3A_744, %get3A_777 : vector<16xf32>
        %add3A_779 = arith.addf %add3A_719, %mul3A_778 : vector<16xf32>
        %get3A_780 = arith.constant 5 : i32
        %get3A_781 = arith.index_cast %get3A_780 : i32 to index
        %get3A_782 = arith.constant 144 : index
        %get3A_783 = tpu.vector_load %arg6[%get3A_781, %get3A_782] {strides = array<i32>} : memref<8x768xf32, #tpu.memory_space<vmem>>, vector<1x16xf32>,
        %get3A_784 = vector.shape_cast %get3A_783 : vector<1x16xf32> to vector<16xf32>
        %mul3A_785 = arith.mulf %get3A_744, %get3A_784 : vector<16xf32>
        %add3A_786 = arith.addf %add3A_726, %mul3A_785 : vector<16xf32>
        %get3A_787 = arith.constant 6 : i32
        %get3A_788 = arith.index_cast %get3A_787 : i32 to index
        %get3A_789 = arith.constant 144 : index
        %get3A_790 = tpu.vector_load %arg6[%get3A_788, %get3A_789] {strides = array<i32>} : memref<8x768xf32, #tpu.memory_space<vmem>>, vector<1x16xf32>,
        %get3A_791 = vector.shape_cast %get3A_790 : vector<1x16xf32> to vector<16xf32>
        %mul3A_792 = arith.mulf %get3A_744, %get3A_791 : vector<16xf32>
        %add3A_793 = arith.addf %add3A_733, %mul3A_792 : vector<16xf32>
        %get3A_794 = arith.constant 7 : i32
        %get3A_795 = arith.index_cast %get3A_794 : i32 to index
        %get3A_796 = arith.constant 144 : index
        %get3A_797 = tpu.vector_load %arg6[%get3A_795, %get3A_796] {strides = array<i32>} : memref<8x768xf32, #tpu.memory_space<vmem>>, vector<1x16xf32>,
        %get3A_798 = vector.shape_cast %get3A_797 : vector<1x16xf32> to vector<16xf32>
        %mul3A_799 = arith.mulf %get3A_744, %get3A_798 : vector<16xf32>
        %add3A_800 = arith.addf %add3A_740, %mul3A_799 : vector<16xf32>
        %get3A_801 = arith.index_cast %scan3A_191 : i32 to index
        %get3A_802 = arith.constant 160 : index
        %get3A_803 = tpu.vector_load %arg5[%get3A_801, %get3A_802] {strides = array<i32>} : memref<16x768xf32, #tpu.memory_space<vmem>>, vector<1x16xf32>,
        %get3A_804 = vector.shape_cast %get3A_803 : vector<1x16xf32> to vector<16xf32>
        %get3A_805 = arith.constant 0 : i32
        %get3A_806 = arith.index_cast %get3A_805 : i32 to index
        %get3A_807 = arith.constant 160 : index
        %get3A_808 = tpu.vector_load %arg6[%get3A_806, %get3A_807] {strides = array<i32>} : memref<8x768xf32, #tpu.memory_space<vmem>>, vector<1x16xf32>,
        %get3A_809 = vector.shape_cast %get3A_808 : vector<1x16xf32> to vector<16xf32>
        %mul3A_810 = arith.mulf %get3A_804, %get3A_809 : vector<16xf32>
        %add3A_811 = arith.addf %add3A_751, %mul3A_810 : vector<16xf32>
        %get3A_812 = arith.constant 1 : i32
        %get3A_813 = arith.index_cast %get3A_812 : i32 to index
        %get3A_814 = arith.constant 160 : index
        %get3A_815 = tpu.vector_load %arg6[%get3A_813, %get3A_814] {strides = array<i32>} : memref<8x768xf32, #tpu.memory_space<vmem>>, vector<1x16xf32>,
        %get3A_816 = vector.shape_cast %get3A_815 : vector<1x16xf32> to vector<16xf32>
        %mul3A_817 = arith.mulf %get3A_804, %get3A_816 : vector<16xf32>
        %add3A_818 = arith.addf %add3A_758, %mul3A_817 : vector<16xf32>
        %get3A_819 = arith.constant 2 : i32
        %get3A_820 = arith.index_cast %get3A_819 : i32 to index
        %get3A_821 = arith.constant 160 : index
        %get3A_822 = tpu.vector_load %arg6[%get3A_820, %get3A_821] {strides = array<i32>} : memref<8x768xf32, #tpu.memory_space<vmem>>, vector<1x16xf32>,
        %get3A_823 = vector.shape_cast %get3A_822 : vector<1x16xf32> to vector<16xf32>
        %mul3A_824 = arith.mulf %get3A_804, %get3A_823 : vector<16xf32>
        %add3A_825 = arith.addf %add3A_765, %mul3A_824 : vector<16xf32>
        %get3A_826 = arith.constant 3 : i32
        %get3A_827 = arith.index_cast %get3A_826 : i32 to index
        %get3A_828 = arith.constant 160 : index
        %get3A_829 = tpu.vector_load %arg6[%get3A_827, %get3A_828] {strides = array<i32>} : memref<8x768xf32, #tpu.memory_space<vmem>>, vector<1x16xf32>,
        %get3A_830 = vector.shape_cast %get3A_829 : vector<1x16xf32> to vector<16xf32>
        %mul3A_831 = arith.mulf %get3A_804, %get3A_830 : vector<16xf32>
        %add3A_832 = arith.addf %add3A_772, %mul3A_831 : vector<16xf32>
        %get3A_833 = arith.constant 4 : i32
        %get3A_834 = arith.index_cast %get3A_833 : i32 to index
        %get3A_835 = arith.constant 160 : index
        %get3A_836 = tpu.vector_load %arg6[%get3A_834, %get3A_835] {strides = array<i32>} : memref<8x768xf32, #tpu.memory_space<vmem>>, vector<1x16xf32>,
        %get3A_837 = vector.shape_cast %get3A_836 : vector<1x16xf32> to vector<16xf32>
        %mul3A_838 = arith.mulf %get3A_804, %get3A_837 : vector<16xf32>
        %add3A_839 = arith.addf %add3A_779, %mul3A_838 : vector<16xf32>
        %get3A_840 = arith.constant 5 : i32
        %get3A_841 = arith.index_cast %get3A_840 : i32 to index
        %get3A_842 = arith.constant 160 : index
        %get3A_843 = tpu.vector_load %arg6[%get3A_841, %get3A_842] {strides = array<i32>} : memref<8x768xf32, #tpu.memory_space<vmem>>, vector<1x16xf32>,
        %get3A_844 = vector.shape_cast %get3A_843 : vector<1x16xf32> to vector<16xf32>
        %mul3A_845 = arith.mulf %get3A_804, %get3A_844 : vector<16xf32>
        %add3A_846 = arith.addf %add3A_786, %mul3A_845 : vector<16xf32>
        %get3A_847 = arith.constant 6 : i32
        %get3A_848 = arith.index_cast %get3A_847 : i32 to index
        %get3A_849 = arith.constant 160 : index
        %get3A_850 = tpu.vector_load %arg6[%get3A_848, %get3A_849] {strides = array<i32>} : memref<8x768xf32, #tpu.memory_space<vmem>>, vector<1x16xf32>,
        %get3A_851 = vector.shape_cast %get3A_850 : vector<1x16xf32> to vector<16xf32>
        %mul3A_852 = arith.mulf %get3A_804, %get3A_851 : vector<16xf32>
        %add3A_853 = arith.addf %add3A_793, %mul3A_852 : vector<16xf32>
        %get3A_854 = arith.constant 7 : i32
        %get3A_855 = arith.index_cast %get3A_854 : i32 to index
        %get3A_856 = arith.constant 160 : index
        %get3A_857 = tpu.vector_load %arg6[%get3A_855, %get3A_856] {strides = array<i32>} : memref<8x768xf32, #tpu.memory_space<vmem>>, vector<1x16xf32>,
        %get3A_858 = vector.shape_cast %get3A_857 : vector<1x16xf32> to vector<16xf32>
        %mul3A_859 = arith.mulf %get3A_804, %get3A_858 : vector<16xf32>
        %add3A_860 = arith.addf %add3A_800, %mul3A_859 : vector<16xf32>
        %get3A_861 = arith.index_cast %scan3A_191 : i32 to index
        %get3A_862 = arith.constant 176 : index
        %get3A_863 = tpu.vector_load %arg5[%get3A_861, %get3A_862] {strides = array<i32>} : memref<16x768xf32, #tpu.memory_space<vmem>>, vector<1x16xf32>,
        %get3A_864 = vector.shape_cast %get3A_863 : vector<1x16xf32> to vector<16xf32>
        %get3A_865 = arith.constant 0 : i32
        %get3A_866 = arith.index_cast %get3A_865 : i32 to index
        %get3A_867 = arith.constant 176 : index
        %get3A_868 = tpu.vector_load %arg6[%get3A_866, %get3A_867] {strides = array<i32>} : memref<8x768xf32, #tpu.memory_space<vmem>>, vector<1x16xf32>,
        %get3A_869 = vector.shape_cast %get3A_868 : vector<1x16xf32> to vector<16xf32>
        %mul3A_870 = arith.mulf %get3A_864, %get3A_869 : vector<16xf32>
        %add3A_871 = arith.addf %add3A_811, %mul3A_870 : vector<16xf32>
        %get3A_872 = arith.constant 1 : i32
        %get3A_873 = arith.index_cast %get3A_872 : i32 to index
        %get3A_874 = arith.constant 176 : index
        %get3A_875 = tpu.vector_load %arg6[%get3A_873, %get3A_874] {strides = array<i32>} : memref<8x768xf32, #tpu.memory_space<vmem>>, vector<1x16xf32>,
        %get3A_876 = vector.shape_cast %get3A_875 : vector<1x16xf32> to vector<16xf32>
        %mul3A_877 = arith.mulf %get3A_864, %get3A_876 : vector<16xf32>
        %add3A_878 = arith.addf %add3A_818, %mul3A_877 : vector<16xf32>
        %get3A_879 = arith.constant 2 : i32
        %get3A_880 = arith.index_cast %get3A_879 : i32 to index
        %get3A_881 = arith.constant 176 : index
        %get3A_882 = tpu.vector_load %arg6[%get3A_880, %get3A_881] {strides = array<i32>} : memref<8x768xf32, #tpu.memory_space<vmem>>, vector<1x16xf32>,
        %get3A_883 = vector.shape_cast %get3A_882 : vector<1x16xf32> to vector<16xf32>
        %mul3A_884 = arith.mulf %get3A_864, %get3A_883 : vector<16xf32>
        %add3A_885 = arith.addf %add3A_825, %mul3A_884 : vector<16xf32>
        %get3A_886 = arith.constant 3 : i32
        %get3A_887 = arith.index_cast %get3A_886 : i32 to index
        %get3A_888 = arith.constant 176 : index
        %get3A_889 = tpu.vector_load %arg6[%get3A_887, %get3A_888] {strides = array<i32>} : memref<8x768xf32, #tpu.memory_space<vmem>>, vector<1x16xf32>,
        %get3A_890 = vector.shape_cast %get3A_889 : vector<1x16xf32> to vector<16xf32>
        %mul3A_891 = arith.mulf %get3A_864, %get3A_890 : vector<16xf32>
        %add3A_892 = arith.addf %add3A_832, %mul3A_891 : vector<16xf32>
        %get3A_893 = arith.constant 4 : i32
        %get3A_894 = arith.index_cast %get3A_893 : i32 to index
        %get3A_895 = arith.constant 176 : index
        %get3A_896 = tpu.vector_load %arg6[%get3A_894, %get3A_895] {strides = array<i32>} : memref<8x768xf32, #tpu.memory_space<vmem>>, vector<1x16xf32>,
        %get3A_897 = vector.shape_cast %get3A_896 : vector<1x16xf32> to vector<16xf32>
        %mul3A_898 = arith.mulf %get3A_864, %get3A_897 : vector<16xf32>
        %add3A_899 = arith.addf %add3A_839, %mul3A_898 : vector<16xf32>
        %get3A_900 = arith.constant 5 : i32
        %get3A_901 = arith.index_cast %get3A_900 : i32 to index
        %get3A_902 = arith.constant 176 : index
        %get3A_903 = tpu.vector_load %arg6[%get3A_901, %get3A_902] {strides = array<i32>} : memref<8x768xf32, #tpu.memory_space<vmem>>, vector<1x16xf32>,
        %get3A_904 = vector.shape_cast %get3A_903 : vector<1x16xf32> to vector<16xf32>
        %mul3A_905 = arith.mulf %get3A_864, %get3A_904 : vector<16xf32>
        %add3A_906 = arith.addf %add3A_846, %mul3A_905 : vector<16xf32>
        %get3A_907 = arith.constant 6 : i32
        %get3A_908 = arith.index_cast %get3A_907 : i32 to index
        %get3A_909 = arith.constant 176 : index
        %get3A_910 = tpu.vector_load %arg6[%get3A_908, %get3A_909] {strides = array<i32>} : memref<8x768xf32, #tpu.memory_space<vmem>>, vector<1x16xf32>,
        %get3A_911 = vector.shape_cast %get3A_910 : vector<1x16xf32> to vector<16xf32>
        %mul3A_912 = arith.mulf %get3A_864, %get3A_911 : vector<16xf32>
        %add3A_913 = arith.addf %add3A_853, %mul3A_912 : vector<16xf32>
        %get3A_914 = arith.constant 7 : i32
        %get3A_915 = arith.index_cast %get3A_914 : i32 to index
        %get3A_916 = arith.constant 176 : index
        %get3A_917 = tpu.vector_load %arg6[%get3A_915, %get3A_916] {strides = array<i32>} : memref<8x768xf32, #tpu.memory_space<vmem>>, vector<1x16xf32>,
        %get3A_918 = vector.shape_cast %get3A_917 : vector<1x16xf32> to vector<16xf32>
        %mul3A_919 = arith.mulf %get3A_864, %get3A_918 : vector<16xf32>
        %add3A_920 = arith.addf %add3A_860, %mul3A_919 : vector<16xf32>
        %get3A_921 = arith.index_cast %scan3A_191 : i32 to index
        %get3A_922 = arith.constant 192 : index
        %get3A_923 = tpu.vector_load %arg5[%get3A_921, %get3A_922] {strides = array<i32>} : memref<16x768xf32, #tpu.memory_space<vmem>>, vector<1x16xf32>,
        %get3A_924 = vector.shape_cast %get3A_923 : vector<1x16xf32> to vector<16xf32>
        %get3A_925 = arith.constant 0 : i32
        %get3A_926 = arith.index_cast %get3A_925 : i32 to index
        %get3A_927 = arith.constant 192 : index
        %get3A_928 = tpu.vector_load %arg6[%get3A_926, %get3A_927] {strides = array<i32>} : memref<8x768xf32, #tpu.memory_space<vmem>>, vector<1x16xf32>,
        %get3A_929 = vector.shape_cast %get3A_928 : vector<1x16xf32> to vector<16xf32>
        %mul3A_930 = arith.mulf %get3A_924, %get3A_929 : vector<16xf32>
        %add3A_931 = arith.addf %add3A_871, %mul3A_930 : vector<16xf32>
        %get3A_932 = arith.constant 1 : i32
        %get3A_933 = arith.index_cast %get3A_932 : i32 to index
        %get3A_934 = arith.constant 192 : index
        %get3A_935 = tpu.vector_load %arg6[%get3A_933, %get3A_934] {strides = array<i32>} : memref<8x768xf32, #tpu.memory_space<vmem>>, vector<1x16xf32>,
        %get3A_936 = vector.shape_cast %get3A_935 : vector<1x16xf32> to vector<16xf32>
        %mul3A_937 = arith.mulf %get3A_924, %get3A_936 : vector<16xf32>
        %add3A_938 = arith.addf %add3A_878, %mul3A_937 : vector<16xf32>
        %get3A_939 = arith.constant 2 : i32
        %get3A_940 = arith.index_cast %get3A_939 : i32 to index
        %get3A_941 = arith.constant 192 : index
        %get3A_942 = tpu.vector_load %arg6[%get3A_940, %get3A_941] {strides = array<i32>} : memref<8x768xf32, #tpu.memory_space<vmem>>, vector<1x16xf32>,
        %get3A_943 = vector.shape_cast %get3A_942 : vector<1x16xf32> to vector<16xf32>
        %mul3A_944 = arith.mulf %get3A_924, %get3A_943 : vector<16xf32>
        %add3A_945 = arith.addf %add3A_885, %mul3A_944 : vector<16xf32>
        %get3A_946 = arith.constant 3 : i32
        %get3A_947 = arith.index_cast %get3A_946 : i32 to index
        %get3A_948 = arith.constant 192 : index
        %get3A_949 = tpu.vector_load %arg6[%get3A_947, %get3A_948] {strides = array<i32>} : memref<8x768xf32, #tpu.memory_space<vmem>>, vector<1x16xf32>,
        %get3A_950 = vector.shape_cast %get3A_949 : vector<1x16xf32> to vector<16xf32>
        %mul3A_951 = arith.mulf %get3A_924, %get3A_950 : vector<16xf32>
        %add3A_952 = arith.addf %add3A_892, %mul3A_951 : vector<16xf32>
        %get3A_953 = arith.constant 4 : i32
        %get3A_954 = arith.index_cast %get3A_953 : i32 to index
        %get3A_955 = arith.constant 192 : index
        %get3A_956 = tpu.vector_load %arg6[%get3A_954, %get3A_955] {strides = array<i32>} : memref<8x768xf32, #tpu.memory_space<vmem>>, vector<1x16xf32>,
        %get3A_957 = vector.shape_cast %get3A_956 : vector<1x16xf32> to vector<16xf32>
        %mul3A_958 = arith.mulf %get3A_924, %get3A_957 : vector<16xf32>
        %add3A_959 = arith.addf %add3A_899, %mul3A_958 : vector<16xf32>
        %get3A_960 = arith.constant 5 : i32
        %get3A_961 = arith.index_cast %get3A_960 : i32 to index
        %get3A_962 = arith.constant 192 : index
        %get3A_963 = tpu.vector_load %arg6[%get3A_961, %get3A_962] {strides = array<i32>} : memref<8x768xf32, #tpu.memory_space<vmem>>, vector<1x16xf32>,
        %get3A_964 = vector.shape_cast %get3A_963 : vector<1x16xf32> to vector<16xf32>
        %mul3A_965 = arith.mulf %get3A_924, %get3A_964 : vector<16xf32>
        %add3A_966 = arith.addf %add3A_906, %mul3A_965 : vector<16xf32>
        %get3A_967 = arith.constant 6 : i32
        %get3A_968 = arith.index_cast %get3A_967 : i32 to index
        %get3A_969 = arith.constant 192 : index
        %get3A_970 = tpu.vector_load %arg6[%get3A_968, %get3A_969] {strides = array<i32>} : memref<8x768xf32, #tpu.memory_space<vmem>>, vector<1x16xf32>,
        %get3A_971 = vector.shape_cast %get3A_970 : vector<1x16xf32> to vector<16xf32>
        %mul3A_972 = arith.mulf %get3A_924, %get3A_971 : vector<16xf32>
        %add3A_973 = arith.addf %add3A_913, %mul3A_972 : vector<16xf32>
        %get3A_974 = arith.constant 7 : i32
        %get3A_975 = arith.index_cast %get3A_974 : i32 to index
        %get3A_976 = arith.constant 192 : index
        %get3A_977 = tpu.vector_load %arg6[%get3A_975, %get3A_976] {strides = array<i32>} : memref<8x768xf32, #tpu.memory_space<vmem>>, vector<1x16xf32>,
        %get3A_978 = vector.shape_cast %get3A_977 : vector<1x16xf32> to vector<16xf32>
        %mul3A_979 = arith.mulf %get3A_924, %get3A_978 : vector<16xf32>
        %add3A_980 = arith.addf %add3A_920, %mul3A_979 : vector<16xf32>
        %get3A_981 = arith.index_cast %scan3A_191 : i32 to index
        %get3A_982 = arith.constant 208 : index
        %get3A_983 = tpu.vector_load %arg5[%get3A_981, %get3A_982] {strides = array<i32>} : memref<16x768xf32, #tpu.memory_space<vmem>>, vector<1x16xf32>,
        %get3A_984 = vector.shape_cast %get3A_983 : vector<1x16xf32> to vector<16xf32>
        %get3A_985 = arith.constant 0 : i32
        %get3A_986 = arith.index_cast %get3A_985 : i32 to index
        %get3A_987 = arith.constant 208 : index
        %get3A_988 = tpu.vector_load %arg6[%get3A_986, %get3A_987] {strides = array<i32>} : memref<8x768xf32, #tpu.memory_space<vmem>>, vector<1x16xf32>,
        %get3A_989 = vector.shape_cast %get3A_988 : vector<1x16xf32> to vector<16xf32>
        %mul3A_990 = arith.mulf %get3A_984, %get3A_989 : vector<16xf32>
        %add3A_991 = arith.addf %add3A_931, %mul3A_990 : vector<16xf32>
        %get3A_992 = arith.constant 1 : i32
        %get3A_993 = arith.index_cast %get3A_992 : i32 to index
        %get3A_994 = arith.constant 208 : index
        %get3A_995 = tpu.vector_load %arg6[%get3A_993, %get3A_994] {strides = array<i32>} : memref<8x768xf32, #tpu.memory_space<vmem>>, vector<1x16xf32>,
        %get3A_996 = vector.shape_cast %get3A_995 : vector<1x16xf32> to vector<16xf32>
        %mul3A_997 = arith.mulf %get3A_984, %get3A_996 : vector<16xf32>
        %add3A_998 = arith.addf %add3A_938, %mul3A_997 : vector<16xf32>
        %get3A_999 = arith.constant 2 : i32
        %get3A_1000 = arith.index_cast %get3A_999 : i32 to index
        %get3A_1001 = arith.constant 208 : index
        %get3A_1002 = tpu.vector_load %arg6[%get3A_1000, %get3A_1001] {strides = array<i32>} : memref<8x768xf32, #tpu.memory_space<vmem>>, vector<1x16xf32>,
        %get3A_1003 = vector.shape_cast %get3A_1002 : vector<1x16xf32> to vector<16xf32>
        %mul3A_1004 = arith.mulf %get3A_984, %get3A_1003 : vector<16xf32>
        %add3A_1005 = arith.addf %add3A_945, %mul3A_1004 : vector<16xf32>
        %get3A_1006 = arith.constant 3 : i32
        %get3A_1007 = arith.index_cast %get3A_1006 : i32 to index
        %get3A_1008 = arith.constant 208 : index
        %get3A_1009 = tpu.vector_load %arg6[%get3A_1007, %get3A_1008] {strides = array<i32>} : memref<8x768xf32, #tpu.memory_space<vmem>>, vector<1x16xf32>,
        %get3A_1010 = vector.shape_cast %get3A_1009 : vector<1x16xf32> to vector<16xf32>
        %mul3A_1011 = arith.mulf %get3A_984, %get3A_1010 : vector<16xf32>
        %add3A_1012 = arith.addf %add3A_952, %mul3A_1011 : vector<16xf32>
        %get3A_1013 = arith.constant 4 : i32
        %get3A_1014 = arith.index_cast %get3A_1013 : i32 to index
        %get3A_1015 = arith.constant 208 : index
        %get3A_1016 = tpu.vector_load %arg6[%get3A_1014, %get3A_1015] {strides = array<i32>} : memref<8x768xf32, #tpu.memory_space<vmem>>, vector<1x16xf32>,
        %get3A_1017 = vector.shape_cast %get3A_1016 : vector<1x16xf32> to vector<16xf32>
        %mul3A_1018 = arith.mulf %get3A_984, %get3A_1017 : vector<16xf32>
        %add3A_1019 = arith.addf %add3A_959, %mul3A_1018 : vector<16xf32>
        %get3A_1020 = arith.constant 5 : i32
        %get3A_1021 = arith.index_cast %get3A_1020 : i32 to index
        %get3A_1022 = arith.constant 208 : index
        %get3A_1023 = tpu.vector_load %arg6[%get3A_1021, %get3A_1022] {strides = array<i32>} : memref<8x768xf32, #tpu.memory_space<vmem>>, vector<1x16xf32>,
        %get3A_1024 = vector.shape_cast %get3A_1023 : vector<1x16xf32> to vector<16xf32>
        %mul3A_1025 = arith.mulf %get3A_984, %get3A_1024 : vector<16xf32>
        %add3A_1026 = arith.addf %add3A_966, %mul3A_1025 : vector<16xf32>
        %get3A_1027 = arith.constant 6 : i32
        %get3A_1028 = arith.index_cast %get3A_1027 : i32 to index
        %get3A_1029 = arith.constant 208 : index
        %get3A_1030 = tpu.vector_load %arg6[%get3A_1028, %get3A_1029] {strides = array<i32>} : memref<8x768xf32, #tpu.memory_space<vmem>>, vector<1x16xf32>,
        %get3A_1031 = vector.shape_cast %get3A_1030 : vector<1x16xf32> to vector<16xf32>
        %mul3A_1032 = arith.mulf %get3A_984, %get3A_1031 : vector<16xf32>
        %add3A_1033 = arith.addf %add3A_973, %mul3A_1032 : vector<16xf32>
        %get3A_1034 = arith.constant 7 : i32
        %get3A_1035 = arith.index_cast %get3A_1034 : i32 to index
        %get3A_1036 = arith.constant 208 : index
        %get3A_1037 = tpu.vector_load %arg6[%get3A_1035, %get3A_1036] {strides = array<i32>} : memref<8x768xf32, #tpu.memory_space<vmem>>, vector<1x16xf32>,
        %get3A_1038 = vector.shape_cast %get3A_1037 : vector<1x16xf32> to vector<16xf32>
        %mul3A_1039 = arith.mulf %get3A_984, %get3A_1038 : vector<16xf32>
        %add3A_1040 = arith.addf %add3A_980, %mul3A_1039 : vector<16xf32>
        %get3A_1041 = arith.index_cast %scan3A_191 : i32 to index
        %get3A_1042 = arith.constant 224 : index
        %get3A_1043 = tpu.vector_load %arg5[%get3A_1041, %get3A_1042] {strides = array<i32>} : memref<16x768xf32, #tpu.memory_space<vmem>>, vector<1x16xf32>,
        %get3A_1044 = vector.shape_cast %get3A_1043 : vector<1x16xf32> to vector<16xf32>
        %get3A_1045 = arith.constant 0 : i32
        %get3A_1046 = arith.index_cast %get3A_1045 : i32 to index
        %get3A_1047 = arith.constant 224 : index
        %get3A_1048 = tpu.vector_load %arg6[%get3A_1046, %get3A_1047] {strides = array<i32>} : memref<8x768xf32, #tpu.memory_space<vmem>>, vector<1x16xf32>,
        %get3A_1049 = vector.shape_cast %get3A_1048 : vector<1x16xf32> to vector<16xf32>
        %mul3A_1050 = arith.mulf %get3A_1044, %get3A_1049 : vector<16xf32>
        %add3A_1051 = arith.addf %add3A_991, %mul3A_1050 : vector<16xf32>
        %get3A_1052 = arith.constant 1 : i32
        %get3A_1053 = arith.index_cast %get3A_1052 : i32 to index
        %get3A_1054 = arith.constant 224 : index
        %get3A_1055 = tpu.vector_load %arg6[%get3A_1053, %get3A_1054] {strides = array<i32>} : memref<8x768xf32, #tpu.memory_space<vmem>>, vector<1x16xf32>,
        %get3A_1056 = vector.shape_cast %get3A_1055 : vector<1x16xf32> to vector<16xf32>
        %mul3A_1057 = arith.mulf %get3A_1044, %get3A_1056 : vector<16xf32>
        %add3A_1058 = arith.addf %add3A_998, %mul3A_1057 : vector<16xf32>
        %get3A_1059 = arith.constant 2 : i32
        %get3A_1060 = arith.index_cast %get3A_1059 : i32 to index
        %get3A_1061 = arith.constant 224 : index
        %get3A_1062 = tpu.vector_load %arg6[%get3A_1060, %get3A_1061] {strides = array<i32>} : memref<8x768xf32, #tpu.memory_space<vmem>>, vector<1x16xf32>,
        %get3A_1063 = vector.shape_cast %get3A_1062 : vector<1x16xf32> to vector<16xf32>
        %mul3A_1064 = arith.mulf %get3A_1044, %get3A_1063 : vector<16xf32>
        %add3A_1065 = arith.addf %add3A_1005, %mul3A_1064 : vector<16xf32>
        %get3A_1066 = arith.constant 3 : i32
        %get3A_1067 = arith.index_cast %get3A_1066 : i32 to index
        %get3A_1068 = arith.constant 224 : index
        %get3A_1069 = tpu.vector_load %arg6[%get3A_1067, %get3A_1068] {strides = array<i32>} : memref<8x768xf32, #tpu.memory_space<vmem>>, vector<1x16xf32>,
        %get3A_1070 = vector.shape_cast %get3A_1069 : vector<1x16xf32> to vector<16xf32>
        %mul3A_1071 = arith.mulf %get3A_1044, %get3A_1070 : vector<16xf32>
        %add3A_1072 = arith.addf %add3A_1012, %mul3A_1071 : vector<16xf32>
        %get3A_1073 = arith.constant 4 : i32
        %get3A_1074 = arith.index_cast %get3A_1073 : i32 to index
        %get3A_1075 = arith.constant 224 : index
        %get3A_1076 = tpu.vector_load %arg6[%get3A_1074, %get3A_1075] {strides = array<i32>} : memref<8x768xf32, #tpu.memory_space<vmem>>, vector<1x16xf32>,
        %get3A_1077 = vector.shape_cast %get3A_1076 : vector<1x16xf32> to vector<16xf32>
        %mul3A_1078 = arith.mulf %get3A_1044, %get3A_1077 : vector<16xf32>
        %add3A_1079 = arith.addf %add3A_1019, %mul3A_1078 : vector<16xf32>
        %get3A_1080 = arith.constant 5 : i32
        %get3A_1081 = arith.index_cast %get3A_1080 : i32 to index
        %get3A_1082 = arith.constant 224 : index
        %get3A_1083 = tpu.vector_load %arg6[%get3A_1081, %get3A_1082] {strides = array<i32>} : memref<8x768xf32, #tpu.memory_space<vmem>>, vector<1x16xf32>,
        %get3A_1084 = vector.shape_cast %get3A_1083 : vector<1x16xf32> to vector<16xf32>
        %mul3A_1085 = arith.mulf %get3A_1044, %get3A_1084 : vector<16xf32>
        %add3A_1086 = arith.addf %add3A_1026, %mul3A_1085 : vector<16xf32>
        %get3A_1087 = arith.constant 6 : i32
        %get3A_1088 = arith.index_cast %get3A_1087 : i32 to index
        %get3A_1089 = arith.constant 224 : index
        %get3A_1090 = tpu.vector_load %arg6[%get3A_1088, %get3A_1089] {strides = array<i32>} : memref<8x768xf32, #tpu.memory_space<vmem>>, vector<1x16xf32>,
        %get3A_1091 = vector.shape_cast %get3A_1090 : vector<1x16xf32> to vector<16xf32>
        %mul3A_1092 = arith.mulf %get3A_1044, %get3A_1091 : vector<16xf32>
        %add3A_1093 = arith.addf %add3A_1033, %mul3A_1092 : vector<16xf32>
        %get3A_1094 = arith.constant 7 : i32
        %get3A_1095 = arith.index_cast %get3A_1094 : i32 to index
        %get3A_1096 = arith.constant 224 : index
        %get3A_1097 = tpu.vector_load %arg6[%get3A_1095, %get3A_1096] {strides = array<i32>} : memref<8x768xf32, #tpu.memory_space<vmem>>, vector<1x16xf32>,
        %get3A_1098 = vector.shape_cast %get3A_1097 : vector<1x16xf32> to vector<16xf32>
        %mul3A_1099 = arith.mulf %get3A_1044, %get3A_1098 : vector<16xf32>
        %add3A_1100 = arith.addf %add3A_1040, %mul3A_1099 : vector<16xf32>
        %get3A_1101 = arith.index_cast %scan3A_191 : i32 to index
        %get3A_1102 = arith.constant 240 : index
        %get3A_1103 = tpu.vector_load %arg5[%get3A_1101, %get3A_1102] {strides = array<i32>} : memref<16x768xf32, #tpu.memory_space<vmem>>, vector<1x16xf32>,
        %get3A_1104 = vector.shape_cast %get3A_1103 : vector<1x16xf32> to vector<16xf32>
        %get3A_1105 = arith.constant 0 : i32
        %get3A_1106 = arith.index_cast %get3A_1105 : i32 to index
        %get3A_1107 = arith.constant 240 : index
        %get3A_1108 = tpu.vector_load %arg6[%get3A_1106, %get3A_1107] {strides = array<i32>} : memref<8x768xf32, #tpu.memory_space<vmem>>, vector<1x16xf32>,
        %get3A_1109 = vector.shape_cast %get3A_1108 : vector<1x16xf32> to vector<16xf32>
        %mul3A_1110 = arith.mulf %get3A_1104, %get3A_1109 : vector<16xf32>
        %add3A_1111 = arith.addf %add3A_1051, %mul3A_1110 : vector<16xf32>
        %get3A_1112 = arith.constant 1 : i32
        %get3A_1113 = arith.index_cast %get3A_1112 : i32 to index
        %get3A_1114 = arith.constant 240 : index
        %get3A_1115 = tpu.vector_load %arg6[%get3A_1113, %get3A_1114] {strides = array<i32>} : memref<8x768xf32, #tpu.memory_space<vmem>>, vector<1x16xf32>,
        %get3A_1116 = vector.shape_cast %get3A_1115 : vector<1x16xf32> to vector<16xf32>
        %mul3A_1117 = arith.mulf %get3A_1104, %get3A_1116 : vector<16xf32>
        %add3A_1118 = arith.addf %add3A_1058, %mul3A_1117 : vector<16xf32>
        %get3A_1119 = arith.constant 2 : i32
        %get3A_1120 = arith.index_cast %get3A_1119 : i32 to index
        %get3A_1121 = arith.constant 240 : index
        %get3A_1122 = tpu.vector_load %arg6[%get3A_1120, %get3A_1121] {strides = array<i32>} : memref<8x768xf32, #tpu.memory_space<vmem>>, vector<1x16xf32>,
        %get3A_1123 = vector.shape_cast %get3A_1122 : vector<1x16xf32> to vector<16xf32>
        %mul3A_1124 = arith.mulf %get3A_1104, %get3A_1123 : vector<16xf32>
        %add3A_1125 = arith.addf %add3A_1065, %mul3A_1124 : vector<16xf32>
        %get3A_1126 = arith.constant 3 : i32
        %get3A_1127 = arith.index_cast %get3A_1126 : i32 to index
        %get3A_1128 = arith.constant 240 : index
        %get3A_1129 = tpu.vector_load %arg6[%get3A_1127, %get3A_1128] {strides = array<i32>} : memref<8x768xf32, #tpu.memory_space<vmem>>, vector<1x16xf32>,
        %get3A_1130 = vector.shape_cast %get3A_1129 : vector<1x16xf32> to vector<16xf32>
        %mul3A_1131 = arith.mulf %get3A_1104, %get3A_1130 : vector<16xf32>
        %add3A_1132 = arith.addf %add3A_1072, %mul3A_1131 : vector<16xf32>
        %get3A_1133 = arith.constant 4 : i32
        %get3A_1134 = arith.index_cast %get3A_1133 : i32 to index
        %get3A_1135 = arith.constant 240 : index
        %get3A_1136 = tpu.vector_load %arg6[%get3A_1134, %get3A_1135] {strides = array<i32>} : memref<8x768xf32, #tpu.memory_space<vmem>>, vector<1x16xf32>,
        %get3A_1137 = vector.shape_cast %get3A_1136 : vector<1x16xf32> to vector<16xf32>
        %mul3A_1138 = arith.mulf %get3A_1104, %get3A_1137 : vector<16xf32>
        %add3A_1139 = arith.addf %add3A_1079, %mul3A_1138 : vector<16xf32>
        %get3A_1140 = arith.constant 5 : i32
        %get3A_1141 = arith.index_cast %get3A_1140 : i32 to index
        %get3A_1142 = arith.constant 240 : index
        %get3A_1143 = tpu.vector_load %arg6[%get3A_1141, %get3A_1142] {strides = array<i32>} : memref<8x768xf32, #tpu.memory_space<vmem>>, vector<1x16xf32>,
        %get3A_1144 = vector.shape_cast %get3A_1143 : vector<1x16xf32> to vector<16xf32>
        %mul3A_1145 = arith.mulf %get3A_1104, %get3A_1144 : vector<16xf32>
        %add3A_1146 = arith.addf %add3A_1086, %mul3A_1145 : vector<16xf32>
        %get3A_1147 = arith.constant 6 : i32
        %get3A_1148 = arith.index_cast %get3A_1147 : i32 to index
        %get3A_1149 = arith.constant 240 : index
        %get3A_1150 = tpu.vector_load %arg6[%get3A_1148, %get3A_1149] {strides = array<i32>} : memref<8x768xf32, #tpu.memory_space<vmem>>, vector<1x16xf32>,
        %get3A_1151 = vector.shape_cast %get3A_1150 : vector<1x16xf32> to vector<16xf32>
        %mul3A_1152 = arith.mulf %get3A_1104, %get3A_1151 : vector<16xf32>
        %add3A_1153 = arith.addf %add3A_1093, %mul3A_1152 : vector<16xf32>
        %get3A_1154 = arith.constant 7 : i32
        %get3A_1155 = arith.index_cast %get3A_1154 : i32 to index
        %get3A_1156 = arith.constant 240 : index
        %get3A_1157 = tpu.vector_load %arg6[%get3A_1155, %get3A_1156] {strides = array<i32>} : memref<8x768xf32, #tpu.memory_space<vmem>>, vector<1x16xf32>,
        %get3A_1158 = vector.shape_cast %get3A_1157 : vector<1x16xf32> to vector<16xf32>
        %mul3A_1159 = arith.mulf %get3A_1104, %get3A_1158 : vector<16xf32>
        %add3A_1160 = arith.addf %add3A_1100, %mul3A_1159 : vector<16xf32>
        %get3A_1161 = arith.index_cast %scan3A_191 : i32 to index
        %get3A_1162 = arith.constant 256 : index
        %get3A_1163 = tpu.vector_load %arg5[%get3A_1161, %get3A_1162] {strides = array<i32>} : memref<16x768xf32, #tpu.memory_space<vmem>>, vector<1x16xf32>,
        %get3A_1164 = vector.shape_cast %get3A_1163 : vector<1x16xf32> to vector<16xf32>
        %get3A_1165 = arith.constant 0 : i32
        %get3A_1166 = arith.index_cast %get3A_1165 : i32 to index
        %get3A_1167 = arith.constant 256 : index
        %get3A_1168 = tpu.vector_load %arg6[%get3A_1166, %get3A_1167] {strides = array<i32>} : memref<8x768xf32, #tpu.memory_space<vmem>>, vector<1x16xf32>,
        %get3A_1169 = vector.shape_cast %get3A_1168 : vector<1x16xf32> to vector<16xf32>
        %mul3A_1170 = arith.mulf %get3A_1164, %get3A_1169 : vector<16xf32>
        %add3A_1171 = arith.addf %add3A_1111, %mul3A_1170 : vector<16xf32>
        %get3A_1172 = arith.constant 1 : i32
        %get3A_1173 = arith.index_cast %get3A_1172 : i32 to index
        %get3A_1174 = arith.constant 256 : index
        %get3A_1175 = tpu.vector_load %arg6[%get3A_1173, %get3A_1174] {strides = array<i32>} : memref<8x768xf32, #tpu.memory_space<vmem>>, vector<1x16xf32>,
        %get3A_1176 = vector.shape_cast %get3A_1175 : vector<1x16xf32> to vector<16xf32>
        %mul3A_1177 = arith.mulf %get3A_1164, %get3A_1176 : vector<16xf32>
        %add3A_1178 = arith.addf %add3A_1118, %mul3A_1177 : vector<16xf32>
        %get3A_1179 = arith.constant 2 : i32
        %get3A_1180 = arith.index_cast %get3A_1179 : i32 to index
        %get3A_1181 = arith.constant 256 : index
        %get3A_1182 = tpu.vector_load %arg6[%get3A_1180, %get3A_1181] {strides = array<i32>} : memref<8x768xf32, #tpu.memory_space<vmem>>, vector<1x16xf32>,
        %get3A_1183 = vector.shape_cast %get3A_1182 : vector<1x16xf32> to vector<16xf32>
        %mul3A_1184 = arith.mulf %get3A_1164, %get3A_1183 : vector<16xf32>
        %add3A_1185 = arith.addf %add3A_1125, %mul3A_1184 : vector<16xf32>
        %get3A_1186 = arith.constant 3 : i32
        %get3A_1187 = arith.index_cast %get3A_1186 : i32 to index
        %get3A_1188 = arith.constant 256 : index
        %get3A_1189 = tpu.vector_load %arg6[%get3A_1187, %get3A_1188] {strides = array<i32>} : memref<8x768xf32, #tpu.memory_space<vmem>>, vector<1x16xf32>,
        %get3A_1190 = vector.shape_cast %get3A_1189 : vector<1x16xf32> to vector<16xf32>
        %mul3A_1191 = arith.mulf %get3A_1164, %get3A_1190 : vector<16xf32>
        %add3A_1192 = arith.addf %add3A_1132, %mul3A_1191 : vector<16xf32>
        %get3A_1193 = arith.constant 4 : i32
        %get3A_1194 = arith.index_cast %get3A_1193 : i32 to index
        %get3A_1195 = arith.constant 256 : index
        %get3A_1196 = tpu.vector_load %arg6[%get3A_1194, %get3A_1195] {strides = array<i32>} : memref<8x768xf32, #tpu.memory_space<vmem>>, vector<1x16xf32>,
        %get3A_1197 = vector.shape_cast %get3A_1196 : vector<1x16xf32> to vector<16xf32>
        %mul3A_1198 = arith.mulf %get3A_1164, %get3A_1197 : vector<16xf32>
        %add3A_1199 = arith.addf %add3A_1139, %mul3A_1198 : vector<16xf32>
        %get3A_1200 = arith.constant 5 : i32
        %get3A_1201 = arith.index_cast %get3A_1200 : i32 to index
        %get3A_1202 = arith.constant 256 : index
        %get3A_1203 = tpu.vector_load %arg6[%get3A_1201, %get3A_1202] {strides = array<i32>} : memref<8x768xf32, #tpu.memory_space<vmem>>, vector<1x16xf32>,
        %get3A_1204 = vector.shape_cast %get3A_1203 : vector<1x16xf32> to vector<16xf32>
        %mul3A_1205 = arith.mulf %get3A_1164, %get3A_1204 : vector<16xf32>
        %add3A_1206 = arith.addf %add3A_1146, %mul3A_1205 : vector<16xf32>
        %get3A_1207 = arith.constant 6 : i32
        %get3A_1208 = arith.index_cast %get3A_1207 : i32 to index
        %get3A_1209 = arith.constant 256 : index
        %get3A_1210 = tpu.vector_load %arg6[%get3A_1208, %get3A_1209] {strides = array<i32>} : memref<8x768xf32, #tpu.memory_space<vmem>>, vector<1x16xf32>,
        %get3A_1211 = vector.shape_cast %get3A_1210 : vector<1x16xf32> to vector<16xf32>
        %mul3A_1212 = arith.mulf %get3A_1164, %get3A_1211 : vector<16xf32>
        %add3A_1213 = arith.addf %add3A_1153, %mul3A_1212 : vector<16xf32>
        %get3A_1214 = arith.constant 7 : i32
        %get3A_1215 = arith.index_cast %get3A_1214 : i32 to index
        %get3A_1216 = arith.constant 256 : index
        %get3A_1217 = tpu.vector_load %arg6[%get3A_1215, %get3A_1216] {strides = array<i32>} : memref<8x768xf32, #tpu.memory_space<vmem>>, vector<1x16xf32>,
        %get3A_1218 = vector.shape_cast %get3A_1217 : vector<1x16xf32> to vector<16xf32>
        %mul3A_1219 = arith.mulf %get3A_1164, %get3A_1218 : vector<16xf32>
        %add3A_1220 = arith.addf %add3A_1160, %mul3A_1219 : vector<16xf32>
        %get3A_1221 = arith.index_cast %scan3A_191 : i32 to index
        %get3A_1222 = arith.constant 272 : index
        %get3A_1223 = tpu.vector_load %arg5[%get3A_1221, %get3A_1222] {strides = array<i32>} : memref<16x768xf32, #tpu.memory_space<vmem>>, vector<1x16xf32>,
        %get3A_1224 = vector.shape_cast %get3A_1223 : vector<1x16xf32> to vector<16xf32>
        %get3A_1225 = arith.constant 0 : i32
        %get3A_1226 = arith.index_cast %get3A_1225 : i32 to index
        %get3A_1227 = arith.constant 272 : index
        %get3A_1228 = tpu.vector_load %arg6[%get3A_1226, %get3A_1227] {strides = array<i32>} : memref<8x768xf32, #tpu.memory_space<vmem>>, vector<1x16xf32>,
        %get3A_1229 = vector.shape_cast %get3A_1228 : vector<1x16xf32> to vector<16xf32>
        %mul3A_1230 = arith.mulf %get3A_1224, %get3A_1229 : vector<16xf32>
        %add3A_1231 = arith.addf %add3A_1171, %mul3A_1230 : vector<16xf32>
        %get3A_1232 = arith.constant 1 : i32
        %get3A_1233 = arith.index_cast %get3A_1232 : i32 to index
        %get3A_1234 = arith.constant 272 : index
        %get3A_1235 = tpu.vector_load %arg6[%get3A_1233, %get3A_1234] {strides = array<i32>} : memref<8x768xf32, #tpu.memory_space<vmem>>, vector<1x16xf32>,
        %get3A_1236 = vector.shape_cast %get3A_1235 : vector<1x16xf32> to vector<16xf32>
        %mul3A_1237 = arith.mulf %get3A_1224, %get3A_1236 : vector<16xf32>
        %add3A_1238 = arith.addf %add3A_1178, %mul3A_1237 : vector<16xf32>
        %get3A_1239 = arith.constant 2 : i32
        %get3A_1240 = arith.index_cast %get3A_1239 : i32 to index
        %get3A_1241 = arith.constant 272 : index
        %get3A_1242 = tpu.vector_load %arg6[%get3A_1240, %get3A_1241] {strides = array<i32>} : memref<8x768xf32, #tpu.memory_space<vmem>>, vector<1x16xf32>,
        %get3A_1243 = vector.shape_cast %get3A_1242 : vector<1x16xf32> to vector<16xf32>
        %mul3A_1244 = arith.mulf %get3A_1224, %get3A_1243 : vector<16xf32>
        %add3A_1245 = arith.addf %add3A_1185, %mul3A_1244 : vector<16xf32>
        %get3A_1246 = arith.constant 3 : i32
        %get3A_1247 = arith.index_cast %get3A_1246 : i32 to index
        %get3A_1248 = arith.constant 272 : index
        %get3A_1249 = tpu.vector_load %arg6[%get3A_1247, %get3A_1248] {strides = array<i32>} : memref<8x768xf32, #tpu.memory_space<vmem>>, vector<1x16xf32>,
        %get3A_1250 = vector.shape_cast %get3A_1249 : vector<1x16xf32> to vector<16xf32>
        %mul3A_1251 = arith.mulf %get3A_1224, %get3A_1250 : vector<16xf32>
        %add3A_1252 = arith.addf %add3A_1192, %mul3A_1251 : vector<16xf32>
        %get3A_1253 = arith.constant 4 : i32
        %get3A_1254 = arith.index_cast %get3A_1253 : i32 to index
        %get3A_1255 = arith.constant 272 : index
        %get3A_1256 = tpu.vector_load %arg6[%get3A_1254, %get3A_1255] {strides = array<i32>} : memref<8x768xf32, #tpu.memory_space<vmem>>, vector<1x16xf32>,
        %get3A_1257 = vector.shape_cast %get3A_1256 : vector<1x16xf32> to vector<16xf32>
        %mul3A_1258 = arith.mulf %get3A_1224, %get3A_1257 : vector<16xf32>
        %add3A_1259 = arith.addf %add3A_1199, %mul3A_1258 : vector<16xf32>
        %get3A_1260 = arith.constant 5 : i32
        %get3A_1261 = arith.index_cast %get3A_1260 : i32 to index
        %get3A_1262 = arith.constant 272 : index
        %get3A_1263 = tpu.vector_load %arg6[%get3A_1261, %get3A_1262] {strides = array<i32>} : memref<8x768xf32, #tpu.memory_space<vmem>>, vector<1x16xf32>,
        %get3A_1264 = vector.shape_cast %get3A_1263 : vector<1x16xf32> to vector<16xf32>
        %mul3A_1265 = arith.mulf %get3A_1224, %get3A_1264 : vector<16xf32>
        %add3A_1266 = arith.addf %add3A_1206, %mul3A_1265 : vector<16xf32>
        %get3A_1267 = arith.constant 6 : i32
        %get3A_1268 = arith.index_cast %get3A_1267 : i32 to index
        %get3A_1269 = arith.constant 272 : index
        %get3A_1270 = tpu.vector_load %arg6[%get3A_1268, %get3A_1269] {strides = array<i32>} : memref<8x768xf32, #tpu.memory_space<vmem>>, vector<1x16xf32>,
        %get3A_1271 = vector.shape_cast %get3A_1270 : vector<1x16xf32> to vector<16xf32>
        %mul3A_1272 = arith.mulf %get3A_1224, %get3A_1271 : vector<16xf32>
        %add3A_1273 = arith.addf %add3A_1213, %mul3A_1272 : vector<16xf32>
        %get3A_1274 = arith.constant 7 : i32
        %get3A_1275 = arith.index_cast %get3A_1274 : i32 to index
        %get3A_1276 = arith.constant 272 : index
        %get3A_1277 = tpu.vector_load %arg6[%get3A_1275, %get3A_1276] {strides = array<i32>} : memref<8x768xf32, #tpu.memory_space<vmem>>, vector<1x16xf32>,
        %get3A_1278 = vector.shape_cast %get3A_1277 : vector<1x16xf32> to vector<16xf32>
        %mul3A_1279 = arith.mulf %get3A_1224, %get3A_1278 : vector<16xf32>
        %add3A_1280 = arith.addf %add3A_1220, %mul3A_1279 : vector<16xf32>
        %get3A_1281 = arith.index_cast %scan3A_191 : i32 to index
        %get3A_1282 = arith.constant 288 : index
        %get3A_1283 = tpu.vector_load %arg5[%get3A_1281, %get3A_1282] {strides = array<i32>} : memref<16x768xf32, #tpu.memory_space<vmem>>, vector<1x16xf32>,
        %get3A_1284 = vector.shape_cast %get3A_1283 : vector<1x16xf32> to vector<16xf32>
        %get3A_1285 = arith.constant 0 : i32
        %get3A_1286 = arith.index_cast %get3A_1285 : i32 to index
        %get3A_1287 = arith.constant 288 : index
        %get3A_1288 = tpu.vector_load %arg6[%get3A_1286, %get3A_1287] {strides = array<i32>} : memref<8x768xf32, #tpu.memory_space<vmem>>, vector<1x16xf32>,
        %get3A_1289 = vector.shape_cast %get3A_1288 : vector<1x16xf32> to vector<16xf32>
        %mul3A_1290 = arith.mulf %get3A_1284, %get3A_1289 : vector<16xf32>
        %add3A_1291 = arith.addf %add3A_1231, %mul3A_1290 : vector<16xf32>
        %get3A_1292 = arith.constant 1 : i32
        %get3A_1293 = arith.index_cast %get3A_1292 : i32 to index
        %get3A_1294 = arith.constant 288 : index
        %get3A_1295 = tpu.vector_load %arg6[%get3A_1293, %get3A_1294] {strides = array<i32>} : memref<8x768xf32, #tpu.memory_space<vmem>>, vector<1x16xf32>,
        %get3A_1296 = vector.shape_cast %get3A_1295 : vector<1x16xf32> to vector<16xf32>
        %mul3A_1297 = arith.mulf %get3A_1284, %get3A_1296 : vector<16xf32>
        %add3A_1298 = arith.addf %add3A_1238, %mul3A_1297 : vector<16xf32>
        %get3A_1299 = arith.constant 2 : i32
        %get3A_1300 = arith.index_cast %get3A_1299 : i32 to index
        %get3A_1301 = arith.constant 288 : index
        %get3A_1302 = tpu.vector_load %arg6[%get3A_1300, %get3A_1301] {strides = array<i32>} : memref<8x768xf32, #tpu.memory_space<vmem>>, vector<1x16xf32>,
        %get3A_1303 = vector.shape_cast %get3A_1302 : vector<1x16xf32> to vector<16xf32>
        %mul3A_1304 = arith.mulf %get3A_1284, %get3A_1303 : vector<16xf32>
        %add3A_1305 = arith.addf %add3A_1245, %mul3A_1304 : vector<16xf32>
        %get3A_1306 = arith.constant 3 : i32
        %get3A_1307 = arith.index_cast %get3A_1306 : i32 to index
        %get3A_1308 = arith.constant 288 : index
        %get3A_1309 = tpu.vector_load %arg6[%get3A_1307, %get3A_1308] {strides = array<i32>} : memref<8x768xf32, #tpu.memory_space<vmem>>, vector<1x16xf32>,
        %get3A_1310 = vector.shape_cast %get3A_1309 : vector<1x16xf32> to vector<16xf32>
        %mul3A_1311 = arith.mulf %get3A_1284, %get3A_1310 : vector<16xf32>
        %add3A_1312 = arith.addf %add3A_1252, %mul3A_1311 : vector<16xf32>
        %get3A_1313 = arith.constant 4 : i32
        %get3A_1314 = arith.index_cast %get3A_1313 : i32 to index
        %get3A_1315 = arith.constant 288 : index
        %get3A_1316 = tpu.vector_load %arg6[%get3A_1314, %get3A_1315] {strides = array<i32>} : memref<8x768xf32, #tpu.memory_space<vmem>>, vector<1x16xf32>,
        %get3A_1317 = vector.shape_cast %get3A_1316 : vector<1x16xf32> to vector<16xf32>
        %mul3A_1318 = arith.mulf %get3A_1284, %get3A_1317 : vector<16xf32>
        %add3A_1319 = arith.addf %add3A_1259, %mul3A_1318 : vector<16xf32>
        %get3A_1320 = arith.constant 5 : i32
        %get3A_1321 = arith.index_cast %get3A_1320 : i32 to index
        %get3A_1322 = arith.constant 288 : index
        %get3A_1323 = tpu.vector_load %arg6[%get3A_1321, %get3A_1322] {strides = array<i32>} : memref<8x768xf32, #tpu.memory_space<vmem>>, vector<1x16xf32>,
        %get3A_1324 = vector.shape_cast %get3A_1323 : vector<1x16xf32> to vector<16xf32>
        %mul3A_1325 = arith.mulf %get3A_1284, %get3A_1324 : vector<16xf32>
        %add3A_1326 = arith.addf %add3A_1266, %mul3A_1325 : vector<16xf32>
        %get3A_1327 = arith.constant 6 : i32
        %get3A_1328 = arith.index_cast %get3A_1327 : i32 to index
        %get3A_1329 = arith.constant 288 : index
        %get3A_1330 = tpu.vector_load %arg6[%get3A_1328, %get3A_1329] {strides = array<i32>} : memref<8x768xf32, #tpu.memory_space<vmem>>, vector<1x16xf32>,
        %get3A_1331 = vector.shape_cast %get3A_1330 : vector<1x16xf32> to vector<16xf32>
        %mul3A_1332 = arith.mulf %get3A_1284, %get3A_1331 : vector<16xf32>
        %add3A_1333 = arith.addf %add3A_1273, %mul3A_1332 : vector<16xf32>
        %get3A_1334 = arith.constant 7 : i32
        %get3A_1335 = arith.index_cast %get3A_1334 : i32 to index
        %get3A_1336 = arith.constant 288 : index
        %get3A_1337 = tpu.vector_load %arg6[%get3A_1335, %get3A_1336] {strides = array<i32>} : memref<8x768xf32, #tpu.memory_space<vmem>>, vector<1x16xf32>,
        %get3A_1338 = vector.shape_cast %get3A_1337 : vector<1x16xf32> to vector<16xf32>
        %mul3A_1339 = arith.mulf %get3A_1284, %get3A_1338 : vector<16xf32>
        %add3A_1340 = arith.addf %add3A_1280, %mul3A_1339 : vector<16xf32>
        %get3A_1341 = arith.index_cast %scan3A_191 : i32 to index
        %get3A_1342 = arith.constant 304 : index
        %get3A_1343 = tpu.vector_load %arg5[%get3A_1341, %get3A_1342] {strides = array<i32>} : memref<16x768xf32, #tpu.memory_space<vmem>>, vector<1x16xf32>,
        %get3A_1344 = vector.shape_cast %get3A_1343 : vector<1x16xf32> to vector<16xf32>
        %get3A_1345 = arith.constant 0 : i32
        %get3A_1346 = arith.index_cast %get3A_1345 : i32 to index
        %get3A_1347 = arith.constant 304 : index
        %get3A_1348 = tpu.vector_load %arg6[%get3A_1346, %get3A_1347] {strides = array<i32>} : memref<8x768xf32, #tpu.memory_space<vmem>>, vector<1x16xf32>,
        %get3A_1349 = vector.shape_cast %get3A_1348 : vector<1x16xf32> to vector<16xf32>
        %mul3A_1350 = arith.mulf %get3A_1344, %get3A_1349 : vector<16xf32>
        %add3A_1351 = arith.addf %add3A_1291, %mul3A_1350 : vector<16xf32>
        %get3A_1352 = arith.constant 1 : i32
        %get3A_1353 = arith.index_cast %get3A_1352 : i32 to index
        %get3A_1354 = arith.constant 304 : index
        %get3A_1355 = tpu.vector_load %arg6[%get3A_1353, %get3A_1354] {strides = array<i32>} : memref<8x768xf32, #tpu.memory_space<vmem>>, vector<1x16xf32>,
        %get3A_1356 = vector.shape_cast %get3A_1355 : vector<1x16xf32> to vector<16xf32>
        %mul3A_1357 = arith.mulf %get3A_1344, %get3A_1356 : vector<16xf32>
        %add3A_1358 = arith.addf %add3A_1298, %mul3A_1357 : vector<16xf32>
        %get3A_1359 = arith.constant 2 : i32
        %get3A_1360 = arith.index_cast %get3A_1359 : i32 to index
        %get3A_1361 = arith.constant 304 : index
        %get3A_1362 = tpu.vector_load %arg6[%get3A_1360, %get3A_1361] {strides = array<i32>} : memref<8x768xf32, #tpu.memory_space<vmem>>, vector<1x16xf32>,
        %get3A_1363 = vector.shape_cast %get3A_1362 : vector<1x16xf32> to vector<16xf32>
        %mul3A_1364 = arith.mulf %get3A_1344, %get3A_1363 : vector<16xf32>
        %add3A_1365 = arith.addf %add3A_1305, %mul3A_1364 : vector<16xf32>
        %get3A_1366 = arith.constant 3 : i32
        %get3A_1367 = arith.index_cast %get3A_1366 : i32 to index
        %get3A_1368 = arith.constant 304 : index
        %get3A_1369 = tpu.vector_load %arg6[%get3A_1367, %get3A_1368] {strides = array<i32>} : memref<8x768xf32, #tpu.memory_space<vmem>>, vector<1x16xf32>,
        %get3A_1370 = vector.shape_cast %get3A_1369 : vector<1x16xf32> to vector<16xf32>
        %mul3A_1371 = arith.mulf %get3A_1344, %get3A_1370 : vector<16xf32>
        %add3A_1372 = arith.addf %add3A_1312, %mul3A_1371 : vector<16xf32>
        %get3A_1373 = arith.constant 4 : i32
        %get3A_1374 = arith.index_cast %get3A_1373 : i32 to index
        %get3A_1375 = arith.constant 304 : index
        %get3A_1376 = tpu.vector_load %arg6[%get3A_1374, %get3A_1375] {strides = array<i32>} : memref<8x768xf32, #tpu.memory_space<vmem>>, vector<1x16xf32>,
        %get3A_1377 = vector.shape_cast %get3A_1376 : vector<1x16xf32> to vector<16xf32>
        %mul3A_1378 = arith.mulf %get3A_1344, %get3A_1377 : vector<16xf32>
        %add3A_1379 = arith.addf %add3A_1319, %mul3A_1378 : vector<16xf32>
        %get3A_1380 = arith.constant 5 : i32
        %get3A_1381 = arith.index_cast %get3A_1380 : i32 to index
        %get3A_1382 = arith.constant 304 : index
        %get3A_1383 = tpu.vector_load %arg6[%get3A_1381, %get3A_1382] {strides = array<i32>} : memref<8x768xf32, #tpu.memory_space<vmem>>, vector<1x16xf32>,
        %get3A_1384 = vector.shape_cast %get3A_1383 : vector<1x16xf32> to vector<16xf32>
        %mul3A_1385 = arith.mulf %get3A_1344, %get3A_1384 : vector<16xf32>
        %add3A_1386 = arith.addf %add3A_1326, %mul3A_1385 : vector<16xf32>
        %get3A_1387 = arith.constant 6 : i32
        %get3A_1388 = arith.index_cast %get3A_1387 : i32 to index
        %get3A_1389 = arith.constant 304 : index
        %get3A_1390 = tpu.vector_load %arg6[%get3A_1388, %get3A_1389] {strides = array<i32>} : memref<8x768xf32, #tpu.memory_space<vmem>>, vector<1x16xf32>,
        %get3A_1391 = vector.shape_cast %get3A_1390 : vector<1x16xf32> to vector<16xf32>
        %mul3A_1392 = arith.mulf %get3A_1344, %get3A_1391 : vector<16xf32>
        %add3A_1393 = arith.addf %add3A_1333, %mul3A_1392 : vector<16xf32>
        %get3A_1394 = arith.constant 7 : i32
        %get3A_1395 = arith.index_cast %get3A_1394 : i32 to index
        %get3A_1396 = arith.constant 304 : index
        %get3A_1397 = tpu.vector_load %arg6[%get3A_1395, %get3A_1396] {strides = array<i32>} : memref<8x768xf32, #tpu.memory_space<vmem>>, vector<1x16xf32>,
        %get3A_1398 = vector.shape_cast %get3A_1397 : vector<1x16xf32> to vector<16xf32>
        %mul3A_1399 = arith.mulf %get3A_1344, %get3A_1398 : vector<16xf32>
        %add3A_1400 = arith.addf %add3A_1340, %mul3A_1399 : vector<16xf32>
        %get3A_1401 = arith.index_cast %scan3A_191 : i32 to index
        %get3A_1402 = arith.constant 320 : index
        %get3A_1403 = tpu.vector_load %arg5[%get3A_1401, %get3A_1402] {strides = array<i32>} : memref<16x768xf32, #tpu.memory_space<vmem>>, vector<1x16xf32>,
        %get3A_1404 = vector.shape_cast %get3A_1403 : vector<1x16xf32> to vector<16xf32>
        %get3A_1405 = arith.constant 0 : i32
        %get3A_1406 = arith.index_cast %get3A_1405 : i32 to index
        %get3A_1407 = arith.constant 320 : index
        %get3A_1408 = tpu.vector_load %arg6[%get3A_1406, %get3A_1407] {strides = array<i32>} : memref<8x768xf32, #tpu.memory_space<vmem>>, vector<1x16xf32>,
        %get3A_1409 = vector.shape_cast %get3A_1408 : vector<1x16xf32> to vector<16xf32>
        %mul3A_1410 = arith.mulf %get3A_1404, %get3A_1409 : vector<16xf32>
        %add3A_1411 = arith.addf %add3A_1351, %mul3A_1410 : vector<16xf32>
        %get3A_1412 = arith.constant 1 : i32
        %get3A_1413 = arith.index_cast %get3A_1412 : i32 to index
        %get3A_1414 = arith.constant 320 : index
        %get3A_1415 = tpu.vector_load %arg6[%get3A_1413, %get3A_1414] {strides = array<i32>} : memref<8x768xf32, #tpu.memory_space<vmem>>, vector<1x16xf32>,
        %get3A_1416 = vector.shape_cast %get3A_1415 : vector<1x16xf32> to vector<16xf32>
        %mul3A_1417 = arith.mulf %get3A_1404, %get3A_1416 : vector<16xf32>
        %add3A_1418 = arith.addf %add3A_1358, %mul3A_1417 : vector<16xf32>
        %get3A_1419 = arith.constant 2 : i32
        %get3A_1420 = arith.index_cast %get3A_1419 : i32 to index
        %get3A_1421 = arith.constant 320 : index
        %get3A_1422 = tpu.vector_load %arg6[%get3A_1420, %get3A_1421] {strides = array<i32>} : memref<8x768xf32, #tpu.memory_space<vmem>>, vector<1x16xf32>,
        %get3A_1423 = vector.shape_cast %get3A_1422 : vector<1x16xf32> to vector<16xf32>
        %mul3A_1424 = arith.mulf %get3A_1404, %get3A_1423 : vector<16xf32>
        %add3A_1425 = arith.addf %add3A_1365, %mul3A_1424 : vector<16xf32>
        %get3A_1426 = arith.constant 3 : i32
        %get3A_1427 = arith.index_cast %get3A_1426 : i32 to index
        %get3A_1428 = arith.constant 320 : index
        %get3A_1429 = tpu.vector_load %arg6[%get3A_1427, %get3A_1428] {strides = array<i32>} : memref<8x768xf32, #tpu.memory_space<vmem>>, vector<1x16xf32>,
        %get3A_1430 = vector.shape_cast %get3A_1429 : vector<1x16xf32> to vector<16xf32>
        %mul3A_1431 = arith.mulf %get3A_1404, %get3A_1430 : vector<16xf32>
        %add3A_1432 = arith.addf %add3A_1372, %mul3A_1431 : vector<16xf32>
        %get3A_1433 = arith.constant 4 : i32
        %get3A_1434 = arith.index_cast %get3A_1433 : i32 to index
        %get3A_1435 = arith.constant 320 : index
        %get3A_1436 = tpu.vector_load %arg6[%get3A_1434, %get3A_1435] {strides = array<i32>} : memref<8x768xf32, #tpu.memory_space<vmem>>, vector<1x16xf32>,
        %get3A_1437 = vector.shape_cast %get3A_1436 : vector<1x16xf32> to vector<16xf32>
        %mul3A_1438 = arith.mulf %get3A_1404, %get3A_1437 : vector<16xf32>
        %add3A_1439 = arith.addf %add3A_1379, %mul3A_1438 : vector<16xf32>
        %get3A_1440 = arith.constant 5 : i32
        %get3A_1441 = arith.index_cast %get3A_1440 : i32 to index
        %get3A_1442 = arith.constant 320 : index
        %get3A_1443 = tpu.vector_load %arg6[%get3A_1441, %get3A_1442] {strides = array<i32>} : memref<8x768xf32, #tpu.memory_space<vmem>>, vector<1x16xf32>,
        %get3A_1444 = vector.shape_cast %get3A_1443 : vector<1x16xf32> to vector<16xf32>
        %mul3A_1445 = arith.mulf %get3A_1404, %get3A_1444 : vector<16xf32>
        %add3A_1446 = arith.addf %add3A_1386, %mul3A_1445 : vector<16xf32>
        %get3A_1447 = arith.constant 6 : i32
        %get3A_1448 = arith.index_cast %get3A_1447 : i32 to index
        %get3A_1449 = arith.constant 320 : index
        %get3A_1450 = tpu.vector_load %arg6[%get3A_1448, %get3A_1449] {strides = array<i32>} : memref<8x768xf32, #tpu.memory_space<vmem>>, vector<1x16xf32>,
        %get3A_1451 = vector.shape_cast %get3A_1450 : vector<1x16xf32> to vector<16xf32>
        %mul3A_1452 = arith.mulf %get3A_1404, %get3A_1451 : vector<16xf32>
        %add3A_1453 = arith.addf %add3A_1393, %mul3A_1452 : vector<16xf32>
        %get3A_1454 = arith.constant 7 : i32
        %get3A_1455 = arith.index_cast %get3A_1454 : i32 to index
        %get3A_1456 = arith.constant 320 : index
        %get3A_1457 = tpu.vector_load %arg6[%get3A_1455, %get3A_1456] {strides = array<i32>} : memref<8x768xf32, #tpu.memory_space<vmem>>, vector<1x16xf32>,
        %get3A_1458 = vector.shape_cast %get3A_1457 : vector<1x16xf32> to vector<16xf32>
        %mul3A_1459 = arith.mulf %get3A_1404, %get3A_1458 : vector<16xf32>
        %add3A_1460 = arith.addf %add3A_1400, %mul3A_1459 : vector<16xf32>
        %get3A_1461 = arith.index_cast %scan3A_191 : i32 to index
        %get3A_1462 = arith.constant 336 : index
        %get3A_1463 = tpu.vector_load %arg5[%get3A_1461, %get3A_1462] {strides = array<i32>} : memref<16x768xf32, #tpu.memory_space<vmem>>, vector<1x16xf32>,
        %get3A_1464 = vector.shape_cast %get3A_1463 : vector<1x16xf32> to vector<16xf32>
        %get3A_1465 = arith.constant 0 : i32
        %get3A_1466 = arith.index_cast %get3A_1465 : i32 to index
        %get3A_1467 = arith.constant 336 : index
        %get3A_1468 = tpu.vector_load %arg6[%get3A_1466, %get3A_1467] {strides = array<i32>} : memref<8x768xf32, #tpu.memory_space<vmem>>, vector<1x16xf32>,
        %get3A_1469 = vector.shape_cast %get3A_1468 : vector<1x16xf32> to vector<16xf32>
        %mul3A_1470 = arith.mulf %get3A_1464, %get3A_1469 : vector<16xf32>
        %add3A_1471 = arith.addf %add3A_1411, %mul3A_1470 : vector<16xf32>
        %get3A_1472 = arith.constant 1 : i32
        %get3A_1473 = arith.index_cast %get3A_1472 : i32 to index
        %get3A_1474 = arith.constant 336 : index
        %get3A_1475 = tpu.vector_load %arg6[%get3A_1473, %get3A_1474] {strides = array<i32>} : memref<8x768xf32, #tpu.memory_space<vmem>>, vector<1x16xf32>,
        %get3A_1476 = vector.shape_cast %get3A_1475 : vector<1x16xf32> to vector<16xf32>
        %mul3A_1477 = arith.mulf %get3A_1464, %get3A_1476 : vector<16xf32>
        %add3A_1478 = arith.addf %add3A_1418, %mul3A_1477 : vector<16xf32>
        %get3A_1479 = arith.constant 2 : i32
        %get3A_1480 = arith.index_cast %get3A_1479 : i32 to index
        %get3A_1481 = arith.constant 336 : index
        %get3A_1482 = tpu.vector_load %arg6[%get3A_1480, %get3A_1481] {strides = array<i32>} : memref<8x768xf32, #tpu.memory_space<vmem>>, vector<1x16xf32>,
        %get3A_1483 = vector.shape_cast %get3A_1482 : vector<1x16xf32> to vector<16xf32>
        %mul3A_1484 = arith.mulf %get3A_1464, %get3A_1483 : vector<16xf32>
        %add3A_1485 = arith.addf %add3A_1425, %mul3A_1484 : vector<16xf32>
        %get3A_1486 = arith.constant 3 : i32
        %get3A_1487 = arith.index_cast %get3A_1486 : i32 to index
        %get3A_1488 = arith.constant 336 : index
        %get3A_1489 = tpu.vector_load %arg6[%get3A_1487, %get3A_1488] {strides = array<i32>} : memref<8x768xf32, #tpu.memory_space<vmem>>, vector<1x16xf32>,
        %get3A_1490 = vector.shape_cast %get3A_1489 : vector<1x16xf32> to vector<16xf32>
        %mul3A_1491 = arith.mulf %get3A_1464, %get3A_1490 : vector<16xf32>
        %add3A_1492 = arith.addf %add3A_1432, %mul3A_1491 : vector<16xf32>
        %get3A_1493 = arith.constant 4 : i32
        %get3A_1494 = arith.index_cast %get3A_1493 : i32 to index
        %get3A_1495 = arith.constant 336 : index
        %get3A_1496 = tpu.vector_load %arg6[%get3A_1494, %get3A_1495] {strides = array<i32>} : memref<8x768xf32, #tpu.memory_space<vmem>>, vector<1x16xf32>,
        %get3A_1497 = vector.shape_cast %get3A_1496 : vector<1x16xf32> to vector<16xf32>
        %mul3A_1498 = arith.mulf %get3A_1464, %get3A_1497 : vector<16xf32>
        %add3A_1499 = arith.addf %add3A_1439, %mul3A_1498 : vector<16xf32>
        %get3A_1500 = arith.constant 5 : i32
        %get3A_1501 = arith.index_cast %get3A_1500 : i32 to index
        %get3A_1502 = arith.constant 336 : index
        %get3A_1503 = tpu.vector_load %arg6[%get3A_1501, %get3A_1502] {strides = array<i32>} : memref<8x768xf32, #tpu.memory_space<vmem>>, vector<1x16xf32>,
        %get3A_1504 = vector.shape_cast %get3A_1503 : vector<1x16xf32> to vector<16xf32>
        %mul3A_1505 = arith.mulf %get3A_1464, %get3A_1504 : vector<16xf32>
        %add3A_1506 = arith.addf %add3A_1446, %mul3A_1505 : vector<16xf32>
        %get3A_1507 = arith.constant 6 : i32
        %get3A_1508 = arith.index_cast %get3A_1507 : i32 to index
        %get3A_1509 = arith.constant 336 : index
        %get3A_1510 = tpu.vector_load %arg6[%get3A_1508, %get3A_1509] {strides = array<i32>} : memref<8x768xf32, #tpu.memory_space<vmem>>, vector<1x16xf32>,
        %get3A_1511 = vector.shape_cast %get3A_1510 : vector<1x16xf32> to vector<16xf32>
        %mul3A_1512 = arith.mulf %get3A_1464, %get3A_1511 : vector<16xf32>
        %add3A_1513 = arith.addf %add3A_1453, %mul3A_1512 : vector<16xf32>
        %get3A_1514 = arith.constant 7 : i32
        %get3A_1515 = arith.index_cast %get3A_1514 : i32 to index
        %get3A_1516 = arith.constant 336 : index
        %get3A_1517 = tpu.vector_load %arg6[%get3A_1515, %get3A_1516] {strides = array<i32>} : memref<8x768xf32, #tpu.memory_space<vmem>>, vector<1x16xf32>,
        %get3A_1518 = vector.shape_cast %get3A_1517 : vector<1x16xf32> to vector<16xf32>
        %mul3A_1519 = arith.mulf %get3A_1464, %get3A_1518 : vector<16xf32>
        %add3A_1520 = arith.addf %add3A_1460, %mul3A_1519 : vector<16xf32>
        %get3A_1521 = arith.index_cast %scan3A_191 : i32 to index
        %get3A_1522 = arith.constant 352 : index
        %get3A_1523 = tpu.vector_load %arg5[%get3A_1521, %get3A_1522] {strides = array<i32>} : memref<16x768xf32, #tpu.memory_space<vmem>>, vector<1x16xf32>,
        %get3A_1524 = vector.shape_cast %get3A_1523 : vector<1x16xf32> to vector<16xf32>
        %get3A_1525 = arith.constant 0 : i32
        %get3A_1526 = arith.index_cast %get3A_1525 : i32 to index
        %get3A_1527 = arith.constant 352 : index
        %get3A_1528 = tpu.vector_load %arg6[%get3A_1526, %get3A_1527] {strides = array<i32>} : memref<8x768xf32, #tpu.memory_space<vmem>>, vector<1x16xf32>,
        %get3A_1529 = vector.shape_cast %get3A_1528 : vector<1x16xf32> to vector<16xf32>
        %mul3A_1530 = arith.mulf %get3A_1524, %get3A_1529 : vector<16xf32>
        %add3A_1531 = arith.addf %add3A_1471, %mul3A_1530 : vector<16xf32>
        %get3A_1532 = arith.constant 1 : i32
        %get3A_1533 = arith.index_cast %get3A_1532 : i32 to index
        %get3A_1534 = arith.constant 352 : index
        %get3A_1535 = tpu.vector_load %arg6[%get3A_1533, %get3A_1534] {strides = array<i32>} : memref<8x768xf32, #tpu.memory_space<vmem>>, vector<1x16xf32>,
        %get3A_1536 = vector.shape_cast %get3A_1535 : vector<1x16xf32> to vector<16xf32>
        %mul3A_1537 = arith.mulf %get3A_1524, %get3A_1536 : vector<16xf32>
        %add3A_1538 = arith.addf %add3A_1478, %mul3A_1537 : vector<16xf32>
        %get3A_1539 = arith.constant 2 : i32
        %get3A_1540 = arith.index_cast %get3A_1539 : i32 to index
        %get3A_1541 = arith.constant 352 : index
        %get3A_1542 = tpu.vector_load %arg6[%get3A_1540, %get3A_1541] {strides = array<i32>} : memref<8x768xf32, #tpu.memory_space<vmem>>, vector<1x16xf32>,
        %get3A_1543 = vector.shape_cast %get3A_1542 : vector<1x16xf32> to vector<16xf32>
        %mul3A_1544 = arith.mulf %get3A_1524, %get3A_1543 : vector<16xf32>
        %add3A_1545 = arith.addf %add3A_1485, %mul3A_1544 : vector<16xf32>
        %get3A_1546 = arith.constant 3 : i32
        %get3A_1547 = arith.index_cast %get3A_1546 : i32 to index
        %get3A_1548 = arith.constant 352 : index
        %get3A_1549 = tpu.vector_load %arg6[%get3A_1547, %get3A_1548] {strides = array<i32>} : memref<8x768xf32, #tpu.memory_space<vmem>>, vector<1x16xf32>,
        %get3A_1550 = vector.shape_cast %get3A_1549 : vector<1x16xf32> to vector<16xf32>
        %mul3A_1551 = arith.mulf %get3A_1524, %get3A_1550 : vector<16xf32>
        %add3A_1552 = arith.addf %add3A_1492, %mul3A_1551 : vector<16xf32>
        %get3A_1553 = arith.constant 4 : i32
        %get3A_1554 = arith.index_cast %get3A_1553 : i32 to index
        %get3A_1555 = arith.constant 352 : index
        %get3A_1556 = tpu.vector_load %arg6[%get3A_1554, %get3A_1555] {strides = array<i32>} : memref<8x768xf32, #tpu.memory_space<vmem>>, vector<1x16xf32>,
        %get3A_1557 = vector.shape_cast %get3A_1556 : vector<1x16xf32> to vector<16xf32>
        %mul3A_1558 = arith.mulf %get3A_1524, %get3A_1557 : vector<16xf32>
        %add3A_1559 = arith.addf %add3A_1499, %mul3A_1558 : vector<16xf32>
        %get3A_1560 = arith.constant 5 : i32
        %get3A_1561 = arith.index_cast %get3A_1560 : i32 to index
        %get3A_1562 = arith.constant 352 : index
        %get3A_1563 = tpu.vector_load %arg6[%get3A_1561, %get3A_1562] {strides = array<i32>} : memref<8x768xf32, #tpu.memory_space<vmem>>, vector<1x16xf32>,
        %get3A_1564 = vector.shape_cast %get3A_1563 : vector<1x16xf32> to vector<16xf32>
        %mul3A_1565 = arith.mulf %get3A_1524, %get3A_1564 : vector<16xf32>
        %add3A_1566 = arith.addf %add3A_1506, %mul3A_1565 : vector<16xf32>
        %get3A_1567 = arith.constant 6 : i32
        %get3A_1568 = arith.index_cast %get3A_1567 : i32 to index
        %get3A_1569 = arith.constant 352 : index
        %get3A_1570 = tpu.vector_load %arg6[%get3A_1568, %get3A_1569] {strides = array<i32>} : memref<8x768xf32, #tpu.memory_space<vmem>>, vector<1x16xf32>,
        %get3A_1571 = vector.shape_cast %get3A_1570 : vector<1x16xf32> to vector<16xf32>
        %mul3A_1572 = arith.mulf %get3A_1524, %get3A_1571 : vector<16xf32>
        %add3A_1573 = arith.addf %add3A_1513, %mul3A_1572 : vector<16xf32>
        %get3A_1574 = arith.constant 7 : i32
        %get3A_1575 = arith.index_cast %get3A_1574 : i32 to index
        %get3A_1576 = arith.constant 352 : index
        %get3A_1577 = tpu.vector_load %arg6[%get3A_1575, %get3A_1576] {strides = array<i32>} : memref<8x768xf32, #tpu.memory_space<vmem>>, vector<1x16xf32>,
        %get3A_1578 = vector.shape_cast %get3A_1577 : vector<1x16xf32> to vector<16xf32>
        %mul3A_1579 = arith.mulf %get3A_1524, %get3A_1578 : vector<16xf32>
        %add3A_1580 = arith.addf %add3A_1520, %mul3A_1579 : vector<16xf32>
        %get3A_1581 = arith.index_cast %scan3A_191 : i32 to index
        %get3A_1582 = arith.constant 368 : index
        %get3A_1583 = tpu.vector_load %arg5[%get3A_1581, %get3A_1582] {strides = array<i32>} : memref<16x768xf32, #tpu.memory_space<vmem>>, vector<1x16xf32>,
        %get3A_1584 = vector.shape_cast %get3A_1583 : vector<1x16xf32> to vector<16xf32>
        %get3A_1585 = arith.constant 0 : i32
        %get3A_1586 = arith.index_cast %get3A_1585 : i32 to index
        %get3A_1587 = arith.constant 368 : index
        %get3A_1588 = tpu.vector_load %arg6[%get3A_1586, %get3A_1587] {strides = array<i32>} : memref<8x768xf32, #tpu.memory_space<vmem>>, vector<1x16xf32>,
        %get3A_1589 = vector.shape_cast %get3A_1588 : vector<1x16xf32> to vector<16xf32>
        %mul3A_1590 = arith.mulf %get3A_1584, %get3A_1589 : vector<16xf32>
        %add3A_1591 = arith.addf %add3A_1531, %mul3A_1590 : vector<16xf32>
        %get3A_1592 = arith.constant 1 : i32
        %get3A_1593 = arith.index_cast %get3A_1592 : i32 to index
        %get3A_1594 = arith.constant 368 : index
        %get3A_1595 = tpu.vector_load %arg6[%get3A_1593, %get3A_1594] {strides = array<i32>} : memref<8x768xf32, #tpu.memory_space<vmem>>, vector<1x16xf32>,
        %get3A_1596 = vector.shape_cast %get3A_1595 : vector<1x16xf32> to vector<16xf32>
        %mul3A_1597 = arith.mulf %get3A_1584, %get3A_1596 : vector<16xf32>
        %add3A_1598 = arith.addf %add3A_1538, %mul3A_1597 : vector<16xf32>
        %get3A_1599 = arith.constant 2 : i32
        %get3A_1600 = arith.index_cast %get3A_1599 : i32 to index
        %get3A_1601 = arith.constant 368 : index
        %get3A_1602 = tpu.vector_load %arg6[%get3A_1600, %get3A_1601] {strides = array<i32>} : memref<8x768xf32, #tpu.memory_space<vmem>>, vector<1x16xf32>,
        %get3A_1603 = vector.shape_cast %get3A_1602 : vector<1x16xf32> to vector<16xf32>
        %mul3A_1604 = arith.mulf %get3A_1584, %get3A_1603 : vector<16xf32>
        %add3A_1605 = arith.addf %add3A_1545, %mul3A_1604 : vector<16xf32>
        %get3A_1606 = arith.constant 3 : i32
        %get3A_1607 = arith.index_cast %get3A_1606 : i32 to index
        %get3A_1608 = arith.constant 368 : index
        %get3A_1609 = tpu.vector_load %arg6[%get3A_1607, %get3A_1608] {strides = array<i32>} : memref<8x768xf32, #tpu.memory_space<vmem>>, vector<1x16xf32>,
        %get3A_1610 = vector.shape_cast %get3A_1609 : vector<1x16xf32> to vector<16xf32>
        %mul3A_1611 = arith.mulf %get3A_1584, %get3A_1610 : vector<16xf32>
        %add3A_1612 = arith.addf %add3A_1552, %mul3A_1611 : vector<16xf32>
        %get3A_1613 = arith.constant 4 : i32
        %get3A_1614 = arith.index_cast %get3A_1613 : i32 to index
        %get3A_1615 = arith.constant 368 : index
        %get3A_1616 = tpu.vector_load %arg6[%get3A_1614, %get3A_1615] {strides = array<i32>} : memref<8x768xf32, #tpu.memory_space<vmem>>, vector<1x16xf32>,
        %get3A_1617 = vector.shape_cast %get3A_1616 : vector<1x16xf32> to vector<16xf32>
        %mul3A_1618 = arith.mulf %get3A_1584, %get3A_1617 : vector<16xf32>
        %add3A_1619 = arith.addf %add3A_1559, %mul3A_1618 : vector<16xf32>
        %get3A_1620 = arith.constant 5 : i32
        %get3A_1621 = arith.index_cast %get3A_1620 : i32 to index
        %get3A_1622 = arith.constant 368 : index
        %get3A_1623 = tpu.vector_load %arg6[%get3A_1621, %get3A_1622] {strides = array<i32>} : memref<8x768xf32, #tpu.memory_space<vmem>>, vector<1x16xf32>,
        %get3A_1624 = vector.shape_cast %get3A_1623 : vector<1x16xf32> to vector<16xf32>
        %mul3A_1625 = arith.mulf %get3A_1584, %get3A_1624 : vector<16xf32>
        %add3A_1626 = arith.addf %add3A_1566, %mul3A_1625 : vector<16xf32>
        %get3A_1627 = arith.constant 6 : i32
        %get3A_1628 = arith.index_cast %get3A_1627 : i32 to index
        %get3A_1629 = arith.constant 368 : index
        %get3A_1630 = tpu.vector_load %arg6[%get3A_1628, %get3A_1629] {strides = array<i32>} : memref<8x768xf32, #tpu.memory_space<vmem>>, vector<1x16xf32>,
        %get3A_1631 = vector.shape_cast %get3A_1630 : vector<1x16xf32> to vector<16xf32>
        %mul3A_1632 = arith.mulf %get3A_1584, %get3A_1631 : vector<16xf32>
        %add3A_1633 = arith.addf %add3A_1573, %mul3A_1632 : vector<16xf32>
        %get3A_1634 = arith.constant 7 : i32
        %get3A_1635 = arith.index_cast %get3A_1634 : i32 to index
        %get3A_1636 = arith.constant 368 : index
        %get3A_1637 = tpu.vector_load %arg6[%get3A_1635, %get3A_1636] {strides = array<i32>} : memref<8x768xf32, #tpu.memory_space<vmem>>, vector<1x16xf32>,
        %get3A_1638 = vector.shape_cast %get3A_1637 : vector<1x16xf32> to vector<16xf32>
        %mul3A_1639 = arith.mulf %get3A_1584, %get3A_1638 : vector<16xf32>
        %add3A_1640 = arith.addf %add3A_1580, %mul3A_1639 : vector<16xf32>
        %get3A_1641 = arith.index_cast %scan3A_191 : i32 to index
        %get3A_1642 = arith.constant 384 : index
        %get3A_1643 = tpu.vector_load %arg5[%get3A_1641, %get3A_1642] {strides = array<i32>} : memref<16x768xf32, #tpu.memory_space<vmem>>, vector<1x16xf32>,
        %get3A_1644 = vector.shape_cast %get3A_1643 : vector<1x16xf32> to vector<16xf32>
        %get3A_1645 = arith.constant 0 : i32
        %get3A_1646 = arith.index_cast %get3A_1645 : i32 to index
        %get3A_1647 = arith.constant 384 : index
        %get3A_1648 = tpu.vector_load %arg6[%get3A_1646, %get3A_1647] {strides = array<i32>} : memref<8x768xf32, #tpu.memory_space<vmem>>, vector<1x16xf32>,
        %get3A_1649 = vector.shape_cast %get3A_1648 : vector<1x16xf32> to vector<16xf32>
        %mul3A_1650 = arith.mulf %get3A_1644, %get3A_1649 : vector<16xf32>
        %add3A_1651 = arith.addf %add3A_1591, %mul3A_1650 : vector<16xf32>
        %get3A_1652 = arith.constant 1 : i32
        %get3A_1653 = arith.index_cast %get3A_1652 : i32 to index
        %get3A_1654 = arith.constant 384 : index
        %get3A_1655 = tpu.vector_load %arg6[%get3A_1653, %get3A_1654] {strides = array<i32>} : memref<8x768xf32, #tpu.memory_space<vmem>>, vector<1x16xf32>,
        %get3A_1656 = vector.shape_cast %get3A_1655 : vector<1x16xf32> to vector<16xf32>
        %mul3A_1657 = arith.mulf %get3A_1644, %get3A_1656 : vector<16xf32>
        %add3A_1658 = arith.addf %add3A_1598, %mul3A_1657 : vector<16xf32>
        %get3A_1659 = arith.constant 2 : i32
        %get3A_1660 = arith.index_cast %get3A_1659 : i32 to index
        %get3A_1661 = arith.constant 384 : index
        %get3A_1662 = tpu.vector_load %arg6[%get3A_1660, %get3A_1661] {strides = array<i32>} : memref<8x768xf32, #tpu.memory_space<vmem>>, vector<1x16xf32>,
        %get3A_1663 = vector.shape_cast %get3A_1662 : vector<1x16xf32> to vector<16xf32>
        %mul3A_1664 = arith.mulf %get3A_1644, %get3A_1663 : vector<16xf32>
        %add3A_1665 = arith.addf %add3A_1605, %mul3A_1664 : vector<16xf32>
        %get3A_1666 = arith.constant 3 : i32
        %get3A_1667 = arith.index_cast %get3A_1666 : i32 to index
        %get3A_1668 = arith.constant 384 : index
        %get3A_1669 = tpu.vector_load %arg6[%get3A_1667, %get3A_1668] {strides = array<i32>} : memref<8x768xf32, #tpu.memory_space<vmem>>, vector<1x16xf32>,
        %get3A_1670 = vector.shape_cast %get3A_1669 : vector<1x16xf32> to vector<16xf32>
        %mul3A_1671 = arith.mulf %get3A_1644, %get3A_1670 : vector<16xf32>
        %add3A_1672 = arith.addf %add3A_1612, %mul3A_1671 : vector<16xf32>
        %get3A_1673 = arith.constant 4 : i32
        %get3A_1674 = arith.index_cast %get3A_1673 : i32 to index
        %get3A_1675 = arith.constant 384 : index
        %get3A_1676 = tpu.vector_load %arg6[%get3A_1674, %get3A_1675] {strides = array<i32>} : memref<8x768xf32, #tpu.memory_space<vmem>>, vector<1x16xf32>,
        %get3A_1677 = vector.shape_cast %get3A_1676 : vector<1x16xf32> to vector<16xf32>
        %mul3A_1678 = arith.mulf %get3A_1644, %get3A_1677 : vector<16xf32>
        %add3A_1679 = arith.addf %add3A_1619, %mul3A_1678 : vector<16xf32>
        %get3A_1680 = arith.constant 5 : i32
        %get3A_1681 = arith.index_cast %get3A_1680 : i32 to index
        %get3A_1682 = arith.constant 384 : index
        %get3A_1683 = tpu.vector_load %arg6[%get3A_1681, %get3A_1682] {strides = array<i32>} : memref<8x768xf32, #tpu.memory_space<vmem>>, vector<1x16xf32>,
        %get3A_1684 = vector.shape_cast %get3A_1683 : vector<1x16xf32> to vector<16xf32>
        %mul3A_1685 = arith.mulf %get3A_1644, %get3A_1684 : vector<16xf32>
        %add3A_1686 = arith.addf %add3A_1626, %mul3A_1685 : vector<16xf32>
        %get3A_1687 = arith.constant 6 : i32
        %get3A_1688 = arith.index_cast %get3A_1687 : i32 to index
        %get3A_1689 = arith.constant 384 : index
        %get3A_1690 = tpu.vector_load %arg6[%get3A_1688, %get3A_1689] {strides = array<i32>} : memref<8x768xf32, #tpu.memory_space<vmem>>, vector<1x16xf32>,
        %get3A_1691 = vector.shape_cast %get3A_1690 : vector<1x16xf32> to vector<16xf32>
        %mul3A_1692 = arith.mulf %get3A_1644, %get3A_1691 : vector<16xf32>
        %add3A_1693 = arith.addf %add3A_1633, %mul3A_1692 : vector<16xf32>
        %get3A_1694 = arith.constant 7 : i32
        %get3A_1695 = arith.index_cast %get3A_1694 : i32 to index
        %get3A_1696 = arith.constant 384 : index
        %get3A_1697 = tpu.vector_load %arg6[%get3A_1695, %get3A_1696] {strides = array<i32>} : memref<8x768xf32, #tpu.memory_space<vmem>>, vector<1x16xf32>,
        %get3A_1698 = vector.shape_cast %get3A_1697 : vector<1x16xf32> to vector<16xf32>
        %mul3A_1699 = arith.mulf %get3A_1644, %get3A_1698 : vector<16xf32>
        %add3A_1700 = arith.addf %add3A_1640, %mul3A_1699 : vector<16xf32>
        %get3A_1701 = arith.index_cast %scan3A_191 : i32 to index
        %get3A_1702 = arith.constant 400 : index
        %get3A_1703 = tpu.vector_load %arg5[%get3A_1701, %get3A_1702] {strides = array<i32>} : memref<16x768xf32, #tpu.memory_space<vmem>>, vector<1x16xf32>,
        %get3A_1704 = vector.shape_cast %get3A_1703 : vector<1x16xf32> to vector<16xf32>
        %get3A_1705 = arith.constant 0 : i32
        %get3A_1706 = arith.index_cast %get3A_1705 : i32 to index
        %get3A_1707 = arith.constant 400 : index
        %get3A_1708 = tpu.vector_load %arg6[%get3A_1706, %get3A_1707] {strides = array<i32>} : memref<8x768xf32, #tpu.memory_space<vmem>>, vector<1x16xf32>,
        %get3A_1709 = vector.shape_cast %get3A_1708 : vector<1x16xf32> to vector<16xf32>
        %mul3A_1710 = arith.mulf %get3A_1704, %get3A_1709 : vector<16xf32>
        %add3A_1711 = arith.addf %add3A_1651, %mul3A_1710 : vector<16xf32>
        %get3A_1712 = arith.constant 1 : i32
        %get3A_1713 = arith.index_cast %get3A_1712 : i32 to index
        %get3A_1714 = arith.constant 400 : index
        %get3A_1715 = tpu.vector_load %arg6[%get3A_1713, %get3A_1714] {strides = array<i32>} : memref<8x768xf32, #tpu.memory_space<vmem>>, vector<1x16xf32>,
        %get3A_1716 = vector.shape_cast %get3A_1715 : vector<1x16xf32> to vector<16xf32>
        %mul3A_1717 = arith.mulf %get3A_1704, %get3A_1716 : vector<16xf32>
        %add3A_1718 = arith.addf %add3A_1658, %mul3A_1717 : vector<16xf32>
        %get3A_1719 = arith.constant 2 : i32
        %get3A_1720 = arith.index_cast %get3A_1719 : i32 to index
        %get3A_1721 = arith.constant 400 : index
        %get3A_1722 = tpu.vector_load %arg6[%get3A_1720, %get3A_1721] {strides = array<i32>} : memref<8x768xf32, #tpu.memory_space<vmem>>, vector<1x16xf32>,
        %get3A_1723 = vector.shape_cast %get3A_1722 : vector<1x16xf32> to vector<16xf32>
        %mul3A_1724 = arith.mulf %get3A_1704, %get3A_1723 : vector<16xf32>
        %add3A_1725 = arith.addf %add3A_1665, %mul3A_1724 : vector<16xf32>
        %get3A_1726 = arith.constant 3 : i32
        %get3A_1727 = arith.index_cast %get3A_1726 : i32 to index
        %get3A_1728 = arith.constant 400 : index
        %get3A_1729 = tpu.vector_load %arg6[%get3A_1727, %get3A_1728] {strides = array<i32>} : memref<8x768xf32, #tpu.memory_space<vmem>>, vector<1x16xf32>,
        %get3A_1730 = vector.shape_cast %get3A_1729 : vector<1x16xf32> to vector<16xf32>
        %mul3A_1731 = arith.mulf %get3A_1704, %get3A_1730 : vector<16xf32>
        %add3A_1732 = arith.addf %add3A_1672, %mul3A_1731 : vector<16xf32>
        %get3A_1733 = arith.constant 4 : i32
        %get3A_1734 = arith.index_cast %get3A_1733 : i32 to index
        %get3A_1735 = arith.constant 400 : index
        %get3A_1736 = tpu.vector_load %arg6[%get3A_1734, %get3A_1735] {strides = array<i32>} : memref<8x768xf32, #tpu.memory_space<vmem>>, vector<1x16xf32>,
        %get3A_1737 = vector.shape_cast %get3A_1736 : vector<1x16xf32> to vector<16xf32>
        %mul3A_1738 = arith.mulf %get3A_1704, %get3A_1737 : vector<16xf32>
        %add3A_1739 = arith.addf %add3A_1679, %mul3A_1738 : vector<16xf32>
        %get3A_1740 = arith.constant 5 : i32
        %get3A_1741 = arith.index_cast %get3A_1740 : i32 to index
        %get3A_1742 = arith.constant 400 : index
        %get3A_1743 = tpu.vector_load %arg6[%get3A_1741, %get3A_1742] {strides = array<i32>} : memref<8x768xf32, #tpu.memory_space<vmem>>, vector<1x16xf32>,
        %get3A_1744 = vector.shape_cast %get3A_1743 : vector<1x16xf32> to vector<16xf32>
        %mul3A_1745 = arith.mulf %get3A_1704, %get3A_1744 : vector<16xf32>
        %add3A_1746 = arith.addf %add3A_1686, %mul3A_1745 : vector<16xf32>
        %get3A_1747 = arith.constant 6 : i32
        %get3A_1748 = arith.index_cast %get3A_1747 : i32 to index
        %get3A_1749 = arith.constant 400 : index
        %get3A_1750 = tpu.vector_load %arg6[%get3A_1748, %get3A_1749] {strides = array<i32>} : memref<8x768xf32, #tpu.memory_space<vmem>>, vector<1x16xf32>,
        %get3A_1751 = vector.shape_cast %get3A_1750 : vector<1x16xf32> to vector<16xf32>
        %mul3A_1752 = arith.mulf %get3A_1704, %get3A_1751 : vector<16xf32>
        %add3A_1753 = arith.addf %add3A_1693, %mul3A_1752 : vector<16xf32>
        %get3A_1754 = arith.constant 7 : i32
        %get3A_1755 = arith.index_cast %get3A_1754 : i32 to index
        %get3A_1756 = arith.constant 400 : index
        %get3A_1757 = tpu.vector_load %arg6[%get3A_1755, %get3A_1756] {strides = array<i32>} : memref<8x768xf32, #tpu.memory_space<vmem>>, vector<1x16xf32>,
        %get3A_1758 = vector.shape_cast %get3A_1757 : vector<1x16xf32> to vector<16xf32>
        %mul3A_1759 = arith.mulf %get3A_1704, %get3A_1758 : vector<16xf32>
        %add3A_1760 = arith.addf %add3A_1700, %mul3A_1759 : vector<16xf32>
        %get3A_1761 = arith.index_cast %scan3A_191 : i32 to index
        %get3A_1762 = arith.constant 416 : index
        %get3A_1763 = tpu.vector_load %arg5[%get3A_1761, %get3A_1762] {strides = array<i32>} : memref<16x768xf32, #tpu.memory_space<vmem>>, vector<1x16xf32>,
        %get3A_1764 = vector.shape_cast %get3A_1763 : vector<1x16xf32> to vector<16xf32>
        %get3A_1765 = arith.constant 0 : i32
        %get3A_1766 = arith.index_cast %get3A_1765 : i32 to index
        %get3A_1767 = arith.constant 416 : index
        %get3A_1768 = tpu.vector_load %arg6[%get3A_1766, %get3A_1767] {strides = array<i32>} : memref<8x768xf32, #tpu.memory_space<vmem>>, vector<1x16xf32>,
        %get3A_1769 = vector.shape_cast %get3A_1768 : vector<1x16xf32> to vector<16xf32>
        %mul3A_1770 = arith.mulf %get3A_1764, %get3A_1769 : vector<16xf32>
        %add3A_1771 = arith.addf %add3A_1711, %mul3A_1770 : vector<16xf32>
        %get3A_1772 = arith.constant 1 : i32
        %get3A_1773 = arith.index_cast %get3A_1772 : i32 to index
        %get3A_1774 = arith.constant 416 : index
        %get3A_1775 = tpu.vector_load %arg6[%get3A_1773, %get3A_1774] {strides = array<i32>} : memref<8x768xf32, #tpu.memory_space<vmem>>, vector<1x16xf32>,
        %get3A_1776 = vector.shape_cast %get3A_1775 : vector<1x16xf32> to vector<16xf32>
        %mul3A_1777 = arith.mulf %get3A_1764, %get3A_1776 : vector<16xf32>
        %add3A_1778 = arith.addf %add3A_1718, %mul3A_1777 : vector<16xf32>
        %get3A_1779 = arith.constant 2 : i32
        %get3A_1780 = arith.index_cast %get3A_1779 : i32 to index
        %get3A_1781 = arith.constant 416 : index
        %get3A_1782 = tpu.vector_load %arg6[%get3A_1780, %get3A_1781] {strides = array<i32>} : memref<8x768xf32, #tpu.memory_space<vmem>>, vector<1x16xf32>,
        %get3A_1783 = vector.shape_cast %get3A_1782 : vector<1x16xf32> to vector<16xf32>
        %mul3A_1784 = arith.mulf %get3A_1764, %get3A_1783 : vector<16xf32>
        %add3A_1785 = arith.addf %add3A_1725, %mul3A_1784 : vector<16xf32>
        %get3A_1786 = arith.constant 3 : i32
        %get3A_1787 = arith.index_cast %get3A_1786 : i32 to index
        %get3A_1788 = arith.constant 416 : index
        %get3A_1789 = tpu.vector_load %arg6[%get3A_1787, %get3A_1788] {strides = array<i32>} : memref<8x768xf32, #tpu.memory_space<vmem>>, vector<1x16xf32>,
        %get3A_1790 = vector.shape_cast %get3A_1789 : vector<1x16xf32> to vector<16xf32>
        %mul3A_1791 = arith.mulf %get3A_1764, %get3A_1790 : vector<16xf32>
        %add3A_1792 = arith.addf %add3A_1732, %mul3A_1791 : vector<16xf32>
        %get3A_1793 = arith.constant 4 : i32
        %get3A_1794 = arith.index_cast %get3A_1793 : i32 to index
        %get3A_1795 = arith.constant 416 : index
        %get3A_1796 = tpu.vector_load %arg6[%get3A_1794, %get3A_1795] {strides = array<i32>} : memref<8x768xf32, #tpu.memory_space<vmem>>, vector<1x16xf32>,
        %get3A_1797 = vector.shape_cast %get3A_1796 : vector<1x16xf32> to vector<16xf32>
        %mul3A_1798 = arith.mulf %get3A_1764, %get3A_1797 : vector<16xf32>
        %add3A_1799 = arith.addf %add3A_1739, %mul3A_1798 : vector<16xf32>
        %get3A_1800 = arith.constant 5 : i32
        %get3A_1801 = arith.index_cast %get3A_1800 : i32 to index
        %get3A_1802 = arith.constant 416 : index
        %get3A_1803 = tpu.vector_load %arg6[%get3A_1801, %get3A_1802] {strides = array<i32>} : memref<8x768xf32, #tpu.memory_space<vmem>>, vector<1x16xf32>,
        %get3A_1804 = vector.shape_cast %get3A_1803 : vector<1x16xf32> to vector<16xf32>
        %mul3A_1805 = arith.mulf %get3A_1764, %get3A_1804 : vector<16xf32>
        %add3A_1806 = arith.addf %add3A_1746, %mul3A_1805 : vector<16xf32>
        %get3A_1807 = arith.constant 6 : i32
        %get3A_1808 = arith.index_cast %get3A_1807 : i32 to index
        %get3A_1809 = arith.constant 416 : index
        %get3A_1810 = tpu.vector_load %arg6[%get3A_1808, %get3A_1809] {strides = array<i32>} : memref<8x768xf32, #tpu.memory_space<vmem>>, vector<1x16xf32>,
        %get3A_1811 = vector.shape_cast %get3A_1810 : vector<1x16xf32> to vector<16xf32>
        %mul3A_1812 = arith.mulf %get3A_1764, %get3A_1811 : vector<16xf32>
        %add3A_1813 = arith.addf %add3A_1753, %mul3A_1812 : vector<16xf32>
        %get3A_1814 = arith.constant 7 : i32
        %get3A_1815 = arith.index_cast %get3A_1814 : i32 to index
        %get3A_1816 = arith.constant 416 : index
        %get3A_1817 = tpu.vector_load %arg6[%get3A_1815, %get3A_1816] {strides = array<i32>} : memref<8x768xf32, #tpu.memory_space<vmem>>, vector<1x16xf32>,
        %get3A_1818 = vector.shape_cast %get3A_1817 : vector<1x16xf32> to vector<16xf32>
        %mul3A_1819 = arith.mulf %get3A_1764, %get3A_1818 : vector<16xf32>
        %add3A_1820 = arith.addf %add3A_1760, %mul3A_1819 : vector<16xf32>
        %get3A_1821 = arith.index_cast %scan3A_191 : i32 to index
        %get3A_1822 = arith.constant 432 : index
        %get3A_1823 = tpu.vector_load %arg5[%get3A_1821, %get3A_1822] {strides = array<i32>} : memref<16x768xf32, #tpu.memory_space<vmem>>, vector<1x16xf32>,
        %get3A_1824 = vector.shape_cast %get3A_1823 : vector<1x16xf32> to vector<16xf32>
        %get3A_1825 = arith.constant 0 : i32
        %get3A_1826 = arith.index_cast %get3A_1825 : i32 to index
        %get3A_1827 = arith.constant 432 : index
        %get3A_1828 = tpu.vector_load %arg6[%get3A_1826, %get3A_1827] {strides = array<i32>} : memref<8x768xf32, #tpu.memory_space<vmem>>, vector<1x16xf32>,
        %get3A_1829 = vector.shape_cast %get3A_1828 : vector<1x16xf32> to vector<16xf32>
        %mul3A_1830 = arith.mulf %get3A_1824, %get3A_1829 : vector<16xf32>
        %add3A_1831 = arith.addf %add3A_1771, %mul3A_1830 : vector<16xf32>
        %get3A_1832 = arith.constant 1 : i32
        %get3A_1833 = arith.index_cast %get3A_1832 : i32 to index
        %get3A_1834 = arith.constant 432 : index
        %get3A_1835 = tpu.vector_load %arg6[%get3A_1833, %get3A_1834] {strides = array<i32>} : memref<8x768xf32, #tpu.memory_space<vmem>>, vector<1x16xf32>,
        %get3A_1836 = vector.shape_cast %get3A_1835 : vector<1x16xf32> to vector<16xf32>
        %mul3A_1837 = arith.mulf %get3A_1824, %get3A_1836 : vector<16xf32>
        %add3A_1838 = arith.addf %add3A_1778, %mul3A_1837 : vector<16xf32>
        %get3A_1839 = arith.constant 2 : i32
        %get3A_1840 = arith.index_cast %get3A_1839 : i32 to index
        %get3A_1841 = arith.constant 432 : index
        %get3A_1842 = tpu.vector_load %arg6[%get3A_1840, %get3A_1841] {strides = array<i32>} : memref<8x768xf32, #tpu.memory_space<vmem>>, vector<1x16xf32>,
        %get3A_1843 = vector.shape_cast %get3A_1842 : vector<1x16xf32> to vector<16xf32>
        %mul3A_1844 = arith.mulf %get3A_1824, %get3A_1843 : vector<16xf32>
        %add3A_1845 = arith.addf %add3A_1785, %mul3A_1844 : vector<16xf32>
        %get3A_1846 = arith.constant 3 : i32
        %get3A_1847 = arith.index_cast %get3A_1846 : i32 to index
        %get3A_1848 = arith.constant 432 : index
        %get3A_1849 = tpu.vector_load %arg6[%get3A_1847, %get3A_1848] {strides = array<i32>} : memref<8x768xf32, #tpu.memory_space<vmem>>, vector<1x16xf32>,
        %get3A_1850 = vector.shape_cast %get3A_1849 : vector<1x16xf32> to vector<16xf32>
        %mul3A_1851 = arith.mulf %get3A_1824, %get3A_1850 : vector<16xf32>
        %add3A_1852 = arith.addf %add3A_1792, %mul3A_1851 : vector<16xf32>
        %get3A_1853 = arith.constant 4 : i32
        %get3A_1854 = arith.index_cast %get3A_1853 : i32 to index
        %get3A_1855 = arith.constant 432 : index
        %get3A_1856 = tpu.vector_load %arg6[%get3A_1854, %get3A_1855] {strides = array<i32>} : memref<8x768xf32, #tpu.memory_space<vmem>>, vector<1x16xf32>,
        %get3A_1857 = vector.shape_cast %get3A_1856 : vector<1x16xf32> to vector<16xf32>
        %mul3A_1858 = arith.mulf %get3A_1824, %get3A_1857 : vector<16xf32>
        %add3A_1859 = arith.addf %add3A_1799, %mul3A_1858 : vector<16xf32>
        %get3A_1860 = arith.constant 5 : i32
        %get3A_1861 = arith.index_cast %get3A_1860 : i32 to index
        %get3A_1862 = arith.constant 432 : index
        %get3A_1863 = tpu.vector_load %arg6[%get3A_1861, %get3A_1862] {strides = array<i32>} : memref<8x768xf32, #tpu.memory_space<vmem>>, vector<1x16xf32>,
        %get3A_1864 = vector.shape_cast %get3A_1863 : vector<1x16xf32> to vector<16xf32>
        %mul3A_1865 = arith.mulf %get3A_1824, %get3A_1864 : vector<16xf32>
        %add3A_1866 = arith.addf %add3A_1806, %mul3A_1865 : vector<16xf32>
        %get3A_1867 = arith.constant 6 : i32
        %get3A_1868 = arith.index_cast %get3A_1867 : i32 to index
        %get3A_1869 = arith.constant 432 : index
        %get3A_1870 = tpu.vector_load %arg6[%get3A_1868, %get3A_1869] {strides = array<i32>} : memref<8x768xf32, #tpu.memory_space<vmem>>, vector<1x16xf32>,
        %get3A_1871 = vector.shape_cast %get3A_1870 : vector<1x16xf32> to vector<16xf32>
        %mul3A_1872 = arith.mulf %get3A_1824, %get3A_1871 : vector<16xf32>
        %add3A_1873 = arith.addf %add3A_1813, %mul3A_1872 : vector<16xf32>
        %get3A_1874 = arith.constant 7 : i32
        %get3A_1875 = arith.index_cast %get3A_1874 : i32 to index
        %get3A_1876 = arith.constant 432 : index
        %get3A_1877 = tpu.vector_load %arg6[%get3A_1875, %get3A_1876] {strides = array<i32>} : memref<8x768xf32, #tpu.memory_space<vmem>>, vector<1x16xf32>,
        %get3A_1878 = vector.shape_cast %get3A_1877 : vector<1x16xf32> to vector<16xf32>
        %mul3A_1879 = arith.mulf %get3A_1824, %get3A_1878 : vector<16xf32>
        %add3A_1880 = arith.addf %add3A_1820, %mul3A_1879 : vector<16xf32>
        %get3A_1881 = arith.index_cast %scan3A_191 : i32 to index
        %get3A_1882 = arith.constant 448 : index
        %get3A_1883 = tpu.vector_load %arg5[%get3A_1881, %get3A_1882] {strides = array<i32>} : memref<16x768xf32, #tpu.memory_space<vmem>>, vector<1x16xf32>,
        %get3A_1884 = vector.shape_cast %get3A_1883 : vector<1x16xf32> to vector<16xf32>
        %get3A_1885 = arith.constant 0 : i32
        %get3A_1886 = arith.index_cast %get3A_1885 : i32 to index
        %get3A_1887 = arith.constant 448 : index
        %get3A_1888 = tpu.vector_load %arg6[%get3A_1886, %get3A_1887] {strides = array<i32>} : memref<8x768xf32, #tpu.memory_space<vmem>>, vector<1x16xf32>,
        %get3A_1889 = vector.shape_cast %get3A_1888 : vector<1x16xf32> to vector<16xf32>
        %mul3A_1890 = arith.mulf %get3A_1884, %get3A_1889 : vector<16xf32>
        %add3A_1891 = arith.addf %add3A_1831, %mul3A_1890 : vector<16xf32>
        %get3A_1892 = arith.constant 1 : i32
        %get3A_1893 = arith.index_cast %get3A_1892 : i32 to index
        %get3A_1894 = arith.constant 448 : index
        %get3A_1895 = tpu.vector_load %arg6[%get3A_1893, %get3A_1894] {strides = array<i32>} : memref<8x768xf32, #tpu.memory_space<vmem>>, vector<1x16xf32>,
        %get3A_1896 = vector.shape_cast %get3A_1895 : vector<1x16xf32> to vector<16xf32>
        %mul3A_1897 = arith.mulf %get3A_1884, %get3A_1896 : vector<16xf32>
        %add3A_1898 = arith.addf %add3A_1838, %mul3A_1897 : vector<16xf32>
        %get3A_1899 = arith.constant 2 : i32
        %get3A_1900 = arith.index_cast %get3A_1899 : i32 to index
        %get3A_1901 = arith.constant 448 : index
        %get3A_1902 = tpu.vector_load %arg6[%get3A_1900, %get3A_1901] {strides = array<i32>} : memref<8x768xf32, #tpu.memory_space<vmem>>, vector<1x16xf32>,
        %get3A_1903 = vector.shape_cast %get3A_1902 : vector<1x16xf32> to vector<16xf32>
        %mul3A_1904 = arith.mulf %get3A_1884, %get3A_1903 : vector<16xf32>
        %add3A_1905 = arith.addf %add3A_1845, %mul3A_1904 : vector<16xf32>
        %get3A_1906 = arith.constant 3 : i32
        %get3A_1907 = arith.index_cast %get3A_1906 : i32 to index
        %get3A_1908 = arith.constant 448 : index
        %get3A_1909 = tpu.vector_load %arg6[%get3A_1907, %get3A_1908] {strides = array<i32>} : memref<8x768xf32, #tpu.memory_space<vmem>>, vector<1x16xf32>,
        %get3A_1910 = vector.shape_cast %get3A_1909 : vector<1x16xf32> to vector<16xf32>
        %mul3A_1911 = arith.mulf %get3A_1884, %get3A_1910 : vector<16xf32>
        %add3A_1912 = arith.addf %add3A_1852, %mul3A_1911 : vector<16xf32>
        %get3A_1913 = arith.constant 4 : i32
        %get3A_1914 = arith.index_cast %get3A_1913 : i32 to index
        %get3A_1915 = arith.constant 448 : index
        %get3A_1916 = tpu.vector_load %arg6[%get3A_1914, %get3A_1915] {strides = array<i32>} : memref<8x768xf32, #tpu.memory_space<vmem>>, vector<1x16xf32>,
        %get3A_1917 = vector.shape_cast %get3A_1916 : vector<1x16xf32> to vector<16xf32>
        %mul3A_1918 = arith.mulf %get3A_1884, %get3A_1917 : vector<16xf32>
        %add3A_1919 = arith.addf %add3A_1859, %mul3A_1918 : vector<16xf32>
        %get3A_1920 = arith.constant 5 : i32
        %get3A_1921 = arith.index_cast %get3A_1920 : i32 to index
        %get3A_1922 = arith.constant 448 : index
        %get3A_1923 = tpu.vector_load %arg6[%get3A_1921, %get3A_1922] {strides = array<i32>} : memref<8x768xf32, #tpu.memory_space<vmem>>, vector<1x16xf32>,
        %get3A_1924 = vector.shape_cast %get3A_1923 : vector<1x16xf32> to vector<16xf32>
        %mul3A_1925 = arith.mulf %get3A_1884, %get3A_1924 : vector<16xf32>
        %add3A_1926 = arith.addf %add3A_1866, %mul3A_1925 : vector<16xf32>
        %get3A_1927 = arith.constant 6 : i32
        %get3A_1928 = arith.index_cast %get3A_1927 : i32 to index
        %get3A_1929 = arith.constant 448 : index
        %get3A_1930 = tpu.vector_load %arg6[%get3A_1928, %get3A_1929] {strides = array<i32>} : memref<8x768xf32, #tpu.memory_space<vmem>>, vector<1x16xf32>,
        %get3A_1931 = vector.shape_cast %get3A_1930 : vector<1x16xf32> to vector<16xf32>
        %mul3A_1932 = arith.mulf %get3A_1884, %get3A_1931 : vector<16xf32>
        %add3A_1933 = arith.addf %add3A_1873, %mul3A_1932 : vector<16xf32>
        %get3A_1934 = arith.constant 7 : i32
        %get3A_1935 = arith.index_cast %get3A_1934 : i32 to index
        %get3A_1936 = arith.constant 448 : index
        %get3A_1937 = tpu.vector_load %arg6[%get3A_1935, %get3A_1936] {strides = array<i32>} : memref<8x768xf32, #tpu.memory_space<vmem>>, vector<1x16xf32>,
        %get3A_1938 = vector.shape_cast %get3A_1937 : vector<1x16xf32> to vector<16xf32>
        %mul3A_1939 = arith.mulf %get3A_1884, %get3A_1938 : vector<16xf32>
        %add3A_1940 = arith.addf %add3A_1880, %mul3A_1939 : vector<16xf32>
        %get3A_1941 = arith.index_cast %scan3A_191 : i32 to index
        %get3A_1942 = arith.constant 464 : index
        %get3A_1943 = tpu.vector_load %arg5[%get3A_1941, %get3A_1942] {strides = array<i32>} : memref<16x768xf32, #tpu.memory_space<vmem>>, vector<1x16xf32>,
        %get3A_1944 = vector.shape_cast %get3A_1943 : vector<1x16xf32> to vector<16xf32>
        %get3A_1945 = arith.constant 0 : i32
        %get3A_1946 = arith.index_cast %get3A_1945 : i32 to index
        %get3A_1947 = arith.constant 464 : index
        %get3A_1948 = tpu.vector_load %arg6[%get3A_1946, %get3A_1947] {strides = array<i32>} : memref<8x768xf32, #tpu.memory_space<vmem>>, vector<1x16xf32>,
        %get3A_1949 = vector.shape_cast %get3A_1948 : vector<1x16xf32> to vector<16xf32>
        %mul3A_1950 = arith.mulf %get3A_1944, %get3A_1949 : vector<16xf32>
        %add3A_1951 = arith.addf %add3A_1891, %mul3A_1950 : vector<16xf32>
        %get3A_1952 = arith.constant 1 : i32
        %get3A_1953 = arith.index_cast %get3A_1952 : i32 to index
        %get3A_1954 = arith.constant 464 : index
        %get3A_1955 = tpu.vector_load %arg6[%get3A_1953, %get3A_1954] {strides = array<i32>} : memref<8x768xf32, #tpu.memory_space<vmem>>, vector<1x16xf32>,
        %get3A_1956 = vector.shape_cast %get3A_1955 : vector<1x16xf32> to vector<16xf32>
        %mul3A_1957 = arith.mulf %get3A_1944, %get3A_1956 : vector<16xf32>
        %add3A_1958 = arith.addf %add3A_1898, %mul3A_1957 : vector<16xf32>
        %get3A_1959 = arith.constant 2 : i32
        %get3A_1960 = arith.index_cast %get3A_1959 : i32 to index
        %get3A_1961 = arith.constant 464 : index
        %get3A_1962 = tpu.vector_load %arg6[%get3A_1960, %get3A_1961] {strides = array<i32>} : memref<8x768xf32, #tpu.memory_space<vmem>>, vector<1x16xf32>,
        %get3A_1963 = vector.shape_cast %get3A_1962 : vector<1x16xf32> to vector<16xf32>
        %mul3A_1964 = arith.mulf %get3A_1944, %get3A_1963 : vector<16xf32>
        %add3A_1965 = arith.addf %add3A_1905, %mul3A_1964 : vector<16xf32>
        %get3A_1966 = arith.constant 3 : i32
        %get3A_1967 = arith.index_cast %get3A_1966 : i32 to index
        %get3A_1968 = arith.constant 464 : index
        %get3A_1969 = tpu.vector_load %arg6[%get3A_1967, %get3A_1968] {strides = array<i32>} : memref<8x768xf32, #tpu.memory_space<vmem>>, vector<1x16xf32>,
        %get3A_1970 = vector.shape_cast %get3A_1969 : vector<1x16xf32> to vector<16xf32>
        %mul3A_1971 = arith.mulf %get3A_1944, %get3A_1970 : vector<16xf32>
        %add3A_1972 = arith.addf %add3A_1912, %mul3A_1971 : vector<16xf32>
        %get3A_1973 = arith.constant 4 : i32
        %get3A_1974 = arith.index_cast %get3A_1973 : i32 to index
        %get3A_1975 = arith.constant 464 : index
        %get3A_1976 = tpu.vector_load %arg6[%get3A_1974, %get3A_1975] {strides = array<i32>} : memref<8x768xf32, #tpu.memory_space<vmem>>, vector<1x16xf32>,
        %get3A_1977 = vector.shape_cast %get3A_1976 : vector<1x16xf32> to vector<16xf32>
        %mul3A_1978 = arith.mulf %get3A_1944, %get3A_1977 : vector<16xf32>
        %add3A_1979 = arith.addf %add3A_1919, %mul3A_1978 : vector<16xf32>
        %get3A_1980 = arith.constant 5 : i32
        %get3A_1981 = arith.index_cast %get3A_1980 : i32 to index
        %get3A_1982 = arith.constant 464 : index
        %get3A_1983 = tpu.vector_load %arg6[%get3A_1981, %get3A_1982] {strides = array<i32>} : memref<8x768xf32, #tpu.memory_space<vmem>>, vector<1x16xf32>,
        %get3A_1984 = vector.shape_cast %get3A_1983 : vector<1x16xf32> to vector<16xf32>
        %mul3A_1985 = arith.mulf %get3A_1944, %get3A_1984 : vector<16xf32>
        %add3A_1986 = arith.addf %add3A_1926, %mul3A_1985 : vector<16xf32>
        %get3A_1987 = arith.constant 6 : i32
        %get3A_1988 = arith.index_cast %get3A_1987 : i32 to index
        %get3A_1989 = arith.constant 464 : index
        %get3A_1990 = tpu.vector_load %arg6[%get3A_1988, %get3A_1989] {strides = array<i32>} : memref<8x768xf32, #tpu.memory_space<vmem>>, vector<1x16xf32>,
        %get3A_1991 = vector.shape_cast %get3A_1990 : vector<1x16xf32> to vector<16xf32>
        %mul3A_1992 = arith.mulf %get3A_1944, %get3A_1991 : vector<16xf32>
        %add3A_1993 = arith.addf %add3A_1933, %mul3A_1992 : vector<16xf32>
        %get3A_1994 = arith.constant 7 : i32
        %get3A_1995 = arith.index_cast %get3A_1994 : i32 to index
        %get3A_1996 = arith.constant 464 : index
        %get3A_1997 = tpu.vector_load %arg6[%get3A_1995, %get3A_1996] {strides = array<i32>} : memref<8x768xf32, #tpu.memory_space<vmem>>, vector<1x16xf32>,
        %get3A_1998 = vector.shape_cast %get3A_1997 : vector<1x16xf32> to vector<16xf32>
        %mul3A_1999 = arith.mulf %get3A_1944, %get3A_1998 : vector<16xf32>
        %add3A_2000 = arith.addf %add3A_1940, %mul3A_1999 : vector<16xf32>
        %get3A_2001 = arith.index_cast %scan3A_191 : i32 to index
        %get3A_2002 = arith.constant 480 : index
        %get3A_2003 = tpu.vector_load %arg5[%get3A_2001, %get3A_2002] {strides = array<i32>} : memref<16x768xf32, #tpu.memory_space<vmem>>, vector<1x16xf32>,
        %get3A_2004 = vector.shape_cast %get3A_2003 : vector<1x16xf32> to vector<16xf32>
        %get3A_2005 = arith.constant 0 : i32
        %get3A_2006 = arith.index_cast %get3A_2005 : i32 to index
        %get3A_2007 = arith.constant 480 : index
        %get3A_2008 = tpu.vector_load %arg6[%get3A_2006, %get3A_2007] {strides = array<i32>} : memref<8x768xf32, #tpu.memory_space<vmem>>, vector<1x16xf32>,
        %get3A_2009 = vector.shape_cast %get3A_2008 : vector<1x16xf32> to vector<16xf32>
        %mul3A_2010 = arith.mulf %get3A_2004, %get3A_2009 : vector<16xf32>
        %add3A_2011 = arith.addf %add3A_1951, %mul3A_2010 : vector<16xf32>
        %get3A_2012 = arith.constant 1 : i32
        %get3A_2013 = arith.index_cast %get3A_2012 : i32 to index
        %get3A_2014 = arith.constant 480 : index
        %get3A_2015 = tpu.vector_load %arg6[%get3A_2013, %get3A_2014] {strides = array<i32>} : memref<8x768xf32, #tpu.memory_space<vmem>>, vector<1x16xf32>,
        %get3A_2016 = vector.shape_cast %get3A_2015 : vector<1x16xf32> to vector<16xf32>
        %mul3A_2017 = arith.mulf %get3A_2004, %get3A_2016 : vector<16xf32>
        %add3A_2018 = arith.addf %add3A_1958, %mul3A_2017 : vector<16xf32>
        %get3A_2019 = arith.constant 2 : i32
        %get3A_2020 = arith.index_cast %get3A_2019 : i32 to index
        %get3A_2021 = arith.constant 480 : index
        %get3A_2022 = tpu.vector_load %arg6[%get3A_2020, %get3A_2021] {strides = array<i32>} : memref<8x768xf32, #tpu.memory_space<vmem>>, vector<1x16xf32>,
        %get3A_2023 = vector.shape_cast %get3A_2022 : vector<1x16xf32> to vector<16xf32>
        %mul3A_2024 = arith.mulf %get3A_2004, %get3A_2023 : vector<16xf32>
        %add3A_2025 = arith.addf %add3A_1965, %mul3A_2024 : vector<16xf32>
        %get3A_2026 = arith.constant 3 : i32
        %get3A_2027 = arith.index_cast %get3A_2026 : i32 to index
        %get3A_2028 = arith.constant 480 : index
        %get3A_2029 = tpu.vector_load %arg6[%get3A_2027, %get3A_2028] {strides = array<i32>} : memref<8x768xf32, #tpu.memory_space<vmem>>, vector<1x16xf32>,
        %get3A_2030 = vector.shape_cast %get3A_2029 : vector<1x16xf32> to vector<16xf32>
        %mul3A_2031 = arith.mulf %get3A_2004, %get3A_2030 : vector<16xf32>
        %add3A_2032 = arith.addf %add3A_1972, %mul3A_2031 : vector<16xf32>
        %get3A_2033 = arith.constant 4 : i32
        %get3A_2034 = arith.index_cast %get3A_2033 : i32 to index
        %get3A_2035 = arith.constant 480 : index
        %get3A_2036 = tpu.vector_load %arg6[%get3A_2034, %get3A_2035] {strides = array<i32>} : memref<8x768xf32, #tpu.memory_space<vmem>>, vector<1x16xf32>,
        %get3A_2037 = vector.shape_cast %get3A_2036 : vector<1x16xf32> to vector<16xf32>
        %mul3A_2038 = arith.mulf %get3A_2004, %get3A_2037 : vector<16xf32>
        %add3A_2039 = arith.addf %add3A_1979, %mul3A_2038 : vector<16xf32>
        %get3A_2040 = arith.constant 5 : i32
        %get3A_2041 = arith.index_cast %get3A_2040 : i32 to index
        %get3A_2042 = arith.constant 480 : index
        %get3A_2043 = tpu.vector_load %arg6[%get3A_2041, %get3A_2042] {strides = array<i32>} : memref<8x768xf32, #tpu.memory_space<vmem>>, vector<1x16xf32>,
        %get3A_2044 = vector.shape_cast %get3A_2043 : vector<1x16xf32> to vector<16xf32>
        %mul3A_2045 = arith.mulf %get3A_2004, %get3A_2044 : vector<16xf32>
        %add3A_2046 = arith.addf %add3A_1986, %mul3A_2045 : vector<16xf32>
        %get3A_2047 = arith.constant 6 : i32
        %get3A_2048 = arith.index_cast %get3A_2047 : i32 to index
        %get3A_2049 = arith.constant 480 : index
        %get3A_2050 = tpu.vector_load %arg6[%get3A_2048, %get3A_2049] {strides = array<i32>} : memref<8x768xf32, #tpu.memory_space<vmem>>, vector<1x16xf32>,
        %get3A_2051 = vector.shape_cast %get3A_2050 : vector<1x16xf32> to vector<16xf32>
        %mul3A_2052 = arith.mulf %get3A_2004, %get3A_2051 : vector<16xf32>
        %add3A_2053 = arith.addf %add3A_1993, %mul3A_2052 : vector<16xf32>
        %get3A_2054 = arith.constant 7 : i32
        %get3A_2055 = arith.index_cast %get3A_2054 : i32 to index
        %get3A_2056 = arith.constant 480 : index
        %get3A_2057 = tpu.vector_load %arg6[%get3A_2055, %get3A_2056] {strides = array<i32>} : memref<8x768xf32, #tpu.memory_space<vmem>>, vector<1x16xf32>,
        %get3A_2058 = vector.shape_cast %get3A_2057 : vector<1x16xf32> to vector<16xf32>
        %mul3A_2059 = arith.mulf %get3A_2004, %get3A_2058 : vector<16xf32>
        %add3A_2060 = arith.addf %add3A_2000, %mul3A_2059 : vector<16xf32>
        %get3A_2061 = arith.index_cast %scan3A_191 : i32 to index
        %get3A_2062 = arith.constant 496 : index
        %get3A_2063 = tpu.vector_load %arg5[%get3A_2061, %get3A_2062] {strides = array<i32>} : memref<16x768xf32, #tpu.memory_space<vmem>>, vector<1x16xf32>,
        %get3A_2064 = vector.shape_cast %get3A_2063 : vector<1x16xf32> to vector<16xf32>
        %get3A_2065 = arith.constant 0 : i32
        %get3A_2066 = arith.index_cast %get3A_2065 : i32 to index
        %get3A_2067 = arith.constant 496 : index
        %get3A_2068 = tpu.vector_load %arg6[%get3A_2066, %get3A_2067] {strides = array<i32>} : memref<8x768xf32, #tpu.memory_space<vmem>>, vector<1x16xf32>,
        %get3A_2069 = vector.shape_cast %get3A_2068 : vector<1x16xf32> to vector<16xf32>
        %mul3A_2070 = arith.mulf %get3A_2064, %get3A_2069 : vector<16xf32>
        %add3A_2071 = arith.addf %add3A_2011, %mul3A_2070 : vector<16xf32>
        %get3A_2072 = arith.constant 1 : i32
        %get3A_2073 = arith.index_cast %get3A_2072 : i32 to index
        %get3A_2074 = arith.constant 496 : index
        %get3A_2075 = tpu.vector_load %arg6[%get3A_2073, %get3A_2074] {strides = array<i32>} : memref<8x768xf32, #tpu.memory_space<vmem>>, vector<1x16xf32>,
        %get3A_2076 = vector.shape_cast %get3A_2075 : vector<1x16xf32> to vector<16xf32>
        %mul3A_2077 = arith.mulf %get3A_2064, %get3A_2076 : vector<16xf32>
        %add3A_2078 = arith.addf %add3A_2018, %mul3A_2077 : vector<16xf32>
        %get3A_2079 = arith.constant 2 : i32
        %get3A_2080 = arith.index_cast %get3A_2079 : i32 to index
        %get3A_2081 = arith.constant 496 : index
        %get3A_2082 = tpu.vector_load %arg6[%get3A_2080, %get3A_2081] {strides = array<i32>} : memref<8x768xf32, #tpu.memory_space<vmem>>, vector<1x16xf32>,
        %get3A_2083 = vector.shape_cast %get3A_2082 : vector<1x16xf32> to vector<16xf32>
        %mul3A_2084 = arith.mulf %get3A_2064, %get3A_2083 : vector<16xf32>
        %add3A_2085 = arith.addf %add3A_2025, %mul3A_2084 : vector<16xf32>
        %get3A_2086 = arith.constant 3 : i32
        %get3A_2087 = arith.index_cast %get3A_2086 : i32 to index
        %get3A_2088 = arith.constant 496 : index
        %get3A_2089 = tpu.vector_load %arg6[%get3A_2087, %get3A_2088] {strides = array<i32>} : memref<8x768xf32, #tpu.memory_space<vmem>>, vector<1x16xf32>,
        %get3A_2090 = vector.shape_cast %get3A_2089 : vector<1x16xf32> to vector<16xf32>
        %mul3A_2091 = arith.mulf %get3A_2064, %get3A_2090 : vector<16xf32>
        %add3A_2092 = arith.addf %add3A_2032, %mul3A_2091 : vector<16xf32>
        %get3A_2093 = arith.constant 4 : i32
        %get3A_2094 = arith.index_cast %get3A_2093 : i32 to index
        %get3A_2095 = arith.constant 496 : index
        %get3A_2096 = tpu.vector_load %arg6[%get3A_2094, %get3A_2095] {strides = array<i32>} : memref<8x768xf32, #tpu.memory_space<vmem>>, vector<1x16xf32>,
        %get3A_2097 = vector.shape_cast %get3A_2096 : vector<1x16xf32> to vector<16xf32>
        %mul3A_2098 = arith.mulf %get3A_2064, %get3A_2097 : vector<16xf32>
        %add3A_2099 = arith.addf %add3A_2039, %mul3A_2098 : vector<16xf32>
        %get3A_2100 = arith.constant 5 : i32
        %get3A_2101 = arith.index_cast %get3A_2100 : i32 to index
        %get3A_2102 = arith.constant 496 : index
        %get3A_2103 = tpu.vector_load %arg6[%get3A_2101, %get3A_2102] {strides = array<i32>} : memref<8x768xf32, #tpu.memory_space<vmem>>, vector<1x16xf32>,
        %get3A_2104 = vector.shape_cast %get3A_2103 : vector<1x16xf32> to vector<16xf32>
        %mul3A_2105 = arith.mulf %get3A_2064, %get3A_2104 : vector<16xf32>
        %add3A_2106 = arith.addf %add3A_2046, %mul3A_2105 : vector<16xf32>
        %get3A_2107 = arith.constant 6 : i32
        %get3A_2108 = arith.index_cast %get3A_2107 : i32 to index
        %get3A_2109 = arith.constant 496 : index
        %get3A_2110 = tpu.vector_load %arg6[%get3A_2108, %get3A_2109] {strides = array<i32>} : memref<8x768xf32, #tpu.memory_space<vmem>>, vector<1x16xf32>,
        %get3A_2111 = vector.shape_cast %get3A_2110 : vector<1x16xf32> to vector<16xf32>
        %mul3A_2112 = arith.mulf %get3A_2064, %get3A_2111 : vector<16xf32>
        %add3A_2113 = arith.addf %add3A_2053, %mul3A_2112 : vector<16xf32>
        %get3A_2114 = arith.constant 7 : i32
        %get3A_2115 = arith.index_cast %get3A_2114 : i32 to index
        %get3A_2116 = arith.constant 496 : index
        %get3A_2117 = tpu.vector_load %arg6[%get3A_2115, %get3A_2116] {strides = array<i32>} : memref<8x768xf32, #tpu.memory_space<vmem>>, vector<1x16xf32>,
        %get3A_2118 = vector.shape_cast %get3A_2117 : vector<1x16xf32> to vector<16xf32>
        %mul3A_2119 = arith.mulf %get3A_2064, %get3A_2118 : vector<16xf32>
        %add3A_2120 = arith.addf %add3A_2060, %mul3A_2119 : vector<16xf32>
        %get3A_2121 = arith.index_cast %scan3A_191 : i32 to index
        %get3A_2122 = arith.constant 512 : index
        %get3A_2123 = tpu.vector_load %arg5[%get3A_2121, %get3A_2122] {strides = array<i32>} : memref<16x768xf32, #tpu.memory_space<vmem>>, vector<1x16xf32>,
        %get3A_2124 = vector.shape_cast %get3A_2123 : vector<1x16xf32> to vector<16xf32>
        %get3A_2125 = arith.constant 0 : i32
        %get3A_2126 = arith.index_cast %get3A_2125 : i32 to index
        %get3A_2127 = arith.constant 512 : index
        %get3A_2128 = tpu.vector_load %arg6[%get3A_2126, %get3A_2127] {strides = array<i32>} : memref<8x768xf32, #tpu.memory_space<vmem>>, vector<1x16xf32>,
        %get3A_2129 = vector.shape_cast %get3A_2128 : vector<1x16xf32> to vector<16xf32>
        %mul3A_2130 = arith.mulf %get3A_2124, %get3A_2129 : vector<16xf32>
        %add3A_2131 = arith.addf %add3A_2071, %mul3A_2130 : vector<16xf32>
        %get3A_2132 = arith.constant 1 : i32
        %get3A_2133 = arith.index_cast %get3A_2132 : i32 to index
        %get3A_2134 = arith.constant 512 : index
        %get3A_2135 = tpu.vector_load %arg6[%get3A_2133, %get3A_2134] {strides = array<i32>} : memref<8x768xf32, #tpu.memory_space<vmem>>, vector<1x16xf32>,
        %get3A_2136 = vector.shape_cast %get3A_2135 : vector<1x16xf32> to vector<16xf32>
        %mul3A_2137 = arith.mulf %get3A_2124, %get3A_2136 : vector<16xf32>
        %add3A_2138 = arith.addf %add3A_2078, %mul3A_2137 : vector<16xf32>
        %get3A_2139 = arith.constant 2 : i32
        %get3A_2140 = arith.index_cast %get3A_2139 : i32 to index
        %get3A_2141 = arith.constant 512 : index
        %get3A_2142 = tpu.vector_load %arg6[%get3A_2140, %get3A_2141] {strides = array<i32>} : memref<8x768xf32, #tpu.memory_space<vmem>>, vector<1x16xf32>,
        %get3A_2143 = vector.shape_cast %get3A_2142 : vector<1x16xf32> to vector<16xf32>
        %mul3A_2144 = arith.mulf %get3A_2124, %get3A_2143 : vector<16xf32>
        %add3A_2145 = arith.addf %add3A_2085, %mul3A_2144 : vector<16xf32>
        %get3A_2146 = arith.constant 3 : i32
        %get3A_2147 = arith.index_cast %get3A_2146 : i32 to index
        %get3A_2148 = arith.constant 512 : index
        %get3A_2149 = tpu.vector_load %arg6[%get3A_2147, %get3A_2148] {strides = array<i32>} : memref<8x768xf32, #tpu.memory_space<vmem>>, vector<1x16xf32>,
        %get3A_2150 = vector.shape_cast %get3A_2149 : vector<1x16xf32> to vector<16xf32>
        %mul3A_2151 = arith.mulf %get3A_2124, %get3A_2150 : vector<16xf32>
        %add3A_2152 = arith.addf %add3A_2092, %mul3A_2151 : vector<16xf32>
        %get3A_2153 = arith.constant 4 : i32
        %get3A_2154 = arith.index_cast %get3A_2153 : i32 to index
        %get3A_2155 = arith.constant 512 : index
        %get3A_2156 = tpu.vector_load %arg6[%get3A_2154, %get3A_2155] {strides = array<i32>} : memref<8x768xf32, #tpu.memory_space<vmem>>, vector<1x16xf32>,
        %get3A_2157 = vector.shape_cast %get3A_2156 : vector<1x16xf32> to vector<16xf32>
        %mul3A_2158 = arith.mulf %get3A_2124, %get3A_2157 : vector<16xf32>
        %add3A_2159 = arith.addf %add3A_2099, %mul3A_2158 : vector<16xf32>
        %get3A_2160 = arith.constant 5 : i32
        %get3A_2161 = arith.index_cast %get3A_2160 : i32 to index
        %get3A_2162 = arith.constant 512 : index
        %get3A_2163 = tpu.vector_load %arg6[%get3A_2161, %get3A_2162] {strides = array<i32>} : memref<8x768xf32, #tpu.memory_space<vmem>>, vector<1x16xf32>,
        %get3A_2164 = vector.shape_cast %get3A_2163 : vector<1x16xf32> to vector<16xf32>
        %mul3A_2165 = arith.mulf %get3A_2124, %get3A_2164 : vector<16xf32>
        %add3A_2166 = arith.addf %add3A_2106, %mul3A_2165 : vector<16xf32>
        %get3A_2167 = arith.constant 6 : i32
        %get3A_2168 = arith.index_cast %get3A_2167 : i32 to index
        %get3A_2169 = arith.constant 512 : index
        %get3A_2170 = tpu.vector_load %arg6[%get3A_2168, %get3A_2169] {strides = array<i32>} : memref<8x768xf32, #tpu.memory_space<vmem>>, vector<1x16xf32>,
        %get3A_2171 = vector.shape_cast %get3A_2170 : vector<1x16xf32> to vector<16xf32>
        %mul3A_2172 = arith.mulf %get3A_2124, %get3A_2171 : vector<16xf32>
        %add3A_2173 = arith.addf %add3A_2113, %mul3A_2172 : vector<16xf32>
        %get3A_2174 = arith.constant 7 : i32
        %get3A_2175 = arith.index_cast %get3A_2174 : i32 to index
        %get3A_2176 = arith.constant 512 : index
        %get3A_2177 = tpu.vector_load %arg6[%get3A_2175, %get3A_2176] {strides = array<i32>} : memref<8x768xf32, #tpu.memory_space<vmem>>, vector<1x16xf32>,
        %get3A_2178 = vector.shape_cast %get3A_2177 : vector<1x16xf32> to vector<16xf32>
        %mul3A_2179 = arith.mulf %get3A_2124, %get3A_2178 : vector<16xf32>
        %add3A_2180 = arith.addf %add3A_2120, %mul3A_2179 : vector<16xf32>
        %get3A_2181 = arith.index_cast %scan3A_191 : i32 to index
        %get3A_2182 = arith.constant 528 : index
        %get3A_2183 = tpu.vector_load %arg5[%get3A_2181, %get3A_2182] {strides = array<i32>} : memref<16x768xf32, #tpu.memory_space<vmem>>, vector<1x16xf32>,
        %get3A_2184 = vector.shape_cast %get3A_2183 : vector<1x16xf32> to vector<16xf32>
        %get3A_2185 = arith.constant 0 : i32
        %get3A_2186 = arith.index_cast %get3A_2185 : i32 to index
        %get3A_2187 = arith.constant 528 : index
        %get3A_2188 = tpu.vector_load %arg6[%get3A_2186, %get3A_2187] {strides = array<i32>} : memref<8x768xf32, #tpu.memory_space<vmem>>, vector<1x16xf32>,
        %get3A_2189 = vector.shape_cast %get3A_2188 : vector<1x16xf32> to vector<16xf32>
        %mul3A_2190 = arith.mulf %get3A_2184, %get3A_2189 : vector<16xf32>
        %add3A_2191 = arith.addf %add3A_2131, %mul3A_2190 : vector<16xf32>
        %get3A_2192 = arith.constant 1 : i32
        %get3A_2193 = arith.index_cast %get3A_2192 : i32 to index
        %get3A_2194 = arith.constant 528 : index
        %get3A_2195 = tpu.vector_load %arg6[%get3A_2193, %get3A_2194] {strides = array<i32>} : memref<8x768xf32, #tpu.memory_space<vmem>>, vector<1x16xf32>,
        %get3A_2196 = vector.shape_cast %get3A_2195 : vector<1x16xf32> to vector<16xf32>
        %mul3A_2197 = arith.mulf %get3A_2184, %get3A_2196 : vector<16xf32>
        %add3A_2198 = arith.addf %add3A_2138, %mul3A_2197 : vector<16xf32>
        %get3A_2199 = arith.constant 2 : i32
        %get3A_2200 = arith.index_cast %get3A_2199 : i32 to index
        %get3A_2201 = arith.constant 528 : index
        %get3A_2202 = tpu.vector_load %arg6[%get3A_2200, %get3A_2201] {strides = array<i32>} : memref<8x768xf32, #tpu.memory_space<vmem>>, vector<1x16xf32>,
        %get3A_2203 = vector.shape_cast %get3A_2202 : vector<1x16xf32> to vector<16xf32>
        %mul3A_2204 = arith.mulf %get3A_2184, %get3A_2203 : vector<16xf32>
        %add3A_2205 = arith.addf %add3A_2145, %mul3A_2204 : vector<16xf32>
        %get3A_2206 = arith.constant 3 : i32
        %get3A_2207 = arith.index_cast %get3A_2206 : i32 to index
        %get3A_2208 = arith.constant 528 : index
        %get3A_2209 = tpu.vector_load %arg6[%get3A_2207, %get3A_2208] {strides = array<i32>} : memref<8x768xf32, #tpu.memory_space<vmem>>, vector<1x16xf32>,
        %get3A_2210 = vector.shape_cast %get3A_2209 : vector<1x16xf32> to vector<16xf32>
        %mul3A_2211 = arith.mulf %get3A_2184, %get3A_2210 : vector<16xf32>
        %add3A_2212 = arith.addf %add3A_2152, %mul3A_2211 : vector<16xf32>
        %get3A_2213 = arith.constant 4 : i32
        %get3A_2214 = arith.index_cast %get3A_2213 : i32 to index
        %get3A_2215 = arith.constant 528 : index
        %get3A_2216 = tpu.vector_load %arg6[%get3A_2214, %get3A_2215] {strides = array<i32>} : memref<8x768xf32, #tpu.memory_space<vmem>>, vector<1x16xf32>,
        %get3A_2217 = vector.shape_cast %get3A_2216 : vector<1x16xf32> to vector<16xf32>
        %mul3A_2218 = arith.mulf %get3A_2184, %get3A_2217 : vector<16xf32>
        %add3A_2219 = arith.addf %add3A_2159, %mul3A_2218 : vector<16xf32>
        %get3A_2220 = arith.constant 5 : i32
        %get3A_2221 = arith.index_cast %get3A_2220 : i32 to index
        %get3A_2222 = arith.constant 528 : index
        %get3A_2223 = tpu.vector_load %arg6[%get3A_2221, %get3A_2222] {strides = array<i32>} : memref<8x768xf32, #tpu.memory_space<vmem>>, vector<1x16xf32>,
        %get3A_2224 = vector.shape_cast %get3A_2223 : vector<1x16xf32> to vector<16xf32>
        %mul3A_2225 = arith.mulf %get3A_2184, %get3A_2224 : vector<16xf32>
        %add3A_2226 = arith.addf %add3A_2166, %mul3A_2225 : vector<16xf32>
        %get3A_2227 = arith.constant 6 : i32
        %get3A_2228 = arith.index_cast %get3A_2227 : i32 to index
        %get3A_2229 = arith.constant 528 : index
        %get3A_2230 = tpu.vector_load %arg6[%get3A_2228, %get3A_2229] {strides = array<i32>} : memref<8x768xf32, #tpu.memory_space<vmem>>, vector<1x16xf32>,
        %get3A_2231 = vector.shape_cast %get3A_2230 : vector<1x16xf32> to vector<16xf32>
        %mul3A_2232 = arith.mulf %get3A_2184, %get3A_2231 : vector<16xf32>
        %add3A_2233 = arith.addf %add3A_2173, %mul3A_2232 : vector<16xf32>
        %get3A_2234 = arith.constant 7 : i32
        %get3A_2235 = arith.index_cast %get3A_2234 : i32 to index
        %get3A_2236 = arith.constant 528 : index
        %get3A_2237 = tpu.vector_load %arg6[%get3A_2235, %get3A_2236] {strides = array<i32>} : memref<8x768xf32, #tpu.memory_space<vmem>>, vector<1x16xf32>,
        %get3A_2238 = vector.shape_cast %get3A_2237 : vector<1x16xf32> to vector<16xf32>
        %mul3A_2239 = arith.mulf %get3A_2184, %get3A_2238 : vector<16xf32>
        %add3A_2240 = arith.addf %add3A_2180, %mul3A_2239 : vector<16xf32>
        %get3A_2241 = arith.index_cast %scan3A_191 : i32 to index
        %get3A_2242 = arith.constant 544 : index
        %get3A_2243 = tpu.vector_load %arg5[%get3A_2241, %get3A_2242] {strides = array<i32>} : memref<16x768xf32, #tpu.memory_space<vmem>>, vector<1x16xf32>,
        %get3A_2244 = vector.shape_cast %get3A_2243 : vector<1x16xf32> to vector<16xf32>
        %get3A_2245 = arith.constant 0 : i32
        %get3A_2246 = arith.index_cast %get3A_2245 : i32 to index
        %get3A_2247 = arith.constant 544 : index
        %get3A_2248 = tpu.vector_load %arg6[%get3A_2246, %get3A_2247] {strides = array<i32>} : memref<8x768xf32, #tpu.memory_space<vmem>>, vector<1x16xf32>,
        %get3A_2249 = vector.shape_cast %get3A_2248 : vector<1x16xf32> to vector<16xf32>
        %mul3A_2250 = arith.mulf %get3A_2244, %get3A_2249 : vector<16xf32>
        %add3A_2251 = arith.addf %add3A_2191, %mul3A_2250 : vector<16xf32>
        %get3A_2252 = arith.constant 1 : i32
        %get3A_2253 = arith.index_cast %get3A_2252 : i32 to index
        %get3A_2254 = arith.constant 544 : index
        %get3A_2255 = tpu.vector_load %arg6[%get3A_2253, %get3A_2254] {strides = array<i32>} : memref<8x768xf32, #tpu.memory_space<vmem>>, vector<1x16xf32>,
        %get3A_2256 = vector.shape_cast %get3A_2255 : vector<1x16xf32> to vector<16xf32>
        %mul3A_2257 = arith.mulf %get3A_2244, %get3A_2256 : vector<16xf32>
        %add3A_2258 = arith.addf %add3A_2198, %mul3A_2257 : vector<16xf32>
        %get3A_2259 = arith.constant 2 : i32
        %get3A_2260 = arith.index_cast %get3A_2259 : i32 to index
        %get3A_2261 = arith.constant 544 : index
        %get3A_2262 = tpu.vector_load %arg6[%get3A_2260, %get3A_2261] {strides = array<i32>} : memref<8x768xf32, #tpu.memory_space<vmem>>, vector<1x16xf32>,
        %get3A_2263 = vector.shape_cast %get3A_2262 : vector<1x16xf32> to vector<16xf32>
        %mul3A_2264 = arith.mulf %get3A_2244, %get3A_2263 : vector<16xf32>
        %add3A_2265 = arith.addf %add3A_2205, %mul3A_2264 : vector<16xf32>
        %get3A_2266 = arith.constant 3 : i32
        %get3A_2267 = arith.index_cast %get3A_2266 : i32 to index
        %get3A_2268 = arith.constant 544 : index
        %get3A_2269 = tpu.vector_load %arg6[%get3A_2267, %get3A_2268] {strides = array<i32>} : memref<8x768xf32, #tpu.memory_space<vmem>>, vector<1x16xf32>,
        %get3A_2270 = vector.shape_cast %get3A_2269 : vector<1x16xf32> to vector<16xf32>
        %mul3A_2271 = arith.mulf %get3A_2244, %get3A_2270 : vector<16xf32>
        %add3A_2272 = arith.addf %add3A_2212, %mul3A_2271 : vector<16xf32>
        %get3A_2273 = arith.constant 4 : i32
        %get3A_2274 = arith.index_cast %get3A_2273 : i32 to index
        %get3A_2275 = arith.constant 544 : index
        %get3A_2276 = tpu.vector_load %arg6[%get3A_2274, %get3A_2275] {strides = array<i32>} : memref<8x768xf32, #tpu.memory_space<vmem>>, vector<1x16xf32>,
        %get3A_2277 = vector.shape_cast %get3A_2276 : vector<1x16xf32> to vector<16xf32>
        %mul3A_2278 = arith.mulf %get3A_2244, %get3A_2277 : vector<16xf32>
        %add3A_2279 = arith.addf %add3A_2219, %mul3A_2278 : vector<16xf32>
        %get3A_2280 = arith.constant 5 : i32
        %get3A_2281 = arith.index_cast %get3A_2280 : i32 to index
        %get3A_2282 = arith.constant 544 : index
        %get3A_2283 = tpu.vector_load %arg6[%get3A_2281, %get3A_2282] {strides = array<i32>} : memref<8x768xf32, #tpu.memory_space<vmem>>, vector<1x16xf32>,
        %get3A_2284 = vector.shape_cast %get3A_2283 : vector<1x16xf32> to vector<16xf32>
        %mul3A_2285 = arith.mulf %get3A_2244, %get3A_2284 : vector<16xf32>
        %add3A_2286 = arith.addf %add3A_2226, %mul3A_2285 : vector<16xf32>
        %get3A_2287 = arith.constant 6 : i32
        %get3A_2288 = arith.index_cast %get3A_2287 : i32 to index
        %get3A_2289 = arith.constant 544 : index
        %get3A_2290 = tpu.vector_load %arg6[%get3A_2288, %get3A_2289] {strides = array<i32>} : memref<8x768xf32, #tpu.memory_space<vmem>>, vector<1x16xf32>,
        %get3A_2291 = vector.shape_cast %get3A_2290 : vector<1x16xf32> to vector<16xf32>
        %mul3A_2292 = arith.mulf %get3A_2244, %get3A_2291 : vector<16xf32>
        %add3A_2293 = arith.addf %add3A_2233, %mul3A_2292 : vector<16xf32>
        %get3A_2294 = arith.constant 7 : i32
        %get3A_2295 = arith.index_cast %get3A_2294 : i32 to index
        %get3A_2296 = arith.constant 544 : index
        %get3A_2297 = tpu.vector_load %arg6[%get3A_2295, %get3A_2296] {strides = array<i32>} : memref<8x768xf32, #tpu.memory_space<vmem>>, vector<1x16xf32>,
        %get3A_2298 = vector.shape_cast %get3A_2297 : vector<1x16xf32> to vector<16xf32>
        %mul3A_2299 = arith.mulf %get3A_2244, %get3A_2298 : vector<16xf32>
        %add3A_2300 = arith.addf %add3A_2240, %mul3A_2299 : vector<16xf32>
        %get3A_2301 = arith.index_cast %scan3A_191 : i32 to index
        %get3A_2302 = arith.constant 560 : index
        %get3A_2303 = tpu.vector_load %arg5[%get3A_2301, %get3A_2302] {strides = array<i32>} : memref<16x768xf32, #tpu.memory_space<vmem>>, vector<1x16xf32>,
        %get3A_2304 = vector.shape_cast %get3A_2303 : vector<1x16xf32> to vector<16xf32>
        %get3A_2305 = arith.constant 0 : i32
        %get3A_2306 = arith.index_cast %get3A_2305 : i32 to index
        %get3A_2307 = arith.constant 560 : index
        %get3A_2308 = tpu.vector_load %arg6[%get3A_2306, %get3A_2307] {strides = array<i32>} : memref<8x768xf32, #tpu.memory_space<vmem>>, vector<1x16xf32>,
        %get3A_2309 = vector.shape_cast %get3A_2308 : vector<1x16xf32> to vector<16xf32>
        %mul3A_2310 = arith.mulf %get3A_2304, %get3A_2309 : vector<16xf32>
        %add3A_2311 = arith.addf %add3A_2251, %mul3A_2310 : vector<16xf32>
        %get3A_2312 = arith.constant 1 : i32
        %get3A_2313 = arith.index_cast %get3A_2312 : i32 to index
        %get3A_2314 = arith.constant 560 : index
        %get3A_2315 = tpu.vector_load %arg6[%get3A_2313, %get3A_2314] {strides = array<i32>} : memref<8x768xf32, #tpu.memory_space<vmem>>, vector<1x16xf32>,
        %get3A_2316 = vector.shape_cast %get3A_2315 : vector<1x16xf32> to vector<16xf32>
        %mul3A_2317 = arith.mulf %get3A_2304, %get3A_2316 : vector<16xf32>
        %add3A_2318 = arith.addf %add3A_2258, %mul3A_2317 : vector<16xf32>
        %get3A_2319 = arith.constant 2 : i32
        %get3A_2320 = arith.index_cast %get3A_2319 : i32 to index
        %get3A_2321 = arith.constant 560 : index
        %get3A_2322 = tpu.vector_load %arg6[%get3A_2320, %get3A_2321] {strides = array<i32>} : memref<8x768xf32, #tpu.memory_space<vmem>>, vector<1x16xf32>,
        %get3A_2323 = vector.shape_cast %get3A_2322 : vector<1x16xf32> to vector<16xf32>
        %mul3A_2324 = arith.mulf %get3A_2304, %get3A_2323 : vector<16xf32>
        %add3A_2325 = arith.addf %add3A_2265, %mul3A_2324 : vector<16xf32>
        %get3A_2326 = arith.constant 3 : i32
        %get3A_2327 = arith.index_cast %get3A_2326 : i32 to index
        %get3A_2328 = arith.constant 560 : index
        %get3A_2329 = tpu.vector_load %arg6[%get3A_2327, %get3A_2328] {strides = array<i32>} : memref<8x768xf32, #tpu.memory_space<vmem>>, vector<1x16xf32>,
        %get3A_2330 = vector.shape_cast %get3A_2329 : vector<1x16xf32> to vector<16xf32>
        %mul3A_2331 = arith.mulf %get3A_2304, %get3A_2330 : vector<16xf32>
        %add3A_2332 = arith.addf %add3A_2272, %mul3A_2331 : vector<16xf32>
        %get3A_2333 = arith.constant 4 : i32
        %get3A_2334 = arith.index_cast %get3A_2333 : i32 to index
        %get3A_2335 = arith.constant 560 : index
        %get3A_2336 = tpu.vector_load %arg6[%get3A_2334, %get3A_2335] {strides = array<i32>} : memref<8x768xf32, #tpu.memory_space<vmem>>, vector<1x16xf32>,
        %get3A_2337 = vector.shape_cast %get3A_2336 : vector<1x16xf32> to vector<16xf32>
        %mul3A_2338 = arith.mulf %get3A_2304, %get3A_2337 : vector<16xf32>
        %add3A_2339 = arith.addf %add3A_2279, %mul3A_2338 : vector<16xf32>
        %get3A_2340 = arith.constant 5 : i32
        %get3A_2341 = arith.index_cast %get3A_2340 : i32 to index
        %get3A_2342 = arith.constant 560 : index
        %get3A_2343 = tpu.vector_load %arg6[%get3A_2341, %get3A_2342] {strides = array<i32>} : memref<8x768xf32, #tpu.memory_space<vmem>>, vector<1x16xf32>,
        %get3A_2344 = vector.shape_cast %get3A_2343 : vector<1x16xf32> to vector<16xf32>
        %mul3A_2345 = arith.mulf %get3A_2304, %get3A_2344 : vector<16xf32>
        %add3A_2346 = arith.addf %add3A_2286, %mul3A_2345 : vector<16xf32>
        %get3A_2347 = arith.constant 6 : i32
        %get3A_2348 = arith.index_cast %get3A_2347 : i32 to index
        %get3A_2349 = arith.constant 560 : index
        %get3A_2350 = tpu.vector_load %arg6[%get3A_2348, %get3A_2349] {strides = array<i32>} : memref<8x768xf32, #tpu.memory_space<vmem>>, vector<1x16xf32>,
        %get3A_2351 = vector.shape_cast %get3A_2350 : vector<1x16xf32> to vector<16xf32>
        %mul3A_2352 = arith.mulf %get3A_2304, %get3A_2351 : vector<16xf32>
        %add3A_2353 = arith.addf %add3A_2293, %mul3A_2352 : vector<16xf32>
        %get3A_2354 = arith.constant 7 : i32
        %get3A_2355 = arith.index_cast %get3A_2354 : i32 to index
        %get3A_2356 = arith.constant 560 : index
        %get3A_2357 = tpu.vector_load %arg6[%get3A_2355, %get3A_2356] {strides = array<i32>} : memref<8x768xf32, #tpu.memory_space<vmem>>, vector<1x16xf32>,
        %get3A_2358 = vector.shape_cast %get3A_2357 : vector<1x16xf32> to vector<16xf32>
        %mul3A_2359 = arith.mulf %get3A_2304, %get3A_2358 : vector<16xf32>
        %add3A_2360 = arith.addf %add3A_2300, %mul3A_2359 : vector<16xf32>
        %get3A_2361 = arith.index_cast %scan3A_191 : i32 to index
        %get3A_2362 = arith.constant 576 : index
        %get3A_2363 = tpu.vector_load %arg5[%get3A_2361, %get3A_2362] {strides = array<i32>} : memref<16x768xf32, #tpu.memory_space<vmem>>, vector<1x16xf32>,
        %get3A_2364 = vector.shape_cast %get3A_2363 : vector<1x16xf32> to vector<16xf32>
        %get3A_2365 = arith.constant 0 : i32
        %get3A_2366 = arith.index_cast %get3A_2365 : i32 to index
        %get3A_2367 = arith.constant 576 : index
        %get3A_2368 = tpu.vector_load %arg6[%get3A_2366, %get3A_2367] {strides = array<i32>} : memref<8x768xf32, #tpu.memory_space<vmem>>, vector<1x16xf32>,
        %get3A_2369 = vector.shape_cast %get3A_2368 : vector<1x16xf32> to vector<16xf32>
        %mul3A_2370 = arith.mulf %get3A_2364, %get3A_2369 : vector<16xf32>
        %add3A_2371 = arith.addf %add3A_2311, %mul3A_2370 : vector<16xf32>
        %get3A_2372 = arith.constant 1 : i32
        %get3A_2373 = arith.index_cast %get3A_2372 : i32 to index
        %get3A_2374 = arith.constant 576 : index
        %get3A_2375 = tpu.vector_load %arg6[%get3A_2373, %get3A_2374] {strides = array<i32>} : memref<8x768xf32, #tpu.memory_space<vmem>>, vector<1x16xf32>,
        %get3A_2376 = vector.shape_cast %get3A_2375 : vector<1x16xf32> to vector<16xf32>
        %mul3A_2377 = arith.mulf %get3A_2364, %get3A_2376 : vector<16xf32>
        %add3A_2378 = arith.addf %add3A_2318, %mul3A_2377 : vector<16xf32>
        %get3A_2379 = arith.constant 2 : i32
        %get3A_2380 = arith.index_cast %get3A_2379 : i32 to index
        %get3A_2381 = arith.constant 576 : index
        %get3A_2382 = tpu.vector_load %arg6[%get3A_2380, %get3A_2381] {strides = array<i32>} : memref<8x768xf32, #tpu.memory_space<vmem>>, vector<1x16xf32>,
        %get3A_2383 = vector.shape_cast %get3A_2382 : vector<1x16xf32> to vector<16xf32>
        %mul3A_2384 = arith.mulf %get3A_2364, %get3A_2383 : vector<16xf32>
        %add3A_2385 = arith.addf %add3A_2325, %mul3A_2384 : vector<16xf32>
        %get3A_2386 = arith.constant 3 : i32
        %get3A_2387 = arith.index_cast %get3A_2386 : i32 to index
        %get3A_2388 = arith.constant 576 : index
        %get3A_2389 = tpu.vector_load %arg6[%get3A_2387, %get3A_2388] {strides = array<i32>} : memref<8x768xf32, #tpu.memory_space<vmem>>, vector<1x16xf32>,
        %get3A_2390 = vector.shape_cast %get3A_2389 : vector<1x16xf32> to vector<16xf32>
        %mul3A_2391 = arith.mulf %get3A_2364, %get3A_2390 : vector<16xf32>
        %add3A_2392 = arith.addf %add3A_2332, %mul3A_2391 : vector<16xf32>
        %get3A_2393 = arith.constant 4 : i32
        %get3A_2394 = arith.index_cast %get3A_2393 : i32 to index
        %get3A_2395 = arith.constant 576 : index
        %get3A_2396 = tpu.vector_load %arg6[%get3A_2394, %get3A_2395] {strides = array<i32>} : memref<8x768xf32, #tpu.memory_space<vmem>>, vector<1x16xf32>,
        %get3A_2397 = vector.shape_cast %get3A_2396 : vector<1x16xf32> to vector<16xf32>
        %mul3A_2398 = arith.mulf %get3A_2364, %get3A_2397 : vector<16xf32>
        %add3A_2399 = arith.addf %add3A_2339, %mul3A_2398 : vector<16xf32>
        %get3A_2400 = arith.constant 5 : i32
        %get3A_2401 = arith.index_cast %get3A_2400 : i32 to index
        %get3A_2402 = arith.constant 576 : index
        %get3A_2403 = tpu.vector_load %arg6[%get3A_2401, %get3A_2402] {strides = array<i32>} : memref<8x768xf32, #tpu.memory_space<vmem>>, vector<1x16xf32>,
        %get3A_2404 = vector.shape_cast %get3A_2403 : vector<1x16xf32> to vector<16xf32>
        %mul3A_2405 = arith.mulf %get3A_2364, %get3A_2404 : vector<16xf32>
        %add3A_2406 = arith.addf %add3A_2346, %mul3A_2405 : vector<16xf32>
        %get3A_2407 = arith.constant 6 : i32
        %get3A_2408 = arith.index_cast %get3A_2407 : i32 to index
        %get3A_2409 = arith.constant 576 : index
        %get3A_2410 = tpu.vector_load %arg6[%get3A_2408, %get3A_2409] {strides = array<i32>} : memref<8x768xf32, #tpu.memory_space<vmem>>, vector<1x16xf32>,
        %get3A_2411 = vector.shape_cast %get3A_2410 : vector<1x16xf32> to vector<16xf32>
        %mul3A_2412 = arith.mulf %get3A_2364, %get3A_2411 : vector<16xf32>
        %add3A_2413 = arith.addf %add3A_2353, %mul3A_2412 : vector<16xf32>
        %get3A_2414 = arith.constant 7 : i32
        %get3A_2415 = arith.index_cast %get3A_2414 : i32 to index
        %get3A_2416 = arith.constant 576 : index
        %get3A_2417 = tpu.vector_load %arg6[%get3A_2415, %get3A_2416] {strides = array<i32>} : memref<8x768xf32, #tpu.memory_space<vmem>>, vector<1x16xf32>,
        %get3A_2418 = vector.shape_cast %get3A_2417 : vector<1x16xf32> to vector<16xf32>
        %mul3A_2419 = arith.mulf %get3A_2364, %get3A_2418 : vector<16xf32>
        %add3A_2420 = arith.addf %add3A_2360, %mul3A_2419 : vector<16xf32>
        %get3A_2421 = arith.index_cast %scan3A_191 : i32 to index
        %get3A_2422 = arith.constant 592 : index
        %get3A_2423 = tpu.vector_load %arg5[%get3A_2421, %get3A_2422] {strides = array<i32>} : memref<16x768xf32, #tpu.memory_space<vmem>>, vector<1x16xf32>,
        %get3A_2424 = vector.shape_cast %get3A_2423 : vector<1x16xf32> to vector<16xf32>
        %get3A_2425 = arith.constant 0 : i32
        %get3A_2426 = arith.index_cast %get3A_2425 : i32 to index
        %get3A_2427 = arith.constant 592 : index
        %get3A_2428 = tpu.vector_load %arg6[%get3A_2426, %get3A_2427] {strides = array<i32>} : memref<8x768xf32, #tpu.memory_space<vmem>>, vector<1x16xf32>,
        %get3A_2429 = vector.shape_cast %get3A_2428 : vector<1x16xf32> to vector<16xf32>
        %mul3A_2430 = arith.mulf %get3A_2424, %get3A_2429 : vector<16xf32>
        %add3A_2431 = arith.addf %add3A_2371, %mul3A_2430 : vector<16xf32>
        %get3A_2432 = arith.constant 1 : i32
        %get3A_2433 = arith.index_cast %get3A_2432 : i32 to index
        %get3A_2434 = arith.constant 592 : index
        %get3A_2435 = tpu.vector_load %arg6[%get3A_2433, %get3A_2434] {strides = array<i32>} : memref<8x768xf32, #tpu.memory_space<vmem>>, vector<1x16xf32>,
        %get3A_2436 = vector.shape_cast %get3A_2435 : vector<1x16xf32> to vector<16xf32>
        %mul3A_2437 = arith.mulf %get3A_2424, %get3A_2436 : vector<16xf32>
        %add3A_2438 = arith.addf %add3A_2378, %mul3A_2437 : vector<16xf32>
        %get3A_2439 = arith.constant 2 : i32
        %get3A_2440 = arith.index_cast %get3A_2439 : i32 to index
        %get3A_2441 = arith.constant 592 : index
        %get3A_2442 = tpu.vector_load %arg6[%get3A_2440, %get3A_2441] {strides = array<i32>} : memref<8x768xf32, #tpu.memory_space<vmem>>, vector<1x16xf32>,
        %get3A_2443 = vector.shape_cast %get3A_2442 : vector<1x16xf32> to vector<16xf32>
        %mul3A_2444 = arith.mulf %get3A_2424, %get3A_2443 : vector<16xf32>
        %add3A_2445 = arith.addf %add3A_2385, %mul3A_2444 : vector<16xf32>
        %get3A_2446 = arith.constant 3 : i32
        %get3A_2447 = arith.index_cast %get3A_2446 : i32 to index
        %get3A_2448 = arith.constant 592 : index
        %get3A_2449 = tpu.vector_load %arg6[%get3A_2447, %get3A_2448] {strides = array<i32>} : memref<8x768xf32, #tpu.memory_space<vmem>>, vector<1x16xf32>,
        %get3A_2450 = vector.shape_cast %get3A_2449 : vector<1x16xf32> to vector<16xf32>
        %mul3A_2451 = arith.mulf %get3A_2424, %get3A_2450 : vector<16xf32>
        %add3A_2452 = arith.addf %add3A_2392, %mul3A_2451 : vector<16xf32>
        %get3A_2453 = arith.constant 4 : i32
        %get3A_2454 = arith.index_cast %get3A_2453 : i32 to index
        %get3A_2455 = arith.constant 592 : index
        %get3A_2456 = tpu.vector_load %arg6[%get3A_2454, %get3A_2455] {strides = array<i32>} : memref<8x768xf32, #tpu.memory_space<vmem>>, vector<1x16xf32>,
        %get3A_2457 = vector.shape_cast %get3A_2456 : vector<1x16xf32> to vector<16xf32>
        %mul3A_2458 = arith.mulf %get3A_2424, %get3A_2457 : vector<16xf32>
        %add3A_2459 = arith.addf %add3A_2399, %mul3A_2458 : vector<16xf32>
        %get3A_2460 = arith.constant 5 : i32
        %get3A_2461 = arith.index_cast %get3A_2460 : i32 to index
        %get3A_2462 = arith.constant 592 : index
        %get3A_2463 = tpu.vector_load %arg6[%get3A_2461, %get3A_2462] {strides = array<i32>} : memref<8x768xf32, #tpu.memory_space<vmem>>, vector<1x16xf32>,
        %get3A_2464 = vector.shape_cast %get3A_2463 : vector<1x16xf32> to vector<16xf32>
        %mul3A_2465 = arith.mulf %get3A_2424, %get3A_2464 : vector<16xf32>
        %add3A_2466 = arith.addf %add3A_2406, %mul3A_2465 : vector<16xf32>
        %get3A_2467 = arith.constant 6 : i32
        %get3A_2468 = arith.index_cast %get3A_2467 : i32 to index
        %get3A_2469 = arith.constant 592 : index
        %get3A_2470 = tpu.vector_load %arg6[%get3A_2468, %get3A_2469] {strides = array<i32>} : memref<8x768xf32, #tpu.memory_space<vmem>>, vector<1x16xf32>,
        %get3A_2471 = vector.shape_cast %get3A_2470 : vector<1x16xf32> to vector<16xf32>
        %mul3A_2472 = arith.mulf %get3A_2424, %get3A_2471 : vector<16xf32>
        %add3A_2473 = arith.addf %add3A_2413, %mul3A_2472 : vector<16xf32>
        %get3A_2474 = arith.constant 7 : i32
        %get3A_2475 = arith.index_cast %get3A_2474 : i32 to index
        %get3A_2476 = arith.constant 592 : index
        %get3A_2477 = tpu.vector_load %arg6[%get3A_2475, %get3A_2476] {strides = array<i32>} : memref<8x768xf32, #tpu.memory_space<vmem>>, vector<1x16xf32>,
        %get3A_2478 = vector.shape_cast %get3A_2477 : vector<1x16xf32> to vector<16xf32>
        %mul3A_2479 = arith.mulf %get3A_2424, %get3A_2478 : vector<16xf32>
        %add3A_2480 = arith.addf %add3A_2420, %mul3A_2479 : vector<16xf32>
        %get3A_2481 = arith.index_cast %scan3A_191 : i32 to index
        %get3A_2482 = arith.constant 608 : index
        %get3A_2483 = tpu.vector_load %arg5[%get3A_2481, %get3A_2482] {strides = array<i32>} : memref<16x768xf32, #tpu.memory_space<vmem>>, vector<1x16xf32>,
        %get3A_2484 = vector.shape_cast %get3A_2483 : vector<1x16xf32> to vector<16xf32>
        %get3A_2485 = arith.constant 0 : i32
        %get3A_2486 = arith.index_cast %get3A_2485 : i32 to index
        %get3A_2487 = arith.constant 608 : index
        %get3A_2488 = tpu.vector_load %arg6[%get3A_2486, %get3A_2487] {strides = array<i32>} : memref<8x768xf32, #tpu.memory_space<vmem>>, vector<1x16xf32>,
        %get3A_2489 = vector.shape_cast %get3A_2488 : vector<1x16xf32> to vector<16xf32>
        %mul3A_2490 = arith.mulf %get3A_2484, %get3A_2489 : vector<16xf32>
        %add3A_2491 = arith.addf %add3A_2431, %mul3A_2490 : vector<16xf32>
        %get3A_2492 = arith.constant 1 : i32
        %get3A_2493 = arith.index_cast %get3A_2492 : i32 to index
        %get3A_2494 = arith.constant 608 : index
        %get3A_2495 = tpu.vector_load %arg6[%get3A_2493, %get3A_2494] {strides = array<i32>} : memref<8x768xf32, #tpu.memory_space<vmem>>, vector<1x16xf32>,
        %get3A_2496 = vector.shape_cast %get3A_2495 : vector<1x16xf32> to vector<16xf32>
        %mul3A_2497 = arith.mulf %get3A_2484, %get3A_2496 : vector<16xf32>
        %add3A_2498 = arith.addf %add3A_2438, %mul3A_2497 : vector<16xf32>
        %get3A_2499 = arith.constant 2 : i32
        %get3A_2500 = arith.index_cast %get3A_2499 : i32 to index
        %get3A_2501 = arith.constant 608 : index
        %get3A_2502 = tpu.vector_load %arg6[%get3A_2500, %get3A_2501] {strides = array<i32>} : memref<8x768xf32, #tpu.memory_space<vmem>>, vector<1x16xf32>,
        %get3A_2503 = vector.shape_cast %get3A_2502 : vector<1x16xf32> to vector<16xf32>
        %mul3A_2504 = arith.mulf %get3A_2484, %get3A_2503 : vector<16xf32>
        %add3A_2505 = arith.addf %add3A_2445, %mul3A_2504 : vector<16xf32>
        %get3A_2506 = arith.constant 3 : i32
        %get3A_2507 = arith.index_cast %get3A_2506 : i32 to index
        %get3A_2508 = arith.constant 608 : index
        %get3A_2509 = tpu.vector_load %arg6[%get3A_2507, %get3A_2508] {strides = array<i32>} : memref<8x768xf32, #tpu.memory_space<vmem>>, vector<1x16xf32>,
        %get3A_2510 = vector.shape_cast %get3A_2509 : vector<1x16xf32> to vector<16xf32>
        %mul3A_2511 = arith.mulf %get3A_2484, %get3A_2510 : vector<16xf32>
        %add3A_2512 = arith.addf %add3A_2452, %mul3A_2511 : vector<16xf32>
        %get3A_2513 = arith.constant 4 : i32
        %get3A_2514 = arith.index_cast %get3A_2513 : i32 to index
        %get3A_2515 = arith.constant 608 : index
        %get3A_2516 = tpu.vector_load %arg6[%get3A_2514, %get3A_2515] {strides = array<i32>} : memref<8x768xf32, #tpu.memory_space<vmem>>, vector<1x16xf32>,
        %get3A_2517 = vector.shape_cast %get3A_2516 : vector<1x16xf32> to vector<16xf32>
        %mul3A_2518 = arith.mulf %get3A_2484, %get3A_2517 : vector<16xf32>
        %add3A_2519 = arith.addf %add3A_2459, %mul3A_2518 : vector<16xf32>
        %get3A_2520 = arith.constant 5 : i32
        %get3A_2521 = arith.index_cast %get3A_2520 : i32 to index
        %get3A_2522 = arith.constant 608 : index
        %get3A_2523 = tpu.vector_load %arg6[%get3A_2521, %get3A_2522] {strides = array<i32>} : memref<8x768xf32, #tpu.memory_space<vmem>>, vector<1x16xf32>,
        %get3A_2524 = vector.shape_cast %get3A_2523 : vector<1x16xf32> to vector<16xf32>
        %mul3A_2525 = arith.mulf %get3A_2484, %get3A_2524 : vector<16xf32>
        %add3A_2526 = arith.addf %add3A_2466, %mul3A_2525 : vector<16xf32>
        %get3A_2527 = arith.constant 6 : i32
        %get3A_2528 = arith.index_cast %get3A_2527 : i32 to index
        %get3A_2529 = arith.constant 608 : index
        %get3A_2530 = tpu.vector_load %arg6[%get3A_2528, %get3A_2529] {strides = array<i32>} : memref<8x768xf32, #tpu.memory_space<vmem>>, vector<1x16xf32>,
        %get3A_2531 = vector.shape_cast %get3A_2530 : vector<1x16xf32> to vector<16xf32>
        %mul3A_2532 = arith.mulf %get3A_2484, %get3A_2531 : vector<16xf32>
        %add3A_2533 = arith.addf %add3A_2473, %mul3A_2532 : vector<16xf32>
        %get3A_2534 = arith.constant 7 : i32
        %get3A_2535 = arith.index_cast %get3A_2534 : i32 to index
        %get3A_2536 = arith.constant 608 : index
        %get3A_2537 = tpu.vector_load %arg6[%get3A_2535, %get3A_2536] {strides = array<i32>} : memref<8x768xf32, #tpu.memory_space<vmem>>, vector<1x16xf32>,
        %get3A_2538 = vector.shape_cast %get3A_2537 : vector<1x16xf32> to vector<16xf32>
        %mul3A_2539 = arith.mulf %get3A_2484, %get3A_2538 : vector<16xf32>
        %add3A_2540 = arith.addf %add3A_2480, %mul3A_2539 : vector<16xf32>
        %get3A_2541 = arith.index_cast %scan3A_191 : i32 to index
        %get3A_2542 = arith.constant 624 : index
        %get3A_2543 = tpu.vector_load %arg5[%get3A_2541, %get3A_2542] {strides = array<i32>} : memref<16x768xf32, #tpu.memory_space<vmem>>, vector<1x16xf32>,
        %get3A_2544 = vector.shape_cast %get3A_2543 : vector<1x16xf32> to vector<16xf32>
        %get3A_2545 = arith.constant 0 : i32
        %get3A_2546 = arith.index_cast %get3A_2545 : i32 to index
        %get3A_2547 = arith.constant 624 : index
        %get3A_2548 = tpu.vector_load %arg6[%get3A_2546, %get3A_2547] {strides = array<i32>} : memref<8x768xf32, #tpu.memory_space<vmem>>, vector<1x16xf32>,
        %get3A_2549 = vector.shape_cast %get3A_2548 : vector<1x16xf32> to vector<16xf32>
        %mul3A_2550 = arith.mulf %get3A_2544, %get3A_2549 : vector<16xf32>
        %add3A_2551 = arith.addf %add3A_2491, %mul3A_2550 : vector<16xf32>
        %get3A_2552 = arith.constant 1 : i32
        %get3A_2553 = arith.index_cast %get3A_2552 : i32 to index
        %get3A_2554 = arith.constant 624 : index
        %get3A_2555 = tpu.vector_load %arg6[%get3A_2553, %get3A_2554] {strides = array<i32>} : memref<8x768xf32, #tpu.memory_space<vmem>>, vector<1x16xf32>,
        %get3A_2556 = vector.shape_cast %get3A_2555 : vector<1x16xf32> to vector<16xf32>
        %mul3A_2557 = arith.mulf %get3A_2544, %get3A_2556 : vector<16xf32>
        %add3A_2558 = arith.addf %add3A_2498, %mul3A_2557 : vector<16xf32>
        %get3A_2559 = arith.constant 2 : i32
        %get3A_2560 = arith.index_cast %get3A_2559 : i32 to index
        %get3A_2561 = arith.constant 624 : index
        %get3A_2562 = tpu.vector_load %arg6[%get3A_2560, %get3A_2561] {strides = array<i32>} : memref<8x768xf32, #tpu.memory_space<vmem>>, vector<1x16xf32>,
        %get3A_2563 = vector.shape_cast %get3A_2562 : vector<1x16xf32> to vector<16xf32>
        %mul3A_2564 = arith.mulf %get3A_2544, %get3A_2563 : vector<16xf32>
        %add3A_2565 = arith.addf %add3A_2505, %mul3A_2564 : vector<16xf32>
        %get3A_2566 = arith.constant 3 : i32
        %get3A_2567 = arith.index_cast %get3A_2566 : i32 to index
        %get3A_2568 = arith.constant 624 : index
        %get3A_2569 = tpu.vector_load %arg6[%get3A_2567, %get3A_2568] {strides = array<i32>} : memref<8x768xf32, #tpu.memory_space<vmem>>, vector<1x16xf32>,
        %get3A_2570 = vector.shape_cast %get3A_2569 : vector<1x16xf32> to vector<16xf32>
        %mul3A_2571 = arith.mulf %get3A_2544, %get3A_2570 : vector<16xf32>
        %add3A_2572 = arith.addf %add3A_2512, %mul3A_2571 : vector<16xf32>
        %get3A_2573 = arith.constant 4 : i32
        %get3A_2574 = arith.index_cast %get3A_2573 : i32 to index
        %get3A_2575 = arith.constant 624 : index
        %get3A_2576 = tpu.vector_load %arg6[%get3A_2574, %get3A_2575] {strides = array<i32>} : memref<8x768xf32, #tpu.memory_space<vmem>>, vector<1x16xf32>,
        %get3A_2577 = vector.shape_cast %get3A_2576 : vector<1x16xf32> to vector<16xf32>
        %mul3A_2578 = arith.mulf %get3A_2544, %get3A_2577 : vector<16xf32>
        %add3A_2579 = arith.addf %add3A_2519, %mul3A_2578 : vector<16xf32>
        %get3A_2580 = arith.constant 5 : i32
        %get3A_2581 = arith.index_cast %get3A_2580 : i32 to index
        %get3A_2582 = arith.constant 624 : index
        %get3A_2583 = tpu.vector_load %arg6[%get3A_2581, %get3A_2582] {strides = array<i32>} : memref<8x768xf32, #tpu.memory_space<vmem>>, vector<1x16xf32>,
        %get3A_2584 = vector.shape_cast %get3A_2583 : vector<1x16xf32> to vector<16xf32>
        %mul3A_2585 = arith.mulf %get3A_2544, %get3A_2584 : vector<16xf32>
        %add3A_2586 = arith.addf %add3A_2526, %mul3A_2585 : vector<16xf32>
        %get3A_2587 = arith.constant 6 : i32
        %get3A_2588 = arith.index_cast %get3A_2587 : i32 to index
        %get3A_2589 = arith.constant 624 : index
        %get3A_2590 = tpu.vector_load %arg6[%get3A_2588, %get3A_2589] {strides = array<i32>} : memref<8x768xf32, #tpu.memory_space<vmem>>, vector<1x16xf32>,
        %get3A_2591 = vector.shape_cast %get3A_2590 : vector<1x16xf32> to vector<16xf32>
        %mul3A_2592 = arith.mulf %get3A_2544, %get3A_2591 : vector<16xf32>
        %add3A_2593 = arith.addf %add3A_2533, %mul3A_2592 : vector<16xf32>
        %get3A_2594 = arith.constant 7 : i32
        %get3A_2595 = arith.index_cast %get3A_2594 : i32 to index
        %get3A_2596 = arith.constant 624 : index
        %get3A_2597 = tpu.vector_load %arg6[%get3A_2595, %get3A_2596] {strides = array<i32>} : memref<8x768xf32, #tpu.memory_space<vmem>>, vector<1x16xf32>,
        %get3A_2598 = vector.shape_cast %get3A_2597 : vector<1x16xf32> to vector<16xf32>
        %mul3A_2599 = arith.mulf %get3A_2544, %get3A_2598 : vector<16xf32>
        %add3A_2600 = arith.addf %add3A_2540, %mul3A_2599 : vector<16xf32>
        %get3A_2601 = arith.index_cast %scan3A_191 : i32 to index
        %get3A_2602 = arith.constant 640 : index
        %get3A_2603 = tpu.vector_load %arg5[%get3A_2601, %get3A_2602] {strides = array<i32>} : memref<16x768xf32, #tpu.memory_space<vmem>>, vector<1x16xf32>,
        %get3A_2604 = vector.shape_cast %get3A_2603 : vector<1x16xf32> to vector<16xf32>
        %get3A_2605 = arith.constant 0 : i32
        %get3A_2606 = arith.index_cast %get3A_2605 : i32 to index
        %get3A_2607 = arith.constant 640 : index
        %get3A_2608 = tpu.vector_load %arg6[%get3A_2606, %get3A_2607] {strides = array<i32>} : memref<8x768xf32, #tpu.memory_space<vmem>>, vector<1x16xf32>,
        %get3A_2609 = vector.shape_cast %get3A_2608 : vector<1x16xf32> to vector<16xf32>
        %mul3A_2610 = arith.mulf %get3A_2604, %get3A_2609 : vector<16xf32>
        %add3A_2611 = arith.addf %add3A_2551, %mul3A_2610 : vector<16xf32>
        %get3A_2612 = arith.constant 1 : i32
        %get3A_2613 = arith.index_cast %get3A_2612 : i32 to index
        %get3A_2614 = arith.constant 640 : index
        %get3A_2615 = tpu.vector_load %arg6[%get3A_2613, %get3A_2614] {strides = array<i32>} : memref<8x768xf32, #tpu.memory_space<vmem>>, vector<1x16xf32>,
        %get3A_2616 = vector.shape_cast %get3A_2615 : vector<1x16xf32> to vector<16xf32>
        %mul3A_2617 = arith.mulf %get3A_2604, %get3A_2616 : vector<16xf32>
        %add3A_2618 = arith.addf %add3A_2558, %mul3A_2617 : vector<16xf32>
        %get3A_2619 = arith.constant 2 : i32
        %get3A_2620 = arith.index_cast %get3A_2619 : i32 to index
        %get3A_2621 = arith.constant 640 : index
        %get3A_2622 = tpu.vector_load %arg6[%get3A_2620, %get3A_2621] {strides = array<i32>} : memref<8x768xf32, #tpu.memory_space<vmem>>, vector<1x16xf32>,
        %get3A_2623 = vector.shape_cast %get3A_2622 : vector<1x16xf32> to vector<16xf32>
        %mul3A_2624 = arith.mulf %get3A_2604, %get3A_2623 : vector<16xf32>
        %add3A_2625 = arith.addf %add3A_2565, %mul3A_2624 : vector<16xf32>
        %get3A_2626 = arith.constant 3 : i32
        %get3A_2627 = arith.index_cast %get3A_2626 : i32 to index
        %get3A_2628 = arith.constant 640 : index
        %get3A_2629 = tpu.vector_load %arg6[%get3A_2627, %get3A_2628] {strides = array<i32>} : memref<8x768xf32, #tpu.memory_space<vmem>>, vector<1x16xf32>,
        %get3A_2630 = vector.shape_cast %get3A_2629 : vector<1x16xf32> to vector<16xf32>
        %mul3A_2631 = arith.mulf %get3A_2604, %get3A_2630 : vector<16xf32>
        %add3A_2632 = arith.addf %add3A_2572, %mul3A_2631 : vector<16xf32>
        %get3A_2633 = arith.constant 4 : i32
        %get3A_2634 = arith.index_cast %get3A_2633 : i32 to index
        %get3A_2635 = arith.constant 640 : index
        %get3A_2636 = tpu.vector_load %arg6[%get3A_2634, %get3A_2635] {strides = array<i32>} : memref<8x768xf32, #tpu.memory_space<vmem>>, vector<1x16xf32>,
        %get3A_2637 = vector.shape_cast %get3A_2636 : vector<1x16xf32> to vector<16xf32>
        %mul3A_2638 = arith.mulf %get3A_2604, %get3A_2637 : vector<16xf32>
        %add3A_2639 = arith.addf %add3A_2579, %mul3A_2638 : vector<16xf32>
        %get3A_2640 = arith.constant 5 : i32
        %get3A_2641 = arith.index_cast %get3A_2640 : i32 to index
        %get3A_2642 = arith.constant 640 : index
        %get3A_2643 = tpu.vector_load %arg6[%get3A_2641, %get3A_2642] {strides = array<i32>} : memref<8x768xf32, #tpu.memory_space<vmem>>, vector<1x16xf32>,
        %get3A_2644 = vector.shape_cast %get3A_2643 : vector<1x16xf32> to vector<16xf32>
        %mul3A_2645 = arith.mulf %get3A_2604, %get3A_2644 : vector<16xf32>
        %add3A_2646 = arith.addf %add3A_2586, %mul3A_2645 : vector<16xf32>
        %get3A_2647 = arith.constant 6 : i32
        %get3A_2648 = arith.index_cast %get3A_2647 : i32 to index
        %get3A_2649 = arith.constant 640 : index
        %get3A_2650 = tpu.vector_load %arg6[%get3A_2648, %get3A_2649] {strides = array<i32>} : memref<8x768xf32, #tpu.memory_space<vmem>>, vector<1x16xf32>,
        %get3A_2651 = vector.shape_cast %get3A_2650 : vector<1x16xf32> to vector<16xf32>
        %mul3A_2652 = arith.mulf %get3A_2604, %get3A_2651 : vector<16xf32>
        %add3A_2653 = arith.addf %add3A_2593, %mul3A_2652 : vector<16xf32>
        %get3A_2654 = arith.constant 7 : i32
        %get3A_2655 = arith.index_cast %get3A_2654 : i32 to index
        %get3A_2656 = arith.constant 640 : index
        %get3A_2657 = tpu.vector_load %arg6[%get3A_2655, %get3A_2656] {strides = array<i32>} : memref<8x768xf32, #tpu.memory_space<vmem>>, vector<1x16xf32>,
        %get3A_2658 = vector.shape_cast %get3A_2657 : vector<1x16xf32> to vector<16xf32>
        %mul3A_2659 = arith.mulf %get3A_2604, %get3A_2658 : vector<16xf32>
        %add3A_2660 = arith.addf %add3A_2600, %mul3A_2659 : vector<16xf32>
        %get3A_2661 = arith.index_cast %scan3A_191 : i32 to index
        %get3A_2662 = arith.constant 656 : index
        %get3A_2663 = tpu.vector_load %arg5[%get3A_2661, %get3A_2662] {strides = array<i32>} : memref<16x768xf32, #tpu.memory_space<vmem>>, vector<1x16xf32>,
        %get3A_2664 = vector.shape_cast %get3A_2663 : vector<1x16xf32> to vector<16xf32>
        %get3A_2665 = arith.constant 0 : i32
        %get3A_2666 = arith.index_cast %get3A_2665 : i32 to index
        %get3A_2667 = arith.constant 656 : index
        %get3A_2668 = tpu.vector_load %arg6[%get3A_2666, %get3A_2667] {strides = array<i32>} : memref<8x768xf32, #tpu.memory_space<vmem>>, vector<1x16xf32>,
        %get3A_2669 = vector.shape_cast %get3A_2668 : vector<1x16xf32> to vector<16xf32>
        %mul3A_2670 = arith.mulf %get3A_2664, %get3A_2669 : vector<16xf32>
        %add3A_2671 = arith.addf %add3A_2611, %mul3A_2670 : vector<16xf32>
        %get3A_2672 = arith.constant 1 : i32
        %get3A_2673 = arith.index_cast %get3A_2672 : i32 to index
        %get3A_2674 = arith.constant 656 : index
        %get3A_2675 = tpu.vector_load %arg6[%get3A_2673, %get3A_2674] {strides = array<i32>} : memref<8x768xf32, #tpu.memory_space<vmem>>, vector<1x16xf32>,
        %get3A_2676 = vector.shape_cast %get3A_2675 : vector<1x16xf32> to vector<16xf32>
        %mul3A_2677 = arith.mulf %get3A_2664, %get3A_2676 : vector<16xf32>
        %add3A_2678 = arith.addf %add3A_2618, %mul3A_2677 : vector<16xf32>
        %get3A_2679 = arith.constant 2 : i32
        %get3A_2680 = arith.index_cast %get3A_2679 : i32 to index
        %get3A_2681 = arith.constant 656 : index
        %get3A_2682 = tpu.vector_load %arg6[%get3A_2680, %get3A_2681] {strides = array<i32>} : memref<8x768xf32, #tpu.memory_space<vmem>>, vector<1x16xf32>,
        %get3A_2683 = vector.shape_cast %get3A_2682 : vector<1x16xf32> to vector<16xf32>
        %mul3A_2684 = arith.mulf %get3A_2664, %get3A_2683 : vector<16xf32>
        %add3A_2685 = arith.addf %add3A_2625, %mul3A_2684 : vector<16xf32>
        %get3A_2686 = arith.constant 3 : i32
        %get3A_2687 = arith.index_cast %get3A_2686 : i32 to index
        %get3A_2688 = arith.constant 656 : index
        %get3A_2689 = tpu.vector_load %arg6[%get3A_2687, %get3A_2688] {strides = array<i32>} : memref<8x768xf32, #tpu.memory_space<vmem>>, vector<1x16xf32>,
        %get3A_2690 = vector.shape_cast %get3A_2689 : vector<1x16xf32> to vector<16xf32>
        %mul3A_2691 = arith.mulf %get3A_2664, %get3A_2690 : vector<16xf32>
        %add3A_2692 = arith.addf %add3A_2632, %mul3A_2691 : vector<16xf32>
        %get3A_2693 = arith.constant 4 : i32
        %get3A_2694 = arith.index_cast %get3A_2693 : i32 to index
        %get3A_2695 = arith.constant 656 : index
        %get3A_2696 = tpu.vector_load %arg6[%get3A_2694, %get3A_2695] {strides = array<i32>} : memref<8x768xf32, #tpu.memory_space<vmem>>, vector<1x16xf32>,
        %get3A_2697 = vector.shape_cast %get3A_2696 : vector<1x16xf32> to vector<16xf32>
        %mul3A_2698 = arith.mulf %get3A_2664, %get3A_2697 : vector<16xf32>
        %add3A_2699 = arith.addf %add3A_2639, %mul3A_2698 : vector<16xf32>
        %get3A_2700 = arith.constant 5 : i32
        %get3A_2701 = arith.index_cast %get3A_2700 : i32 to index
        %get3A_2702 = arith.constant 656 : index
        %get3A_2703 = tpu.vector_load %arg6[%get3A_2701, %get3A_2702] {strides = array<i32>} : memref<8x768xf32, #tpu.memory_space<vmem>>, vector<1x16xf32>,
        %get3A_2704 = vector.shape_cast %get3A_2703 : vector<1x16xf32> to vector<16xf32>
        %mul3A_2705 = arith.mulf %get3A_2664, %get3A_2704 : vector<16xf32>
        %add3A_2706 = arith.addf %add3A_2646, %mul3A_2705 : vector<16xf32>
        %get3A_2707 = arith.constant 6 : i32
        %get3A_2708 = arith.index_cast %get3A_2707 : i32 to index
        %get3A_2709 = arith.constant 656 : index
        %get3A_2710 = tpu.vector_load %arg6[%get3A_2708, %get3A_2709] {strides = array<i32>} : memref<8x768xf32, #tpu.memory_space<vmem>>, vector<1x16xf32>,
        %get3A_2711 = vector.shape_cast %get3A_2710 : vector<1x16xf32> to vector<16xf32>
        %mul3A_2712 = arith.mulf %get3A_2664, %get3A_2711 : vector<16xf32>
        %add3A_2713 = arith.addf %add3A_2653, %mul3A_2712 : vector<16xf32>
        %get3A_2714 = arith.constant 7 : i32
        %get3A_2715 = arith.index_cast %get3A_2714 : i32 to index
        %get3A_2716 = arith.constant 656 : index
        %get3A_2717 = tpu.vector_load %arg6[%get3A_2715, %get3A_2716] {strides = array<i32>} : memref<8x768xf32, #tpu.memory_space<vmem>>, vector<1x16xf32>,
        %get3A_2718 = vector.shape_cast %get3A_2717 : vector<1x16xf32> to vector<16xf32>
        %mul3A_2719 = arith.mulf %get3A_2664, %get3A_2718 : vector<16xf32>
        %add3A_2720 = arith.addf %add3A_2660, %mul3A_2719 : vector<16xf32>
        %get3A_2721 = arith.index_cast %scan3A_191 : i32 to index
        %get3A_2722 = arith.constant 672 : index
        %get3A_2723 = tpu.vector_load %arg5[%get3A_2721, %get3A_2722] {strides = array<i32>} : memref<16x768xf32, #tpu.memory_space<vmem>>, vector<1x16xf32>,
        %get3A_2724 = vector.shape_cast %get3A_2723 : vector<1x16xf32> to vector<16xf32>
        %get3A_2725 = arith.constant 0 : i32
        %get3A_2726 = arith.index_cast %get3A_2725 : i32 to index
        %get3A_2727 = arith.constant 672 : index
        %get3A_2728 = tpu.vector_load %arg6[%get3A_2726, %get3A_2727] {strides = array<i32>} : memref<8x768xf32, #tpu.memory_space<vmem>>, vector<1x16xf32>,
        %get3A_2729 = vector.shape_cast %get3A_2728 : vector<1x16xf32> to vector<16xf32>
        %mul3A_2730 = arith.mulf %get3A_2724, %get3A_2729 : vector<16xf32>
        %add3A_2731 = arith.addf %add3A_2671, %mul3A_2730 : vector<16xf32>
        %get3A_2732 = arith.constant 1 : i32
        %get3A_2733 = arith.index_cast %get3A_2732 : i32 to index
        %get3A_2734 = arith.constant 672 : index
        %get3A_2735 = tpu.vector_load %arg6[%get3A_2733, %get3A_2734] {strides = array<i32>} : memref<8x768xf32, #tpu.memory_space<vmem>>, vector<1x16xf32>,
        %get3A_2736 = vector.shape_cast %get3A_2735 : vector<1x16xf32> to vector<16xf32>
        %mul3A_2737 = arith.mulf %get3A_2724, %get3A_2736 : vector<16xf32>
        %add3A_2738 = arith.addf %add3A_2678, %mul3A_2737 : vector<16xf32>
        %get3A_2739 = arith.constant 2 : i32
        %get3A_2740 = arith.index_cast %get3A_2739 : i32 to index
        %get3A_2741 = arith.constant 672 : index
        %get3A_2742 = tpu.vector_load %arg6[%get3A_2740, %get3A_2741] {strides = array<i32>} : memref<8x768xf32, #tpu.memory_space<vmem>>, vector<1x16xf32>,
        %get3A_2743 = vector.shape_cast %get3A_2742 : vector<1x16xf32> to vector<16xf32>
        %mul3A_2744 = arith.mulf %get3A_2724, %get3A_2743 : vector<16xf32>
        %add3A_2745 = arith.addf %add3A_2685, %mul3A_2744 : vector<16xf32>
        %get3A_2746 = arith.constant 3 : i32
        %get3A_2747 = arith.index_cast %get3A_2746 : i32 to index
        %get3A_2748 = arith.constant 672 : index
        %get3A_2749 = tpu.vector_load %arg6[%get3A_2747, %get3A_2748] {strides = array<i32>} : memref<8x768xf32, #tpu.memory_space<vmem>>, vector<1x16xf32>,
        %get3A_2750 = vector.shape_cast %get3A_2749 : vector<1x16xf32> to vector<16xf32>
        %mul3A_2751 = arith.mulf %get3A_2724, %get3A_2750 : vector<16xf32>
        %add3A_2752 = arith.addf %add3A_2692, %mul3A_2751 : vector<16xf32>
        %get3A_2753 = arith.constant 4 : i32
        %get3A_2754 = arith.index_cast %get3A_2753 : i32 to index
        %get3A_2755 = arith.constant 672 : index
        %get3A_2756 = tpu.vector_load %arg6[%get3A_2754, %get3A_2755] {strides = array<i32>} : memref<8x768xf32, #tpu.memory_space<vmem>>, vector<1x16xf32>,
        %get3A_2757 = vector.shape_cast %get3A_2756 : vector<1x16xf32> to vector<16xf32>
        %mul3A_2758 = arith.mulf %get3A_2724, %get3A_2757 : vector<16xf32>
        %add3A_2759 = arith.addf %add3A_2699, %mul3A_2758 : vector<16xf32>
        %get3A_2760 = arith.constant 5 : i32
        %get3A_2761 = arith.index_cast %get3A_2760 : i32 to index
        %get3A_2762 = arith.constant 672 : index
        %get3A_2763 = tpu.vector_load %arg6[%get3A_2761, %get3A_2762] {strides = array<i32>} : memref<8x768xf32, #tpu.memory_space<vmem>>, vector<1x16xf32>,
        %get3A_2764 = vector.shape_cast %get3A_2763 : vector<1x16xf32> to vector<16xf32>
        %mul3A_2765 = arith.mulf %get3A_2724, %get3A_2764 : vector<16xf32>
        %add3A_2766 = arith.addf %add3A_2706, %mul3A_2765 : vector<16xf32>
        %get3A_2767 = arith.constant 6 : i32
        %get3A_2768 = arith.index_cast %get3A_2767 : i32 to index
        %get3A_2769 = arith.constant 672 : index
        %get3A_2770 = tpu.vector_load %arg6[%get3A_2768, %get3A_2769] {strides = array<i32>} : memref<8x768xf32, #tpu.memory_space<vmem>>, vector<1x16xf32>,
        %get3A_2771 = vector.shape_cast %get3A_2770 : vector<1x16xf32> to vector<16xf32>
        %mul3A_2772 = arith.mulf %get3A_2724, %get3A_2771 : vector<16xf32>
        %add3A_2773 = arith.addf %add3A_2713, %mul3A_2772 : vector<16xf32>
        %get3A_2774 = arith.constant 7 : i32
        %get3A_2775 = arith.index_cast %get3A_2774 : i32 to index
        %get3A_2776 = arith.constant 672 : index
        %get3A_2777 = tpu.vector_load %arg6[%get3A_2775, %get3A_2776] {strides = array<i32>} : memref<8x768xf32, #tpu.memory_space<vmem>>, vector<1x16xf32>,
        %get3A_2778 = vector.shape_cast %get3A_2777 : vector<1x16xf32> to vector<16xf32>
        %mul3A_2779 = arith.mulf %get3A_2724, %get3A_2778 : vector<16xf32>
        %add3A_2780 = arith.addf %add3A_2720, %mul3A_2779 : vector<16xf32>
        %get3A_2781 = arith.index_cast %scan3A_191 : i32 to index
        %get3A_2782 = arith.constant 688 : index
        %get3A_2783 = tpu.vector_load %arg5[%get3A_2781, %get3A_2782] {strides = array<i32>} : memref<16x768xf32, #tpu.memory_space<vmem>>, vector<1x16xf32>,
        %get3A_2784 = vector.shape_cast %get3A_2783 : vector<1x16xf32> to vector<16xf32>
        %get3A_2785 = arith.constant 0 : i32
        %get3A_2786 = arith.index_cast %get3A_2785 : i32 to index
        %get3A_2787 = arith.constant 688 : index
        %get3A_2788 = tpu.vector_load %arg6[%get3A_2786, %get3A_2787] {strides = array<i32>} : memref<8x768xf32, #tpu.memory_space<vmem>>, vector<1x16xf32>,
        %get3A_2789 = vector.shape_cast %get3A_2788 : vector<1x16xf32> to vector<16xf32>
        %mul3A_2790 = arith.mulf %get3A_2784, %get3A_2789 : vector<16xf32>
        %add3A_2791 = arith.addf %add3A_2731, %mul3A_2790 : vector<16xf32>
        %get3A_2792 = arith.constant 1 : i32
        %get3A_2793 = arith.index_cast %get3A_2792 : i32 to index
        %get3A_2794 = arith.constant 688 : index
        %get3A_2795 = tpu.vector_load %arg6[%get3A_2793, %get3A_2794] {strides = array<i32>} : memref<8x768xf32, #tpu.memory_space<vmem>>, vector<1x16xf32>,
        %get3A_2796 = vector.shape_cast %get3A_2795 : vector<1x16xf32> to vector<16xf32>
        %mul3A_2797 = arith.mulf %get3A_2784, %get3A_2796 : vector<16xf32>
        %add3A_2798 = arith.addf %add3A_2738, %mul3A_2797 : vector<16xf32>
        %get3A_2799 = arith.constant 2 : i32
        %get3A_2800 = arith.index_cast %get3A_2799 : i32 to index
        %get3A_2801 = arith.constant 688 : index
        %get3A_2802 = tpu.vector_load %arg6[%get3A_2800, %get3A_2801] {strides = array<i32>} : memref<8x768xf32, #tpu.memory_space<vmem>>, vector<1x16xf32>,
        %get3A_2803 = vector.shape_cast %get3A_2802 : vector<1x16xf32> to vector<16xf32>
        %mul3A_2804 = arith.mulf %get3A_2784, %get3A_2803 : vector<16xf32>
        %add3A_2805 = arith.addf %add3A_2745, %mul3A_2804 : vector<16xf32>
        %get3A_2806 = arith.constant 3 : i32
        %get3A_2807 = arith.index_cast %get3A_2806 : i32 to index
        %get3A_2808 = arith.constant 688 : index
        %get3A_2809 = tpu.vector_load %arg6[%get3A_2807, %get3A_2808] {strides = array<i32>} : memref<8x768xf32, #tpu.memory_space<vmem>>, vector<1x16xf32>,
        %get3A_2810 = vector.shape_cast %get3A_2809 : vector<1x16xf32> to vector<16xf32>
        %mul3A_2811 = arith.mulf %get3A_2784, %get3A_2810 : vector<16xf32>
        %add3A_2812 = arith.addf %add3A_2752, %mul3A_2811 : vector<16xf32>
        %get3A_2813 = arith.constant 4 : i32
        %get3A_2814 = arith.index_cast %get3A_2813 : i32 to index
        %get3A_2815 = arith.constant 688 : index
        %get3A_2816 = tpu.vector_load %arg6[%get3A_2814, %get3A_2815] {strides = array<i32>} : memref<8x768xf32, #tpu.memory_space<vmem>>, vector<1x16xf32>,
        %get3A_2817 = vector.shape_cast %get3A_2816 : vector<1x16xf32> to vector<16xf32>
        %mul3A_2818 = arith.mulf %get3A_2784, %get3A_2817 : vector<16xf32>
        %add3A_2819 = arith.addf %add3A_2759, %mul3A_2818 : vector<16xf32>
        %get3A_2820 = arith.constant 5 : i32
        %get3A_2821 = arith.index_cast %get3A_2820 : i32 to index
        %get3A_2822 = arith.constant 688 : index
        %get3A_2823 = tpu.vector_load %arg6[%get3A_2821, %get3A_2822] {strides = array<i32>} : memref<8x768xf32, #tpu.memory_space<vmem>>, vector<1x16xf32>,
        %get3A_2824 = vector.shape_cast %get3A_2823 : vector<1x16xf32> to vector<16xf32>
        %mul3A_2825 = arith.mulf %get3A_2784, %get3A_2824 : vector<16xf32>
        %add3A_2826 = arith.addf %add3A_2766, %mul3A_2825 : vector<16xf32>
        %get3A_2827 = arith.constant 6 : i32
        %get3A_2828 = arith.index_cast %get3A_2827 : i32 to index
        %get3A_2829 = arith.constant 688 : index
        %get3A_2830 = tpu.vector_load %arg6[%get3A_2828, %get3A_2829] {strides = array<i32>} : memref<8x768xf32, #tpu.memory_space<vmem>>, vector<1x16xf32>,
        %get3A_2831 = vector.shape_cast %get3A_2830 : vector<1x16xf32> to vector<16xf32>
        %mul3A_2832 = arith.mulf %get3A_2784, %get3A_2831 : vector<16xf32>
        %add3A_2833 = arith.addf %add3A_2773, %mul3A_2832 : vector<16xf32>
        %get3A_2834 = arith.constant 7 : i32
        %get3A_2835 = arith.index_cast %get3A_2834 : i32 to index
        %get3A_2836 = arith.constant 688 : index
        %get3A_2837 = tpu.vector_load %arg6[%get3A_2835, %get3A_2836] {strides = array<i32>} : memref<8x768xf32, #tpu.memory_space<vmem>>, vector<1x16xf32>,
        %get3A_2838 = vector.shape_cast %get3A_2837 : vector<1x16xf32> to vector<16xf32>
        %mul3A_2839 = arith.mulf %get3A_2784, %get3A_2838 : vector<16xf32>
        %add3A_2840 = arith.addf %add3A_2780, %mul3A_2839 : vector<16xf32>
        %get3A_2841 = arith.index_cast %scan3A_191 : i32 to index
        %get3A_2842 = arith.constant 704 : index
        %get3A_2843 = tpu.vector_load %arg5[%get3A_2841, %get3A_2842] {strides = array<i32>} : memref<16x768xf32, #tpu.memory_space<vmem>>, vector<1x16xf32>,
        %get3A_2844 = vector.shape_cast %get3A_2843 : vector<1x16xf32> to vector<16xf32>
        %get3A_2845 = arith.constant 0 : i32
        %get3A_2846 = arith.index_cast %get3A_2845 : i32 to index
        %get3A_2847 = arith.constant 704 : index
        %get3A_2848 = tpu.vector_load %arg6[%get3A_2846, %get3A_2847] {strides = array<i32>} : memref<8x768xf32, #tpu.memory_space<vmem>>, vector<1x16xf32>,
        %get3A_2849 = vector.shape_cast %get3A_2848 : vector<1x16xf32> to vector<16xf32>
        %mul3A_2850 = arith.mulf %get3A_2844, %get3A_2849 : vector<16xf32>
        %add3A_2851 = arith.addf %add3A_2791, %mul3A_2850 : vector<16xf32>
        %get3A_2852 = arith.constant 1 : i32
        %get3A_2853 = arith.index_cast %get3A_2852 : i32 to index
        %get3A_2854 = arith.constant 704 : index
        %get3A_2855 = tpu.vector_load %arg6[%get3A_2853, %get3A_2854] {strides = array<i32>} : memref<8x768xf32, #tpu.memory_space<vmem>>, vector<1x16xf32>,
        %get3A_2856 = vector.shape_cast %get3A_2855 : vector<1x16xf32> to vector<16xf32>
        %mul3A_2857 = arith.mulf %get3A_2844, %get3A_2856 : vector<16xf32>
        %add3A_2858 = arith.addf %add3A_2798, %mul3A_2857 : vector<16xf32>
        %get3A_2859 = arith.constant 2 : i32
        %get3A_2860 = arith.index_cast %get3A_2859 : i32 to index
        %get3A_2861 = arith.constant 704 : index
        %get3A_2862 = tpu.vector_load %arg6[%get3A_2860, %get3A_2861] {strides = array<i32>} : memref<8x768xf32, #tpu.memory_space<vmem>>, vector<1x16xf32>,
        %get3A_2863 = vector.shape_cast %get3A_2862 : vector<1x16xf32> to vector<16xf32>
        %mul3A_2864 = arith.mulf %get3A_2844, %get3A_2863 : vector<16xf32>
        %add3A_2865 = arith.addf %add3A_2805, %mul3A_2864 : vector<16xf32>
        %get3A_2866 = arith.constant 3 : i32
        %get3A_2867 = arith.index_cast %get3A_2866 : i32 to index
        %get3A_2868 = arith.constant 704 : index
        %get3A_2869 = tpu.vector_load %arg6[%get3A_2867, %get3A_2868] {strides = array<i32>} : memref<8x768xf32, #tpu.memory_space<vmem>>, vector<1x16xf32>,
        %get3A_2870 = vector.shape_cast %get3A_2869 : vector<1x16xf32> to vector<16xf32>
        %mul3A_2871 = arith.mulf %get3A_2844, %get3A_2870 : vector<16xf32>
        %add3A_2872 = arith.addf %add3A_2812, %mul3A_2871 : vector<16xf32>
        %get3A_2873 = arith.constant 4 : i32
        %get3A_2874 = arith.index_cast %get3A_2873 : i32 to index
        %get3A_2875 = arith.constant 704 : index
        %get3A_2876 = tpu.vector_load %arg6[%get3A_2874, %get3A_2875] {strides = array<i32>} : memref<8x768xf32, #tpu.memory_space<vmem>>, vector<1x16xf32>,
        %get3A_2877 = vector.shape_cast %get3A_2876 : vector<1x16xf32> to vector<16xf32>
        %mul3A_2878 = arith.mulf %get3A_2844, %get3A_2877 : vector<16xf32>
        %add3A_2879 = arith.addf %add3A_2819, %mul3A_2878 : vector<16xf32>
        %get3A_2880 = arith.constant 5 : i32
        %get3A_2881 = arith.index_cast %get3A_2880 : i32 to index
        %get3A_2882 = arith.constant 704 : index
        %get3A_2883 = tpu.vector_load %arg6[%get3A_2881, %get3A_2882] {strides = array<i32>} : memref<8x768xf32, #tpu.memory_space<vmem>>, vector<1x16xf32>,
        %get3A_2884 = vector.shape_cast %get3A_2883 : vector<1x16xf32> to vector<16xf32>
        %mul3A_2885 = arith.mulf %get3A_2844, %get3A_2884 : vector<16xf32>
        %add3A_2886 = arith.addf %add3A_2826, %mul3A_2885 : vector<16xf32>
        %get3A_2887 = arith.constant 6 : i32
        %get3A_2888 = arith.index_cast %get3A_2887 : i32 to index
        %get3A_2889 = arith.constant 704 : index
        %get3A_2890 = tpu.vector_load %arg6[%get3A_2888, %get3A_2889] {strides = array<i32>} : memref<8x768xf32, #tpu.memory_space<vmem>>, vector<1x16xf32>,
        %get3A_2891 = vector.shape_cast %get3A_2890 : vector<1x16xf32> to vector<16xf32>
        %mul3A_2892 = arith.mulf %get3A_2844, %get3A_2891 : vector<16xf32>
        %add3A_2893 = arith.addf %add3A_2833, %mul3A_2892 : vector<16xf32>
        %get3A_2894 = arith.constant 7 : i32
        %get3A_2895 = arith.index_cast %get3A_2894 : i32 to index
        %get3A_2896 = arith.constant 704 : index
        %get3A_2897 = tpu.vector_load %arg6[%get3A_2895, %get3A_2896] {strides = array<i32>} : memref<8x768xf32, #tpu.memory_space<vmem>>, vector<1x16xf32>,
        %get3A_2898 = vector.shape_cast %get3A_2897 : vector<1x16xf32> to vector<16xf32>
        %mul3A_2899 = arith.mulf %get3A_2844, %get3A_2898 : vector<16xf32>
        %add3A_2900 = arith.addf %add3A_2840, %mul3A_2899 : vector<16xf32>
        %get3A_2901 = arith.index_cast %scan3A_191 : i32 to index
        %get3A_2902 = arith.constant 720 : index
        %get3A_2903 = tpu.vector_load %arg5[%get3A_2901, %get3A_2902] {strides = array<i32>} : memref<16x768xf32, #tpu.memory_space<vmem>>, vector<1x16xf32>,
        %get3A_2904 = vector.shape_cast %get3A_2903 : vector<1x16xf32> to vector<16xf32>
        %get3A_2905 = arith.constant 0 : i32
        %get3A_2906 = arith.index_cast %get3A_2905 : i32 to index
        %get3A_2907 = arith.constant 720 : index
        %get3A_2908 = tpu.vector_load %arg6[%get3A_2906, %get3A_2907] {strides = array<i32>} : memref<8x768xf32, #tpu.memory_space<vmem>>, vector<1x16xf32>,
        %get3A_2909 = vector.shape_cast %get3A_2908 : vector<1x16xf32> to vector<16xf32>
        %mul3A_2910 = arith.mulf %get3A_2904, %get3A_2909 : vector<16xf32>
        %add3A_2911 = arith.addf %add3A_2851, %mul3A_2910 : vector<16xf32>
        %get3A_2912 = arith.constant 1 : i32
        %get3A_2913 = arith.index_cast %get3A_2912 : i32 to index
        %get3A_2914 = arith.constant 720 : index
        %get3A_2915 = tpu.vector_load %arg6[%get3A_2913, %get3A_2914] {strides = array<i32>} : memref<8x768xf32, #tpu.memory_space<vmem>>, vector<1x16xf32>,
        %get3A_2916 = vector.shape_cast %get3A_2915 : vector<1x16xf32> to vector<16xf32>
        %mul3A_2917 = arith.mulf %get3A_2904, %get3A_2916 : vector<16xf32>
        %add3A_2918 = arith.addf %add3A_2858, %mul3A_2917 : vector<16xf32>
        %get3A_2919 = arith.constant 2 : i32
        %get3A_2920 = arith.index_cast %get3A_2919 : i32 to index
        %get3A_2921 = arith.constant 720 : index
        %get3A_2922 = tpu.vector_load %arg6[%get3A_2920, %get3A_2921] {strides = array<i32>} : memref<8x768xf32, #tpu.memory_space<vmem>>, vector<1x16xf32>,
        %get3A_2923 = vector.shape_cast %get3A_2922 : vector<1x16xf32> to vector<16xf32>
        %mul3A_2924 = arith.mulf %get3A_2904, %get3A_2923 : vector<16xf32>
        %add3A_2925 = arith.addf %add3A_2865, %mul3A_2924 : vector<16xf32>
        %get3A_2926 = arith.constant 3 : i32
        %get3A_2927 = arith.index_cast %get3A_2926 : i32 to index
        %get3A_2928 = arith.constant 720 : index
        %get3A_2929 = tpu.vector_load %arg6[%get3A_2927, %get3A_2928] {strides = array<i32>} : memref<8x768xf32, #tpu.memory_space<vmem>>, vector<1x16xf32>,
        %get3A_2930 = vector.shape_cast %get3A_2929 : vector<1x16xf32> to vector<16xf32>
        %mul3A_2931 = arith.mulf %get3A_2904, %get3A_2930 : vector<16xf32>
        %add3A_2932 = arith.addf %add3A_2872, %mul3A_2931 : vector<16xf32>
        %get3A_2933 = arith.constant 4 : i32
        %get3A_2934 = arith.index_cast %get3A_2933 : i32 to index
        %get3A_2935 = arith.constant 720 : index
        %get3A_2936 = tpu.vector_load %arg6[%get3A_2934, %get3A_2935] {strides = array<i32>} : memref<8x768xf32, #tpu.memory_space<vmem>>, vector<1x16xf32>,
        %get3A_2937 = vector.shape_cast %get3A_2936 : vector<1x16xf32> to vector<16xf32>
        %mul3A_2938 = arith.mulf %get3A_2904, %get3A_2937 : vector<16xf32>
        %add3A_2939 = arith.addf %add3A_2879, %mul3A_2938 : vector<16xf32>
        %get3A_2940 = arith.constant 5 : i32
        %get3A_2941 = arith.index_cast %get3A_2940 : i32 to index
        %get3A_2942 = arith.constant 720 : index
        %get3A_2943 = tpu.vector_load %arg6[%get3A_2941, %get3A_2942] {strides = array<i32>} : memref<8x768xf32, #tpu.memory_space<vmem>>, vector<1x16xf32>,
        %get3A_2944 = vector.shape_cast %get3A_2943 : vector<1x16xf32> to vector<16xf32>
        %mul3A_2945 = arith.mulf %get3A_2904, %get3A_2944 : vector<16xf32>
        %add3A_2946 = arith.addf %add3A_2886, %mul3A_2945 : vector<16xf32>
        %get3A_2947 = arith.constant 6 : i32
        %get3A_2948 = arith.index_cast %get3A_2947 : i32 to index
        %get3A_2949 = arith.constant 720 : index
        %get3A_2950 = tpu.vector_load %arg6[%get3A_2948, %get3A_2949] {strides = array<i32>} : memref<8x768xf32, #tpu.memory_space<vmem>>, vector<1x16xf32>,
        %get3A_2951 = vector.shape_cast %get3A_2950 : vector<1x16xf32> to vector<16xf32>
        %mul3A_2952 = arith.mulf %get3A_2904, %get3A_2951 : vector<16xf32>
        %add3A_2953 = arith.addf %add3A_2893, %mul3A_2952 : vector<16xf32>
        %get3A_2954 = arith.constant 7 : i32
        %get3A_2955 = arith.index_cast %get3A_2954 : i32 to index
        %get3A_2956 = arith.constant 720 : index
        %get3A_2957 = tpu.vector_load %arg6[%get3A_2955, %get3A_2956] {strides = array<i32>} : memref<8x768xf32, #tpu.memory_space<vmem>>, vector<1x16xf32>,
        %get3A_2958 = vector.shape_cast %get3A_2957 : vector<1x16xf32> to vector<16xf32>
        %mul3A_2959 = arith.mulf %get3A_2904, %get3A_2958 : vector<16xf32>
        %add3A_2960 = arith.addf %add3A_2900, %mul3A_2959 : vector<16xf32>
        %get3A_2961 = arith.index_cast %scan3A_191 : i32 to index
        %get3A_2962 = arith.constant 736 : index
        %get3A_2963 = tpu.vector_load %arg5[%get3A_2961, %get3A_2962] {strides = array<i32>} : memref<16x768xf32, #tpu.memory_space<vmem>>, vector<1x16xf32>,
        %get3A_2964 = vector.shape_cast %get3A_2963 : vector<1x16xf32> to vector<16xf32>
        %get3A_2965 = arith.constant 0 : i32
        %get3A_2966 = arith.index_cast %get3A_2965 : i32 to index
        %get3A_2967 = arith.constant 736 : index
        %get3A_2968 = tpu.vector_load %arg6[%get3A_2966, %get3A_2967] {strides = array<i32>} : memref<8x768xf32, #tpu.memory_space<vmem>>, vector<1x16xf32>,
        %get3A_2969 = vector.shape_cast %get3A_2968 : vector<1x16xf32> to vector<16xf32>
        %mul3A_2970 = arith.mulf %get3A_2964, %get3A_2969 : vector<16xf32>
        %add3A_2971 = arith.addf %add3A_2911, %mul3A_2970 : vector<16xf32>
        %get3A_2972 = arith.constant 1 : i32
        %get3A_2973 = arith.index_cast %get3A_2972 : i32 to index
        %get3A_2974 = arith.constant 736 : index
        %get3A_2975 = tpu.vector_load %arg6[%get3A_2973, %get3A_2974] {strides = array<i32>} : memref<8x768xf32, #tpu.memory_space<vmem>>, vector<1x16xf32>,
        %get3A_2976 = vector.shape_cast %get3A_2975 : vector<1x16xf32> to vector<16xf32>
        %mul3A_2977 = arith.mulf %get3A_2964, %get3A_2976 : vector<16xf32>
        %add3A_2978 = arith.addf %add3A_2918, %mul3A_2977 : vector<16xf32>
        %get3A_2979 = arith.constant 2 : i32
        %get3A_2980 = arith.index_cast %get3A_2979 : i32 to index
        %get3A_2981 = arith.constant 736 : index
        %get3A_2982 = tpu.vector_load %arg6[%get3A_2980, %get3A_2981] {strides = array<i32>} : memref<8x768xf32, #tpu.memory_space<vmem>>, vector<1x16xf32>,
        %get3A_2983 = vector.shape_cast %get3A_2982 : vector<1x16xf32> to vector<16xf32>
        %mul3A_2984 = arith.mulf %get3A_2964, %get3A_2983 : vector<16xf32>
        %add3A_2985 = arith.addf %add3A_2925, %mul3A_2984 : vector<16xf32>
        %get3A_2986 = arith.constant 3 : i32
        %get3A_2987 = arith.index_cast %get3A_2986 : i32 to index
        %get3A_2988 = arith.constant 736 : index
        %get3A_2989 = tpu.vector_load %arg6[%get3A_2987, %get3A_2988] {strides = array<i32>} : memref<8x768xf32, #tpu.memory_space<vmem>>, vector<1x16xf32>,
        %get3A_2990 = vector.shape_cast %get3A_2989 : vector<1x16xf32> to vector<16xf32>
        %mul3A_2991 = arith.mulf %get3A_2964, %get3A_2990 : vector<16xf32>
        %add3A_2992 = arith.addf %add3A_2932, %mul3A_2991 : vector<16xf32>
        %get3A_2993 = arith.constant 4 : i32
        %get3A_2994 = arith.index_cast %get3A_2993 : i32 to index
        %get3A_2995 = arith.constant 736 : index
        %get3A_2996 = tpu.vector_load %arg6[%get3A_2994, %get3A_2995] {strides = array<i32>} : memref<8x768xf32, #tpu.memory_space<vmem>>, vector<1x16xf32>,
        %get3A_2997 = vector.shape_cast %get3A_2996 : vector<1x16xf32> to vector<16xf32>
        %mul3A_2998 = arith.mulf %get3A_2964, %get3A_2997 : vector<16xf32>
        %add3A_2999 = arith.addf %add3A_2939, %mul3A_2998 : vector<16xf32>
        %get3A_3000 = arith.constant 5 : i32
        %get3A_3001 = arith.index_cast %get3A_3000 : i32 to index
        %get3A_3002 = arith.constant 736 : index
        %get3A_3003 = tpu.vector_load %arg6[%get3A_3001, %get3A_3002] {strides = array<i32>} : memref<8x768xf32, #tpu.memory_space<vmem>>, vector<1x16xf32>,
        %get3A_3004 = vector.shape_cast %get3A_3003 : vector<1x16xf32> to vector<16xf32>
        %mul3A_3005 = arith.mulf %get3A_2964, %get3A_3004 : vector<16xf32>
        %add3A_3006 = arith.addf %add3A_2946, %mul3A_3005 : vector<16xf32>
        %get3A_3007 = arith.constant 6 : i32
        %get3A_3008 = arith.index_cast %get3A_3007 : i32 to index
        %get3A_3009 = arith.constant 736 : index
        %get3A_3010 = tpu.vector_load %arg6[%get3A_3008, %get3A_3009] {strides = array<i32>} : memref<8x768xf32, #tpu.memory_space<vmem>>, vector<1x16xf32>,
        %get3A_3011 = vector.shape_cast %get3A_3010 : vector<1x16xf32> to vector<16xf32>
        %mul3A_3012 = arith.mulf %get3A_2964, %get3A_3011 : vector<16xf32>
        %add3A_3013 = arith.addf %add3A_2953, %mul3A_3012 : vector<16xf32>
        %get3A_3014 = arith.constant 7 : i32
        %get3A_3015 = arith.index_cast %get3A_3014 : i32 to index
        %get3A_3016 = arith.constant 736 : index
        %get3A_3017 = tpu.vector_load %arg6[%get3A_3015, %get3A_3016] {strides = array<i32>} : memref<8x768xf32, #tpu.memory_space<vmem>>, vector<1x16xf32>,
        %get3A_3018 = vector.shape_cast %get3A_3017 : vector<1x16xf32> to vector<16xf32>
        %mul3A_3019 = arith.mulf %get3A_2964, %get3A_3018 : vector<16xf32>
        %add3A_3020 = arith.addf %add3A_2960, %mul3A_3019 : vector<16xf32>
        %get3A_3021 = arith.index_cast %scan3A_191 : i32 to index
        %get3A_3022 = arith.constant 752 : index
        %get3A_3023 = tpu.vector_load %arg5[%get3A_3021, %get3A_3022] {strides = array<i32>} : memref<16x768xf32, #tpu.memory_space<vmem>>, vector<1x16xf32>,
        %get3A_3024 = vector.shape_cast %get3A_3023 : vector<1x16xf32> to vector<16xf32>
        %get3A_3025 = arith.constant 0 : i32
        %get3A_3026 = arith.index_cast %get3A_3025 : i32 to index
        %get3A_3027 = arith.constant 752 : index
        %get3A_3028 = tpu.vector_load %arg6[%get3A_3026, %get3A_3027] {strides = array<i32>} : memref<8x768xf32, #tpu.memory_space<vmem>>, vector<1x16xf32>,
        %get3A_3029 = vector.shape_cast %get3A_3028 : vector<1x16xf32> to vector<16xf32>
        %mul3A_3030 = arith.mulf %get3A_3024, %get3A_3029 : vector<16xf32>
        %add3A_3031 = arith.addf %add3A_2971, %mul3A_3030 : vector<16xf32>
        %get3A_3032 = arith.constant 1 : i32
        %get3A_3033 = arith.index_cast %get3A_3032 : i32 to index
        %get3A_3034 = arith.constant 752 : index
        %get3A_3035 = tpu.vector_load %arg6[%get3A_3033, %get3A_3034] {strides = array<i32>} : memref<8x768xf32, #tpu.memory_space<vmem>>, vector<1x16xf32>,
        %get3A_3036 = vector.shape_cast %get3A_3035 : vector<1x16xf32> to vector<16xf32>
        %mul3A_3037 = arith.mulf %get3A_3024, %get3A_3036 : vector<16xf32>
        %add3A_3038 = arith.addf %add3A_2978, %mul3A_3037 : vector<16xf32>
        %get3A_3039 = arith.constant 2 : i32
        %get3A_3040 = arith.index_cast %get3A_3039 : i32 to index
        %get3A_3041 = arith.constant 752 : index
        %get3A_3042 = tpu.vector_load %arg6[%get3A_3040, %get3A_3041] {strides = array<i32>} : memref<8x768xf32, #tpu.memory_space<vmem>>, vector<1x16xf32>,
        %get3A_3043 = vector.shape_cast %get3A_3042 : vector<1x16xf32> to vector<16xf32>
        %mul3A_3044 = arith.mulf %get3A_3024, %get3A_3043 : vector<16xf32>
        %add3A_3045 = arith.addf %add3A_2985, %mul3A_3044 : vector<16xf32>
        %get3A_3046 = arith.constant 3 : i32
        %get3A_3047 = arith.index_cast %get3A_3046 : i32 to index
        %get3A_3048 = arith.constant 752 : index
        %get3A_3049 = tpu.vector_load %arg6[%get3A_3047, %get3A_3048] {strides = array<i32>} : memref<8x768xf32, #tpu.memory_space<vmem>>, vector<1x16xf32>,
        %get3A_3050 = vector.shape_cast %get3A_3049 : vector<1x16xf32> to vector<16xf32>
        %mul3A_3051 = arith.mulf %get3A_3024, %get3A_3050 : vector<16xf32>
        %add3A_3052 = arith.addf %add3A_2992, %mul3A_3051 : vector<16xf32>
        %get3A_3053 = arith.constant 4 : i32
        %get3A_3054 = arith.index_cast %get3A_3053 : i32 to index
        %get3A_3055 = arith.constant 752 : index
        %get3A_3056 = tpu.vector_load %arg6[%get3A_3054, %get3A_3055] {strides = array<i32>} : memref<8x768xf32, #tpu.memory_space<vmem>>, vector<1x16xf32>,
        %get3A_3057 = vector.shape_cast %get3A_3056 : vector<1x16xf32> to vector<16xf32>
        %mul3A_3058 = arith.mulf %get3A_3024, %get3A_3057 : vector<16xf32>
        %add3A_3059 = arith.addf %add3A_2999, %mul3A_3058 : vector<16xf32>
        %get3A_3060 = arith.constant 5 : i32
        %get3A_3061 = arith.index_cast %get3A_3060 : i32 to index
        %get3A_3062 = arith.constant 752 : index
        %get3A_3063 = tpu.vector_load %arg6[%get3A_3061, %get3A_3062] {strides = array<i32>} : memref<8x768xf32, #tpu.memory_space<vmem>>, vector<1x16xf32>,
        %get3A_3064 = vector.shape_cast %get3A_3063 : vector<1x16xf32> to vector<16xf32>
        %mul3A_3065 = arith.mulf %get3A_3024, %get3A_3064 : vector<16xf32>
        %add3A_3066 = arith.addf %add3A_3006, %mul3A_3065 : vector<16xf32>
        %get3A_3067 = arith.constant 6 : i32
        %get3A_3068 = arith.index_cast %get3A_3067 : i32 to index
        %get3A_3069 = arith.constant 752 : index
        %get3A_3070 = tpu.vector_load %arg6[%get3A_3068, %get3A_3069] {strides = array<i32>} : memref<8x768xf32, #tpu.memory_space<vmem>>, vector<1x16xf32>,
        %get3A_3071 = vector.shape_cast %get3A_3070 : vector<1x16xf32> to vector<16xf32>
        %mul3A_3072 = arith.mulf %get3A_3024, %get3A_3071 : vector<16xf32>
        %add3A_3073 = arith.addf %add3A_3013, %mul3A_3072 : vector<16xf32>
        %get3A_3074 = arith.constant 7 : i32
        %get3A_3075 = arith.index_cast %get3A_3074 : i32 to index
        %get3A_3076 = arith.constant 752 : index
        %get3A_3077 = tpu.vector_load %arg6[%get3A_3075, %get3A_3076] {strides = array<i32>} : memref<8x768xf32, #tpu.memory_space<vmem>>, vector<1x16xf32>,
        %get3A_3078 = vector.shape_cast %get3A_3077 : vector<1x16xf32> to vector<16xf32>
        %mul3A_3079 = arith.mulf %get3A_3024, %get3A_3078 : vector<16xf32>
        %add3A_3080 = arith.addf %add3A_3020, %mul3A_3079 : vector<16xf32>
        %eq3A_3081 = vector.broadcast %scan3A_191 : i32 to vector<16xi32>
        %eq3A_3082 = arith.cmpi eq, %iota3A, %eq3A_3081 : vector<16xi32>
        %xor3A = arith.constant 8 : i32
        %xor3A_3083 = vector.broadcast %xor3A : i32 to vector<16xi32>
        %xor3A_3084 = arith.xori %iota3A, %xor3A_3083 : vector<16xi32>
        %reshape3A = vector.shape_cast %xor3A_3084 : vector<16xi32> to vector<16x1xi32>
        %gather3A = vector.shape_cast %reshape3A : vector<16x1xi32> to vector<16xi32>
        %gather3A_3085 = tpu.dynamic_gather %add3A_3031[%gather3A] in [0] : vector<16xf32>, vector<16xi32> -> vector<16xf32>
        %add3A_3086 = arith.addf %add3A_3031, %gather3A_3085 : vector<16xf32>
        %xor3A_3087 = arith.constant 4 : i32
        %xor3A_3088 = vector.broadcast %xor3A_3087 : i32 to vector<16xi32>
        %xor3A_3089 = arith.xori %iota3A, %xor3A_3088 : vector<16xi32>
        %reshape3A_3090 = vector.shape_cast %xor3A_3089 : vector<16xi32> to vector<16x1xi32>
        %gather3A_3091 = vector.shape_cast %reshape3A_3090 : vector<16x1xi32> to vector<16xi32>
        %gather3A_3092 = tpu.dynamic_gather %add3A_3086[%gather3A_3091] in [0] : vector<16xf32>, vector<16xi32> -> vector<16xf32>
        %add3A_3093 = arith.addf %add3A_3086, %gather3A_3092 : vector<16xf32>
        %xor3A_3094 = arith.constant 2 : i32
        %xor3A_3095 = vector.broadcast %xor3A_3094 : i32 to vector<16xi32>
        %xor3A_3096 = arith.xori %iota3A, %xor3A_3095 : vector<16xi32>
        %reshape3A_3097 = vector.shape_cast %xor3A_3096 : vector<16xi32> to vector<16x1xi32>
        %gather3A_3098 = vector.shape_cast %reshape3A_3097 : vector<16x1xi32> to vector<16xi32>
        %gather3A_3099 = tpu.dynamic_gather %add3A_3093[%gather3A_3098] in [0] : vector<16xf32>, vector<16xi32> -> vector<16xf32>
        %add3A_3100 = arith.addf %add3A_3093, %gather3A_3099 : vector<16xf32>
        %xor3A_3101 = arith.constant 1 : i32
        %xor3A_3102 = vector.broadcast %xor3A_3101 : i32 to vector<16xi32>
        %xor3A_3103 = arith.xori %iota3A, %xor3A_3102 : vector<16xi32>
        %reshape3A_3104 = vector.shape_cast %xor3A_3103 : vector<16xi32> to vector<16x1xi32>
        %gather3A_3105 = vector.shape_cast %reshape3A_3104 : vector<16x1xi32> to vector<16xi32>
        %gather3A_3106 = tpu.dynamic_gather %add3A_3100[%gather3A_3105] in [0] : vector<16xf32>, vector<16xi32> -> vector<16xf32>
        %add3A_3107 = arith.addf %add3A_3100, %gather3A_3106 : vector<16xf32>
        %select_n3A_3108 = arith.select %eq3A_3082, %add3A_3107, %scan3A_192 : vector<16xi1>, vector<16xf32>
        %eq3A_3109 = vector.broadcast %scan3A_191 : i32 to vector<16xi32>
        %eq3A_3110 = arith.cmpi eq, %iota3A, %eq3A_3109 : vector<16xi32>
        %xor3A_3111 = arith.constant 8 : i32
        %xor3A_3112 = vector.broadcast %xor3A_3111 : i32 to vector<16xi32>
        %xor3A_3113 = arith.xori %iota3A, %xor3A_3112 : vector<16xi32>
        %reshape3A_3114 = vector.shape_cast %xor3A_3113 : vector<16xi32> to vector<16x1xi32>
        %gather3A_3115 = vector.shape_cast %reshape3A_3114 : vector<16x1xi32> to vector<16xi32>
        %gather3A_3116 = tpu.dynamic_gather %add3A_3038[%gather3A_3115] in [0] : vector<16xf32>, vector<16xi32> -> vector<16xf32>
        %add3A_3117 = arith.addf %add3A_3038, %gather3A_3116 : vector<16xf32>
        %xor3A_3118 = arith.constant 4 : i32
        %xor3A_3119 = vector.broadcast %xor3A_3118 : i32 to vector<16xi32>
        %xor3A_3120 = arith.xori %iota3A, %xor3A_3119 : vector<16xi32>
        %reshape3A_3121 = vector.shape_cast %xor3A_3120 : vector<16xi32> to vector<16x1xi32>
        %gather3A_3122 = vector.shape_cast %reshape3A_3121 : vector<16x1xi32> to vector<16xi32>
        %gather3A_3123 = tpu.dynamic_gather %add3A_3117[%gather3A_3122] in [0] : vector<16xf32>, vector<16xi32> -> vector<16xf32>
        %add3A_3124 = arith.addf %add3A_3117, %gather3A_3123 : vector<16xf32>
        %xor3A_3125 = arith.constant 2 : i32
        %xor3A_3126 = vector.broadcast %xor3A_3125 : i32 to vector<16xi32>
        %xor3A_3127 = arith.xori %iota3A, %xor3A_3126 : vector<16xi32>
        %reshape3A_3128 = vector.shape_cast %xor3A_3127 : vector<16xi32> to vector<16x1xi32>
        %gather3A_3129 = vector.shape_cast %reshape3A_3128 : vector<16x1xi32> to vector<16xi32>
        %gather3A_3130 = tpu.dynamic_gather %add3A_3124[%gather3A_3129] in [0] : vector<16xf32>, vector<16xi32> -> vector<16xf32>
        %add3A_3131 = arith.addf %add3A_3124, %gather3A_3130 : vector<16xf32>
        %xor3A_3132 = arith.constant 1 : i32
        %xor3A_3133 = vector.broadcast %xor3A_3132 : i32 to vector<16xi32>
        %xor3A_3134 = arith.xori %iota3A, %xor3A_3133 : vector<16xi32>
        %reshape3A_3135 = vector.shape_cast %xor3A_3134 : vector<16xi32> to vector<16x1xi32>
        %gather3A_3136 = vector.shape_cast %reshape3A_3135 : vector<16x1xi32> to vector<16xi32>
        %gather3A_3137 = tpu.dynamic_gather %add3A_3131[%gather3A_3136] in [0] : vector<16xf32>, vector<16xi32> -> vector<16xf32>
        %add3A_3138 = arith.addf %add3A_3131, %gather3A_3137 : vector<16xf32>
        %select_n3A_3139 = arith.select %eq3A_3110, %add3A_3138, %scan3A_193 : vector<16xi1>, vector<16xf32>
        %eq3A_3140 = vector.broadcast %scan3A_191 : i32 to vector<16xi32>
        %eq3A_3141 = arith.cmpi eq, %iota3A, %eq3A_3140 : vector<16xi32>
        %xor3A_3142 = arith.constant 8 : i32
        %xor3A_3143 = vector.broadcast %xor3A_3142 : i32 to vector<16xi32>
        %xor3A_3144 = arith.xori %iota3A, %xor3A_3143 : vector<16xi32>
        %reshape3A_3145 = vector.shape_cast %xor3A_3144 : vector<16xi32> to vector<16x1xi32>
        %gather3A_3146 = vector.shape_cast %reshape3A_3145 : vector<16x1xi32> to vector<16xi32>
        %gather3A_3147 = tpu.dynamic_gather %add3A_3045[%gather3A_3146] in [0] : vector<16xf32>, vector<16xi32> -> vector<16xf32>
        %add3A_3148 = arith.addf %add3A_3045, %gather3A_3147 : vector<16xf32>
        %xor3A_3149 = arith.constant 4 : i32
        %xor3A_3150 = vector.broadcast %xor3A_3149 : i32 to vector<16xi32>
        %xor3A_3151 = arith.xori %iota3A, %xor3A_3150 : vector<16xi32>
        %reshape3A_3152 = vector.shape_cast %xor3A_3151 : vector<16xi32> to vector<16x1xi32>
        %gather3A_3153 = vector.shape_cast %reshape3A_3152 : vector<16x1xi32> to vector<16xi32>
        %gather3A_3154 = tpu.dynamic_gather %add3A_3148[%gather3A_3153] in [0] : vector<16xf32>, vector<16xi32> -> vector<16xf32>
        %add3A_3155 = arith.addf %add3A_3148, %gather3A_3154 : vector<16xf32>
        %xor3A_3156 = arith.constant 2 : i32
        %xor3A_3157 = vector.broadcast %xor3A_3156 : i32 to vector<16xi32>
        %xor3A_3158 = arith.xori %iota3A, %xor3A_3157 : vector<16xi32>
        %reshape3A_3159 = vector.shape_cast %xor3A_3158 : vector<16xi32> to vector<16x1xi32>
        %gather3A_3160 = vector.shape_cast %reshape3A_3159 : vector<16x1xi32> to vector<16xi32>
        %gather3A_3161 = tpu.dynamic_gather %add3A_3155[%gather3A_3160] in [0] : vector<16xf32>, vector<16xi32> -> vector<16xf32>
        %add3A_3162 = arith.addf %add3A_3155, %gather3A_3161 : vector<16xf32>
        %xor3A_3163 = arith.constant 1 : i32
        %xor3A_3164 = vector.broadcast %xor3A_3163 : i32 to vector<16xi32>
        %xor3A_3165 = arith.xori %iota3A, %xor3A_3164 : vector<16xi32>
        %reshape3A_3166 = vector.shape_cast %xor3A_3165 : vector<16xi32> to vector<16x1xi32>
        %gather3A_3167 = vector.shape_cast %reshape3A_3166 : vector<16x1xi32> to vector<16xi32>
        %gather3A_3168 = tpu.dynamic_gather %add3A_3162[%gather3A_3167] in [0] : vector<16xf32>, vector<16xi32> -> vector<16xf32>
        %add3A_3169 = arith.addf %add3A_3162, %gather3A_3168 : vector<16xf32>
        %select_n3A_3170 = arith.select %eq3A_3141, %add3A_3169, %scan3A_194 : vector<16xi1>, vector<16xf32>
        %eq3A_3171 = vector.broadcast %scan3A_191 : i32 to vector<16xi32>
        %eq3A_3172 = arith.cmpi eq, %iota3A, %eq3A_3171 : vector<16xi32>
        %xor3A_3173 = arith.constant 8 : i32
        %xor3A_3174 = vector.broadcast %xor3A_3173 : i32 to vector<16xi32>
        %xor3A_3175 = arith.xori %iota3A, %xor3A_3174 : vector<16xi32>
        %reshape3A_3176 = vector.shape_cast %xor3A_3175 : vector<16xi32> to vector<16x1xi32>
        %gather3A_3177 = vector.shape_cast %reshape3A_3176 : vector<16x1xi32> to vector<16xi32>
        %gather3A_3178 = tpu.dynamic_gather %add3A_3052[%gather3A_3177] in [0] : vector<16xf32>, vector<16xi32> -> vector<16xf32>
        %add3A_3179 = arith.addf %add3A_3052, %gather3A_3178 : vector<16xf32>
        %xor3A_3180 = arith.constant 4 : i32
        %xor3A_3181 = vector.broadcast %xor3A_3180 : i32 to vector<16xi32>
        %xor3A_3182 = arith.xori %iota3A, %xor3A_3181 : vector<16xi32>
        %reshape3A_3183 = vector.shape_cast %xor3A_3182 : vector<16xi32> to vector<16x1xi32>
        %gather3A_3184 = vector.shape_cast %reshape3A_3183 : vector<16x1xi32> to vector<16xi32>
        %gather3A_3185 = tpu.dynamic_gather %add3A_3179[%gather3A_3184] in [0] : vector<16xf32>, vector<16xi32> -> vector<16xf32>
        %add3A_3186 = arith.addf %add3A_3179, %gather3A_3185 : vector<16xf32>
        %xor3A_3187 = arith.constant 2 : i32
        %xor3A_3188 = vector.broadcast %xor3A_3187 : i32 to vector<16xi32>
        %xor3A_3189 = arith.xori %iota3A, %xor3A_3188 : vector<16xi32>
        %reshape3A_3190 = vector.shape_cast %xor3A_3189 : vector<16xi32> to vector<16x1xi32>
        %gather3A_3191 = vector.shape_cast %reshape3A_3190 : vector<16x1xi32> to vector<16xi32>
        %gather3A_3192 = tpu.dynamic_gather %add3A_3186[%gather3A_3191] in [0] : vector<16xf32>, vector<16xi32> -> vector<16xf32>
        %add3A_3193 = arith.addf %add3A_3186, %gather3A_3192 : vector<16xf32>
        %xor3A_3194 = arith.constant 1 : i32
        %xor3A_3195 = vector.broadcast %xor3A_3194 : i32 to vector<16xi32>
        %xor3A_3196 = arith.xori %iota3A, %xor3A_3195 : vector<16xi32>
        %reshape3A_3197 = vector.shape_cast %xor3A_3196 : vector<16xi32> to vector<16x1xi32>
        %gather3A_3198 = vector.shape_cast %reshape3A_3197 : vector<16x1xi32> to vector<16xi32>
        %gather3A_3199 = tpu.dynamic_gather %add3A_3193[%gather3A_3198] in [0] : vector<16xf32>, vector<16xi32> -> vector<16xf32>
        %add3A_3200 = arith.addf %add3A_3193, %gather3A_3199 : vector<16xf32>
        %select_n3A_3201 = arith.select %eq3A_3172, %add3A_3200, %scan3A_195 : vector<16xi1>, vector<16xf32>
        %eq3A_3202 = vector.broadcast %scan3A_191 : i32 to vector<16xi32>
        %eq3A_3203 = arith.cmpi eq, %iota3A, %eq3A_3202 : vector<16xi32>
        %xor3A_3204 = arith.constant 8 : i32
        %xor3A_3205 = vector.broadcast %xor3A_3204 : i32 to vector<16xi32>
        %xor3A_3206 = arith.xori %iota3A, %xor3A_3205 : vector<16xi32>
        %reshape3A_3207 = vector.shape_cast %xor3A_3206 : vector<16xi32> to vector<16x1xi32>
        %gather3A_3208 = vector.shape_cast %reshape3A_3207 : vector<16x1xi32> to vector<16xi32>
        %gather3A_3209 = tpu.dynamic_gather %add3A_3059[%gather3A_3208] in [0] : vector<16xf32>, vector<16xi32> -> vector<16xf32>
        %add3A_3210 = arith.addf %add3A_3059, %gather3A_3209 : vector<16xf32>
        %xor3A_3211 = arith.constant 4 : i32
        %xor3A_3212 = vector.broadcast %xor3A_3211 : i32 to vector<16xi32>
        %xor3A_3213 = arith.xori %iota3A, %xor3A_3212 : vector<16xi32>
        %reshape3A_3214 = vector.shape_cast %xor3A_3213 : vector<16xi32> to vector<16x1xi32>
        %gather3A_3215 = vector.shape_cast %reshape3A_3214 : vector<16x1xi32> to vector<16xi32>
        %gather3A_3216 = tpu.dynamic_gather %add3A_3210[%gather3A_3215] in [0] : vector<16xf32>, vector<16xi32> -> vector<16xf32>
        %add3A_3217 = arith.addf %add3A_3210, %gather3A_3216 : vector<16xf32>
        %xor3A_3218 = arith.constant 2 : i32
        %xor3A_3219 = vector.broadcast %xor3A_3218 : i32 to vector<16xi32>
        %xor3A_3220 = arith.xori %iota3A, %xor3A_3219 : vector<16xi32>
        %reshape3A_3221 = vector.shape_cast %xor3A_3220 : vector<16xi32> to vector<16x1xi32>
        %gather3A_3222 = vector.shape_cast %reshape3A_3221 : vector<16x1xi32> to vector<16xi32>
        %gather3A_3223 = tpu.dynamic_gather %add3A_3217[%gather3A_3222] in [0] : vector<16xf32>, vector<16xi32> -> vector<16xf32>
        %add3A_3224 = arith.addf %add3A_3217, %gather3A_3223 : vector<16xf32>
        %xor3A_3225 = arith.constant 1 : i32
        %xor3A_3226 = vector.broadcast %xor3A_3225 : i32 to vector<16xi32>
        %xor3A_3227 = arith.xori %iota3A, %xor3A_3226 : vector<16xi32>
        %reshape3A_3228 = vector.shape_cast %xor3A_3227 : vector<16xi32> to vector<16x1xi32>
        %gather3A_3229 = vector.shape_cast %reshape3A_3228 : vector<16x1xi32> to vector<16xi32>
        %gather3A_3230 = tpu.dynamic_gather %add3A_3224[%gather3A_3229] in [0] : vector<16xf32>, vector<16xi32> -> vector<16xf32>
        %add3A_3231 = arith.addf %add3A_3224, %gather3A_3230 : vector<16xf32>
        %select_n3A_3232 = arith.select %eq3A_3203, %add3A_3231, %scan3A_196 : vector<16xi1>, vector<16xf32>
        %eq3A_3233 = vector.broadcast %scan3A_191 : i32 to vector<16xi32>
        %eq3A_3234 = arith.cmpi eq, %iota3A, %eq3A_3233 : vector<16xi32>
        %xor3A_3235 = arith.constant 8 : i32
        %xor3A_3236 = vector.broadcast %xor3A_3235 : i32 to vector<16xi32>
        %xor3A_3237 = arith.xori %iota3A, %xor3A_3236 : vector<16xi32>
        %reshape3A_3238 = vector.shape_cast %xor3A_3237 : vector<16xi32> to vector<16x1xi32>
        %gather3A_3239 = vector.shape_cast %reshape3A_3238 : vector<16x1xi32> to vector<16xi32>
        %gather3A_3240 = tpu.dynamic_gather %add3A_3066[%gather3A_3239] in [0] : vector<16xf32>, vector<16xi32> -> vector<16xf32>
        %add3A_3241 = arith.addf %add3A_3066, %gather3A_3240 : vector<16xf32>
        %xor3A_3242 = arith.constant 4 : i32
        %xor3A_3243 = vector.broadcast %xor3A_3242 : i32 to vector<16xi32>
        %xor3A_3244 = arith.xori %iota3A, %xor3A_3243 : vector<16xi32>
        %reshape3A_3245 = vector.shape_cast %xor3A_3244 : vector<16xi32> to vector<16x1xi32>
        %gather3A_3246 = vector.shape_cast %reshape3A_3245 : vector<16x1xi32> to vector<16xi32>
        %gather3A_3247 = tpu.dynamic_gather %add3A_3241[%gather3A_3246] in [0] : vector<16xf32>, vector<16xi32> -> vector<16xf32>
        %add3A_3248 = arith.addf %add3A_3241, %gather3A_3247 : vector<16xf32>
        %xor3A_3249 = arith.constant 2 : i32
        %xor3A_3250 = vector.broadcast %xor3A_3249 : i32 to vector<16xi32>
        %xor3A_3251 = arith.xori %iota3A, %xor3A_3250 : vector<16xi32>
        %reshape3A_3252 = vector.shape_cast %xor3A_3251 : vector<16xi32> to vector<16x1xi32>
        %gather3A_3253 = vector.shape_cast %reshape3A_3252 : vector<16x1xi32> to vector<16xi32>
        %gather3A_3254 = tpu.dynamic_gather %add3A_3248[%gather3A_3253] in [0] : vector<16xf32>, vector<16xi32> -> vector<16xf32>
        %add3A_3255 = arith.addf %add3A_3248, %gather3A_3254 : vector<16xf32>
        %xor3A_3256 = arith.constant 1 : i32
        %xor3A_3257 = vector.broadcast %xor3A_3256 : i32 to vector<16xi32>
        %xor3A_3258 = arith.xori %iota3A, %xor3A_3257 : vector<16xi32>
        %reshape3A_3259 = vector.shape_cast %xor3A_3258 : vector<16xi32> to vector<16x1xi32>
        %gather3A_3260 = vector.shape_cast %reshape3A_3259 : vector<16x1xi32> to vector<16xi32>
        %gather3A_3261 = tpu.dynamic_gather %add3A_3255[%gather3A_3260] in [0] : vector<16xf32>, vector<16xi32> -> vector<16xf32>
        %add3A_3262 = arith.addf %add3A_3255, %gather3A_3261 : vector<16xf32>
        %select_n3A_3263 = arith.select %eq3A_3234, %add3A_3262, %scan3A_197 : vector<16xi1>, vector<16xf32>
        %eq3A_3264 = vector.broadcast %scan3A_191 : i32 to vector<16xi32>
        %eq3A_3265 = arith.cmpi eq, %iota3A, %eq3A_3264 : vector<16xi32>
        %xor3A_3266 = arith.constant 8 : i32
        %xor3A_3267 = vector.broadcast %xor3A_3266 : i32 to vector<16xi32>
        %xor3A_3268 = arith.xori %iota3A, %xor3A_3267 : vector<16xi32>
        %reshape3A_3269 = vector.shape_cast %xor3A_3268 : vector<16xi32> to vector<16x1xi32>
        %gather3A_3270 = vector.shape_cast %reshape3A_3269 : vector<16x1xi32> to vector<16xi32>
        %gather3A_3271 = tpu.dynamic_gather %add3A_3073[%gather3A_3270] in [0] : vector<16xf32>, vector<16xi32> -> vector<16xf32>
        %add3A_3272 = arith.addf %add3A_3073, %gather3A_3271 : vector<16xf32>
        %xor3A_3273 = arith.constant 4 : i32
        %xor3A_3274 = vector.broadcast %xor3A_3273 : i32 to vector<16xi32>
        %xor3A_3275 = arith.xori %iota3A, %xor3A_3274 : vector<16xi32>
        %reshape3A_3276 = vector.shape_cast %xor3A_3275 : vector<16xi32> to vector<16x1xi32>
        %gather3A_3277 = vector.shape_cast %reshape3A_3276 : vector<16x1xi32> to vector<16xi32>
        %gather3A_3278 = tpu.dynamic_gather %add3A_3272[%gather3A_3277] in [0] : vector<16xf32>, vector<16xi32> -> vector<16xf32>
        %add3A_3279 = arith.addf %add3A_3272, %gather3A_3278 : vector<16xf32>
        %xor3A_3280 = arith.constant 2 : i32
        %xor3A_3281 = vector.broadcast %xor3A_3280 : i32 to vector<16xi32>
        %xor3A_3282 = arith.xori %iota3A, %xor3A_3281 : vector<16xi32>
        %reshape3A_3283 = vector.shape_cast %xor3A_3282 : vector<16xi32> to vector<16x1xi32>
        %gather3A_3284 = vector.shape_cast %reshape3A_3283 : vector<16x1xi32> to vector<16xi32>
        %gather3A_3285 = tpu.dynamic_gather %add3A_3279[%gather3A_3284] in [0] : vector<16xf32>, vector<16xi32> -> vector<16xf32>
        %add3A_3286 = arith.addf %add3A_3279, %gather3A_3285 : vector<16xf32>
        %xor3A_3287 = arith.constant 1 : i32
        %xor3A_3288 = vector.broadcast %xor3A_3287 : i32 to vector<16xi32>
        %xor3A_3289 = arith.xori %iota3A, %xor3A_3288 : vector<16xi32>
        %reshape3A_3290 = vector.shape_cast %xor3A_3289 : vector<16xi32> to vector<16x1xi32>
        %gather3A_3291 = vector.shape_cast %reshape3A_3290 : vector<16x1xi32> to vector<16xi32>
        %gather3A_3292 = tpu.dynamic_gather %add3A_3286[%gather3A_3291] in [0] : vector<16xf32>, vector<16xi32> -> vector<16xf32>
        %add3A_3293 = arith.addf %add3A_3286, %gather3A_3292 : vector<16xf32>
        %select_n3A_3294 = arith.select %eq3A_3265, %add3A_3293, %scan3A_198 : vector<16xi1>, vector<16xf32>
        %eq3A_3295 = vector.broadcast %scan3A_191 : i32 to vector<16xi32>
        %eq3A_3296 = arith.cmpi eq, %iota3A, %eq3A_3295 : vector<16xi32>
        %xor3A_3297 = arith.constant 8 : i32
        %xor3A_3298 = vector.broadcast %xor3A_3297 : i32 to vector<16xi32>
        %xor3A_3299 = arith.xori %iota3A, %xor3A_3298 : vector<16xi32>
        %reshape3A_3300 = vector.shape_cast %xor3A_3299 : vector<16xi32> to vector<16x1xi32>
        %gather3A_3301 = vector.shape_cast %reshape3A_3300 : vector<16x1xi32> to vector<16xi32>
        %gather3A_3302 = tpu.dynamic_gather %add3A_3080[%gather3A_3301] in [0] : vector<16xf32>, vector<16xi32> -> vector<16xf32>
        %add3A_3303 = arith.addf %add3A_3080, %gather3A_3302 : vector<16xf32>
        %xor3A_3304 = arith.constant 4 : i32
        %xor3A_3305 = vector.broadcast %xor3A_3304 : i32 to vector<16xi32>
        %xor3A_3306 = arith.xori %iota3A, %xor3A_3305 : vector<16xi32>
        %reshape3A_3307 = vector.shape_cast %xor3A_3306 : vector<16xi32> to vector<16x1xi32>
        %gather3A_3308 = vector.shape_cast %reshape3A_3307 : vector<16x1xi32> to vector<16xi32>
        %gather3A_3309 = tpu.dynamic_gather %add3A_3303[%gather3A_3308] in [0] : vector<16xf32>, vector<16xi32> -> vector<16xf32>
        %add3A_3310 = arith.addf %add3A_3303, %gather3A_3309 : vector<16xf32>
        %xor3A_3311 = arith.constant 2 : i32
        %xor3A_3312 = vector.broadcast %xor3A_3311 : i32 to vector<16xi32>
        %xor3A_3313 = arith.xori %iota3A, %xor3A_3312 : vector<16xi32>
        %reshape3A_3314 = vector.shape_cast %xor3A_3313 : vector<16xi32> to vector<16x1xi32>
        %gather3A_3315 = vector.shape_cast %reshape3A_3314 : vector<16x1xi32> to vector<16xi32>
        %gather3A_3316 = tpu.dynamic_gather %add3A_3310[%gather3A_3315] in [0] : vector<16xf32>, vector<16xi32> -> vector<16xf32>
        %add3A_3317 = arith.addf %add3A_3310, %gather3A_3316 : vector<16xf32>
        %xor3A_3318 = arith.constant 1 : i32
        %xor3A_3319 = vector.broadcast %xor3A_3318 : i32 to vector<16xi32>
        %xor3A_3320 = arith.xori %iota3A, %xor3A_3319 : vector<16xi32>
        %reshape3A_3321 = vector.shape_cast %xor3A_3320 : vector<16xi32> to vector<16x1xi32>
        %gather3A_3322 = vector.shape_cast %reshape3A_3321 : vector<16x1xi32> to vector<16xi32>
        %gather3A_3323 = tpu.dynamic_gather %add3A_3317[%gather3A_3322] in [0] : vector<16xf32>, vector<16xi32> -> vector<16xf32>
        %add3A_3324 = arith.addf %add3A_3317, %gather3A_3323 : vector<16xf32>
        %select_n3A_3325 = arith.select %eq3A_3296, %add3A_3324, %scan3A_199 : vector<16xi1>, vector<16xf32>
        scf.yield %select_n3A_3108, %select_n3A_3139, %select_n3A_3170, %select_n3A_3201, %select_n3A_3232, %select_n3A_3263, %select_n3A_3294, %select_n3A_3325 : vector<16xf32>, vector<16xf32>, vector<16xf32>, vector<16xf32>, vector<16xf32>, vector<16xf32>, vector<16xf32>, vector<16xf32>
      }
      %scan3A_24 = arith.constant 16 : i32
      %broadcast_in_dim3A_25 = arith.constant 0 : i32
      %broadcast_in_dim3A_26 = vector.broadcast %broadcast_in_dim3A_25 : i32 to vector<16xi32>
      %broadcast_in_dim3A_27 = arith.constant 1 : i32
      %broadcast_in_dim3A_28 = vector.broadcast %broadcast_in_dim3A_27 : i32 to vector<16xi32>
      %broadcast_in_dim3A_29 = arith.constant 2 : i32
      %broadcast_in_dim3A_30 = vector.broadcast %broadcast_in_dim3A_29 : i32 to vector<16xi32>
      %broadcast_in_dim3A_31 = arith.constant 3 : i32
      %broadcast_in_dim3A_32 = vector.broadcast %broadcast_in_dim3A_31 : i32 to vector<16xi32>
      %broadcast_in_dim3A_33 = arith.constant 4 : i32
      %broadcast_in_dim3A_34 = vector.broadcast %broadcast_in_dim3A_33 : i32 to vector<16xi32>
      %broadcast_in_dim3A_35 = arith.constant 5 : i32
      %broadcast_in_dim3A_36 = vector.broadcast %broadcast_in_dim3A_35 : i32 to vector<16xi32>
      %broadcast_in_dim3A_37 = arith.constant 6 : i32
      %broadcast_in_dim3A_38 = vector.broadcast %broadcast_in_dim3A_37 : i32 to vector<16xi32>
      %broadcast_in_dim3A_39 = arith.constant 7 : i32
      %broadcast_in_dim3A_40 = vector.broadcast %broadcast_in_dim3A_39 : i32 to vector<16xi32>
      %broadcast_in_dim3A_41 = arith.constant 8 : i32
      %broadcast_in_dim3A_42 = vector.broadcast %broadcast_in_dim3A_41 : i32 to vector<16xi32>
      %max3A = arith.maximumf %scan3A_23#0, %scan3A_23#1 : vector<16xf32>
      %max3A_43 = arith.maximumf %max3A, %scan3A_23#2 : vector<16xf32>
      %max3A_44 = arith.maximumf %max3A_43, %scan3A_23#3 : vector<16xf32>
      %max3A_45 = arith.maximumf %max3A_44, %scan3A_23#4 : vector<16xf32>
      %max3A_46 = arith.maximumf %max3A_45, %scan3A_23#5 : vector<16xf32>
      %max3A_47 = arith.maximumf %max3A_46, %scan3A_23#6 : vector<16xf32>
      %max3A_48 = arith.maximumf %max3A_47, %scan3A_23#7 : vector<16xf32>
      %eq3A = arith.cmpf oeq, %scan3A_23#7, %max3A_48 : vector<16xf32>
      %select_n3A = arith.select %eq3A, %broadcast_in_dim3A_40, %broadcast_in_dim3A_42 : vector<16xi1>, vector<16xi32>
      %eq3A_49 = arith.cmpf oeq, %scan3A_23#6, %max3A_48 : vector<16xf32>
      %select_n3A_50 = arith.select %eq3A_49, %broadcast_in_dim3A_38, %select_n3A : vector<16xi1>, vector<16xi32>
      %eq3A_51 = arith.cmpf oeq, %scan3A_23#5, %max3A_48 : vector<16xf32>
      %select_n3A_52 = arith.select %eq3A_51, %broadcast_in_dim3A_36, %select_n3A_50 : vector<16xi1>, vector<16xi32>
      %eq3A_53 = arith.cmpf oeq, %scan3A_23#4, %max3A_48 : vector<16xf32>
      %select_n3A_54 = arith.select %eq3A_53, %broadcast_in_dim3A_34, %select_n3A_52 : vector<16xi1>, vector<16xi32>
      %eq3A_55 = arith.cmpf oeq, %scan3A_23#3, %max3A_48 : vector<16xf32>
      %select_n3A_56 = arith.select %eq3A_55, %broadcast_in_dim3A_32, %select_n3A_54 : vector<16xi1>, vector<16xi32>
      %eq3A_57 = arith.cmpf oeq, %scan3A_23#2, %max3A_48 : vector<16xf32>
      %select_n3A_58 = arith.select %eq3A_57, %broadcast_in_dim3A_30, %select_n3A_56 : vector<16xi1>, vector<16xi32>
      %eq3A_59 = arith.cmpf oeq, %scan3A_23#1, %max3A_48 : vector<16xf32>
      %select_n3A_60 = arith.select %eq3A_59, %broadcast_in_dim3A_28, %select_n3A_58 : vector<16xi1>, vector<16xi32>
      %eq3A_61 = arith.cmpf oeq, %scan3A_23#0, %max3A_48 : vector<16xf32>
      %select_n3A_62 = arith.select %eq3A_61, %broadcast_in_dim3A_26, %select_n3A_60 : vector<16xi1>, vector<16xi32>
      %broadcast_in_dim3A_63 = arith.constant -3.000000e+38 : f32
      %broadcast_in_dim3A_64 = vector.broadcast %broadcast_in_dim3A_63 : f32 to vector<16xf32>
      %eq3A_65 = arith.cmpi eq, %broadcast_in_dim3A_26, %select_n3A_62 : vector<16xi32>
      %select_n3A_66 = arith.select %eq3A_65, %broadcast_in_dim3A_64, %scan3A_23#0 : vector<16xi1>, vector<16xf32>
      %eq3A_67 = arith.cmpi eq, %broadcast_in_dim3A_28, %select_n3A_62 : vector<16xi32>
      %select_n3A_68 = arith.select %eq3A_67, %broadcast_in_dim3A_64, %scan3A_23#1 : vector<16xi1>, vector<16xf32>
      %eq3A_69 = arith.cmpi eq, %broadcast_in_dim3A_30, %select_n3A_62 : vector<16xi32>
      %select_n3A_70 = arith.select %eq3A_69, %broadcast_in_dim3A_64, %scan3A_23#2 : vector<16xi1>, vector<16xf32>
      %eq3A_71 = arith.cmpi eq, %broadcast_in_dim3A_32, %select_n3A_62 : vector<16xi32>
      %select_n3A_72 = arith.select %eq3A_71, %broadcast_in_dim3A_64, %scan3A_23#3 : vector<16xi1>, vector<16xf32>
      %eq3A_73 = arith.cmpi eq, %broadcast_in_dim3A_34, %select_n3A_62 : vector<16xi32>
      %select_n3A_74 = arith.select %eq3A_73, %broadcast_in_dim3A_64, %scan3A_23#4 : vector<16xi1>, vector<16xf32>
      %eq3A_75 = arith.cmpi eq, %broadcast_in_dim3A_36, %select_n3A_62 : vector<16xi32>
      %select_n3A_76 = arith.select %eq3A_75, %broadcast_in_dim3A_64, %scan3A_23#5 : vector<16xi1>, vector<16xf32>
      %eq3A_77 = arith.cmpi eq, %broadcast_in_dim3A_38, %select_n3A_62 : vector<16xi32>
      %select_n3A_78 = arith.select %eq3A_77, %broadcast_in_dim3A_64, %scan3A_23#6 : vector<16xi1>, vector<16xf32>
      %eq3A_79 = arith.cmpi eq, %broadcast_in_dim3A_40, %select_n3A_62 : vector<16xi32>
      %select_n3A_80 = arith.select %eq3A_79, %broadcast_in_dim3A_64, %scan3A_23#7 : vector<16xi1>, vector<16xf32>
      %max3A_81 = arith.maximumf %select_n3A_66, %select_n3A_68 : vector<16xf32>
      %max3A_82 = arith.maximumf %max3A_81, %select_n3A_70 : vector<16xf32>
      %max3A_83 = arith.maximumf %max3A_82, %select_n3A_72 : vector<16xf32>
      %max3A_84 = arith.maximumf %max3A_83, %select_n3A_74 : vector<16xf32>
      %max3A_85 = arith.maximumf %max3A_84, %select_n3A_76 : vector<16xf32>
      %max3A_86 = arith.maximumf %max3A_85, %select_n3A_78 : vector<16xf32>
      %max3A_87 = arith.maximumf %max3A_86, %select_n3A_80 : vector<16xf32>
      %eq3A_88 = arith.cmpf oeq, %select_n3A_80, %max3A_87 : vector<16xf32>
      %select_n3A_89 = arith.select %eq3A_88, %broadcast_in_dim3A_40, %broadcast_in_dim3A_42 : vector<16xi1>, vector<16xi32>
      %eq3A_90 = arith.cmpf oeq, %select_n3A_78, %max3A_87 : vector<16xf32>
      %select_n3A_91 = arith.select %eq3A_90, %broadcast_in_dim3A_38, %select_n3A_89 : vector<16xi1>, vector<16xi32>
      %eq3A_92 = arith.cmpf oeq, %select_n3A_76, %max3A_87 : vector<16xf32>
      %select_n3A_93 = arith.select %eq3A_92, %broadcast_in_dim3A_36, %select_n3A_91 : vector<16xi1>, vector<16xi32>
      %eq3A_94 = arith.cmpf oeq, %select_n3A_74, %max3A_87 : vector<16xf32>
      %select_n3A_95 = arith.select %eq3A_94, %broadcast_in_dim3A_34, %select_n3A_93 : vector<16xi1>, vector<16xi32>
      %eq3A_96 = arith.cmpf oeq, %select_n3A_72, %max3A_87 : vector<16xf32>
      %select_n3A_97 = arith.select %eq3A_96, %broadcast_in_dim3A_32, %select_n3A_95 : vector<16xi1>, vector<16xi32>
      %eq3A_98 = arith.cmpf oeq, %select_n3A_70, %max3A_87 : vector<16xf32>
      %select_n3A_99 = arith.select %eq3A_98, %broadcast_in_dim3A_30, %select_n3A_97 : vector<16xi1>, vector<16xi32>
      %eq3A_100 = arith.cmpf oeq, %select_n3A_68, %max3A_87 : vector<16xf32>
      %select_n3A_101 = arith.select %eq3A_100, %broadcast_in_dim3A_28, %select_n3A_99 : vector<16xi1>, vector<16xi32>
      %eq3A_102 = arith.cmpf oeq, %select_n3A_66, %max3A_87 : vector<16xf32>
      %select_n3A_103 = arith.select %eq3A_102, %broadcast_in_dim3A_26, %select_n3A_101 : vector<16xi1>, vector<16xi32>
      %sub3A = arith.subf %max3A_87, %max3A_48 : vector<16xf32>
      %exp3A = math.exp %sub3A : vector<16xf32>
      %add3A_104 = arith.constant 1.000000e+00 : f32
      %add3A_105 = vector.broadcast %add3A_104 : f32 to vector<16xf32>
      %add3A_106 = arith.addf %add3A_105, %exp3A : vector<16xf32>
      %div3A = arith.constant 1.000000e+00 : f32
      %div3A_107 = vector.broadcast %div3A : f32 to vector<16xf32>
      %div3A_108 = arith.divf %div3A_107, %add3A_106 : vector<16xf32>
      %div3A_109 = arith.divf %exp3A, %add3A_106 : vector<16xf32>
      %broadcast_in_dim3A_110 = arith.constant 0.000000e+00 : f32
      %broadcast_in_dim3A_111 = vector.broadcast %broadcast_in_dim3A_110 : f32 to vector<16xf32>
      %eq3A_112 = arith.cmpi eq, %broadcast_in_dim3A_26, %select_n3A_62 : vector<16xi32>
      %eq3A_113 = arith.cmpi eq, %broadcast_in_dim3A_26, %select_n3A_103 : vector<16xi32>
      %select_n3A_114 = arith.select %eq3A_113, %div3A_109, %broadcast_in_dim3A_111 : vector<16xi1>, vector<16xf32>
      %select_n3A_115 = arith.select %eq3A_112, %div3A_108, %select_n3A_114 : vector<16xi1>, vector<16xf32>
      %swap3A = arith.constant 0 : i32
      %swap3A_116 = arith.index_cast %swap3A : i32 to index
      %swap3A_117 = arith.constant 0 : index
      %swap3A_118 = tpu.vector_load %arg7[%swap3A_116, %swap3A_117] {strides = array<i32>} : memref<8x16xf32, #tpu.memory_space<vmem>>, vector<1x16xf32>,
      %swap3A_119 = vector.shape_cast %swap3A_118 : vector<1x16xf32> to vector<16xf32>
      %swap3A_120 = vector.shape_cast %select_n3A_115 : vector<16xf32> to vector<1x16xf32>
      tpu.vector_store %arg7[%swap3A_116, %swap3A_117], %swap3A_120 {strides = array<i32>} : memref<8x16xf32, #tpu.memory_space<vmem>>, vector<1x16xf32>,
      %eq3A_121 = arith.cmpi eq, %broadcast_in_dim3A_28, %select_n3A_62 : vector<16xi32>
      %eq3A_122 = arith.cmpi eq, %broadcast_in_dim3A_28, %select_n3A_103 : vector<16xi32>
      %select_n3A_123 = arith.select %eq3A_122, %div3A_109, %broadcast_in_dim3A_111 : vector<16xi1>, vector<16xf32>
      %select_n3A_124 = arith.select %eq3A_121, %div3A_108, %select_n3A_123 : vector<16xi1>, vector<16xf32>
      %swap3A_125 = arith.constant 1 : i32
      %swap3A_126 = arith.index_cast %swap3A_125 : i32 to index
      %swap3A_127 = arith.constant 0 : index
      %swap3A_128 = tpu.vector_load %arg7[%swap3A_126, %swap3A_127] {strides = array<i32>} : memref<8x16xf32, #tpu.memory_space<vmem>>, vector<1x16xf32>,
      %swap3A_129 = vector.shape_cast %swap3A_128 : vector<1x16xf32> to vector<16xf32>
      %swap3A_130 = vector.shape_cast %select_n3A_124 : vector<16xf32> to vector<1x16xf32>
      tpu.vector_store %arg7[%swap3A_126, %swap3A_127], %swap3A_130 {strides = array<i32>} : memref<8x16xf32, #tpu.memory_space<vmem>>, vector<1x16xf32>,
      %eq3A_131 = arith.cmpi eq, %broadcast_in_dim3A_30, %select_n3A_62 : vector<16xi32>
      %eq3A_132 = arith.cmpi eq, %broadcast_in_dim3A_30, %select_n3A_103 : vector<16xi32>
      %select_n3A_133 = arith.select %eq3A_132, %div3A_109, %broadcast_in_dim3A_111 : vector<16xi1>, vector<16xf32>
      %select_n3A_134 = arith.select %eq3A_131, %div3A_108, %select_n3A_133 : vector<16xi1>, vector<16xf32>
      %swap3A_135 = arith.constant 2 : i32
      %swap3A_136 = arith.index_cast %swap3A_135 : i32 to index
      %swap3A_137 = arith.constant 0 : index
      %swap3A_138 = tpu.vector_load %arg7[%swap3A_136, %swap3A_137] {strides = array<i32>} : memref<8x16xf32, #tpu.memory_space<vmem>>, vector<1x16xf32>,
      %swap3A_139 = vector.shape_cast %swap3A_138 : vector<1x16xf32> to vector<16xf32>
      %swap3A_140 = vector.shape_cast %select_n3A_134 : vector<16xf32> to vector<1x16xf32>
      tpu.vector_store %arg7[%swap3A_136, %swap3A_137], %swap3A_140 {strides = array<i32>} : memref<8x16xf32, #tpu.memory_space<vmem>>, vector<1x16xf32>,
      %eq3A_141 = arith.cmpi eq, %broadcast_in_dim3A_32, %select_n3A_62 : vector<16xi32>
      %eq3A_142 = arith.cmpi eq, %broadcast_in_dim3A_32, %select_n3A_103 : vector<16xi32>
      %select_n3A_143 = arith.select %eq3A_142, %div3A_109, %broadcast_in_dim3A_111 : vector<16xi1>, vector<16xf32>
      %select_n3A_144 = arith.select %eq3A_141, %div3A_108, %select_n3A_143 : vector<16xi1>, vector<16xf32>
      %swap3A_145 = arith.constant 3 : i32
      %swap3A_146 = arith.index_cast %swap3A_145 : i32 to index
      %swap3A_147 = arith.constant 0 : index
      %swap3A_148 = tpu.vector_load %arg7[%swap3A_146, %swap3A_147] {strides = array<i32>} : memref<8x16xf32, #tpu.memory_space<vmem>>, vector<1x16xf32>,
      %swap3A_149 = vector.shape_cast %swap3A_148 : vector<1x16xf32> to vector<16xf32>
      %swap3A_150 = vector.shape_cast %select_n3A_144 : vector<16xf32> to vector<1x16xf32>
      tpu.vector_store %arg7[%swap3A_146, %swap3A_147], %swap3A_150 {strides = array<i32>} : memref<8x16xf32, #tpu.memory_space<vmem>>, vector<1x16xf32>,
      %eq3A_151 = arith.cmpi eq, %broadcast_in_dim3A_34, %select_n3A_62 : vector<16xi32>
      %eq3A_152 = arith.cmpi eq, %broadcast_in_dim3A_34, %select_n3A_103 : vector<16xi32>
      %select_n3A_153 = arith.select %eq3A_152, %div3A_109, %broadcast_in_dim3A_111 : vector<16xi1>, vector<16xf32>
      %select_n3A_154 = arith.select %eq3A_151, %div3A_108, %select_n3A_153 : vector<16xi1>, vector<16xf32>
      %swap3A_155 = arith.constant 4 : i32
      %swap3A_156 = arith.index_cast %swap3A_155 : i32 to index
      %swap3A_157 = arith.constant 0 : index
      %swap3A_158 = tpu.vector_load %arg7[%swap3A_156, %swap3A_157] {strides = array<i32>} : memref<8x16xf32, #tpu.memory_space<vmem>>, vector<1x16xf32>,
      %swap3A_159 = vector.shape_cast %swap3A_158 : vector<1x16xf32> to vector<16xf32>
      %swap3A_160 = vector.shape_cast %select_n3A_154 : vector<16xf32> to vector<1x16xf32>
      tpu.vector_store %arg7[%swap3A_156, %swap3A_157], %swap3A_160 {strides = array<i32>} : memref<8x16xf32, #tpu.memory_space<vmem>>, vector<1x16xf32>,
      %eq3A_161 = arith.cmpi eq, %broadcast_in_dim3A_36, %select_n3A_62 : vector<16xi32>
      %eq3A_162 = arith.cmpi eq, %broadcast_in_dim3A_36, %select_n3A_103 : vector<16xi32>
      %select_n3A_163 = arith.select %eq3A_162, %div3A_109, %broadcast_in_dim3A_111 : vector<16xi1>, vector<16xf32>
      %select_n3A_164 = arith.select %eq3A_161, %div3A_108, %select_n3A_163 : vector<16xi1>, vector<16xf32>
      %swap3A_165 = arith.constant 5 : i32
      %swap3A_166 = arith.index_cast %swap3A_165 : i32 to index
      %swap3A_167 = arith.constant 0 : index
      %swap3A_168 = tpu.vector_load %arg7[%swap3A_166, %swap3A_167] {strides = array<i32>} : memref<8x16xf32, #tpu.memory_space<vmem>>, vector<1x16xf32>,
      %swap3A_169 = vector.shape_cast %swap3A_168 : vector<1x16xf32> to vector<16xf32>
      %swap3A_170 = vector.shape_cast %select_n3A_164 : vector<16xf32> to vector<1x16xf32>
      tpu.vector_store %arg7[%swap3A_166, %swap3A_167], %swap3A_170 {strides = array<i32>} : memref<8x16xf32, #tpu.memory_space<vmem>>, vector<1x16xf32>,
      %eq3A_171 = arith.cmpi eq, %broadcast_in_dim3A_38, %select_n3A_62 : vector<16xi32>
      %eq3A_172 = arith.cmpi eq, %broadcast_in_dim3A_38, %select_n3A_103 : vector<16xi32>
      %select_n3A_173 = arith.select %eq3A_172, %div3A_109, %broadcast_in_dim3A_111 : vector<16xi1>, vector<16xf32>
      %select_n3A_174 = arith.select %eq3A_171, %div3A_108, %select_n3A_173 : vector<16xi1>, vector<16xf32>
      %swap3A_175 = arith.constant 6 : i32
      %swap3A_176 = arith.index_cast %swap3A_175 : i32 to index
      %swap3A_177 = arith.constant 0 : index
      %swap3A_178 = tpu.vector_load %arg7[%swap3A_176, %swap3A_177] {strides = array<i32>} : memref<8x16xf32, #tpu.memory_space<vmem>>, vector<1x16xf32>,
      %swap3A_179 = vector.shape_cast %swap3A_178 : vector<1x16xf32> to vector<16xf32>
      %swap3A_180 = vector.shape_cast %select_n3A_174 : vector<16xf32> to vector<1x16xf32>
      tpu.vector_store %arg7[%swap3A_176, %swap3A_177], %swap3A_180 {strides = array<i32>} : memref<8x16xf32, #tpu.memory_space<vmem>>, vector<1x16xf32>,
      %eq3A_181 = arith.cmpi eq, %broadcast_in_dim3A_40, %select_n3A_62 : vector<16xi32>
      %eq3A_182 = arith.cmpi eq, %broadcast_in_dim3A_40, %select_n3A_103 : vector<16xi32>
      %select_n3A_183 = arith.select %eq3A_182, %div3A_109, %broadcast_in_dim3A_111 : vector<16xi1>, vector<16xf32>
      %select_n3A_184 = arith.select %eq3A_181, %div3A_108, %select_n3A_183 : vector<16xi1>, vector<16xf32>
      %swap3A_185 = arith.constant 7 : i32
      %swap3A_186 = arith.index_cast %swap3A_185 : i32 to index
      %swap3A_187 = arith.constant 0 : index
      %swap3A_188 = tpu.vector_load %arg7[%swap3A_186, %swap3A_187] {strides = array<i32>} : memref<8x16xf32, #tpu.memory_space<vmem>>, vector<1x16xf32>,
      %swap3A_189 = vector.shape_cast %swap3A_188 : vector<1x16xf32> to vector<16xf32>
      %swap3A_190 = vector.shape_cast %select_n3A_184 : vector<16xf32> to vector<1x16xf32>
      tpu.vector_store %arg7[%swap3A_186, %swap3A_187], %swap3A_190 {strides = array<i32>} : memref<8x16xf32, #tpu.memory_space<vmem>>, vector<1x16xf32>,
      "tpu.region"() ({
        %run_scoped3A = tpu.sem_alloc : memref<!tpu.dma_semaphore, #tpu.memory_space<semaphore_mem>>
        %dma_start3A = arith.constant 0 : i32
        %dma_start3A_191 = arith.constant 0 : i32
        %dma_start3A_192 = tpu.memref_slice %arg4[%add3A, %dma_start3A, %dma_start3A_191] : memref<4x8x16xf32, #tpu.memory_space<hbm>> -> memref<1x8x16xf32, #tpu.memory_space<hbm>>
        %dma_start3A_193 = tpu.memref_squeeze %dma_start3A_192 : memref<1x8x16xf32, #tpu.memory_space<hbm>> -> memref<8x16xf32, #tpu.memory_space<hbm>>
        %dma_start3A_194 = arith.constant 0 : i32
        %dma_start3A_195 = arith.constant 0 : i32
        %dma_start3A_196 = tpu.memref_slice %arg4[%add3A, %dma_start3A_194, %dma_start3A_195] : memref<4x8x16xf32, #tpu.memory_space<hbm>> -> memref<1x8x16xf32, #tpu.memory_space<hbm>>
        %dma_start3A_197 = tpu.memref_squeeze %dma_start3A_196 : memref<1x8x16xf32, #tpu.memory_space<hbm>> -> memref<8x16xf32, #tpu.memory_space<hbm>>
        tpu.enqueue_dma source(%arg7 : memref<8x16xf32, #tpu.memory_space<vmem>>) target(%dma_start3A_197 : memref<8x16xf32, #tpu.memory_space<hbm>>) target_semaphore(%run_scoped3A : memref<!tpu.dma_semaphore, #tpu.memory_space<semaphore_mem>>)
        %dma_wait3A = arith.constant 0 : i32
        %dma_wait3A_198 = arith.constant 0 : i32
        %dma_wait3A_199 = tpu.memref_slice %arg4[%add3A, %dma_wait3A, %dma_wait3A_198] : memref<4x8x16xf32, #tpu.memory_space<hbm>> -> memref<1x8x16xf32, #tpu.memory_space<hbm>>
        %dma_wait3A_200 = tpu.memref_squeeze %dma_wait3A_199 : memref<1x8x16xf32, #tpu.memory_space<hbm>> -> memref<8x16xf32, #tpu.memory_space<hbm>>
        %dma_wait3A_201 = arith.constant 0 : i32
        %dma_wait3A_202 = arith.constant 0 : i32
        %dma_wait3A_203 = tpu.memref_slice %arg4[%add3A, %dma_wait3A_201, %dma_wait3A_202] : memref<4x8x16xf32, #tpu.memory_space<hbm>> -> memref<1x8x16xf32, #tpu.memory_space<hbm>>
        %dma_wait3A_204 = tpu.memref_squeeze %dma_wait3A_203 : memref<1x8x16xf32, #tpu.memory_space<hbm>> -> memref<8x16xf32, #tpu.memory_space<hbm>>
        tpu.wait_dma2 semaphore(%run_scoped3A : memref<!tpu.dma_semaphore, #tpu.memory_space<semaphore_mem>>) src(%arg7 : memref<8x16xf32, #tpu.memory_space<vmem>>) dst(%dma_wait3A_204 : memref<8x16xf32, #tpu.memory_space<hbm>>)
        tpu.yield
      }) : () -> ()
    } else {
    }
    return
  }
}

module attributes {stable_mosaic.version = 14 : i64} {
  func.func @_expert_body(%arg0: i32, %arg1: memref<64x768xf32, #tpu.memory_space<vmem>>, %arg2: memref<1x512x1536xf32, #tpu.memory_space<vmem>>, %arg3: memref<1x512x1536xf32, #tpu.memory_space<vmem>>, %arg4: memref<1x1x1024xf32, #tpu.memory_space<vmem>>, %arg5: memref<1x1x1024xf32, #tpu.memory_space<vmem>>, %arg6: memref<1x768x512xf32, #tpu.memory_space<vmem>>, %arg7: memref<1x768x512xf32, #tpu.memory_space<vmem>>, %arg8: memref<1x1x768xf32, #tpu.memory_space<vmem>>, %arg9: memref<1x64x768xf32, #tpu.memory_space<vmem>>) attributes {dimension_semantics = [#tpu.dimension_semantics<arbitrary>], iteration_bounds = array<i64: 8>, scalar_prefetch = 0 : i64, scratch_operands = 0 : i64, tpu.core_type = #tpu.core_type<tc>, window_params = [{pipeline_mode = #tpu.pipeline_mode<synchronous>, transform_indices = @transform_0, window_bounds = array<i64: 64, 768>}, {transform_indices = @transform_1, window_bounds = array<i64: 1, 512, 1536>}, {transform_indices = @transform_2, window_bounds = array<i64: 1, 512, 1536>}, {transform_indices = @transform_3, window_bounds = array<i64: 1, 1, 1024>}, {transform_indices = @transform_4, window_bounds = array<i64: 1, 1, 1024>}, {transform_indices = @transform_5, window_bounds = array<i64: 1, 768, 512>}, {transform_indices = @transform_6, window_bounds = array<i64: 1, 768, 512>}, {transform_indices = @transform_7, window_bounds = array<i64: 1, 1, 768>}, {transform_indices = @transform_8, window_bounds = array<i64: 1, 64, 768>}]} {
    %get3A = arith.constant 0 : index
    %get3A_0 = arith.constant 0 : index
    %get3A_1 = vector.load %arg1[%get3A, %get3A_0] : memref<64x768xf32, #tpu.memory_space<vmem>>, vector<64x768xf32>
    %get3A_2 = arith.constant 0 : index
    %get3A_3 = arith.constant 0 : index
    %get3A_4 = arith.constant 0 : index
    %get3A_5 = vector.load %arg8[%get3A_2, %get3A_3, %get3A_4] : memref<1x1x768xf32, #tpu.memory_space<vmem>>, vector<1x1x768xf32>
    %get3A_6 = vector.shape_cast %get3A_5 : vector<1x1x768xf32> to vector<1x768xf32>
    %get3A_7 = arith.constant 0 : index
    %get3A_8 = arith.constant 0 : index
    %get3A_9 = arith.constant 0 : index
    %get3A_10 = vector.load %arg2[%get3A_7, %get3A_8, %get3A_9] : memref<1x512x1536xf32, #tpu.memory_space<vmem>>, vector<1x512x768xf32>
    %get3A_11 = vector.shape_cast %get3A_10 : vector<1x512x768xf32> to vector<512x768xf32>
    %dot_general3A = arith.constant dense<0.000000e+00> : vector<64x512xf32>
    %dot_general3A_12 = tpu.matmul %get3A_1, %get3A_11, %dot_general3A {dimension_numbers = #tpu.dot_dimension_numbers<[1], [1], [0], [0], [0, 0, 1, 0], [], []>, transpose_lhs_hint = false} : vector<64x768xf32>, vector<512x768xf32>, vector<64x512xf32> -> vector<64x512xf32>
    %get3A_13 = arith.constant 0 : index
    %get3A_14 = arith.constant 0 : index
    %get3A_15 = arith.constant 0 : index
    %get3A_16 = vector.load %arg4[%get3A_13, %get3A_14, %get3A_15] : memref<1x1x1024xf32, #tpu.memory_space<vmem>>, vector<1x1x512xf32>
    %get3A_17 = vector.shape_cast %get3A_16 : vector<1x1x512xf32> to vector<1x512xf32>
    %add3A = vector.broadcast %get3A_17 : vector<1x512xf32> to vector<64x512xf32>
    %add3A_18 = arith.addf %dot_general3A_12, %add3A : vector<64x512xf32>
    %get3A_19 = arith.constant 0 : index
    %get3A_20 = arith.constant 0 : index
    %get3A_21 = arith.constant 768 : index
    %get3A_22 = vector.load %arg2[%get3A_19, %get3A_20, %get3A_21] : memref<1x512x1536xf32, #tpu.memory_space<vmem>>, vector<1x512x768xf32>
    %get3A_23 = vector.shape_cast %get3A_22 : vector<1x512x768xf32> to vector<512x768xf32>
    %dot_general3A_24 = arith.constant dense<0.000000e+00> : vector<64x512xf32>
    %dot_general3A_25 = tpu.matmul %get3A_1, %get3A_23, %dot_general3A_24 {dimension_numbers = #tpu.dot_dimension_numbers<[1], [1], [0], [0], [0, 0, 1, 0], [], []>, transpose_lhs_hint = false} : vector<64x768xf32>, vector<512x768xf32>, vector<64x512xf32> -> vector<64x512xf32>
    %get3A_26 = arith.constant 0 : index
    %get3A_27 = arith.constant 0 : index
    %get3A_28 = arith.constant 0 : index
    %get3A_29 = vector.load %arg5[%get3A_26, %get3A_27, %get3A_28] : memref<1x1x1024xf32, #tpu.memory_space<vmem>>, vector<1x1x512xf32>
    %get3A_30 = vector.shape_cast %get3A_29 : vector<1x1x512xf32> to vector<1x512xf32>
    %add3A_31 = vector.broadcast %get3A_30 : vector<1x512xf32> to vector<64x512xf32>
    %add3A_32 = arith.addf %dot_general3A_25, %add3A_31 : vector<64x512xf32>
    %min3A = arith.constant 7.000000e+00 : f32
    %min3A_33 = vector.broadcast %min3A : f32 to vector<64x512xf32>
    %min3A_34 = arith.minimumf %add3A_18, %min3A_33 : vector<64x512xf32>
    %jit3A = arith.constant -7.000000e+00 : f32
    %jit3A_35 = arith.constant 7.000000e+00 : f32
    %max3A = vector.broadcast %jit3A : f32 to vector<64x512xf32>
    %max3A_36 = arith.maximumf %max3A, %add3A_32 : vector<64x512xf32>
    %min3A_37 = vector.broadcast %jit3A_35 : f32 to vector<64x512xf32>
    %min3A_38 = arith.minimumf %min3A_37, %max3A_36 : vector<64x512xf32>
    %mul3A = arith.constant 1.702000e+00 : f32
    %mul3A_39 = vector.broadcast %mul3A : f32 to vector<64x512xf32>
    %mul3A_40 = arith.mulf %mul3A_39, %min3A_34 : vector<64x512xf32>
    %logistic3A = arith.negf %mul3A_40 : vector<64x512xf32>
    %logistic3A_41 = math.exp %logistic3A : vector<64x512xf32>
    %logistic3A_42 = arith.constant 1.000000e+00 : f32
    %logistic3A_43 = vector.broadcast %logistic3A_42 : f32 to vector<64x512xf32>
    %logistic3A_44 = arith.addf %logistic3A_43, %logistic3A_41 : vector<64x512xf32>
    %logistic3A_45 = arith.divf %logistic3A_43, %logistic3A_44 : vector<64x512xf32>
    %mul3A_46 = arith.mulf %min3A_34, %logistic3A_45 : vector<64x512xf32>
    %add3A_47 = arith.constant 1.000000e+00 : f32
    %add3A_48 = vector.broadcast %add3A_47 : f32 to vector<64x512xf32>
    %add3A_49 = arith.addf %min3A_38, %add3A_48 : vector<64x512xf32>
    %mul3A_50 = arith.mulf %mul3A_46, %add3A_49 : vector<64x512xf32>
    %get3A_51 = arith.constant 0 : index
    %get3A_52 = arith.constant 0 : index
    %get3A_53 = arith.constant 0 : index
    %get3A_54 = vector.load %arg6[%get3A_51, %get3A_52, %get3A_53] : memref<1x768x512xf32, #tpu.memory_space<vmem>>, vector<1x768x512xf32>
    %get3A_55 = vector.shape_cast %get3A_54 : vector<1x768x512xf32> to vector<768x512xf32>
    %dot_general3A_56 = arith.constant dense<0.000000e+00> : vector<64x768xf32>
    %dot_general3A_57 = tpu.matmul %mul3A_50, %get3A_55, %dot_general3A_56 {dimension_numbers = #tpu.dot_dimension_numbers<[1], [1], [0], [0], [0, 0, 1, 0], [], []>, transpose_lhs_hint = false} : vector<64x512xf32>, vector<768x512xf32>, vector<64x768xf32> -> vector<64x768xf32>
    %add3A_58 = vector.broadcast %get3A_6 : vector<1x768xf32> to vector<64x768xf32>
    %add3A_59 = arith.addf %add3A_58, %dot_general3A_57 : vector<64x768xf32>
    %get3A_60 = arith.constant 0 : index
    %get3A_61 = arith.constant 0 : index
    %get3A_62 = arith.constant 0 : index
    %get3A_63 = vector.load %arg3[%get3A_60, %get3A_61, %get3A_62] : memref<1x512x1536xf32, #tpu.memory_space<vmem>>, vector<1x512x768xf32>
    %get3A_64 = vector.shape_cast %get3A_63 : vector<1x512x768xf32> to vector<512x768xf32>
    %dot_general3A_65 = arith.constant dense<0.000000e+00> : vector<64x512xf32>
    %dot_general3A_66 = tpu.matmul %get3A_1, %get3A_64, %dot_general3A_65 {dimension_numbers = #tpu.dot_dimension_numbers<[1], [1], [0], [0], [0, 0, 1, 0], [], []>, transpose_lhs_hint = false} : vector<64x768xf32>, vector<512x768xf32>, vector<64x512xf32> -> vector<64x512xf32>
    %get3A_67 = arith.constant 0 : index
    %get3A_68 = arith.constant 0 : index
    %get3A_69 = arith.constant 512 : index
    %get3A_70 = vector.load %arg4[%get3A_67, %get3A_68, %get3A_69] : memref<1x1x1024xf32, #tpu.memory_space<vmem>>, vector<1x1x512xf32>
    %get3A_71 = vector.shape_cast %get3A_70 : vector<1x1x512xf32> to vector<1x512xf32>
    %add3A_72 = vector.broadcast %get3A_71 : vector<1x512xf32> to vector<64x512xf32>
    %add3A_73 = arith.addf %dot_general3A_66, %add3A_72 : vector<64x512xf32>
    %get3A_74 = arith.constant 0 : index
    %get3A_75 = arith.constant 0 : index
    %get3A_76 = arith.constant 768 : index
    %get3A_77 = vector.load %arg3[%get3A_74, %get3A_75, %get3A_76] : memref<1x512x1536xf32, #tpu.memory_space<vmem>>, vector<1x512x768xf32>
    %get3A_78 = vector.shape_cast %get3A_77 : vector<1x512x768xf32> to vector<512x768xf32>
    %dot_general3A_79 = arith.constant dense<0.000000e+00> : vector<64x512xf32>
    %dot_general3A_80 = tpu.matmul %get3A_1, %get3A_78, %dot_general3A_79 {dimension_numbers = #tpu.dot_dimension_numbers<[1], [1], [0], [0], [0, 0, 1, 0], [], []>, transpose_lhs_hint = false} : vector<64x768xf32>, vector<512x768xf32>, vector<64x512xf32> -> vector<64x512xf32>
    %get3A_81 = arith.constant 0 : index
    %get3A_82 = arith.constant 0 : index
    %get3A_83 = arith.constant 512 : index
    %get3A_84 = vector.load %arg5[%get3A_81, %get3A_82, %get3A_83] : memref<1x1x1024xf32, #tpu.memory_space<vmem>>, vector<1x1x512xf32>
    %get3A_85 = vector.shape_cast %get3A_84 : vector<1x1x512xf32> to vector<1x512xf32>
    %add3A_86 = vector.broadcast %get3A_85 : vector<1x512xf32> to vector<64x512xf32>
    %add3A_87 = arith.addf %dot_general3A_80, %add3A_86 : vector<64x512xf32>
    %min3A_88 = arith.constant 7.000000e+00 : f32
    %min3A_89 = vector.broadcast %min3A_88 : f32 to vector<64x512xf32>
    %min3A_90 = arith.minimumf %add3A_73, %min3A_89 : vector<64x512xf32>
    %jit3A_91 = arith.constant -7.000000e+00 : f32
    %jit3A_92 = arith.constant 7.000000e+00 : f32
    %max3A_93 = vector.broadcast %jit3A_91 : f32 to vector<64x512xf32>
    %max3A_94 = arith.maximumf %max3A_93, %add3A_87 : vector<64x512xf32>
    %min3A_95 = vector.broadcast %jit3A_92 : f32 to vector<64x512xf32>
    %min3A_96 = arith.minimumf %min3A_95, %max3A_94 : vector<64x512xf32>
    %mul3A_97 = arith.constant 1.702000e+00 : f32
    %mul3A_98 = vector.broadcast %mul3A_97 : f32 to vector<64x512xf32>
    %mul3A_99 = arith.mulf %mul3A_98, %min3A_90 : vector<64x512xf32>
    %logistic3A_100 = arith.negf %mul3A_99 : vector<64x512xf32>
    %logistic3A_101 = math.exp %logistic3A_100 : vector<64x512xf32>
    %logistic3A_102 = arith.constant 1.000000e+00 : f32
    %logistic3A_103 = vector.broadcast %logistic3A_102 : f32 to vector<64x512xf32>
    %logistic3A_104 = arith.addf %logistic3A_103, %logistic3A_101 : vector<64x512xf32>
    %logistic3A_105 = arith.divf %logistic3A_103, %logistic3A_104 : vector<64x512xf32>
    %mul3A_106 = arith.mulf %min3A_90, %logistic3A_105 : vector<64x512xf32>
    %add3A_107 = arith.constant 1.000000e+00 : f32
    %add3A_108 = vector.broadcast %add3A_107 : f32 to vector<64x512xf32>
    %add3A_109 = arith.addf %min3A_96, %add3A_108 : vector<64x512xf32>
    %mul3A_110 = arith.mulf %mul3A_106, %add3A_109 : vector<64x512xf32>
    %get3A_111 = arith.constant 0 : index
    %get3A_112 = arith.constant 0 : index
    %get3A_113 = arith.constant 0 : index
    %get3A_114 = vector.load %arg7[%get3A_111, %get3A_112, %get3A_113] : memref<1x768x512xf32, #tpu.memory_space<vmem>>, vector<1x768x512xf32>
    %get3A_115 = vector.shape_cast %get3A_114 : vector<1x768x512xf32> to vector<768x512xf32>
    %dot_general3A_116 = arith.constant dense<0.000000e+00> : vector<64x768xf32>
    %dot_general3A_117 = tpu.matmul %mul3A_110, %get3A_115, %dot_general3A_116 {dimension_numbers = #tpu.dot_dimension_numbers<[1], [1], [0], [0], [0, 0, 1, 0], [], []>, transpose_lhs_hint = false} : vector<64x512xf32>, vector<768x512xf32>, vector<64x768xf32> -> vector<64x768xf32>
    %add3A_118 = arith.addf %add3A_59, %dot_general3A_117 : vector<64x768xf32>
    %reshape3A = vector.shape_cast %add3A_118 : vector<64x768xf32> to vector<1x64x768xf32>
    %swap3A = arith.constant 0 : index
    %swap3A_119 = arith.constant 0 : index
    %swap3A_120 = arith.constant 0 : index
    %swap3A_121 = vector.load %arg9[%swap3A, %swap3A_119, %swap3A_120] : memref<1x64x768xf32, #tpu.memory_space<vmem>>, vector<1x64x768xf32>
    tpu.vector_store %arg9[%swap3A, %swap3A_119, %swap3A_120], %reshape3A {strides = array<i32>} : memref<1x64x768xf32, #tpu.memory_space<vmem>>, vector<1x64x768xf32>,
    return
  }
  func.func @transform_0(%arg0: i32) -> (i32, i32) {
    %c0_i32 = arith.constant 0 : i32
    %c0_i32_0 = arith.constant 0 : i32
    %c0_i32_1 = arith.constant 0 : i32
    return %c0_i32, %c0_i32_0 : i32, i32
  }
  func.func @transform_1(%arg0: i32) -> (i32, i32, i32) {
    %c0_i32 = arith.constant 0 : i32
    %c0_i32_0 = arith.constant 0 : i32
    %c0_i32_1 = arith.constant 0 : i32
    return %arg0, %c0_i32, %c0_i32_0 : i32, i32, i32
  }
  func.func @transform_2(%arg0: i32) -> (i32, i32, i32) {
    %c1_i32 = arith.constant 1 : i32
    %c0_i32 = arith.constant 0 : i32
    %c0_i32_0 = arith.constant 0 : i32
    return %arg0, %c1_i32, %c0_i32 : i32, i32, i32
  }
  func.func @transform_3(%arg0: i32) -> (i32, i32, i32) {
    %c0_i32 = arith.constant 0 : i32
    %c0_i32_0 = arith.constant 0 : i32
    %c0_i32_1 = arith.constant 0 : i32
    return %arg0, %c0_i32, %c0_i32_0 : i32, i32, i32
  }
  func.func @transform_4(%arg0: i32) -> (i32, i32, i32) {
    %c0_i32 = arith.constant 0 : i32
    %c0_i32_0 = arith.constant 0 : i32
    %c0_i32_1 = arith.constant 0 : i32
    return %arg0, %c0_i32, %c0_i32_0 : i32, i32, i32
  }
  func.func @transform_5(%arg0: i32) -> (i32, i32, i32) {
    %c0_i32 = arith.constant 0 : i32
    %c0_i32_0 = arith.constant 0 : i32
    %c0_i32_1 = arith.constant 0 : i32
    return %arg0, %c0_i32, %c0_i32_0 : i32, i32, i32
  }
  func.func @transform_6(%arg0: i32) -> (i32, i32, i32) {
    %c0_i32 = arith.constant 0 : i32
    %c1_i32 = arith.constant 1 : i32
    %c0_i32_0 = arith.constant 0 : i32
    return %arg0, %c0_i32, %c1_i32 : i32, i32, i32
  }
  func.func @transform_7(%arg0: i32) -> (i32, i32, i32) {
    %c0_i32 = arith.constant 0 : i32
    %c0_i32_0 = arith.constant 0 : i32
    %c0_i32_1 = arith.constant 0 : i32
    return %arg0, %c0_i32, %c0_i32_0 : i32, i32, i32
  }
  func.func @transform_8(%arg0: i32) -> (i32, i32, i32) {
    %c0_i32 = arith.constant 0 : i32
    %c0_i32_0 = arith.constant 0 : i32
    %c0_i32_1 = arith.constant 0 : i32
    return %arg0, %c0_i32, %c0_i32_0 : i32, i32, i32
  }
}

module attributes {stable_mosaic.version = 14 : i64} {
  func.func @_combine_body(%arg0: memref<64x8xf32, #tpu.memory_space<vmem>>, %arg1: memref<8x64x768xf32, #tpu.memory_space<vmem>>, %arg2: memref<64x768xf32, #tpu.memory_space<vmem>>) attributes {dimension_semantics = [], scalar_prefetch = 0 : i64, scratch_operands = 0 : i64, tpu.core_type = #tpu.core_type<tc>} {
    %get3A = arith.constant 0 : index
    %get3A_0 = arith.constant 0 : index
    %get3A_1 = vector.load %arg0[%get3A, %get3A_0] : memref<64x8xf32, #tpu.memory_space<vmem>>, vector<64x1xf32>
    %get3A_2 = arith.constant 0 : index
    %get3A_3 = arith.constant 0 : index
    %get3A_4 = arith.constant 0 : index
    %get3A_5 = vector.load %arg1[%get3A_2, %get3A_3, %get3A_4] : memref<8x64x768xf32, #tpu.memory_space<vmem>>, vector<1x64x768xf32>
    %get3A_6 = vector.shape_cast %get3A_5 : vector<1x64x768xf32> to vector<64x768xf32>
    %mul3A = vector.broadcast %get3A_1 : vector<64x1xf32> to vector<64x768xf32>
    %mul3A_7 = arith.mulf %mul3A, %get3A_6 : vector<64x768xf32>
    %get3A_8 = arith.constant 0 : index
    %get3A_9 = arith.constant 1 : index
    %get3A_10 = vector.load %arg0[%get3A_8, %get3A_9] : memref<64x8xf32, #tpu.memory_space<vmem>>, vector<64x1xf32>
    %get3A_11 = arith.constant 1 : index
    %get3A_12 = arith.constant 0 : index
    %get3A_13 = arith.constant 0 : index
    %get3A_14 = vector.load %arg1[%get3A_11, %get3A_12, %get3A_13] : memref<8x64x768xf32, #tpu.memory_space<vmem>>, vector<1x64x768xf32>
    %get3A_15 = vector.shape_cast %get3A_14 : vector<1x64x768xf32> to vector<64x768xf32>
    %mul3A_16 = vector.broadcast %get3A_10 : vector<64x1xf32> to vector<64x768xf32>
    %mul3A_17 = arith.mulf %mul3A_16, %get3A_15 : vector<64x768xf32>
    %add3A = arith.addf %mul3A_7, %mul3A_17 : vector<64x768xf32>
    %get3A_18 = arith.constant 0 : index
    %get3A_19 = arith.constant 2 : index
    %get3A_20 = vector.load %arg0[%get3A_18, %get3A_19] : memref<64x8xf32, #tpu.memory_space<vmem>>, vector<64x1xf32>
    %get3A_21 = arith.constant 2 : index
    %get3A_22 = arith.constant 0 : index
    %get3A_23 = arith.constant 0 : index
    %get3A_24 = vector.load %arg1[%get3A_21, %get3A_22, %get3A_23] : memref<8x64x768xf32, #tpu.memory_space<vmem>>, vector<1x64x768xf32>
    %get3A_25 = vector.shape_cast %get3A_24 : vector<1x64x768xf32> to vector<64x768xf32>
    %mul3A_26 = vector.broadcast %get3A_20 : vector<64x1xf32> to vector<64x768xf32>
    %mul3A_27 = arith.mulf %mul3A_26, %get3A_25 : vector<64x768xf32>
    %add3A_28 = arith.addf %add3A, %mul3A_27 : vector<64x768xf32>
    %get3A_29 = arith.constant 0 : index
    %get3A_30 = arith.constant 3 : index
    %get3A_31 = vector.load %arg0[%get3A_29, %get3A_30] : memref<64x8xf32, #tpu.memory_space<vmem>>, vector<64x1xf32>
    %get3A_32 = arith.constant 3 : index
    %get3A_33 = arith.constant 0 : index
    %get3A_34 = arith.constant 0 : index
    %get3A_35 = vector.load %arg1[%get3A_32, %get3A_33, %get3A_34] : memref<8x64x768xf32, #tpu.memory_space<vmem>>, vector<1x64x768xf32>
    %get3A_36 = vector.shape_cast %get3A_35 : vector<1x64x768xf32> to vector<64x768xf32>
    %mul3A_37 = vector.broadcast %get3A_31 : vector<64x1xf32> to vector<64x768xf32>
    %mul3A_38 = arith.mulf %mul3A_37, %get3A_36 : vector<64x768xf32>
    %add3A_39 = arith.addf %add3A_28, %mul3A_38 : vector<64x768xf32>
    %get3A_40 = arith.constant 0 : index
    %get3A_41 = arith.constant 4 : index
    %get3A_42 = vector.load %arg0[%get3A_40, %get3A_41] : memref<64x8xf32, #tpu.memory_space<vmem>>, vector<64x1xf32>
    %get3A_43 = arith.constant 4 : index
    %get3A_44 = arith.constant 0 : index
    %get3A_45 = arith.constant 0 : index
    %get3A_46 = vector.load %arg1[%get3A_43, %get3A_44, %get3A_45] : memref<8x64x768xf32, #tpu.memory_space<vmem>>, vector<1x64x768xf32>
    %get3A_47 = vector.shape_cast %get3A_46 : vector<1x64x768xf32> to vector<64x768xf32>
    %mul3A_48 = vector.broadcast %get3A_42 : vector<64x1xf32> to vector<64x768xf32>
    %mul3A_49 = arith.mulf %mul3A_48, %get3A_47 : vector<64x768xf32>
    %add3A_50 = arith.addf %add3A_39, %mul3A_49 : vector<64x768xf32>
    %get3A_51 = arith.constant 0 : index
    %get3A_52 = arith.constant 5 : index
    %get3A_53 = vector.load %arg0[%get3A_51, %get3A_52] : memref<64x8xf32, #tpu.memory_space<vmem>>, vector<64x1xf32>
    %get3A_54 = arith.constant 5 : index
    %get3A_55 = arith.constant 0 : index
    %get3A_56 = arith.constant 0 : index
    %get3A_57 = vector.load %arg1[%get3A_54, %get3A_55, %get3A_56] : memref<8x64x768xf32, #tpu.memory_space<vmem>>, vector<1x64x768xf32>
    %get3A_58 = vector.shape_cast %get3A_57 : vector<1x64x768xf32> to vector<64x768xf32>
    %mul3A_59 = vector.broadcast %get3A_53 : vector<64x1xf32> to vector<64x768xf32>
    %mul3A_60 = arith.mulf %mul3A_59, %get3A_58 : vector<64x768xf32>
    %add3A_61 = arith.addf %add3A_50, %mul3A_60 : vector<64x768xf32>
    %get3A_62 = arith.constant 0 : index
    %get3A_63 = arith.constant 6 : index
    %get3A_64 = vector.load %arg0[%get3A_62, %get3A_63] : memref<64x8xf32, #tpu.memory_space<vmem>>, vector<64x1xf32>
    %get3A_65 = arith.constant 6 : index
    %get3A_66 = arith.constant 0 : index
    %get3A_67 = arith.constant 0 : index
    %get3A_68 = vector.load %arg1[%get3A_65, %get3A_66, %get3A_67] : memref<8x64x768xf32, #tpu.memory_space<vmem>>, vector<1x64x768xf32>
    %get3A_69 = vector.shape_cast %get3A_68 : vector<1x64x768xf32> to vector<64x768xf32>
    %mul3A_70 = vector.broadcast %get3A_64 : vector<64x1xf32> to vector<64x768xf32>
    %mul3A_71 = arith.mulf %mul3A_70, %get3A_69 : vector<64x768xf32>
    %add3A_72 = arith.addf %add3A_61, %mul3A_71 : vector<64x768xf32>
    %get3A_73 = arith.constant 0 : index
    %get3A_74 = arith.constant 7 : index
    %get3A_75 = vector.load %arg0[%get3A_73, %get3A_74] : memref<64x8xf32, #tpu.memory_space<vmem>>, vector<64x1xf32>
    %get3A_76 = arith.constant 7 : index
    %get3A_77 = arith.constant 0 : index
    %get3A_78 = arith.constant 0 : index
    %get3A_79 = vector.load %arg1[%get3A_76, %get3A_77, %get3A_78] : memref<8x64x768xf32, #tpu.memory_space<vmem>>, vector<1x64x768xf32>
    %get3A_80 = vector.shape_cast %get3A_79 : vector<1x64x768xf32> to vector<64x768xf32>
    %mul3A_81 = vector.broadcast %get3A_75 : vector<64x1xf32> to vector<64x768xf32>
    %mul3A_82 = arith.mulf %mul3A_81, %get3A_80 : vector<64x768xf32>
    %add3A_83 = arith.addf %add3A_72, %mul3A_82 : vector<64x768xf32>
    %swap3A = arith.constant 0 : index
    %swap3A_84 = arith.constant 0 : index
    %swap3A_85 = vector.load %arg2[%swap3A, %swap3A_84] : memref<64x768xf32, #tpu.memory_space<vmem>>, vector<64x768xf32>
    tpu.vector_store %arg2[%swap3A, %swap3A_84], %add3A_83 {strides = array<i32>} : memref<64x768xf32, #tpu.memory_space<vmem>>, vector<64x768xf32>,
    return
  }
}

</mosaic_0001>

<sc_bundles>
// kernel: kernel.5.cloned.1.call-start
scs
__scs_entry_jumppad:
0x0: {  	(pc) =	sbr.rel $0x88, $3  }
0x1: {  	(tag) =	ssettag $0x0;
	lr =	simm.s32 $0x1  }
0x2: {  	[smem:$0x3F9B] =	sst lr;
	_ =	strace $0xD0000000  }
0x3: {  	_ = 	snop  }
0x4: {  	_ = 	snop  }
0x5: {  	_ = 	snop  }
0x6: {  	_ = 	snop  }
0x7: {  	_ = 	snop  }
__scs_overlays_trampoline_lowered:
0x8: {  	[smem:$0x3FAA] =	sst s0  }
0x9: {  	[smem:$0x3FAB] =	sst s1  }
0xa: {  	[smem:$0x3FAC] =	sst s2  }
0xb: {  	[smem:$0x3FAD] =	sst s3  }
0xc: {  	[smem:$0x3FAE] =	sst s4  }
0xd: {  	[smem:$0x3FAF] =	sst s5  }
0xe: {  	[smem:$0x3FB0] =	sst s6  }
0xf: {  	[smem:$0x3FB1] =	sst s7  }
0x10: {  	[smem:$0x3FB2] =	sst s8  }
0x11: {  	[smem:$0x3FB3] =	sst s9;
	s0 =	simm.s32 @!p0 $0x0  }
0x12: {  	s1 =	sld [smem:$0x3F99];
	s0 =	simm.s32 @p0 $0x1  }
0x13: {  	[smem:$0x3FB4] =	sst s0;
	s0 =	simm.s32 @!p1 $0x0  }
0x14: {  	s2 =	sld [smem:$0x3F98];
	s0 =	simm.s32 @p1 $0x1  }
0x15: {  	[smem:$0x3FB5] =	sst s0;
	s0 =	simm.s32 @!p2 $0x0  }
0x16: {  	s3 =	sld [smem:$0x3FDB];
	s0 =	simm.s32 @p2 $0x1  }
0x17: {  	s4 =	simm.s32 $0x1BF5;
	[smem:$0x3FB7] =	sst s0  }
0x18: {  	s0 =	sld [smem:$0x3F9A];
	_ =	swait.ge [sflag:s4], $0x0  }
0x19: {  	s7 =	sld [smem:$0x3F9B]  }
0x1a: {  	s8 =	sadd.s32 $0xFFFFE003, lr  }
0x1b: {  	s9 =	sadd.s32 $0xFFFFFEF7, lr;
	s5 =	simm.s32 $0xFFFFFFFF;
	p2 =	slt.u32 s8, $0xFFFFF086  }
0x1c: {  	p1 =	slt.u32 s9, $0xF7A;
	s5 =	simm.s32 @!p2 $0x0  }
0x1d: {  	s5 =	simm.s32 @p1 $0x1;
	p0 =	seq.s32 s7, s2  }
0x1e: {  	s7 =	smul.u32 @!p0 $0xF7A, s2;
	p2 =	seq.s32 @!p0 s5, $0x0  }
0x1f: {  	s9 =	smul.u32 $0xF7A, s1;
	s8 =	simm.s32 @!p0 $0x1BF5;
	p2 =	por !p2, p0  }
0x20: {  	[sflag:s8] =	ssyncset.s32 @!p0 $0xFFFFF086;
	s6 =	sadd.s32 @!p0 s3, s7;
	s7 =	simm.s32 @!p0 $0x108  }
0x21: {  	s3 =	sadd.s32 s3, s9;
	s6 =	sadd.s32 @!p0 $0x88, s6;
	s7 =	simm.s32 @p2 $0x1082  }
0x22: {  	[simem:s7], [sflag:s8] =	dma.local @!p0 [hbm:s6], $0xF7A  }
0x23: {  	s9 =	sor.u32 $0xD0000000, s2;
	s6 =	simm.s32 $0x108;
	_ =	swait.ge @!p0 [sflag:s8], $0x0  }
0x24: {  	s3 =	sadd.s32 $0x88, s3;
	s6 =	simm.s32 @!p1 $0x1082;
	[sflag:s4] =	ssyncset.s32 $0xFFFFF086  }
0x25: {  	[simem:s6], [sflag:s4] =	dma.local [hbm:s3], $0xF7A  }
0x26: {  	[smem:$0x3F9B] =	sst s1;
	(tag) =	ssettag s2;
	_ =	strace s9  }
0x27: {  	s1 =	sld [smem:$0x3FAB]  }
0x28: {  	s2 =	sld [smem:$0x3FAC]  }
0x29: {  	s4 =	sld [smem:$0x3FAE]  }
0x2a: {  	p0 =	seq.s32 s5, $0x0;
	s5 =	sld [smem:$0x3FAF]  }
0x2b: {  	s6 =	sld [smem:$0x3FB0]  }
0x2c: {  	s7 =	sld [smem:$0x3FB1]  }
0x2d: {  	s3 =	simm.s32 $0x108;
	s8 =	sld [smem:$0x3FB2]  }
0x2e: {  	s3 =	simm.s32 @!p0 $0x1082;
	s9 =	sld [smem:$0x3FB3]  }
0x2f: {  	lr =	sadd.s32 s0, s3;
	s0 =	sld [smem:$0x3FAA]  }
0x30: {  	s3 =	sld [smem:$0x3FAD]  }
0x31: {  	[smem:$0x3FB6] =	sst s10  }
0x32: {  	s10 =	sld [smem:$0x3FB4];
	_ =	sdelay $0x3  }
0x33: {  	p0 =	seq.s32 s10, $0x1;
	s10 =	sld [smem:$0x3FB6];
	_ =	sdelay $0x3  }
0x34: {  	[smem:$0x3FB6] =	sst s10  }
0x35: {  	s10 =	sld [smem:$0x3FB5];
	_ =	sdelay $0x3  }
0x36: {  	p1 =	seq.s32 s10, $0x1;
	s10 =	sld [smem:$0x3FB6];
	_ =	sdelay $0x3  }
0x37: {  	[smem:$0x3FB6] =	sst s10  }
0x38: {  	s10 =	sld [smem:$0x3FB7]  }
0x39: {  	_ = 	snop;
	(pc) =	sbr.ind lr, $3  }
0x3a: {  	_ = 	snop  }
0x3b: {  	_ = 	snop  }
0x3c: {  	p2 =	seq.s32 s10, $0x1;
	s10 =	sld [smem:$0x3FB6]  }
0x3d: {  	_ =	shalt  }
0x3e: {  	_ =	shalt  }
0x3f: {  	_ =	shalt  }
0x40: {  	_ =	shalt  }
0x41: {  	_ =	shalt  }
0x42: {  	_ =	shalt  }
0x43: {  	_ =	shalt  }
0x44: {  	_ =	shalt  }
0x45: {  	_ =	shalt  }
0x46: {  	_ =	shalt  }
0x47: {  	_ =	shalt  }
0x48: {  	_ =	shalt  }
0x49: {  	_ =	shalt  }
0x4a: {  	_ =	shalt  }
0x4b: {  	_ =	shalt  }
0x4c: {  	_ =	shalt  }
0x4d: {  	_ =	shalt  }
0x4e: {  	_ =	shalt  }
0x4f: {  	_ =	shalt  }
0x50: {  	_ =	shalt  }
0x51: {  	_ =	shalt  }
0x52: {  	_ =	shalt  }
0x53: {  	_ =	shalt  }
0x54: {  	_ =	shalt  }
0x55: {  	_ =	shalt  }
0x56: {  	_ =	shalt  }
0x57: {  	_ =	shalt  }
0x58: {  	_ =	shalt  }
0x59: {  	_ =	shalt  }
0x5a: {  	_ =	shalt  }
0x5b: {  	_ =	shalt  }
0x5c: {  	_ =	shalt  }
0x5d: {  	_ =	shalt  }
0x5e: {  	_ =	shalt  }
0x5f: {  	_ =	shalt  }
0x60: {  	_ =	shalt  }
0x61: {  	_ =	shalt  }
0x62: {  	_ =	shalt  }
0x63: {  	_ =	shalt  }
0x64: {  	_ =	shalt  }
0x65: {  	_ =	shalt  }
0x66: {  	_ =	shalt  }
0x67: {  	_ =	shalt  }
0x68: {  	_ =	shalt  }
0x69: {  	_ =	shalt  }
0x6a: {  	_ =	shalt  }
0x6b: {  	_ =	shalt  }
0x6c: {  	_ =	shalt  }
0x6d: {  	_ =	shalt  }
0x6e: {  	_ =	shalt  }
0x6f: {  	_ =	shalt  }
0x70: {  	_ =	shalt  }
0x71: {  	_ =	shalt  }
0x72: {  	_ =	shalt  }
0x73: {  	_ =	shalt  }
0x74: {  	_ =	shalt  }
0x75: {  	_ =	shalt  }
0x76: {  	_ =	shalt  }
0x77: {  	_ =	shalt  }
0x78: {  	_ =	shalt  }
0x79: {  	_ =	shalt  }
0x7a: {  	_ =	shalt  }
0x7b: {  	_ =	shalt  }
0x7c: {  	_ =	shalt  }
0x7d: {  	_ =	shalt  }
0x7e: {  	_ =	shalt  }
0x7f: {  	_ =	shalt  }
0x80: {  	_ =	shalt  }
0x81: {  	_ =	shalt  }
0x82: {  	_ =	shalt  }
0x83: {  	_ =	shalt  }
0x84: {  	_ =	shalt  }
0x85: {  	_ =	shalt  }
0x86: {  	_ =	shalt  }
0x87: {  	_ =	shalt  }
.Lfunc_end0:
.L_simem_size_0:
called_computation_lowered:
.L_overlay_start_0:
0x88: {  	s2 =	sld [smem:$0x3FD9]  }
0x89: {  	s3 =	sld [smem:$0x3FFE];
	_ =	sdelay $0x1  }
0x8a: {  	s1 =	srdreg.scid  }
0x8b: {  	s0 =	sand.u32 $0x1, s1  }
0x8c: {  	s18 =	sshll.u32 s0, $0xA;
	s2 =	sadd.s32 s3, s2  }
0x8d: {  	s2 =	sadd.s32 s2, s18  }
0x8e: {  	[smem:$0x3FC2] =	sst s2  }
0x8f: {  	_ = 	snop  }
0x90: {  	s2 =	sld [smem:$0x3FC9]  }
0x91: {  	s19 =	sld [smem:$0x3FC8]  }
0x92: {  	s4 =	sld [smem:$0x3FD0];
	(tm) =	ssettm $0x1  }
0x93: {  	s5 =	sld [smem:$0x3FFB];
	_ =	sdelay $0x3  }
0x94: {  	_ =	strace s5  }
0x95: {  	s5 =	sld [smem:$0x3FFC];
	_ =	sdelay $0x3  }
0x96: {  	_ =	strace s5  }
0x97: {  	s5 =	sld [smem:$0x3FFD];
	_ =	sdelay $0x3  }
0x98: {  	_ =	strace s5  }
0x99: {  	_ =	strace $0x8FFFFFFF  }
0x9a: {  	s20 =	sld [smem:$0x3FDB];
	_ =	sdelay $0x1  }
0x9b: {  	s6 =	simm.s32 $_scs_section_size  }
0x9c: {  	s7 =	simm.s32 $_size__tile_overlayer_lowered;
	s8 =	simm.s32 $_tile_overlayer_lowered  }
0x9d: {  	s23 =	simm.s32 $0x1BFF;
	s22 =	sshll.u32 s8, $0x1;
	s5 =	sadd.s32 s6, s20  }
0x9e: {  	s9 =	simm.s32 $0x0;
	s21 =	sshll.u32 s7, $0x1;
	s7 =	sadd.s32 s22, s5  }
0x9f: {  	[timem:s9], [sflag:s23] =	dma.local [hbm:s7], s21  }
0xa0: {  	_ =	swait.ge [sflag:s23], s21  }
0xa1: {  	s6 =	ssub.s32 $0x0, s21;
	[sflag:s23] =	ssyncset.done $0x0  }
0xa2: {  	[sflag:s23] =	ssyncadd.s32 s6;
	_ =	sdelay $0x1  }
0xa3: {  	s24 =	simm.s32 $0x1B8B  }
0xa4: {  	_ =	swait.ge [sflag:s24], $0x1  }
0xa5: {  	[sflag:s24] =	ssyncset.done $0x0  }
0xa6: {  	s25 =	simm.s32 $0x1B8E;
	[sflag:s24] =	ssyncadd.s32 $0xFFFFFFFF  }
0xa7: {  	s26 =	simm.s32 $execute0_lowered;
	[smem:$0x3FD2] =	sst s25  }
0xa8: {  	s6 =	sshll.u32 s26, $0x1;
	_ =	strace $0x80000046;
	[dreg:$0x1] =	wrdreg $0xFFFFFFFF  }
0xa9: {  	s28 =	simm.s32 $_size_execute0_lowered;
	s5 =	sadd.s32 s5, s6;
	[dreg:$0x0] =	wrdreg $0x0  }
0xaa: {  	s6 =	sshll.u32 s28, $0x1;
	[dreg:$0x2] =	wrdreg s5  }
0xab: {  	[dreg:$0x3] =	wrdreg s6  }
0xac: {  	[dreg:$0x4] =	wrdreg $0xC0  }
0xad: {  	_ =	task [dreg:s9], $0x5FFFF  }
0xae: {  	[dreg:$0x1] =	wrdreg $0xFFFFFFFF  }
0xaf: {  	[dreg:$0x0] =	wrdreg $0x60  }
0xb0: {  	[dreg:$0x2] =	wrdreg s2  }
0xb1: {  	[dreg:$0x3] =	wrdreg s19  }
0xb2: {  	[dreg:$0x4] =	wrdreg s4  }
0xb3: {  	[dreg:$0x5] =	wrdreg $0x9  }
0xb4: {  	_ =	task.clear_ibuf [dreg:s9], $0x6FFFF;
	_ =	strace $0x90000046  }
0xb5: {  	s29 =	simm.s32 $0x9;
	_ =	strace $0x80000048  }
0xb6: {  	_ =	swait.ge [sflag:s29], $0x1  }
0xb7: {  	[sflag:s29] =	ssyncadd.s32 $0xFFFFFFFF  }
0xb8: {  	_ =	strace $0x90000048  }
0xb9: {  	_ =	sfence  }
0xba: {  	s30 =	sld [smem:$0x0];
	_ =	sdelay $0x2  }
0xbb: {  	s31 =	sshll.u32 s1, $0xD;
	s1 =	sshrl.u32 s1, $0x2  }
0xbc: {  	s3 =	sand.u32 $0x4000, s31;
	s1 =	sadd.s32 s1, s30  }
0xbd: {  	s0 =	sor.u32 s3, s0;
	s1 =	sshll.u32 s1, $0x11  }
0xbe: {  	s0 =	sor.u32 s1, s0  }
0xbf: {  	s0 =	sadd.s32 $0x8F2B, s0  }
0xc0: {  	[sflag:s0] =	ssyncadd.remote.s32 $0x1  }
0xc1: {  	_ =	sfence.sel $0xFFFF  }
0xc2: {  	[dreg:$0x0] =	wrdreg $0xFFFFFFFF;
	(pc) =	sbr.abs _section_cstart, $3  }
0xc3: {  	[dreg:$0x1] =	wrdreg $0xFFFFFFFF  }
0xc4: {  	_ =	task.clear_ibuf [dreg:s9], $0x2FFFF;
	_ =	strace $0x9FFFFFFF  }
0xc5: {  	(tm) =	ssettm $0x7FFFFFFF  }
tec
execute0_lowered:
.L_overlay_start_1:
0x0: {  	(tag) =	ssettag $0x1  }
0x1: {  	s0 =	srdreg.scid  }
0x2: {  	s6 =	sand.u32 $0x1, s0  }
0x3: {  	s1 =	stileid.u32;
	s7 =	sshll.u32 s6, $0x4  }
0x4: {  	s7 =	sor.u32 s1, s7  }
0x5: {  	p0 =	sgt.u32 s7, $0x3  }
.Ltmp0:
0x6: {  	s5 =	rddreg [dreg:$0x0];
	(pc) =	sbr.rel @p0 .LBB2_5-.Ltmp0, $4  }
0x7: {  	s2 =	rddreg [dreg:$0x1]  }
0x8: {  	s4 =	rddreg [dreg:$0x2];
	s3 =	simm.s32 $0x0  }
0x9: {  	[smem:$0x7FF] =	sst s3  }
0xa: {  	s0 =	rddreg [dreg:$0x3];
	_ =	strace $0x80000047  }
0xb: {  	v0 =	vimm.s32 $0xFEDCBA98;
	v1 =	vimm.s32 $0x76543210  }
0xc: {  	v2 =	vimm.s32 $0xBA98FEDC;
	v3 =	vimm.s32 $0x32107654;
	v4 =	vimm.s32 $0xDCFE98BA  }
0xd: {  	v5 =	vimm.s32 $0x54761032;
	v6 =	vimm.s32 $0xEFCDAB89;
	v7 =	vimm.s32 $0x67452301  }
0xe: {  	v0 =	vunpack.c.l.s4.s8 v0;
	v1 =	vunpack.c.l.s4.s8 v1;
	v2 =	vunpack.c.l.s4.s8 v2  }
0xf: {  	v3 =	vunpack.c.l.s4.s8 v3;
	v4 =	vunpack.c.l.s4.s8 v4;
	v5 =	vunpack.c.l.s4.s8 v5  }
0x10: {  	v6 =	vunpack.c.l.s4.s8 v6;
	v7 =	vunpack.c.l.s4.s8 v7;
	v0 =	vunpack.c.0.s8.s32 v0  }
0x11: {  	v2 =	vunpack.c.0.s8.s32 v2;
	v3 =	vunpack.c.0.s8.s32 v3;
	v4 =	vunpack.c.0.s8.s32 v4  }
0x12: {  	v5 =	vunpack.c.0.s8.s32 v5;
	v6 =	vunpack.c.0.s8.s32 v6;
	v7 =	vunpack.c.0.s8.s32 v7  }
0x13: {  	s6 =	ssub.s32 $0x2, s6;
	s7 =	sshll.u32 s1, $0x7;
	s9 =	smul.u32 $0x600, s1;
	v1 =	vunpack.c.0.s8.s32 v1;
	v2 =	vcombine.low v3, v2  }
0x14: {  	s10 =	simm.s32 $0x0;
	s8 =	sshrl.u32 s6, $0x1;
	s4 =	sadd.s32 s4, s7;
	v3 =	vcombine.low v5, v4;
	v0 =	vand.u32 $0xF, v0;
	v4 =	vcombine.low v7, v6  }
0x15: {  	s7 =	simm.s32 $0x1;
	s6 =	ssub.s32 s6, s8;
	s5 =	sadd.s32 s5, s9;
	v1 =	vcombine.low v0, v1  }
0x16: {  	s8 =	simm.s32 $0x3000;
	s9 =	simm.s32 $0x4800;
	s6 =	smax.u32 s6, $0x1;
	v2 =	vand.u32 $0xF, v2;
	v3 =	vand.u32 $0xF, v3;
	v4 =	vand.u32 $0xF, v4  }
.LBB2_2:
0x17: {  	s11 =	simm.s32 $0x0  }
0x18: {  	[tilespmem:s11], [sflag:$0x1] =	stream.linear.gather [hbm4b:s5+s11], $0x3000, $0x38;
	[tilespmem:$0x4C00] =	vst v63  }
0x19: {  	_ =	swait.ge [sflag:s7], $0x3000  }
0x1a: {  	[sflag:s7] =	ssyncset.done $0x0  }
0x1b: {  	[sflag:s7] =	ssyncadd.s32 $0xFFFFD000  }
0x1c: {  	[tilespmem:s8], [sflag:$0x1] =	stream.linear.gather [hbm4b:s2+s11], $0x1800, $0x38;
	[tilespmem:$0x4C00] =	vst v63  }
0x1d: {  	_ =	swait.ge [sflag:s7], $0x1800  }
0x1e: {  	[sflag:s7] =	ssyncset.done $0x0  }
0x1f: {  	[sflag:s7] =	ssyncadd.s32 $0xFFFFE800  }
0x20: {  	v8 =	vld [tilespmem:$0x3000]  }
0x21: {  	v16 =	vld [tilespmem:$0x3080]  }
0x22: {  	v19 =	vld [tilespmem:$0x3100]  }
0x23: {  	v21 =	vld [tilespmem:$0x3180]  }
0x24: {  	v22 =	vld [tilespmem:$0x3200]  }
0x25: {  	v38 =	vld [tilespmem:$0x3280]  }
0x26: {  	v45 =	vld [tilespmem:$0x3300]  }
0x27: {  	v5 =	vld [tilespmem:$0x3380]  }
0x28: {  	v14 =	vld [tilespmem:$0x3010]  }
0x29: {  	v17 =	vld [tilespmem:$0x3090]  }
0x2a: {  	v0 =	vld [tilespmem:$0x32C0];
	_ =	sdelay $0x4  }
0x2b: {  	[tilespmem:$0x1EA90] =	vst v0;
	v0 =	vld [tilespmem:$0x3340];
	_ =	sdelay $0x4  }
0x2c: {  	[tilespmem:$0x1EAA0] =	vst v0;
	v0 =	vld [tilespmem:$0x3050];
	_ =	sdelay $0x4  }
0x2d: {  	[tilespmem:$0x1EAB0] =	vst v0;
	v0 =	vld [tilespmem:$0x30D0];
	_ =	sdelay $0x4  }
0x2e: {  	[tilespmem:$0x1EAD0] =	vst v0;
	v0 =	vld [tilespmem:$0x3150];
	_ =	sdelay $0x4  }
0x2f: {  	[tilespmem:$0x1EAF0] =	vst v0;
	v0 =	vld [tilespmem:$0x31D0];
	_ =	sdelay $0x4  }
0x30: {  	[tilespmem:$0x1EB00] =	vst v0;
	v0 =	vld [tilespmem:$0x3250];
	_ =	sdelay $0x4  }
0x31: {  	[tilespmem:$0x1EB10] =	vst v0;
	v0 =	vld [tilespmem:$0x32D0];
	_ =	sdelay $0x4  }
0x32: {  	[tilespmem:$0x1EB30] =	vst v0;
	v0 =	vld [tilespmem:$0x3350];
	_ =	sdelay $0x4  }
0x33: {  	[tilespmem:$0x1EB50] =	vst v0;
	v0 =	vld [tilespmem:$0x3060];
	_ =	sdelay $0x4  }
0x34: {  	[tilespmem:$0x1EB60] =	vst v0;
	v0 =	vld [tilespmem:$0x30E0];
	_ =	sdelay $0x4  }
0x35: {  	[tilespmem:$0x1EB70] =	vst v0;
	v0 =	vld [tilespmem:$0x3160];
	_ =	sdelay $0x4  }
0x36: {  	[tilespmem:$0x1EB90] =	vst v0;
	v0 =	vld [tilespmem:$0x31E0];
	_ =	sdelay $0x4  }
0x37: {  	[tilespmem:$0x1EBB0] =	vst v0;
	v0 =	vld [tilespmem:$0x3260];
	_ =	sdelay $0x4  }
0x38: {  	[tilespmem:$0x1EBC0] =	vst v0;
	v0 =	vld [tilespmem:$0x32E0];
	_ =	sdelay $0x4  }
0x39: {  	[tilespmem:$0x1EBD0] =	vst v0;
	v0 =	vld [tilespmem:$0x3360];
	_ =	sdelay $0x4  }
0x3a: {  	[tilespmem:$0x1EBF0] =	vst v0;
	v0 =	vld [tilespmem:$0x3070];
	_ =	sdelay $0x4  }
0x3b: {  	[tilespmem:$0x1EC10] =	vst v0;
	v0 =	vld [tilespmem:$0x30F0];
	_ =	sdelay $0x4  }
0x3c: {  	[tilespmem:$0x1EC20] =	vst v0;
	v0 =	vld [tilespmem:$0x3170];
	_ =	sdelay $0x4  }
0x3d: {  	[tilespmem:$0x1EC30] =	vst v0;
	v0 =	vld [tilespmem:$0x31F0];
	_ =	sdelay $0x4  }
0x3e: {  	[tilespmem:$0x1EC50] =	vst v0;
	v0 =	vld [tilespmem:$0x3270];
	_ =	sdelay $0x4  }
0x3f: {  	[tilespmem:$0x1EC70] =	vst v0;
	v0 =	vld [tilespmem:$0x32F0];
	_ =	sdelay $0x4  }
0x40: {  	[tilespmem:$0x1EC80] =	vst v0;
	v0 =	vld [tilespmem:$0x3370];
	_ =	sdelay $0x4  }
0x41: {  	[tilespmem:$0x1EC90] =	vst v0;
	v0 =	vld [tilespmem:$0x3400];
	_ =	sdelay $0x4  }
0x42: {  	[tilespmem:$0x1ECB0] =	vst v0;
	v0 =	vld [tilespmem:$0x3480];
	_ =	sdelay $0x4  }
0x43: {  	[tilespmem:$0x1ECD0] =	vst v0;
	v0 =	vld [tilespmem:$0x3500];
	_ =	sdelay $0x4  }
0x44: {  	[tilespmem:$0x1ECE0] =	vst v0;
	v0 =	vld [tilespmem:$0x3580];
	_ =	sdelay $0x4  }
0x45: {  	[tilespmem:$0x1ECF0] =	vst v0;
	v0 =	vld [tilespmem:$0x3600];
	_ =	sdelay $0x4  }
0x46: {  	[tilespmem:$0x1ED10] =	vst v0;
	v0 =	vld [tilespmem:$0x3680];
	_ =	sdelay $0x4  }
0x47: {  	[tilespmem:$0x1ED30] =	vst v0;
	v0 =	vld [tilespmem:$0x3700];
	_ =	sdelay $0x4  }
0x48: {  	[tilespmem:$0x1ED40] =	vst v0;
	v0 =	vld [tilespmem:$0x3410];
	_ =	sdelay $0x4  }
0x49: {  	[tilespmem:$0x1ED50] =	vst v0;
	v0 =	vld [tilespmem:$0x3490];
	_ =	sdelay $0x4  }
0x4a: {  	[tilespmem:$0x1ED70] =	vst v0;
	v0 =	vld [tilespmem:$0x3510];
	_ =	sdelay $0x4  }
0x4b: {  	[tilespmem:$0x1ED90] =	vst v0;
	v0 =	vld [tilespmem:$0x3590];
	_ =	sdelay $0x4  }
0x4c: {  	[tilespmem:$0x1EDA0] =	vst v0;
	v0 =	vld [tilespmem:$0x3610];
	_ =	sdelay $0x4  }
0x4d: {  	[tilespmem:$0x1EDB0] =	vst v0;
	v0 =	vld [tilespmem:$0x3690];
	_ =	sdelay $0x4  }
0x4e: {  	[tilespmem:$0x1EDD0] =	vst v0;
	v0 =	vld [tilespmem:$0x3710];
	_ =	sdelay $0x4  }
0x4f: {  	[tilespmem:$0x1EDF0] =	vst v0;
	v0 =	vld [tilespmem:$0x3420];
	_ =	sdelay $0x4  }
0x50: {  	[tilespmem:$0x1EE00] =	vst v0;
	v0 =	vld [tilespmem:$0x34A0];
	_ =	sdelay $0x4  }
0x51: {  	[tilespmem:$0x1EE10] =	vst v0;
	v0 =	vld [tilespmem:$0x3520];
	_ =	sdelay $0x4  }
0x52: {  	[tilespmem:$0x1EE30] =	vst v0;
	v0 =	vld [tilespmem:$0x35A0];
	_ =	sdelay $0x4  }
0x53: {  	[tilespmem:$0x1EE50] =	vst v0;
	v0 =	vld [tilespmem:$0x3620];
	_ =	sdelay $0x4  }
0x54: {  	[tilespmem:$0x1EE60] =	vst v0;
	v0 =	vld [tilespmem:$0x36A0];
	_ =	sdelay $0x4  }
0x55: {  	[tilespmem:$0x1EE70] =	vst v0;
	v0 =	vld [tilespmem:$0x3720];
	_ =	sdelay $0x4  }
0x56: {  	[tilespmem:$0x1EE90] =	vst v0;
	v0 =	vld [tilespmem:$0x3430];
	_ =	sdelay $0x4  }
0x57: {  	[tilespmem:$0x1EEB0] =	vst v0;
	v0 =	vld [tilespmem:$0x34B0];
	_ =	sdelay $0x4  }
0x58: {  	[tilespmem:$0x1EEC0] =	vst v0;
	v0 =	vld [tilespmem:$0x3530];
	_ =	sdelay $0x4  }
0x59: {  	[tilespmem:$0x1EED0] =	vst v0;
	v0 =	vld [tilespmem:$0x35B0];
	_ =	sdelay $0x4  }
0x5a: {  	[tilespmem:$0x1EEF0] =	vst v0;
	v0 =	vld [tilespmem:$0x3630];
	_ =	sdelay $0x4  }
0x5b: {  	[tilespmem:$0x1EF10] =	vst v0;
	v0 =	vld [tilespmem:$0x36B0];
	_ =	sdelay $0x4  }
0x5c: {  	[tilespmem:$0x1EF20] =	vst v0;
	v0 =	vld [tilespmem:$0x3730];
	_ =	sdelay $0x4  }
0x5d: {  	[tilespmem:$0x1EF30] =	vst v0;
	v0 =	vld [tilespmem:$0x3440];
	_ =	sdelay $0x4  }
0x5e: {  	[tilespmem:$0x1EF50] =	vst v0;
	v0 =	vld [tilespmem:$0x34C0];
	_ =	sdelay $0x4  }
0x5f: {  	[tilespmem:$0x1EF70] =	vst v0;
	v0 =	vld [tilespmem:$0x3540];
	_ =	sdelay $0x4  }
0x60: {  	[tilespmem:$0x1EF80] =	vst v0;
	v0 =	vld [tilespmem:$0x35C0];
	_ =	sdelay $0x4  }
0x61: {  	[tilespmem:$0x1EF90] =	vst v0;
	v0 =	vld [tilespmem:$0x3640];
	_ =	sdelay $0x4  }
0x62: {  	[tilespmem:$0x1EFB0] =	vst v0;
	v0 =	vld [tilespmem:$0x36C0];
	_ =	sdelay $0x4  }
0x63: {  	[tilespmem:$0x1EFD0] =	vst v0;
	v0 =	vld [tilespmem:$0x3740];
	_ =	sdelay $0x4  }
0x64: {  	[tilespmem:$0x1EFE0] =	vst v0;
	v0 =	vld [tilespmem:$0x3450];
	_ =	sdelay $0x4  }
0x65: {  	[tilespmem:$0x1EFF0] =	vst v0;
	v0 =	vld [tilespmem:$0x34D0];
	_ =	sdelay $0x4  }
0x66: {  	[tilespmem:$0x1F010] =	vst v0;
	v0 =	vld [tilespmem:$0x3550];
	_ =	sdelay $0x4  }
0x67: {  	[tilespmem:$0x1F020] =	vst v0;
	v0 =	vld [tilespmem:$0x35D0];
	_ =	sdelay $0x4  }
0x68: {  	[tilespmem:$0x1F030] =	vst v0;
	v0 =	vld [tilespmem:$0x3650];
	_ =	sdelay $0x4  }
0x69: {  	[tilespmem:$0x1F050] =	vst v0;
	v0 =	vld [tilespmem:$0x36D0];
	_ =	sdelay $0x4  }
0x6a: {  	[tilespmem:$0x1F060] =	vst v0;
	v0 =	vld [tilespmem:$0x3750];
	_ =	sdelay $0x4  }
0x6b: {  	[tilespmem:$0x1F070] =	vst v0;
	v0 =	vld [tilespmem:$0x3460];
	_ =	sdelay $0x4  }
0x6c: {  	[tilespmem:$0x1F080] =	vst v0;
	v0 =	vld [tilespmem:$0x34E0];
	_ =	sdelay $0x4  }
0x6d: {  	[tilespmem:$0x1F090] =	vst v0;
	v0 =	vld [tilespmem:$0x3560];
	_ =	sdelay $0x4  }
0x6e: {  	[tilespmem:$0x1F0A0] =	vst v0;
	v0 =	vld [tilespmem:$0x35E0];
	_ =	sdelay $0x4  }
0x6f: {  	[tilespmem:$0x1F0B0] =	vst v0;
	v0 =	vld [tilespmem:$0x3660];
	_ =	sdelay $0x4  }
0x70: {  	[tilespmem:$0x1F0C0] =	vst v0;
	v0 =	vld [tilespmem:$0x36E0];
	_ =	sdelay $0x4  }
0x71: {  	[tilespmem:$0x1F0D0] =	vst v0;
	v0 =	vld [tilespmem:$0x3760];
	_ =	sdelay $0x4  }
0x72: {  	[tilespmem:$0x1F0E0] =	vst v0;
	v0 =	vld [tilespmem:$0x3470];
	_ =	sdelay $0x4  }
0x73: {  	[tilespmem:$0x1F0F0] =	vst v0;
	v0 =	vld [tilespmem:$0x34F0];
	_ =	sdelay $0x4  }
0x74: {  	[tilespmem:$0x1F100] =	vst v0;
	v0 =	vld [tilespmem:$0x3570];
	_ =	sdelay $0x4  }
0x75: {  	[tilespmem:$0x1F110] =	vst v0;
	v0 =	vld [tilespmem:$0x35F0];
	_ =	sdelay $0x4  }
0x76: {  	[tilespmem:$0x1F120] =	vst v0;
	v0 =	vld [tilespmem:$0x3670];
	_ =	sdelay $0x4  }
0x77: {  	[tilespmem:$0x1F130] =	vst v0;
	v0 =	vld [tilespmem:$0x36F0];
	_ =	sdelay $0x4  }
0x78: {  	[tilespmem:$0x1F140] =	vst v0;
	v0 =	vld [tilespmem:$0x3770];
	_ =	sdelay $0x4  }
0x79: {  	[tilespmem:$0x1F150] =	vst v0;
	v0 =	vld [tilespmem:$0x3800];
	_ =	sdelay $0x4  }
0x7a: {  	[tilespmem:$0x1F160] =	vst v0;
	v0 =	vld [tilespmem:$0x3880];
	_ =	sdelay $0x4  }
0x7b: {  	[tilespmem:$0x1F170] =	vst v0;
	v0 =	vld [tilespmem:$0x3900];
	_ =	sdelay $0x4  }
0x7c: {  	[tilespmem:$0x1F180] =	vst v0;
	v0 =	vld [tilespmem:$0x3980];
	_ =	sdelay $0x4  }
0x7d: {  	[tilespmem:$0x1F190] =	vst v0;
	v0 =	vld [tilespmem:$0x3A00];
	_ =	sdelay $0x4  }
0x7e: {  	[tilespmem:$0x1F1A0] =	vst v0;
	v0 =	vld [tilespmem:$0x3A80];
	_ =	sdelay $0x4  }
0x7f: {  	[tilespmem:$0x1F1B0] =	vst v0;
	v0 =	vld [tilespmem:$0x3B00];
	_ =	sdelay $0x4  }
0x80: {  	[tilespmem:$0x1F1C0] =	vst v0;
	v0 =	vld [tilespmem:$0x3810];
	_ =	sdelay $0x4  }
0x81: {  	[tilespmem:$0x1F1D0] =	vst v0;
	v0 =	vld [tilespmem:$0x3890];
	_ =	sdelay $0x4  }
0x82: {  	[tilespmem:$0x1F1E0] =	vst v0;
	v0 =	vld [tilespmem:$0x3910];
	_ =	sdelay $0x4  }
0x83: {  	[tilespmem:$0x1F1F0] =	vst v0;
	v0 =	vld [tilespmem:$0x3990];
	_ =	sdelay $0x4  }
0x84: {  	[tilespmem:$0x1F200] =	vst v0;
	v0 =	vld [tilespmem:$0x3A10];
	_ =	sdelay $0x4  }
0x85: {  	[tilespmem:$0x1F210] =	vst v0;
	v0 =	vld [tilespmem:$0x3A90];
	_ =	sdelay $0x4  }
0x86: {  	[tilespmem:$0x1F220] =	vst v0;
	v0 =	vld [tilespmem:$0x3B10];
	_ =	sdelay $0x4  }
0x87: {  	[tilespmem:$0x1F230] =	vst v0;
	v0 =	vld [tilespmem:$0x3820];
	_ =	sdelay $0x4  }
0x88: {  	[tilespmem:$0x1F240] =	vst v0;
	v0 =	vld [tilespmem:$0x38A0];
	_ =	sdelay $0x4  }
0x89: {  	[tilespmem:$0x1F250] =	vst v0;
	v0 =	vld [tilespmem:$0x3920];
	_ =	sdelay $0x4  }
0x8a: {  	[tilespmem:$0x1F260] =	vst v0;
	v0 =	vld [tilespmem:$0x39A0];
	_ =	sdelay $0x4  }
0x8b: {  	[tilespmem:$0x1F270] =	vst v0;
	v0 =	vld [tilespmem:$0x3A20];
	_ =	sdelay $0x4  }
0x8c: {  	[tilespmem:$0x1F280] =	vst v0;
	v0 =	vld [tilespmem:$0x3AA0];
	_ =	sdelay $0x4  }
0x8d: {  	[tilespmem:$0x1F290] =	vst v0;
	v0 =	vld [tilespmem:$0x3B20];
	_ =	sdelay $0x4  }
0x8e: {  	[tilespmem:$0x1F2A0] =	vst v0;
	v0 =	vld [tilespmem:$0x3830];
	_ =	sdelay $0x4  }
0x8f: {  	[tilespmem:$0x1F2B0] =	vst v0;
	v0 =	vld [tilespmem:$0x38B0];
	_ =	sdelay $0x4  }
0x90: {  	[tilespmem:$0x1F2C0] =	vst v0;
	v0 =	vld [tilespmem:$0x3930];
	_ =	sdelay $0x4  }
0x91: {  	[tilespmem:$0x1F2D0] =	vst v0;
	v0 =	vld [tilespmem:$0x39B0];
	_ =	sdelay $0x4  }
0x92: {  	[tilespmem:$0x1F2E0] =	vst v0;
	v0 =	vld [tilespmem:$0x3A30];
	_ =	sdelay $0x4  }
0x93: {  	[tilespmem:$0x1F2F0] =	vst v0;
	v0 =	vld [tilespmem:$0x3AB0];
	_ =	sdelay $0x4  }
0x94: {  	[tilespmem:$0x1F300] =	vst v0;
	v0 =	vld [tilespmem:$0x3B30];
	_ =	sdelay $0x4  }
0x95: {  	[tilespmem:$0x1F310] =	vst v0;
	v0 =	vld [tilespmem:$0x3840];
	_ =	sdelay $0x4  }
0x96: {  	[tilespmem:$0x1F320] =	vst v0;
	v0 =	vld [tilespmem:$0x38C0];
	_ =	sdelay $0x4  }
0x97: {  	[tilespmem:$0x1F330] =	vst v0;
	v0 =	vld [tilespmem:$0x3940];
	_ =	sdelay $0x4  }
0x98: {  	[tilespmem:$0x1F340] =	vst v0;
	v0 =	vld [tilespmem:$0x39C0];
	_ =	sdelay $0x1  }
0x99: {  	v20 =	vld [tilespmem:$0x3110]  }
0x9a: {  	v35 =	vld [tilespmem:$0x3190]  }
0x9b: {  	v36 =	vld [tilespmem:$0x3210]  }
0x9c: {  	[tilespmem:$0x1F350] =	vst v0;
	v0 =	vld [tilespmem:$0x3A40]  }
0x9d: {  	v37 =	vld [tilespmem:$0x3290]  }
0x9e: {  	v44 =	vld [tilespmem:$0x3310]  }
0x9f: {  	v7 =	vld [tilespmem:$0x3390]  }
0xa0: {  	v39 =	vld [tilespmem:$0x3020]  }
0xa1: {  	[tilespmem:$0x1F360] =	vst v0;
	v0 =	vld [tilespmem:$0x3AC0]  }
0xa2: {  	v46 =	vld [tilespmem:$0x30A0]  }
0xa3: {  	v47 =	vld [tilespmem:$0x3120]  }
0xa4: {  	v48 =	vld [tilespmem:$0x31A0]  }
0xa5: {  	v49 =	vld [tilespmem:$0x3220]  }
0xa6: {  	[tilespmem:$0x1F370] =	vst v0;
	v0 =	vld [tilespmem:$0x3B40]  }
0xa7: {  	v10 =	vld [tilespmem:$0x3950]  }
0xa8: {  	v50 =	vld [tilespmem:$0x32A0]  }
0xa9: {  	v51 =	vld [tilespmem:$0x3320]  }
0xaa: {  	v9 =	vld [tilespmem:$0x33A0]  }
0xab: {  	s12 =	simm.s32 $0x0;
	[tilespmem:$0x1F380] =	vst v0;
	v0 =	vld [tilespmem:$0x3850]  }
0xac: {  	s12 =	smul.u32 $0x6000, s12;
	[tilespmem:$0x1F3B0] =	vst v10;
	v10 =	vld [tilespmem:$0x39D0]  }
0xad: {  	v6 =	vld [tilespmem:$0x38D0]  }
0xae: {  	s13 =	sand.u32 $0x380, s11;
	s12 =	sshra.s32 s12, $0x2;
	v52 =	vld [tilespmem:$0x3030]  }
0xaf: {  	s12 =	sor.u32 s13, s12;
	v53 =	vld [tilespmem:$0x30B0]  }
0xb0: {  	[tilespmem:$0x1F390] =	vst v0;
	v0 =	vld [tilespmem:s12+$0x0]  }
0xb1: {  	[tilespmem:$0x1F3C0] =	vst v10;
	v10 =	vld [tilespmem:$0x3A50]  }
0xb2: {  	[tilespmem:$0x1F3A0] =	vst v6;
	v6 =	vld [tilespmem:s12+$0x10]  }
0xb3: {  	v13 =	vld [tilespmem:$0x33B0]  }
0xb4: {  	v11 =	vld [tilespmem:s12+$0x20];
	[tilespmem:$0x1E760] =	vst v5  }
0xb5: {  	v12 =	vld [tilespmem:s12+$0x30];
	[tilespmem:$0x1E770] =	vst v7;
	v5 =	vmul.f32 v5, v0  }
0xb6: {  	[tilespmem:$0x1F3D0] =	vst v10;
	v10 =	vld [tilespmem:$0x3AD0]  }
0xb7: {  	v54 =	vld [tilespmem:$0x3130];
	[tilespmem:$0x1E780] =	vst v9;
	v7 =	vmul.f32 v7, v6;
	v5 =	vadd.f32 $0.0e+00, v5  }
0xb8: {  	v55 =	vld [tilespmem:$0x31B0];
	[tilespmem:$0x1E790] =	vst v8  }
0xb9: {  	v15 =	vld [tilespmem:$0x33C0];
	[tilespmem:$0x1E7A0] =	vst v13;
	v5 =	vadd.f32 v7, v5;
	v7 =	vmul.f32 v9, v11  }
0xba: {  	v56 =	vld [tilespmem:$0x3230];
	[tilespmem:$0x1E7B0] =	vst v16  }
0xbb: {  	[tilespmem:$0x1F3E0] =	vst v10;
	v10 =	vld [tilespmem:s12+$0x40];
	v5 =	vadd.f32 v7, v5;
	v7 =	vmul.f32 v13, v12  }
0xbc: {  	[tilespmem:$0x1E7C0] =	vst v14;
	v8 =	vmul.f32 v8, v0;
	v9 =	vld [tilespmem:$0x3B50]  }
0xbd: {  	[tilespmem:$0x1E7D0] =	vst v19;
	v5 =	vadd.f32 v7, v5;
	v7 =	vld [tilespmem:$0x3860]  }
0xbe: {  	v57 =	vld [tilespmem:$0x32B0];
	[tilespmem:$0x1E7E0] =	vst v15;
	v14 =	vmul.f32 v14, v6;
	v8 =	vadd.f32 $0.0e+00, v8  }
0xbf: {  	v18 =	vld [tilespmem:$0x33D0];
	[tilespmem:$0x1E7F0] =	vst v17  }
0xc0: {  	[tilespmem:$0x1E800] =	vst v20;
	v15 =	vmul.f32 v15, v10;
	v14 =	vadd.f32 v14, v8;
	v8 =	vld [tilespmem:$0x38E0]  }
0xc1: {  	[tilespmem:$0x1F3F0] =	vst v9;
	v9 =	vld [tilespmem:s12+$0x50]  }
0xc2: {  	v13 =	vmul.f32 v16, v0;
	v5 =	vadd.f32 v15, v5;
	v15 =	vld [tilespmem:$0x3960];
	[tilespmem:$0x1F400] =	vst v7;
	v7 =	vmul.f32 v19, v0  }
0xc3: {  	v23 =	vld [tilespmem:$0x33E0];
	[tilespmem:$0x1E810] =	vst v21;
	v16 =	vmul.f32 v17, v6;
	v19 =	vmul.f32 v38, v0  }
0xc4: {  	v24 =	vld [tilespmem:$0x33F0];
	[tilespmem:$0x1E850] =	vst v35;
	v17 =	vmul.f32 v20, v6;
	v13 =	vadd.f32 $0.0e+00, v13;
	v7 =	vadd.f32 $0.0e+00, v7  }
0xc5: {  	v20 =	vmul.f32 v35, v6;
	v35 =	vmul.f32 v37, v6;
	[tilespmem:$0x1F410] =	vst v8;
	v8 =	vld [tilespmem:s12+$0x60];
	v19 =	vadd.f32 $0.0e+00, v19  }
0xc6: {  	[tilespmem:$0x1E820] =	vst v18;
	v13 =	vadd.f32 v16, v13;
	v18 =	vmul.f32 v18, v9;
	v16 =	vadd.f32 v17, v7;
	v7 =	vld [tilespmem:s12+$0x70]  }
0xc7: {  	[tilespmem:$0x1F420] =	vst v15;
	v15 =	vmul.f32 v21, v0;
	v21 =	vadd.f32 v35, v19;
	v19 =	vld [tilespmem:$0x3AE0]  }
0xc8: {  	v18 =	vadd.f32 v18, v5;
	v5 =	vld [tilespmem:$0x39E0]  }
0xc9: {  	v58 =	vld [tilespmem:$0x3330]  }
0xca: {  	v25 =	vld [tilespmem:$0x3780];
	[tilespmem:$0x1E880] =	vst v23;
	v23 =	vmul.f32 v23, v8  }
0xcb: {  	v31 =	vld [tilespmem:$0x3790];
	[tilespmem:$0x1E840] =	vst v38  }
0xcc: {  	v38 =	vld [tilespmem:$0x3A60];
	v18 =	vadd.f32 v23, v18;
	[tilespmem:$0x1F450] =	vst v19;
	v19 =	vmul.f32 v24, v7  }
0xcd: {  	v17 =	vmul.f32 v22, v0;
	v15 =	vadd.f32 $0.0e+00, v15;
	[tilespmem:$0x1F430] =	vst v5;
	v5 =	vld [tilespmem:s12+$0x400]  }
0xce: {  	[tilespmem:$0x1E860] =	vst v36;
	v36 =	vmul.f32 v36, v6;
	v18 =	vadd.f32 v19, v18;
	v19 =	vld [tilespmem:$0x3B60]  }
0xcf: {  	[tilespmem:$0x1E870] =	vst v37;
	v17 =	vadd.f32 $0.0e+00, v17;
	v15 =	vadd.f32 v20, v15;
	v20 =	vmul.f32 v45, v0;
	v0 =	vld [tilespmem:s12+$0x410]  }
0xd0: {  	v34 =	vld [tilespmem:$0x37A0];
	[tilespmem:$0x1E8C0] =	vst v39  }
0xd1: {  	[tilespmem:$0x1E8E0] =	vst v25;
	v17 =	vadd.f32 v36, v17;
	v36 =	vmul.f32 v44, v6;
	v6 =	vld [tilespmem:s12+$0x420]  }
0xd2: {  	v28 =	vld [tilespmem:$0x37B0];
	[tilespmem:$0x1E8F0] =	vst v47;
	v37 =	vmul.f32 v39, v11;
	v25 =	vmul.f32 v25, v5  }
0xd3: {  	v39 =	vmul.f32 v47, v11;
	v35 =	vmul.f32 v48, v11;
	[tilespmem:$0x1F460] =	vst v19;
	v19 =	vld [tilespmem:s12+$0x430]  }
0xd4: {  	v29 =	vld [tilespmem:$0x37C0];
	[tilespmem:$0x1F440] =	vst v38;
	v38 =	vmul.f32 v46, v11;
	v47 =	vmul.f32 v31, v0;
	v18 =	vadd.f32 v25, v18  }
0xd5: {  	[tilespmem:$0x1E890] =	vst v45;
	v16 =	vadd.f32 v39, v16;
	v45 =	vmul.f32 v49, v11;
	v39 =	vld [tilespmem:s12+$0x440];
	v20 =	vadd.f32 $0.0e+00, v20  }
0xd6: {  	v30 =	vld [tilespmem:$0x37D0];
	[tilespmem:$0x1E910] =	vst v48;
	v13 =	vadd.f32 v38, v13;
	v48 =	vmul.f32 v34, v6;
	v18 =	vadd.f32 v47, v18  }
0xd7: {  	[tilespmem:$0x1E930] =	vst v50;
	v38 =	vld [tilespmem:s12+$0x450];
	v20 =	vadd.f32 v36, v20;
	v47 =	vmul.f32 v50, v11;
	v11 =	vmul.f32 v51, v11  }
0xd8: {  	v32 =	vld [tilespmem:$0x37E0];
	[tilespmem:$0x1E950] =	vst v51;
	v14 =	vadd.f32 v37, v14;
	v18 =	vadd.f32 v48, v18;
	v50 =	vmul.f32 v28, v19  }
0xd9: {  	[tilespmem:$0x1E980] =	vst v53;
	v37 =	vld [tilespmem:s12+$0x460];
	v51 =	vmul.f32 v53, v12;
	v11 =	vadd.f32 v11, v20;
	v20 =	vmul.f32 v52, v12  }
0xda: {  	[tilespmem:$0x1E990] =	vst v54;
	v53 =	vmul.f32 v54, v12;
	v54 =	vmul.f32 v29, v39;
	v18 =	vadd.f32 v50, v18  }
0xdb: {  	v15 =	vadd.f32 v35, v15;
	v14 =	vadd.f32 v20, v14;
	v20 =	vmul.f32 v55, v12  }
0xdc: {  	v59 =	vld [tilespmem:$0x3040];
	[tilespmem:$0x1E9B0] =	vst v55;
	v55 =	vmul.f32 v30, v38;
	v18 =	vadd.f32 v54, v18  }
0xdd: {  	v60 =	vld [tilespmem:$0x30C0];
	[tilespmem:$0x1E9D0] =	vst v56;
	v15 =	vadd.f32 v20, v15;
	v20 =	vmul.f32 v56, v12;
	v56 =	vmul.f32 v57, v12  }
0xde: {  	v33 =	vld [tilespmem:$0x37F0];
	[tilespmem:$0x1E9F0] =	vst v58;
	v12 =	vmul.f32 v58, v12;
	v58 =	vmul.f32 v32, v37;
	v18 =	vadd.f32 v55, v18  }
0xdf: {  	[tilespmem:$0x1E900] =	vst v31;
	v31 =	vld [tilespmem:s12+$0x470]  }
0xe0: {  	v11 =	vadd.f32 v12, v11;
	v12 =	vadd.f32 v58, v18;
	v18 =	vld [tilespmem:$0x3AF0]  }
0xe1: {  	v61 =	vld [tilespmem:$0x3140]  }
0xe2: {  	v62 =	vld [tilespmem:$0x31C0]  }
0xe3: {  	v63 =	vld [tilespmem:$0x3240]  }
0xe4: {  	v40 =	vld [tilespmem:$0x3B80];
	[tilespmem:$0x1E8D0] =	vst v46  }
0xe5: {  	v46 =	vld [tilespmem:$0x3870];
	[tilespmem:$0x1F4C0] =	vst v18;
	v18 =	vmul.f32 v33, v31  }
0xe6: {  	v36 =	vld [tilespmem:s12+$0x800]  }
0xe7: {  	v12 =	vadd.f32 v18, v12;
	v18 =	vld [tilespmem:$0x3B70]  }
0xe8: {  	v41 =	vld [tilespmem:$0x3B90]  }
0xe9: {  	[tilespmem:$0x1E8A0] =	vst v24;
	v35 =	vld [tilespmem:s12+$0x810]  }
0xea: {  	[tilespmem:$0x1F470] =	vst v46;
	v46 =	vld [tilespmem:$0x1EA90]  }
0xeb: {  	[tilespmem:$0x1EA10] =	vst v59;
	v59 =	vmul.f32 v59, v10;
	v21 =	vadd.f32 v47, v21;
	v47 =	vld [tilespmem:$0x1EAA0]  }
0xec: {  	v25 =	vmul.f32 v40, v36;
	[tilespmem:$0x1F4D0] =	vst v18;
	v18 =	vmul.f32 v62, v10  }
0xed: {  	[tilespmem:$0x1EA30] =	vst v60;
	v60 =	vmul.f32 v60, v10;
	v24 =	vmul.f32 v61, v10;
	v17 =	vadd.f32 v45, v17  }
0xee: {  	v12 =	vadd.f32 v25, v12;
	v15 =	vadd.f32 v18, v15;
	v18 =	vmul.f32 v41, v35  }
0xef: {  	[tilespmem:$0x1EA60] =	vst v40;
	v40 =	vmul.f32 v63, v10;
	v17 =	vadd.f32 v20, v17;
	v20 =	vadd.f32 v56, v21  }
0xf0: {  	v21 =	vmul.f32 v46, v10;
	v10 =	vmul.f32 v47, v10;
	v12 =	vadd.f32 v18, v12;
	v18 =	vld [tilespmem:$0x3C00];
	_ =	sdelay $0x1  }
0xf1: {  	v10 =	vadd.f32 v10, v11;
	v11 =	vld [tilespmem:$0x1EAD0];
	_ =	sdelay $0x2  }
0xf2: {  	v13 =	vadd.f32 v51, v13;
	[tilespmem:$0x1F4E0] =	vst v18;
	v18 =	vld [tilespmem:$0x1EAB0];
	_ =	sdelay $0x1  }
0xf3: {  	v42 =	vld [tilespmem:$0x3BA0];
	v13 =	vadd.f32 v60, v13;
	v11 =	vmul.f32 v11, v9  }
0xf4: {  	v43 =	vld [tilespmem:$0x3BB0]  }
0xf5: {  	v11 =	vadd.f32 v11, v13;
	v13 =	vld [tilespmem:$0x1EAF0]  }
0xf6: {  	[tilespmem:$0x1E940] =	vst v34;
	v34 =	vld [tilespmem:s12+$0x820];
	v14 =	vadd.f32 v59, v14;
	v18 =	vmul.f32 v18, v9  }
0xf7: {  	[tilespmem:$0x1EA20] =	vst v33;
	v33 =	vld [tilespmem:s12+$0x830]  }
0xf8: {  	v16 =	vadd.f32 v53, v16;
	v14 =	vadd.f32 v18, v14;
	v18 =	vld [tilespmem:$0x3C80];
	_ =	sdelay $0x1  }
0xf9: {  	v16 =	vadd.f32 v24, v16;
	v13 =	vmul.f32 v13, v9  }
0xfa: {  	v48 =	vmul.f32 v42, v34  }
0xfb: {  	[tilespmem:$0x1E920] =	vst v49;
	v13 =	vadd.f32 v13, v16;
	v16 =	vld [tilespmem:$0x1EB30]  }
0xfc: {  	v49 =	vld [tilespmem:$0x38F0];
	v12 =	vadd.f32 v48, v12;
	[tilespmem:$0x1F4F0] =	vst v18;
	v18 =	vmul.f32 v43, v33;
	_ =	sdelay $0x1  }
0xfd: {  	v12 =	vadd.f32 v18, v12;
	v18 =	vld [tilespmem:$0x3D00];
	_ =	sdelay $0x1  }
0xfe: {  	v20 =	vadd.f32 v21, v20;
	v16 =	vmul.f32 v16, v9  }
0xff: {  	[tilespmem:$0x1F480] =	vst v49;
	v49 =	vld [tilespmem:$0x1EB00]  }
0x100: {  	v16 =	vadd.f32 v16, v20;
	v20 =	vld [tilespmem:$0x1EB50]  }
0x101: {  	[tilespmem:$0x1F500] =	vst v18;
	v18 =	vld [tilespmem:$0x1EB10];
	_ =	sdelay $0x3  }
0x102: {  	v21 =	vmul.f32 v49, v9  }
0x103: {  	v18 =	vmul.f32 v18, v9;
	v9 =	vmul.f32 v20, v9;
	v20 =	vld [tilespmem:$0x1EB60]  }
0x104: {  	v27 =	vld [tilespmem:$0x3BC0]  }
0x105: {  	[tilespmem:$0x1EA00] =	vst v32;
	v32 =	vld [tilespmem:s12+$0x840]  }
0x106: {  	v26 =	vld [tilespmem:$0x3BD0]  }
0x107: {  	[tilespmem:$0x1E9A0] =	vst v29;
	v29 =	vld [tilespmem:s12+$0x850]  }
0x108: {  	v20 =	vmul.f32 v20, v8  }
0x109: {  	v17 =	vadd.f32 v40, v17  }
0x10a: {  	v50 =	vmul.f32 v27, v32;
	v9 =	vadd.f32 v9, v10;
	v10 =	vadd.f32 v20, v14;
	v14 =	vld [tilespmem:$0x1EB90]  }
0x10b: {  	[tilespmem:$0x1E8B0] =	vst v44;
	v44 =	vld [tilespmem:$0x3BE0]  }
0x10c: {  	v45 =	vld [tilespmem:$0x3BF0];
	v12 =	vadd.f32 v50, v12;
	v17 =	vadd.f32 v18, v17;
	v18 =	vmul.f32 v26, v29  }
0x10d: {  	[tilespmem:$0x1E960] =	vst v28;
	v28 =	vld [tilespmem:s12+$0x860]  }
0x10e: {  	v12 =	vadd.f32 v18, v12;
	v18 =	vld [tilespmem:$0x1EB70]  }
0x10f: {  	[tilespmem:$0x1EB20] =	vst v27;
	v27 =	vld [tilespmem:s12+$0x870];
	v14 =	vmul.f32 v14, v8  }
0x110: {  	v20 =	vld [tilespmem:$0x1EBC0]  }
0x111: {  	v13 =	vadd.f32 v14, v13;
	v14 =	vld [tilespmem:$0x1EBB0];
	_ =	sdelay $0x1  }
0x112: {  	v53 =	vmul.f32 v44, v28;
	v18 =	vmul.f32 v18, v8;
	_ =	sdelay $0x1  }
0x113: {  	v12 =	vadd.f32 v53, v12;
	v11 =	vadd.f32 v18, v11;
	v18 =	vmul.f32 v45, v27  }
0x114: {  	v15 =	vadd.f32 v21, v15;
	v20 =	vmul.f32 v20, v8;
	v14 =	vmul.f32 v14, v8  }
0x115: {  	v12 =	vadd.f32 v18, v12;
	v18 =	vld [tilespmem:$0x1EBD0]  }
0x116: {  	v14 =	vadd.f32 v14, v15;
	v15 =	vadd.f32 v20, v17;
	v17 =	vld [tilespmem:$0x1EBF0];
	_ =	sdelay $0x3  }
0x117: {  	v18 =	vmul.f32 v18, v8  }
0x118: {  	v8 =	vmul.f32 v17, v8  }
0x119: {  	v16 =	vadd.f32 v18, v16;
	v18 =	vld [tilespmem:$0x1EC20]  }
0x11a: {  	v8 =	vadd.f32 v8, v9;
	v9 =	vld [tilespmem:$0x1EC10];
	_ =	sdelay $0x4  }
0x11b: {  	v18 =	vmul.f32 v18, v7;
	v9 =	vmul.f32 v9, v7  }
0x11c: {  	[tilespmem:$0x1E970] =	vst v52;
	v52 =	vld [tilespmem:$0x3970]  }
0x11d: {  	v9 =	vadd.f32 v9, v10;
	v10 =	vadd.f32 v18, v11;
	v11 =	vld [tilespmem:$0x1EC50]  }
0x11e: {  	v51 =	vld [tilespmem:$0x3F80]  }
0x11f: {  	[tilespmem:$0x1EB40] =	vst v26;
	v26 =	vld [tilespmem:s12+$0xC00]  }
0x120: {  	v24 =	vld [tilespmem:s12+$0xC10]  }
0x121: {  	[tilespmem:$0x1F490] =	vst v52;
	v52 =	vld [tilespmem:$0x3F90]  }
0x122: {  	v11 =	vmul.f32 v11, v7  }
0x123: {  	[tilespmem:$0x1E830] =	vst v22;
	v22 =	vld [tilespmem:s12+$0xC30]  }
0x124: {  	v56 =	vmul.f32 v51, v26;
	v11 =	vadd.f32 v11, v14;
	v14 =	vld [tilespmem:$0x1EC70]  }
0x125: {  	v23 =	vld [tilespmem:s12+$0xC20]  }
0x126: {  	[tilespmem:$0x1E9C0] =	vst v30;
	v30 =	vld [tilespmem:$0x3FA0];
	v12 =	vadd.f32 v56, v12;
	v17 =	vmul.f32 v52, v24  }
0x127: {  	[tilespmem:$0x1E9E0] =	vst v57;
	v57 =	vld [tilespmem:$0x3A70]  }
0x128: {  	v12 =	vadd.f32 v17, v12;
	v17 =	vld [tilespmem:$0x1EC30]  }
0x129: {  	v55 =	vld [tilespmem:$0x3FB0];
	v14 =	vmul.f32 v14, v7;
	_ =	sdelay $0x1  }
0x12a: {  	v15 =	vadd.f32 v14, v15;
	v14 =	vld [tilespmem:$0x1ECB0]  }
0x12b: {  	v20 =	vmul.f32 v30, v23  }
0x12c: {  	[tilespmem:$0x1F4B0] =	vst v57;
	v57 =	vld [tilespmem:$0x3FC0];
	v17 =	vmul.f32 v17, v7  }
0x12d: {  	v21 =	vld [tilespmem:s12+$0xC40];
	v12 =	vadd.f32 v20, v12;
	v20 =	vmul.f32 v55, v22  }
0x12e: {  	v13 =	vadd.f32 v17, v13;
	v17 =	vld [tilespmem:$0x1EC80]  }
0x12f: {  	v12 =	vadd.f32 v20, v12;
	v20 =	vld [tilespmem:$0x1EC90];
	v14 =	vmul.f32 v14, v5;
	_ =	sdelay $0x1  }
0x130: {  	v9 =	vadd.f32 v14, v9;
	v14 =	vld [tilespmem:$0x1ECD0];
	_ =	sdelay $0x1  }
0x131: {  	v60 =	vmul.f32 v17, v7  }
0x132: {  	v7 =	vmul.f32 v20, v7;
	v20 =	vmul.f32 v57, v21;
	_ =	sdelay $0x1  }
0x133: {  	v7 =	vadd.f32 v7, v8;
	v8 =	vadd.f32 v20, v12;
	v20 =	vmul.f32 v14, v5;
	v14 =	vld [tilespmem:$0x1ECE0];
	_ =	sdelay $0x4  }
0x134: {  	[tilespmem:$0x1EC40] =	vst v30;
	v30 =	vmul.f32 v14, v5;
	_ =	sdelay $0x1  }
0x135: {  	v10 =	vadd.f32 v20, v10;
	v20 =	vadd.f32 v30, v13;
	v13 =	vld [tilespmem:$0x1ED10]  }
0x136: {  	v58 =	vld [tilespmem:$0x3FD0]  }
0x137: {  	v18 =	vld [tilespmem:s12+$0xC50];
	_ =	sdelay $0x2  }
0x138: {  	v30 =	vmul.f32 v13, v5;
	v13 =	vld [tilespmem:$0x1ED30];
	_ =	sdelay $0x1  }
0x139: {  	v12 =	vmul.f32 v58, v18;
	_ =	sdelay $0x1  }
0x13a: {  	v8 =	vadd.f32 v12, v8;
	v12 =	vld [tilespmem:$0x1ECF0]  }
0x13b: {  	v15 =	vadd.f32 v30, v15;
	v30 =	vmul.f32 v13, v5;
	v13 =	vld [tilespmem:$0x1ED40];
	_ =	sdelay $0x4  }
0x13c: {  	v12 =	vmul.f32 v12, v5;
	v5 =	vmul.f32 v13, v5;
	_ =	sdelay $0x1  }
0x13d: {  	v5 =	vadd.f32 v5, v7;
	v7 =	vld [tilespmem:$0x1ED70];
	_ =	sdelay $0x4  }
0x13e: {  	v7 =	vmul.f32 v7, v0;
	_ =	sdelay $0x1  }
0x13f: {  	v10 =	vadd.f32 v7, v10;
	v7 =	vld [tilespmem:$0x1ED90];
	_ =	sdelay $0x1  }
0x140: {  	[tilespmem:$0x1EA40] =	vst v61;
	v61 =	vld [tilespmem:$0x3FF0]  }
0x141: {  	v13 =	vld [tilespmem:$0x1ED50]  }
0x142: {  	[tilespmem:$0x1EA70] =	vst v63;
	v63 =	vld [tilespmem:$0x4390]  }
0x143: {  	v59 =	vld [tilespmem:$0x3FE0];
	v7 =	vmul.f32 v7, v0  }
0x144: {  	v17 =	vld [tilespmem:s12+$0xC60]  }
0x145: {  	v20 =	vadd.f32 v7, v20;
	v7 =	vld [tilespmem:$0x1EDD0]  }
0x146: {  	v50 =	vmul.f32 v13, v0;
	v13 =	vld [tilespmem:$0x1EDA0]  }
0x147: {  	[tilespmem:$0x1EA50] =	vst v62;
	v62 =	vld [tilespmem:$0x4380]  }
0x148: {  	v25 =	vadd.f32 v60, v16;
	v16 =	vld [tilespmem:s12+$0xC70]  }
0x149: {  	[tilespmem:$0x1EBE0] =	vst v51;
	v51 =	vld [tilespmem:s12+$0x1000]  }
0x14a: {  	[tilespmem:$0x1EC00] =	vst v52;
	v52 =	vld [tilespmem:s12+$0x1010];
	v25 =	vadd.f32 v30, v25;
	v7 =	vmul.f32 v7, v0  }
0x14b: {  	[tilespmem:$0x1ED00] =	vst v59;
	v48 =	vmul.f32 v59, v17;
	v59 =	vmul.f32 v13, v0;
	v13 =	vld [tilespmem:$0x1EDB0]  }
0x14c: {  	v25 =	vadd.f32 v7, v25;
	v7 =	vld [tilespmem:$0x1EDF0]  }
0x14d: {  	v8 =	vadd.f32 v48, v8;
	v49 =	vadd.f32 v12, v11;
	v11 =	vmul.f32 v61, v16  }
0x14e: {  	[tilespmem:$0x1ED80] =	vst v63  }
0x14f: {  	[tilespmem:$0x1EC60] =	vst v55;
	v53 =	vld [tilespmem:s12+$0x1020];
	v55 =	vmul.f32 v62, v51;
	v8 =	vadd.f32 v11, v8  }
0x150: {  	[tilespmem:$0x1ECA0] =	vst v57;
	v60 =	vld [tilespmem:s12+$0x1040];
	v57 =	vmul.f32 v63, v52  }
0x151: {  	[tilespmem:$0x1ECC0] =	vst v58;
	v58 =	vld [tilespmem:s12+$0x1030];
	v8 =	vadd.f32 v55, v8;
	v63 =	vmul.f32 v13, v0;
	v0 =	vmul.f32 v7, v0  }
0x152: {  	v12 =	vld [tilespmem:$0x43A0]  }
0x153: {  	v40 =	vadd.f32 v57, v8;
	v57 =	vadd.f32 v0, v5;
	v0 =	vld [tilespmem:$0x1EE30]  }
0x154: {  	v11 =	vld [tilespmem:$0x43B0]  }
0x155: {  	[tilespmem:$0x1EA80] =	vst v41;
	v8 =	vld [tilespmem:$0x43D0]  }
0x156: {  	[tilespmem:$0x1EAC0] =	vst v42;
	v14 =	vld [tilespmem:$0x1EE10]  }
0x157: {  	[tilespmem:$0x1EAE0] =	vst v43;
	v30 =	vadd.f32 v50, v9;
	v9 =	vld [tilespmem:$0x43C0]  }
0x158: {  	[tilespmem:$0x1EB80] =	vst v44;
	v13 =	vld [tilespmem:s12+$0x1050];
	v0 =	vmul.f32 v0, v6  }
0x159: {  	[tilespmem:$0x1EDC0] =	vst v12;
	v48 =	vmul.f32 v12, v53;
	v12 =	vld [tilespmem:$0x43E0]  }
0x15a: {  	[tilespmem:$0x1ED20] =	vst v61;
	v20 =	vadd.f32 v0, v20;
	v0 =	vld [tilespmem:$0x1EE50]  }
0x15b: {  	[tilespmem:$0x1EDE0] =	vst v11;
	v55 =	vmul.f32 v14, v6;
	v41 =	vadd.f32 v59, v49;
	v49 =	vmul.f32 v11, v58;
	v11 =	vld [tilespmem:s12+$0x1060]  }
0x15c: {  	[tilespmem:$0x1EE20] =	vst v9;
	v56 =	vmul.f32 v9, v60;
	v9 =	vld [tilespmem:s12+$0x1070]  }
0x15d: {  	[tilespmem:$0x1EE40] =	vst v8;
	v42 =	vadd.f32 v55, v10;
	v10 =	vmul.f32 v8, v13;
	v8 =	vld [tilespmem:s12+$0x1400]  }
0x15e: {  	[tilespmem:$0x1EBA0] =	vst v45;
	v7 =	vld [tilespmem:$0x1EE00]  }
0x15f: {  	[tilespmem:$0x1ED60] =	vst v62;
	v59 =	vmul.f32 v0, v6;
	v0 =	vld [tilespmem:$0x1EE60]  }
0x160: {  	v54 =	vld [tilespmem:$0x39F0];
	[tilespmem:$0x1FB20] =	vst v11  }
0x161: {  	[tilespmem:$0x1FAA0] =	vst v13;
	v13 =	vld [tilespmem:$0x1EE70]  }
0x162: {  	[tilespmem:$0x1FBA0] =	vst v9;
	v5 =	vld [tilespmem:$0x4780]  }
0x163: {  	[tilespmem:$0x1FC20] =	vst v8;
	v50 =	vmul.f32 v7, v6;
	v7 =	vld [tilespmem:$0x43F0]  }
0x164: {  	v61 =	vmul.f32 v0, v6;
	v0 =	vld [tilespmem:$0x4790];
	[tilespmem:$0x1EE80] =	vst v12  }
0x165: {  	v15 =	vadd.f32 v63, v15;
	v63 =	vmul.f32 v12, v11;
	v11 =	vld [tilespmem:$0x1EE90];
	_ =	sdelay $0x1  }
0x166: {  	v40 =	vadd.f32 v48, v40;
	_ =	sdelay $0x1  }
0x167: {  	v40 =	vadd.f32 v49, v40;
	v49 =	vmul.f32 v7, v9;
	[tilespmem:$0x1EEA0] =	vst v7;
	v7 =	vld [tilespmem:$0x1EEB0]  }
0x168: {  	v43 =	vadd.f32 v61, v15;
	v15 =	vmul.f32 v11, v6;
	v11 =	vld [tilespmem:s12+$0x1410];
	_ =	sdelay $0x3  }
0x169: {  	v45 =	vadd.f32 v15, v57;
	v15 =	vmul.f32 v7, v19;
	v7 =	vld [tilespmem:$0x1EEC0]  }
0x16a: {  	v41 =	vadd.f32 v59, v41;
	[tilespmem:$0x1EF00] =	vst v0;
	v59 =	vmul.f32 v0, v11;
	v0 =	vld [tilespmem:$0x1EF10]  }
0x16b: {  	v40 =	vadd.f32 v56, v40  }
0x16c: {  	v9 =	vld [tilespmem:s12+$0x1420]  }
0x16d: {  	v10 =	vadd.f32 v10, v40;
	v56 =	vmul.f32 v5, v8;
	v8 =	vld [tilespmem:s12+$0x1430]  }
0x16e: {  	v30 =	vadd.f32 v50, v30;
	v50 =	vmul.f32 v7, v19;
	v7 =	vld [tilespmem:$0x47B0]  }
0x16f: {  	v48 =	vadd.f32 v63, v10;
	v61 =	vmul.f32 v0, v19;
	v0 =	vld [tilespmem:$0x1EF20]  }
0x170: {  	[tilespmem:$0x1EEE0] =	vst v5;
	v5 =	vld [tilespmem:$0x1EEF0]  }
0x171: {  	v62 =	vmul.f32 v13, v6;
	v40 =	vadd.f32 v49, v48;
	v6 =	vld [tilespmem:$0x47A0]  }
0x172: {  	v10 =	vld [tilespmem:$0x1EED0]  }
0x173: {  	v40 =	vadd.f32 v56, v40;
	[tilespmem:$0x1EF60] =	vst v7;
	v56 =	vmul.f32 v7, v8;
	v7 =	vld [tilespmem:$0x1EF70]  }
0x174: {  	v25 =	vadd.f32 v62, v25;
	v62 =	vmul.f32 v0, v19;
	v0 =	vld [tilespmem:$0x1EF30];
	_ =	sdelay $0x1  }
0x175: {  	v57 =	vmul.f32 v5, v19;
	[tilespmem:$0x1EF40] =	vst v6;
	v63 =	vmul.f32 v6, v9;
	v6 =	vld [tilespmem:$0x1EF50]  }
0x176: {  	[tilespmem:$0x1FD20] =	vst v9;
	v9 =	vld [tilespmem:s12+$0x1450]  }
0x177: {  	v41 =	vadd.f32 v57, v41;
	v57 =	vmul.f32 v7, v39;
	v7 =	vld [tilespmem:$0x1EF80]  }
0x178: {  	v55 =	vmul.f32 v10, v19;
	v19 =	vmul.f32 v0, v19;
	v0 =	vld [tilespmem:$0x47D0];
	_ =	sdelay $0x2  }
0x179: {  	v44 =	vadd.f32 v55, v20;
	v30 =	vadd.f32 v15, v30;
	v55 =	vmul.f32 v6, v39  }
0x17a: {  	v40 =	vadd.f32 v59, v40;
	v59 =	vmul.f32 v7, v39;
	v7 =	vld [tilespmem:$0x1EF90]  }
0x17b: {  	v47 =	vadd.f32 v55, v30;
	[tilespmem:$0x1EFC0] =	vst v0;
	v55 =	vmul.f32 v0, v9;
	v0 =	vld [tilespmem:$0x1EFD0];
	_ =	sdelay $0x2  }
0x17c: {  	v45 =	vadd.f32 v19, v45;
	v19 =	vadd.f32 v63, v40  }
0x17d: {  	v43 =	vadd.f32 v61, v43;
	v61 =	vmul.f32 v7, v39;
	v7 =	vld [tilespmem:$0x1EFB0]  }
0x17e: {  	v19 =	vadd.f32 v56, v19;
	v56 =	vmul.f32 v0, v39;
	v0 =	vld [tilespmem:$0x1EFE0];
	_ =	sdelay $0x4  }
0x17f: {  	v63 =	vmul.f32 v7, v39;
	v39 =	vmul.f32 v0, v39;
	v0 =	vld [tilespmem:$0x1EFF0];
	_ =	sdelay $0x2  }
0x180: {  	v42 =	vadd.f32 v50, v42;
	_ =	sdelay $0x1  }
0x181: {  	v42 =	vadd.f32 v57, v42;
	v57 =	vmul.f32 v0, v38;
	v0 =	vld [tilespmem:$0x1F010];
	_ =	sdelay $0x1  }
0x182: {  	v10 =	vld [tilespmem:s12+$0x1440]  }
0x183: {  	v5 =	vld [tilespmem:$0x47C0];
	_ =	sdelay $0x1  }
0x184: {  	v40 =	vadd.f32 v61, v41;
	v61 =	vmul.f32 v0, v38;
	v0 =	vld [tilespmem:$0x1F020];
	_ =	sdelay $0x2  }
0x185: {  	v46 =	vadd.f32 v62, v25;
	v62 =	vmul.f32 v5, v10;
	_ =	sdelay $0x1  }
0x186: {  	v25 =	vadd.f32 v62, v19;
	v62 =	vmul.f32 v0, v38;
	v0 =	vld [tilespmem:$0x1F030];
	_ =	sdelay $0x4  }
0x187: {  	v43 =	vadd.f32 v63, v43;
	v63 =	vmul.f32 v0, v38;
	v0 =	vld [tilespmem:$0x1F050];
	_ =	sdelay $0x4  }
0x188: {  	v41 =	vadd.f32 v55, v25;
	v55 =	vmul.f32 v0, v38;
	v0 =	vld [tilespmem:$0x1F060];
	_ =	sdelay $0x4  }
0x189: {  	v46 =	vadd.f32 v56, v46;
	v56 =	vmul.f32 v0, v38;
	v0 =	vld [tilespmem:$0x1F070];
	_ =	sdelay $0x1  }
0x18a: {  	v6 =	vld [tilespmem:$0x47E0]  }
0x18b: {  	[tilespmem:$0x1FDA0] =	vst v8;
	v8 =	vld [tilespmem:s12+$0x1460];
	_ =	sdelay $0x1  }
0x18c: {  	v38 =	vmul.f32 v0, v38;
	v0 =	vld [tilespmem:$0x1F080];
	_ =	sdelay $0x2  }
0x18d: {  	v44 =	vadd.f32 v59, v44;
	v59 =	vmul.f32 v6, v8;
	_ =	sdelay $0x1  }
0x18e: {  	v41 =	vadd.f32 v59, v41;
	v59 =	vmul.f32 v0, v37;
	v0 =	vld [tilespmem:$0x1F090];
	_ =	sdelay $0x4  }
0x18f: {  	v42 =	vadd.f32 v61, v42;
	v61 =	vmul.f32 v0, v37;
	v0 =	vld [tilespmem:$0x1F0A0];
	_ =	sdelay $0x1  }
0x190: {  	[tilespmem:$0x1EFA0] =	vst v5;
	v5 =	vld [tilespmem:$0x47F0]  }
0x191: {  	v7 =	vld [tilespmem:s12+$0x1470];
	_ =	sdelay $0x1  }
0x192: {  	v40 =	vadd.f32 v63, v40;
	v63 =	vmul.f32 v0, v37;
	v0 =	vld [tilespmem:$0x1F0B0];
	_ =	sdelay $0x2  }
0x193: {  	v25 =	vmul.f32 v5, v7;
	_ =	sdelay $0x1  }
0x194: {  	v41 =	vadd.f32 v25, v41;
	v25 =	vmul.f32 v0, v37;
	v0 =	vld [tilespmem:$0x1F0C0];
	_ =	sdelay $0x4  }
0x195: {  	v50 =	vmul.f32 v0, v37;
	v0 =	vld [tilespmem:$0x1F0D0];
	_ =	sdelay $0x4  }
0x196: {  	v43 =	vadd.f32 v55, v43;
	v55 =	vmul.f32 v0, v37;
	v0 =	vld [tilespmem:$0x1F0E0];
	_ =	sdelay $0x4  }
0x197: {  	v37 =	vmul.f32 v0, v37;
	v0 =	vld [tilespmem:$0x3DA0];
	_ =	sdelay $0x4  }
0x198: {  	[tilespmem:$0x1F5F0] =	vst v0;
	v0 =	vld [tilespmem:$0x1F0F0];
	_ =	sdelay $0x2  }
0x199: {  	v47 =	vadd.f32 v57, v47;
	v57 =	vadd.f32 v56, v46;
	_ =	sdelay $0x1  }
0x19a: {  	v39 =	vadd.f32 v39, v45;
	v45 =	vadd.f32 v55, v57;
	v57 =	vmul.f32 v0, v31;
	v0 =	vld [tilespmem:$0x1F100];
	_ =	sdelay $0x4  }
0x19b: {  	v46 =	vadd.f32 v59, v47;
	v59 =	vmul.f32 v0, v31;
	v0 =	vld [tilespmem:$0x3E20];
	_ =	sdelay $0x4  }
0x19c: {  	[tilespmem:$0x1F600] =	vst v0;
	v0 =	vld [tilespmem:$0x1F110];
	_ =	sdelay $0x2  }
0x19d: {  	v44 =	vadd.f32 v62, v44;
	v62 =	vperm.xlane v41, v1;
	_ =	sdelay $0x1  }
0x19e: {  	v41 =	vadd.f32 v62, v41;
	v62 =	vmul.f32 v0, v31;
	v0 =	vld [tilespmem:$0x3EA0];
	_ =	sdelay $0x4  }
0x19f: {  	[tilespmem:$0x1F610] =	vst v0;
	v0 =	vld [tilespmem:$0x1F120];
	_ =	sdelay $0x4  }
0x1a0: {  	v49 =	vmul.f32 v0, v31;
	v0 =	vld [tilespmem:$0x3F20];
	_ =	sdelay $0x4  }
0x1a1: {  	[tilespmem:$0x1F620] =	vst v0;
	v0 =	vld [tilespmem:$0x1F130];
	_ =	sdelay $0x3  }
0x1a2: {  	v38 =	vadd.f32 v38, v39  }
0x1a3: {  	v39 =	vadd.f32 v61, v42;
	v42 =	vadd.f32 v50, v43;
	v50 =	vmul.f32 v0, v31;
	v0 =	vld [tilespmem:$0x1F140];
	_ =	sdelay $0x2  }
0x1a4: {  	v56 =	vperm.xlane v41, v2;
	_ =	sdelay $0x1  }
0x1a5: {  	v61 =	vadd.f32 v56, v41;
	v56 =	vmul.f32 v0, v31;
	v0 =	vld [tilespmem:$0x1F150];
	_ =	sdelay $0x4  }
0x1a6: {  	v31 =	vmul.f32 v0, v31;
	v0 =	vld [tilespmem:$0x3C30];
	_ =	sdelay $0x4  }
0x1a7: {  	[tilespmem:$0x1F630] =	vst v0;
	v0 =	vld [tilespmem:$0x3CB0];
	_ =	sdelay $0x4  }
0x1a8: {  	[tilespmem:$0x1F640] =	vst v0;
	v0 =	vld [tilespmem:$0x1F160];
	_ =	sdelay $0x4  }
0x1a9: {  	v44 =	vadd.f32 v63, v44;
	v63 =	vadd.f32 v57, v46;
	v57 =	vmul.f32 v0, v36;
	v0 =	vld [tilespmem:$0x3D30];
	_ =	sdelay $0x4  }
0x1aa: {  	[tilespmem:$0x1F650] =	vst v0;
	v0 =	vld [tilespmem:$0x1F170];
	_ =	sdelay $0x2  }
0x1ab: {  	v37 =	vadd.f32 v37, v38;
	_ =	sdelay $0x1  }
0x1ac: {  	v37 =	vadd.f32 v31, v37;
	v31 =	vmul.f32 v0, v36;
	v0 =	vld [tilespmem:$0x3DB0];
	_ =	sdelay $0x4  }
0x1ad: {  	[tilespmem:$0x1F660] =	vst v0;
	v0 =	vld [tilespmem:$0x1F180];
	_ =	sdelay $0x4  }
0x1ae: {  	v39 =	vadd.f32 v59, v39;
	v59 =	vmul.f32 v0, v36;
	v0 =	vld [tilespmem:$0x3E30];
	_ =	sdelay $0x4  }
0x1af: {  	[tilespmem:$0x1F670] =	vst v0;
	v0 =	vld [tilespmem:$0x1F190];
	_ =	sdelay $0x3  }
0x1b0: {  	v55 =	vperm.xlane v61, v3  }
0x1b1: {  	v41 =	vadd.f32 v62, v44;
	v62 =	vmul.f32 v0, v36;
	v0 =	vld [tilespmem:$0x1F1A0]  }
0x1b2: {  	v38 =	vadd.f32 v55, v61;
	_ =	sdelay $0x1  }
0x1b3: {  	v61 =	vperm.xlane v38, v4;
	_ =	sdelay $0x1  }
0x1b4: {  	v43 =	vadd.f32 v57, v63;
	v63 =	vmul.f32 v0, v36;
	v0 =	vadd.f32 v61, v38;
	_ =	sdelay $0x1  }
0x1b5: {  	[tilespmem:$0x1FFF0] =	vst v0;
	v0 =	vld [tilespmem:$0x3EB0];
	_ =	sdelay $0x4  }
0x1b6: {  	[tilespmem:$0x1F680] =	vst v0;
	v0 =	vld [tilespmem:$0x1F1B0];
	_ =	sdelay $0x4  }
0x1b7: {  	v55 =	vmul.f32 v0, v36;
	v0 =	vld [tilespmem:$0x1F1C0];
	_ =	sdelay $0x4  }
0x1b8: {  	v36 =	vmul.f32 v0, v36;
	v0 =	vld [tilespmem:$0x3F30];
	_ =	sdelay $0x4  }
0x1b9: {  	[tilespmem:$0x1F690] =	vst v0;
	v0 =	vld [tilespmem:$0x3C40];
	_ =	sdelay $0x4  }
0x1ba: {  	[tilespmem:$0x1F6A0] =	vst v0;
	v0 =	vld [tilespmem:$0x1F1D0];
	_ =	sdelay $0x4  }
0x1bb: {  	v45 =	vadd.f32 v56, v45;
	v56 =	vmul.f32 v0, v35;
	v0 =	vld [tilespmem:$0x1F1E0];
	_ =	sdelay $0x4  }
0x1bc: {  	v57 =	vmul.f32 v0, v35;
	v0 =	vld [tilespmem:$0x3CC0];
	_ =	sdelay $0x4  }
0x1bd: {  	[tilespmem:$0x1F6B0] =	vst v0;
	v0 =	vld [tilespmem:$0x1F1F0];
	_ =	sdelay $0x4  }
0x1be: {  	v42 =	vadd.f32 v50, v42;
	v50 =	vadd.f32 v59, v41;
	v59 =	vmul.f32 v0, v35;
	v0 =	vld [tilespmem:$0x1F200];
	_ =	sdelay $0x4  }
0x1bf: {  	v61 =	vmul.f32 v0, v35;
	v0 =	vld [tilespmem:$0x3D40];
	_ =	sdelay $0x4  }
0x1c0: {  	[tilespmem:$0x1F6C0] =	vst v0;
	v0 =	vld [tilespmem:$0x1F210]  }
0x1c1: {  	v40 =	vadd.f32 v25, v40;
	_ =	sdelay $0x1  }
0x1c2: {  	v40 =	vadd.f32 v49, v40;
	_ =	sdelay $0x1  }
0x1c3: {  	v40 =	vadd.f32 v62, v40;
	v62 =	vmul.f32 v0, v35;
	v0 =	vld [tilespmem:$0x3DC0];
	_ =	sdelay $0x4  }
0x1c4: {  	[tilespmem:$0x1F6D0] =	vst v0;
	v0 =	vld [tilespmem:$0x1F220];
	_ =	sdelay $0x4  }
0x1c5: {  	v48 =	vmul.f32 v0, v35;
	v0 =	vld [tilespmem:$0x1F230];
	_ =	sdelay $0x4  }
0x1c6: {  	v35 =	vmul.f32 v0, v35;
	v0 =	vld [tilespmem:$0x3E40];
	_ =	sdelay $0x4  }
0x1c7: {  	[tilespmem:$0x1F6E0] =	vst v0;
	v0 =	vld [tilespmem:$0x1F240];
	_ =	sdelay $0x4  }
0x1c8: {  	v49 =	vmul.f32 v0, v34;
	v0 =	vld [tilespmem:$0x3EC0];
	_ =	sdelay $0x4  }
0x1c9: {  	[tilespmem:$0x1F6F0] =	vst v0;
	v0 =	vld [tilespmem:$0x1F250];
	_ =	sdelay $0x4  }
0x1ca: {  	v36 =	vadd.f32 v36, v37;
	v37 =	vadd.f32 v59, v50;
	v50 =	vmul.f32 v0, v34;
	v0 =	vld [tilespmem:$0x1F260];
	_ =	sdelay $0x4  }
0x1cb: {  	v41 =	vadd.f32 v55, v45;
	v55 =	vmul.f32 v0, v34;
	v0 =	vld [tilespmem:$0x3F40];
	_ =	sdelay $0x4  }
0x1cc: {  	[tilespmem:$0x1F700] =	vst v0;
	v0 =	vld [tilespmem:$0x1F270];
	_ =	sdelay $0x2  }
0x1cd: {  	v39 =	vadd.f32 v31, v39;
	_ =	sdelay $0x1  }
0x1ce: {  	v39 =	vadd.f32 v57, v39;
	v57 =	vmul.f32 v0, v34;
	v0 =	vld [tilespmem:$0x3C50];
	_ =	sdelay $0x4  }
0x1cf: {  	[tilespmem:$0x1F710] =	vst v0;
	v0 =	vld [tilespmem:$0x1F280];
	_ =	sdelay $0x4  }
0x1d0: {  	v59 =	vmul.f32 v0, v34;
	v0 =	vld [tilespmem:$0x1F290];
	_ =	sdelay $0x4  }
0x1d1: {  	v42 =	vadd.f32 v63, v42;
	v63 =	vadd.f32 v61, v40;
	v61 =	vmul.f32 v0, v34;
	v0 =	vld [tilespmem:$0x1F2A0];
	_ =	sdelay $0x4  }
0x1d2: {  	v34 =	vmul.f32 v0, v34;
	v0 =	vld [tilespmem:$0x3CD0];
	_ =	sdelay $0x4  }
0x1d3: {  	[tilespmem:$0x1F720] =	vst v0;
	v0 =	vld [tilespmem:$0x3D50];
	_ =	sdelay $0x4  }
0x1d4: {  	[tilespmem:$0x1F730] =	vst v0;
	v0 =	vld [tilespmem:$0x1F2B0];
	_ =	sdelay $0x4  }
0x1d5: {  	v42 =	vadd.f32 v62, v42;
	v62 =	vmul.f32 v0, v33;
	v0 =	vld [tilespmem:$0x1F2C0];
	_ =	sdelay $0x4  }
0x1d6: {  	v38 =	vadd.f32 v57, v63;
	v63 =	vmul.f32 v0, v33;
	v0 =	vld [tilespmem:$0x3DD0];
	_ =	sdelay $0x4  }
0x1d7: {  	[tilespmem:$0x1F740] =	vst v0;
	v0 =	vld [tilespmem:$0x1F2D0];
	_ =	sdelay $0x4  }
0x1d8: {  	v40 =	vadd.f32 v48, v41;
	v48 =	vmul.f32 v0, v33;
	v0 =	vld [tilespmem:$0x3E50];
	_ =	sdelay $0x4  }
0x1d9: {  	[tilespmem:$0x1F750] =	vst v0;
	v0 =	vld [tilespmem:$0x1F2E0];
	_ =	sdelay $0x2  }
0x1da: {  	v43 =	vadd.f32 v56, v43;
	_ =	sdelay $0x1  }
0x1db: {  	v56 =	vadd.f32 v49, v43;
	v49 =	vmul.f32 v0, v33;
	v0 =	vld [tilespmem:$0x3ED0];
	_ =	sdelay $0x4  }
0x1dc: {  	[tilespmem:$0x1F760] =	vst v0;
	v0 =	vld [tilespmem:$0x1F2F0];
	_ =	sdelay $0x4  }
0x1dd: {  	v39 =	vadd.f32 v50, v39;
	v50 =	vmul.f32 v0, v33;
	v0 =	vld [tilespmem:$0x1F300];
	_ =	sdelay $0x4  }
0x1de: {  	v37 =	vadd.f32 v55, v37;
	v55 =	vmul.f32 v0, v33;
	v0 =	vld [tilespmem:$0x1F310];
	_ =	sdelay $0x4  }
0x1df: {  	v33 =	vmul.f32 v0, v33;
	v0 =	vld [tilespmem:$0x3F50];
	_ =	sdelay $0x4  }
0x1e0: {  	[tilespmem:$0x1F770] =	vst v0;
	v0 =	vld [tilespmem:$0x1F320];
	_ =	sdelay $0x4  }
0x1e1: {  	v35 =	vadd.f32 v35, v36;
	v36 =	vadd.f32 v62, v56;
	v56 =	vmul.f32 v0, v32;
	v0 =	vld [tilespmem:$0x3C60];
	_ =	sdelay $0x4  }
0x1e2: {  	[tilespmem:$0x1F780] =	vst v0;
	v0 =	vld [tilespmem:$0x1F330];
	_ =	sdelay $0x4  }
0x1e3: {  	v57 =	vmul.f32 v0, v32;
	v0 =	vld [tilespmem:$0x3CE0];
	_ =	sdelay $0x4  }
0x1e4: {  	[tilespmem:$0x1F790] =	vst v0;
	v0 =	vld [tilespmem:$0x1F340];
	_ =	sdelay $0x4  }
0x1e5: {  	v40 =	vadd.f32 v61, v40;
	v61 =	vmul.f32 v0, v32;
	v0 =	vld [tilespmem:$0x3D60];
	_ =	sdelay $0x4  }
0x1e6: {  	[tilespmem:$0x1F7A0] =	vst v0;
	v0 =	vld [tilespmem:$0x1F350];
	_ =	sdelay $0x4  }
0x1e7: {  	v62 =	vmul.f32 v0, v32;
	v0 =	vld [tilespmem:$0x1F360];
	_ =	sdelay $0x4  }
0x1e8: {  	v39 =	vadd.f32 v63, v39;
	v63 =	vmul.f32 v0, v32;
	v0 =	vld [tilespmem:$0x1F370];
	_ =	sdelay $0x4  }
0x1e9: {  	v45 =	vmul.f32 v0, v32;
	v0 =	vld [tilespmem:$0x1F380];
	_ =	sdelay $0x4  }
0x1ea: {  	v32 =	vmul.f32 v0, v32;
	v0 =	vld [tilespmem:$0x3DE0];
	_ =	sdelay $0x4  }
0x1eb: {  	[tilespmem:$0x1F7B0] =	vst v0;
	v0 =	vld [tilespmem:$0x3E60];
	_ =	sdelay $0x4  }
0x1ec: {  	[tilespmem:$0x1F7C0] =	vst v0;
	v0 =	vld [tilespmem:$0x1F390];
	_ =	sdelay $0x4  }
0x1ed: {  	v46 =	vmul.f32 v0, v29;
	v0 =	vld [tilespmem:$0x3EE0];
	_ =	sdelay $0x4  }
0x1ee: {  	[tilespmem:$0x1F7D0] =	vst v0;
	v0 =	vld [tilespmem:$0x1F3A0];
	_ =	sdelay $0x4  }
0x1ef: {  	v47 =	vmul.f32 v0, v29;
	v0 =	vld [tilespmem:$0x3F60];
	_ =	sdelay $0x4  }
0x1f0: {  	[tilespmem:$0x1F7E0] =	vst v0;
	v0 =	vld [tilespmem:$0x1F3B0];
	_ =	sdelay $0x4  }
0x1f1: {  	v34 =	vadd.f32 v34, v35;
	v35 =	vadd.f32 v48, v37;
	v48 =	vmul.f32 v0, v29;
	v0 =	vld [tilespmem:$0x1F3C0];
	_ =	sdelay $0x4  }
0x1f2: {  	v38 =	vadd.f32 v49, v38;
	v49 =	vmul.f32 v0, v29;
	v0 =	vld [tilespmem:$0x3C70];
	_ =	sdelay $0x4  }
0x1f3: {  	[tilespmem:$0x1F7F0] =	vst v0;
	v0 =	vld [tilespmem:$0x1F3D0];
	_ =	sdelay $0x2  }
0x1f4: {  	v41 =	vadd.f32 v59, v42;
	_ =	sdelay $0x1  }
0x1f5: {  	v37 =	vadd.f32 v50, v41;
	v50 =	vmul.f32 v0, v29;
	v0 =	vld [tilespmem:$0x1F3E0];
	_ =	sdelay $0x4  }
0x1f6: {  	v40 =	vadd.f32 v55, v40;
	v55 =	vmul.f32 v0, v29;
	v0 =	vld [tilespmem:$0x1F3F0];
	_ =	sdelay $0x4  }
0x1f7: {  	v29 =	vmul.f32 v0, v29;
	v0 =	vld [tilespmem:$0x1F400];
	_ =	sdelay $0x4  }
0x1f8: {  	v59 =	vadd.f32 v56, v36;
	v56 =	vmul.f32 v0, v28;
	v0 =	vld [tilespmem:$0x3DF0];
	_ =	sdelay $0x4  }
0x1f9: {  	[tilespmem:$0x1F820] =	vst v0;
	v0 =	vld [tilespmem:$0x1F410];
	_ =	sdelay $0x4  }
0x1fa: {  	v39 =	vadd.f32 v57, v39;
	v57 =	vmul.f32 v0, v28;
	v0 =	vld [tilespmem:$0x1F420];
	_ =	sdelay $0x4  }
0x1fb: {  	v33 =	vadd.f32 v33, v34;
	v34 =	vadd.f32 v46, v59;
	v59 =	vmul.f32 v0, v28;
	v0 =	vld [tilespmem:$0x1F430];
	_ =	sdelay $0x4  }
0x1fc: {  	v44 =	vmul.f32 v0, v28;
	v0 =	vld [tilespmem:$0x1F440];
	_ =	sdelay $0x4  }
0x1fd: {  	v36 =	vadd.f32 v45, v40;
	v45 =	vmul.f32 v0, v28;
	v0 =	vld [tilespmem:$0x1F450];
	_ =	sdelay $0x4  }
0x1fe: {  	v32 =	vadd.f32 v32, v33;
	v33 =	vadd.f32 v47, v39;
	v47 =	vmul.f32 v0, v28;
	v0 =	vld [tilespmem:$0x1F460];
	_ =	sdelay $0x4  }
0x1ff: {  	v28 =	vmul.f32 v0, v28;
	v0 =	vld [tilespmem:$0x1F470];
	_ =	sdelay $0x2  }
0x200: {  	v35 =	vadd.f32 v61, v35;
	_ =	sdelay $0x1  }
0x201: {  	v35 =	vadd.f32 v48, v35;
	v48 =	vmul.f32 v0, v27;
	v0 =	vld [tilespmem:$0x1F480];
	_ =	sdelay $0x2  }
0x202: {  	v38 =	vadd.f32 v62, v38;
	_ =	sdelay $0x1  }
0x203: {  	v38 =	vadd.f32 v49, v38;
	v49 =	vmul.f32 v0, v27;
	v0 =	vld [tilespmem:$0x1F490];
	_ =	sdelay $0x2  }
0x204: {  	v29 =	vadd.f32 v29, v32;
	_ =	sdelay $0x1  }
0x205: {  	v28 =	vadd.f32 v28, v29;
	v29 =	vmul.f32 v0, v27;
	v0 =	vld [tilespmem:$0x1F4B0];
	_ =	sdelay $0x4  }
0x206: {  	v42 =	vmul.f32 v0, v27;
	v0 =	vld [tilespmem:$0x1F4C0];
	_ =	sdelay $0x4  }
0x207: {  	v38 =	vadd.f32 v44, v38;
	v44 =	vmul.f32 v0, v27;
	v0 =	vld [tilespmem:$0x1F4D0];
	_ =	sdelay $0x2  }
0x208: {  	v37 =	vadd.f32 v63, v37;
	_ =	sdelay $0x1  }
0x209: {  	v37 =	vadd.f32 v50, v37;
	v50 =	vmul.f32 v54, v27;
	v27 =	vmul.f32 v0, v27;
	v0 =	vld [tilespmem:$0x1F4E0]  }
0x20a: {  	v12 =	vld [tilespmem:$0x3C90]  }
0x20b: {  	v13 =	vld [tilespmem:$0x3E10]  }
0x20c: {  	v20 =	vld [tilespmem:$0x3C20]  }
0x20d: {  	[tilespmem:$0x1FCA0] =	vst v11;
	v11 =	vld [tilespmem:$0x3D80]  }
0x20e: {  	v37 =	vadd.f32 v45, v37;
	v45 =	vmul.f32 v0, v26;
	v0 =	vld [tilespmem:$0x1F4F0]  }
0x20f: {  	[tilespmem:$0x1FE20] =	vst v10;
	v10 =	vld [tilespmem:$0x3E80]  }
0x210: {  	[tilespmem:$0x1F000] =	vst v6;
	v6 =	vld [tilespmem:$0x3F00]  }
0x211: {  	[tilespmem:$0x1FF20] =	vst v8;
	v8 =	vld [tilespmem:$0x3C10];
	v46 =	vadd.f32 v59, v35  }
0x212: {  	[tilespmem:$0x1FEA0] =	vst v9;
	v9 =	vld [tilespmem:$0x3E00];
	v41 =	vmul.f32 v11, v26;
	v36 =	vadd.f32 v55, v36;
	v34 =	vadd.f32 v56, v34  }
0x213: {  	v43 =	vadd.f32 v50, v38;
	v29 =	vadd.f32 v29, v46;
	v46 =	vmul.f32 v0, v26;
	v0 =	vld [tilespmem:$0x1F500]  }
0x214: {  	[tilespmem:$0x1FF90] =	vst v7;
	v7 =	vld [tilespmem:$0x3D90];
	v40 =	vmul.f32 v12, v24;
	v32 =	vadd.f32 v57, v33;
	v35 =	vadd.f32 v47, v36  }
0x215: {  	[tilespmem:$0x1F040] =	vst v5;
	v5 =	vld [tilespmem:$0x3D10];
	v33 =	vadd.f32 v41, v43;
	v43 =	vmul.f32 v10, v26;
	v34 =	vadd.f32 v48, v34  }
0x216: {  	v15 =	vld [tilespmem:$0x3E90];
	v41 =	vmul.f32 v8, v24;
	v36 =	vadd.f32 v42, v37;
	v35 =	vadd.f32 v44, v35  }
0x217: {  	v19 =	vld [tilespmem:$0x3F10];
	v42 =	vmul.f32 v9, v26;
	v27 =	vadd.f32 v27, v28;
	v28 =	vadd.f32 v45, v34  }
0x218: {  	v47 =	vmul.f32 v0, v26;
	v26 =	vmul.f32 v6, v26  }
0x219: {  	v34 =	vadd.f32 v43, v35;
	v35 =	vmul.f32 v7, v24;
	v28 =	vadd.f32 v41, v28;
	v0 =	vld [tilespmem:$0x1F5F0]  }
0x21a: {  	v29 =	vadd.f32 v47, v29;
	v26 =	vadd.f32 v26, v27;
	v27 =	vmul.f32 v5, v24  }
0x21b: {  	v41 =	vmul.f32 v15, v24;
	v33 =	vadd.f32 v35, v33;
	v35 =	vmul.f32 v20, v23  }
0x21c: {  	v25 =	vld [tilespmem:$0x3CA0];
	v27 =	vadd.f32 v27, v29;
	v29 =	vmul.f32 v13, v24;
	v24 =	vmul.f32 v19, v24  }
0x21d: {  	v32 =	vadd.f32 v49, v32  }
0x21e: {  	v24 =	vadd.f32 v24, v26;
	v26 =	vadd.f32 v35, v28;
	v35 =	vmul.f32 v0, v23;
	v0 =	vld [tilespmem:$0x1F600]  }
0x21f: {  	v36 =	vadd.f32 v42, v36;
	v32 =	vadd.f32 v46, v32;
	_ =	sdelay $0x1  }
0x220: {  	v30 =	vld [tilespmem:$0x3D20];
	v32 =	vadd.f32 v40, v32;
	v29 =	vadd.f32 v29, v36;
	v36 =	vmul.f32 v25, v23;
	_ =	sdelay $0x1  }
0x221: {  	v32 =	vadd.f32 v36, v32;
	v36 =	vmul.f32 v0, v23;
	v0 =	vld [tilespmem:$0x1F610];
	_ =	sdelay $0x2  }
0x222: {  	v28 =	vmul.f32 v30, v23;
	_ =	sdelay $0x1  }
0x223: {  	v27 =	vadd.f32 v28, v27;
	v28 =	vmul.f32 v0, v23;
	v0 =	vld [tilespmem:$0x1F620];
	_ =	sdelay $0x4  }
0x224: {  	v23 =	vmul.f32 v0, v23;
	v0 =	vld [tilespmem:$0x1F630];
	_ =	sdelay $0x4  }
0x225: {  	v33 =	vadd.f32 v35, v33;
	v35 =	vmul.f32 v0, v22;
	v0 =	vld [tilespmem:$0x1F640];
	_ =	sdelay $0x4  }
0x226: {  	v29 =	vadd.f32 v36, v29;
	v36 =	vmul.f32 v0, v22;
	v0 =	vld [tilespmem:$0x1F650];
	_ =	sdelay $0x2  }
0x227: {  	v34 =	vadd.f32 v41, v34;
	_ =	sdelay $0x1  }
0x228: {  	v28 =	vadd.f32 v28, v34;
	v34 =	vmul.f32 v0, v22;
	v0 =	vld [tilespmem:$0x1F660];
	_ =	sdelay $0x4  }
0x229: {  	v26 =	vadd.f32 v35, v26;
	v35 =	vmul.f32 v0, v22;
	v0 =	vld [tilespmem:$0x1F670];
	_ =	sdelay $0x4  }
0x22a: {  	v23 =	vadd.f32 v23, v24;
	v24 =	vadd.f32 v36, v32;
	v32 =	vmul.f32 v0, v22;
	v0 =	vld [tilespmem:$0x1F680];
	_ =	sdelay $0x4  }
0x22b: {  	v36 =	vmul.f32 v0, v22;
	v0 =	vld [tilespmem:$0x1F690];
	_ =	sdelay $0x4  }
0x22c: {  	v22 =	vmul.f32 v0, v22;
	v0 =	vld [tilespmem:$0x1F6A0];
	_ =	sdelay $0x4  }
0x22d: {  	v29 =	vadd.f32 v32, v29;
	v32 =	vmul.f32 v0, v21;
	v0 =	vld [tilespmem:$0x1F6B0];
	_ =	sdelay $0x4  }
0x22e: {  	v22 =	vadd.f32 v22, v23;
	v23 =	vmul.f32 v0, v21;
	v0 =	vld [tilespmem:$0x1F6C0];
	_ =	sdelay $0x4  }
0x22f: {  	v27 =	vadd.f32 v34, v27;
	v34 =	vmul.f32 v0, v21;
	v0 =	vld [tilespmem:$0x1F6D0];
	_ =	sdelay $0x4  }
0x230: {  	v26 =	vadd.f32 v32, v26;
	v32 =	vmul.f32 v0, v21;
	v0 =	vld [tilespmem:$0x1F6E0];
	_ =	sdelay $0x4  }
0x231: {  	v33 =	vadd.f32 v35, v33;
	v35 =	vmul.f32 v0, v21;
	v0 =	vld [tilespmem:$0x1F6F0];
	_ =	sdelay $0x4  }
0x232: {  	v23 =	vadd.f32 v23, v24;
	v24 =	vadd.f32 v34, v27;
	v27 =	vmul.f32 v0, v21;
	v0 =	vld [tilespmem:$0x1F700];
	_ =	sdelay $0x4  }
0x233: {  	v21 =	vmul.f32 v0, v21;
	v0 =	vld [tilespmem:$0x1F710];
	_ =	sdelay $0x2  }
0x234: {  	v28 =	vadd.f32 v36, v28;
	_ =	sdelay $0x1  }
0x235: {  	v27 =	vadd.f32 v27, v28;
	v28 =	vmul.f32 v0, v18;
	v0 =	vld [tilespmem:$0x1F720];
	_ =	sdelay $0x4  }
0x236: {  	v32 =	vadd.f32 v32, v33;
	v33 =	vmul.f32 v0, v18;
	v0 =	vld [tilespmem:$0x1F730];
	_ =	sdelay $0x4  }
0x237: {  	v21 =	vadd.f32 v21, v22;
	v22 =	vmul.f32 v0, v18;
	v0 =	vld [tilespmem:$0x1F740];
	_ =	sdelay $0x4  }
0x238: {  	v34 =	vmul.f32 v0, v18;
	v0 =	vld [tilespmem:$0x1F750];
	_ =	sdelay $0x3  }
0x239: {  	v14 =	vld [tilespmem:$0x4300]  }
0x23a: {  	v26 =	vadd.f32 v28, v26;
	v28 =	vmul.f32 v0, v18;
	v0 =	vld [tilespmem:$0x1F760]  }
0x23b: {  	v31 =	vld [tilespmem:$0x4030]  }
0x23c: {  	[tilespmem:$0x1F510] =	vst v11;
	v11 =	vld [tilespmem:$0x4330]  }
0x23d: {  	v61 =	vld [tilespmem:$0x3CF0]  }
0x23e: {  	v62 =	vld [tilespmem:$0x3D70]  }
0x23f: {  	v22 =	vadd.f32 v22, v24;
	v24 =	vadd.f32 v34, v32;
	v32 =	vmul.f32 v0, v18;
	v0 =	vld [tilespmem:$0x1F770]  }
0x240: {  	v63 =	vld [tilespmem:$0x3E70]  }
0x241: {  	[tilespmem:$0x1F560] =	vst v12;
	v12 =	vld [tilespmem:$0x4220]  }
0x242: {  	v39 =	vld [tilespmem:$0x4120]  }
0x243: {  	[tilespmem:$0x1F4A0] =	vst v54;
	v54 =	vld [tilespmem:$0x4100]  }
0x244: {  	v18 =	vmul.f32 v0, v18;
	v0 =	vld [tilespmem:$0x1F780]  }
0x245: {  	v55 =	vld [tilespmem:$0x4080]  }
0x246: {  	v56 =	vld [tilespmem:$0x3F70]  }
0x247: {  	v57 =	vld [tilespmem:$0x4000];
	v29 =	vadd.f32 v35, v29  }
0x248: {  	v59 =	vld [tilespmem:$0x3EF0]  }
0x249: {  	v28 =	vadd.f32 v28, v29;
	v29 =	vmul.f32 v0, v17;
	v0 =	vld [tilespmem:$0x1F790]  }
0x24a: {  	v50 =	vld [tilespmem:$0x4180]  }
0x24b: {  	v38 =	vld [tilespmem:$0x41A0]  }
0x24c: {  	[tilespmem:$0x1F530] =	vst v10;
	v10 =	vld [tilespmem:$0x40C0]  }
0x24d: {  	[tilespmem:$0x1F550] =	vst v8;
	v8 =	vld [tilespmem:$0x4140]  }
0x24e: {  	v27 =	vadd.f32 v32, v27;
	v32 =	vmul.f32 v0, v17;
	v0 =	vld [tilespmem:$0x1F7A0]  }
0x24f: {  	v48 =	vld [tilespmem:$0x4280]  }
0x250: {  	v49 =	vld [tilespmem:$0x4200]  }
0x251: {  	v37 =	vld [tilespmem:$0x42A0]  }
0x252: {  	[tilespmem:$0x1F520] =	vst v9;
	v9 =	vld [tilespmem:$0x4240]  }
0x253: {  	v23 =	vadd.f32 v33, v23;
	v33 =	vmul.f32 v0, v17;
	v0 =	vld [tilespmem:$0x1F7B0]  }
0x254: {  	v42 =	vld [tilespmem:$0x4290]  }
0x255: {  	v44 =	vld [tilespmem:$0x4190]  }
0x256: {  	v45 =	vld [tilespmem:$0x4090]  }
0x257: {  	v43 =	vld [tilespmem:$0x4210]  }
0x258: {  	v18 =	vadd.f32 v18, v21;
	v21 =	vadd.f32 v29, v26;
	v26 =	vmul.f32 v0, v17;
	v0 =	vld [tilespmem:$0x1F7C0]  }
0x259: {  	[tilespmem:$0x1F580] =	vst v7;
	v7 =	vld [tilespmem:$0x42C0]  }
0x25a: {  	[tilespmem:$0x1F5C0] =	vst v20;
	v20 =	vld [tilespmem:$0x41B0]  }
0x25b: {  	[tilespmem:$0x1F5A0] =	vst v15;
	v15 =	vld [tilespmem:$0x42B0]  }
0x25c: {  	v41 =	vld [tilespmem:$0x4020]  }
0x25d: {  	v29 =	vmul.f32 v0, v17;
	v0 =	vld [tilespmem:$0x1F7D0]  }
0x25e: {  	v46 =	vld [tilespmem:$0x4110]  }
0x25f: {  	[tilespmem:$0x1F590] =	vst v13;
	v40 =	vld [tilespmem:$0x40A0]  }
0x260: {  	[tilespmem:$0x1F8C0] =	vst v14;
	v13 =	vld [tilespmem:$0x4310]  }
0x261: {  	[tilespmem:$0x1F5E0] =	vst v30;
	v28 =	vadd.f32 v29, v28;
	v29 =	vld [tilespmem:$0x1F7F0]  }
0x262: {  	[tilespmem:$0x1F540] =	vst v6;
	v24 =	vadd.f32 v26, v24;
	v26 =	vmul.f32 v0, v17;
	v0 =	vld [tilespmem:$0x1F7E0]  }
0x263: {  	[tilespmem:$0x1F5B0] =	vst v19;
	v6 =	vld [tilespmem:$0x4340]  }
0x264: {  	[tilespmem:$0x1F570] =	vst v5;
	v47 =	vld [tilespmem:$0x4010]  }
0x265: {  	v14 =	vmul.f32 v14, v51;
	[tilespmem:$0x1FA10] =	vst v11;
	v11 =	vmul.f32 v11, v58;
	v26 =	vadd.f32 v26, v27;
	v27 =	vld [tilespmem:$0x1F820]  }
0x266: {  	[tilespmem:$0x1F830] =	vst v63;
	v63 =	vmul.f32 v63, v16;
	v5 =	vld [tilespmem:$0x4150];
	v29 =	vmul.f32 v29, v16  }
0x267: {  	v19 =	vld [tilespmem:$0x4230];
	[tilespmem:$0x1F930] =	vst v13;
	v13 =	vmul.f32 v13, v52;
	v23 =	vadd.f32 v32, v23;
	v17 =	vmul.f32 v0, v17  }
0x268: {  	[tilespmem:$0x1F5D0] =	vst v25;
	v30 =	vld [tilespmem:$0x4320];
	v32 =	vmul.f32 v61, v16;
	v22 =	vadd.f32 v33, v22;
	v21 =	vadd.f32 v29, v21  }
0x269: {  	[tilespmem:$0x1F9B0] =	vst v31;
	v25 =	vld [tilespmem:$0x40B0];
	v29 =	vmul.f32 v59, v16;
	v17 =	vadd.f32 v17, v18;
	v18 =	vmul.f32 v62, v16  }
0x26a: {  	[tilespmem:$0x1F840] =	vst v59;
	v36 =	vld [tilespmem:$0x4130];
	v23 =	vadd.f32 v32, v23;
	v59 =	vmul.f32 v54, v51;
	v27 =	vmul.f32 v27, v16  }
0x26b: {  	[tilespmem:$0x1F800] =	vst v61;
	v35 =	vld [tilespmem:$0x4040];
	v26 =	vadd.f32 v29, v26;
	v16 =	vmul.f32 v56, v16;
	v18 =	vadd.f32 v18, v22  }
0x26c: {  	[tilespmem:$0x1F810] =	vst v62;
	v34 =	vld [tilespmem:$0x41C0];
	v24 =	vadd.f32 v27, v24;
	v27 =	vmul.f32 v57, v51;
	v22 =	vadd.f32 v63, v28  }
0x26d: {  	[tilespmem:$0x1F860] =	vst v57;
	v61 =	vld [tilespmem:$0x41D0];
	v28 =	vmul.f32 v55, v51;
	v16 =	vadd.f32 v16, v17;
	v63 =	vmul.f32 v48, v51  }
0x26e: {  	[tilespmem:$0x1F910] =	vst v43;
	v32 =	vld [tilespmem:$0x4250];
	v57 =	vmul.f32 v43, v52;
	v43 =	vmul.f32 v38, v53;
	v17 =	vadd.f32 v27, v21  }
0x26f: {  	[tilespmem:$0x1F980] =	vst v12;
	v33 =	vld [tilespmem:$0x4050];
	v23 =	vadd.f32 v28, v23;
	v27 =	vmul.f32 v50, v51;
	v28 =	vmul.f32 v49, v51  }
0x270: {  	[tilespmem:$0x1F880] =	vst v54;
	v54 =	vld [tilespmem:$0x4160];
	v18 =	vadd.f32 v59, v18;
	v14 =	vadd.f32 v14, v16;
	v16 =	vmul.f32 v45, v52  }
0x271: {  	[tilespmem:$0x1F960] =	vst v39;
	v0 =	vld [tilespmem:$0x40D0];
	v21 =	vadd.f32 v63, v26;
	v51 =	vmul.f32 v46, v52;
	v59 =	vmul.f32 v41, v53  }
0x272: {  	[tilespmem:$0x1F870] =	vst v55;
	v29 =	vld [tilespmem:$0x4060];
	v63 =	vmul.f32 v39, v53;
	v24 =	vadd.f32 v27, v24;
	v27 =	vmul.f32 v47, v52  }
0x273: {  	[tilespmem:$0x1F850] =	vst v56;
	v62 =	vld [tilespmem:$0x42D0];
	v16 =	vadd.f32 v16, v23;
	v13 =	vadd.f32 v13, v14;
	v14 =	vmul.f32 v40, v53  }
0x274: {  	[tilespmem:$0x1F890] =	vst v50;
	v56 =	vld [tilespmem:$0x4350];
	v22 =	vadd.f32 v28, v22;
	v17 =	vadd.f32 v27, v17;
	v27 =	vmul.f32 v44, v52  }
0x275: {  	[tilespmem:$0x1F8F0] =	vst v46;
	v55 =	vld [tilespmem:$0x40E0];
	v46 =	vmul.f32 v31, v58;
	v18 =	vadd.f32 v51, v18;
	v14 =	vadd.f32 v14, v16  }
0x276: {  	[tilespmem:$0x1F8B0] =	vst v48;
	v48 =	vld [tilespmem:$0x41E0];
	v24 =	vadd.f32 v27, v24;
	v27 =	vmul.f32 v12, v53;
	v12 =	vmul.f32 v30, v53  }
0x277: {  	[tilespmem:$0x1F970] =	vst v38;
	v38 =	vld [tilespmem:$0x42F0];
	v51 =	vmul.f32 v20, v58;
	v16 =	vadd.f32 v63, v18;
	v17 =	vadd.f32 v59, v17  }
0x278: {  	[tilespmem:$0x1F8A0] =	vst v49;
	v49 =	vld [tilespmem:$0x4260];
	v23 =	vadd.f32 v43, v24;
	v12 =	vadd.f32 v12, v13;
	v13 =	vmul.f32 v36, v58  }
0x279: {  	[tilespmem:$0x1F8E0] =	vst v45;
	v45 =	vld [tilespmem:$0x4360];
	v22 =	vadd.f32 v57, v22;
	v57 =	vmul.f32 v35, v60;
	v17 =	vadd.f32 v46, v17  }
0x27a: {  	[tilespmem:$0x1F940] =	vst v41;
	v41 =	vld [tilespmem:$0x41F0];
	v13 =	vadd.f32 v13, v16;
	v16 =	vadd.f32 v51, v23  }
0x27b: {  	[tilespmem:$0x1F990] =	vst v37;
	v39 =	vld [tilespmem:$0x4270];
	v11 =	vadd.f32 v11, v12;
	v12 =	vadd.f32 v57, v17;
	v17 =	vmul.f32 v34, v60  }
0x27c: {  	[tilespmem:$0x1F9C0] =	vst v25;
	v50 =	vmul.f32 v25, v58;
	v25 =	vld [tilespmem:$0x4480]  }
0x27d: {  	[tilespmem:$0x1FA70] =	vst v7;
	v28 =	vmul.f32 v42, v52;
	v16 =	vadd.f32 v17, v16;
	v17 =	vmul.f32 v7, v60;
	v7 =	vld [tilespmem:$0x1FAA0]  }
0x27e: {  	[tilespmem:$0x1FA60] =	vst v9;
	v26 =	vld [tilespmem:$0x4680]  }
0x27f: {  	[tilespmem:$0x1F920] =	vst v42;
	v31 =	vld [tilespmem:$0x4490];
	v21 =	vadd.f32 v28, v21;
	v18 =	vmul.f32 v37, v53  }
0x280: {  	[tilespmem:$0x1F8D0] =	vst v47;
	v47 =	vld [tilespmem:$0x42E0];
	v52 =	vmul.f32 v19, v58;
	v37 =	vmul.f32 v9, v60  }
0x281: {  	[tilespmem:$0x1F900] =	vst v44;
	v42 =	vld [tilespmem:$0x40F0];
	v9 =	vmul.f32 v6, v60;
	v18 =	vadd.f32 v18, v21;
	v53 =	vmul.f32 v15, v58  }
0x282: {  	[tilespmem:$0x1FAB0] =	vst v0;
	v14 =	vadd.f32 v50, v14;
	v22 =	vadd.f32 v27, v22;
	v43 =	vmul.f32 v0, v7;
	v0 =	vld [tilespmem:$0x1FB20]  }
0x283: {  	[tilespmem:$0x1F9E0] =	vst v20;
	v20 =	vld [tilespmem:$0x4500];
	v59 =	vmul.f32 v8, v60;
	v18 =	vadd.f32 v53, v18;
	v58 =	vmul.f32 v10, v60  }
0x284: {  	[tilespmem:$0x1F950] =	vst v40;
	v44 =	vld [tilespmem:$0x4070];
	v21 =	vadd.f32 v52, v22;
	v9 =	vadd.f32 v9, v11;
	v40 =	vmul.f32 v33, v7  }
0x285: {  	[tilespmem:$0x1FA40] =	vst v8;
	v28 =	vld [tilespmem:$0x4170];
	v17 =	vadd.f32 v17, v18;
	v11 =	vmul.f32 v5, v7;
	v18 =	vmul.f32 v61, v7  }
0x286: {  	[tilespmem:$0x1F9F0] =	vst v19;
	v19 =	vld [tilespmem:$0x4580];
	v13 =	vadd.f32 v59, v13;
	v46 =	vmul.f32 v62, v7;
	v8 =	vmul.f32 v56, v7  }
0x287: {  	[tilespmem:$0x1FA00] =	vst v15;
	v63 =	vld [tilespmem:$0x4410];
	v12 =	vadd.f32 v40, v12;
	v16 =	vadd.f32 v18, v16;
	v18 =	vmul.f32 v29, v0  }
0x288: {  	[tilespmem:$0x1FA80] =	vst v6;
	v6 =	vld [tilespmem:$0x4510];
	v11 =	vadd.f32 v11, v13;
	v13 =	vmul.f32 v32, v7;
	v8 =	vadd.f32 v8, v9  }
0x289: {  	[tilespmem:$0x1F9A0] =	vst v30;
	v30 =	vld [tilespmem:$0x4370];
	v52 =	vmul.f32 v55, v0;
	v9 =	vadd.f32 v18, v12;
	v12 =	vmul.f32 v54, v0  }
0x28a: {  	[tilespmem:$0x1FB30] =	vst v55;
	v15 =	vld [tilespmem:$0x4600];
	v14 =	vadd.f32 v58, v14;
	v55 =	vmul.f32 v49, v0;
	v7 =	vmul.f32 v45, v0  }
0x28b: {  	v18 =	vmul.f32 v48, v0;
	v11 =	vadd.f32 v12, v11;
	v12 =	vmul.f32 v47, v0;
	v0 =	vld [tilespmem:$0x1FBA0]  }
0x28c: {  	v50 =	vld [tilespmem:$0x4710]  }
0x28d: {  	[tilespmem:$0x1FA30] =	vst v10;
	v27 =	vld [tilespmem:$0x4400];
	v14 =	vadd.f32 v43, v14  }
0x28e: {  	[tilespmem:$0x1FAC0] =	vst v5;
	v10 =	vld [tilespmem:$0x4700];
	v21 =	vadd.f32 v37, v21  }
0x28f: {  	[tilespmem:$0x1F9D0] =	vst v36;
	v53 =	vld [tilespmem:$0x44A0];
	v17 =	vadd.f32 v46, v17;
	v14 =	vadd.f32 v52, v14  }
0x290: {  	[tilespmem:$0x1FA20] =	vst v35;
	v23 =	vld [tilespmem:$0x4610];
	v7 =	vadd.f32 v7, v8;
	v16 =	vadd.f32 v18, v16;
	v18 =	vmul.f32 v44, v0  }
0x291: {  	[tilespmem:$0x1FA50] =	vst v34;
	v34 =	vld [tilespmem:$0x4690];
	v12 =	vadd.f32 v12, v17;
	v8 =	vmul.f32 v42, v0;
	v17 =	vmul.f32 v28, v0  }
0x292: {  	[tilespmem:$0x1FAD0] =	vst v61;
	v51 =	vld [tilespmem:$0x4420];
	v60 =	vmul.f32 v38, v0;
	v5 =	vmul.f32 v30, v0;
	v9 =	vadd.f32 v18, v9  }
0x293: {  	[tilespmem:$0x1FAE0] =	vst v32;
	v18 =	vmul.f32 v41, v0;
	v8 =	vadd.f32 v8, v14;
	v14 =	vmul.f32 v39, v0;
	v0 =	vld [tilespmem:$0x1FC20]  }
0x294: {  	[tilespmem:$0x1FA90] =	vst v33;
	v57 =	vld [tilespmem:$0x4620];
	v13 =	vadd.f32 v13, v21  }
0x295: {  	[tilespmem:$0x1FB40] =	vst v54;
	v58 =	vld [tilespmem:$0x46A0]  }
0x296: {  	[tilespmem:$0x1FB10] =	vst v29;
	v59 =	vld [tilespmem:$0x4720];
	v13 =	vadd.f32 v55, v13  }
0x297: {  	[tilespmem:$0x1FAF0] =	vst v62;
	v33 =	vld [tilespmem:$0x4590];
	v11 =	vadd.f32 v17, v11;
	v5 =	vadd.f32 v5, v7  }
0x298: {  	[tilespmem:$0x1FB00] =	vst v56;
	v56 =	vld [tilespmem:$0x45A0];
	v13 =	vadd.f32 v14, v13;
	v14 =	vmul.f32 v27, v0;
	v7 =	vmul.f32 v25, v0  }
0x299: {  	[tilespmem:$0x1FB50] =	vst v48;
	v61 =	vld [tilespmem:$0x44B0];
	v16 =	vadd.f32 v18, v16;
	v17 =	vmul.f32 v20, v0;
	v18 =	vmul.f32 v15, v0  }
0x29a: {  	[tilespmem:$0x1FBF0] =	vst v38;
	v62 =	vld [tilespmem:$0x4530];
	v9 =	vadd.f32 v14, v9;
	v14 =	vmul.f32 v19, v0;
	v7 =	vadd.f32 v7, v8  }
0x29b: {  	[tilespmem:$0x1FC80] =	vst v10;
	v8 =	vadd.f32 v17, v11;
	v11 =	vmul.f32 v26, v0;
	v0 =	vmul.f32 v10, v0;
	v10 =	vld [tilespmem:$0x1FCA0]  }
0x29c: {  	[tilespmem:$0x1FB60] =	vst v49;
	v46 =	vld [tilespmem:$0x4450]  }
0x29d: {  	[tilespmem:$0x1FB80] =	vst v45;
	v45 =	vld [tilespmem:$0x46C0]  }
0x29e: {  	[tilespmem:$0x1FBD0] =	vst v41;
	v54 =	vld [tilespmem:$0x4520];
	v12 =	vadd.f32 v60, v12  }
0x29f: {  	[tilespmem:$0x1FBE0] =	vst v39;
	v48 =	vld [tilespmem:$0x4550];
	v14 =	vadd.f32 v14, v16  }
0x2a0: {  	[tilespmem:$0x1FC30] =	vst v25;
	v52 =	vld [tilespmem:$0x46E0];
	v11 =	vadd.f32 v11, v12;
	v12 =	vmul.f32 v63, v10;
	v16 =	vmul.f32 v31, v10  }
0x2a1: {  	[tilespmem:$0x1FB70] =	vst v47;
	v55 =	vld [tilespmem:$0x4470];
	v0 =	vadd.f32 v0, v5;
	v5 =	vmul.f32 v6, v10;
	v17 =	vmul.f32 v33, v10  }
0x2a2: {  	[tilespmem:$0x1FCC0] =	vst v6;
	v47 =	vld [tilespmem:$0x44D0];
	v6 =	vmul.f32 v50, v10;
	v9 =	vadd.f32 v12, v9;
	v12 =	vmul.f32 v23, v10  }
0x2a3: {  	[tilespmem:$0x1FC70] =	vst v26;
	v5 =	vadd.f32 v5, v8;
	v8 =	vadd.f32 v17, v14;
	v14 =	vmul.f32 v34, v10;
	v10 =	vld [tilespmem:$0x1FD20]  }
0x2a4: {  	[tilespmem:$0x1FBC0] =	vst v28;
	v28 =	vld [tilespmem:$0x4430]  }
0x2a5: {  	[tilespmem:$0x1FB90] =	vst v44;
	v44 =	vld [tilespmem:$0x4640]  }
0x2a6: {  	[tilespmem:$0x1FCB0] =	vst v31;
	v39 =	vld [tilespmem:$0x4540];
	v13 =	vadd.f32 v18, v13  }
0x2a7: {  	[tilespmem:$0x1FBB0] =	vst v42;
	v41 =	vld [tilespmem:$0x45C0]  }
0x2a8: {  	[tilespmem:$0x1FC10] =	vst v27;
	v27 =	vld [tilespmem:$0x45B0];
	v12 =	vadd.f32 v12, v13;
	v13 =	vmul.f32 v51, v10  }
0x2a9: {  	[tilespmem:$0x1FC40] =	vst v20;
	v0 =	vadd.f32 v6, v0;
	v17 =	vld [tilespmem:$0x1FDA0];
	v11 =	vadd.f32 v14, v11  }
0x2aa: {  	[tilespmem:$0x1FC50] =	vst v19;
	v20 =	vld [tilespmem:$0x4630];
	v14 =	vmul.f32 v53, v10;
	v6 =	vadd.f32 v13, v9;
	v9 =	vmul.f32 v56, v10  }
0x2ab: {  	[tilespmem:$0x1FC60] =	vst v15;
	v15 =	vld [tilespmem:$0x46B0];
	v7 =	vadd.f32 v16, v7;
	v16 =	vmul.f32 v54, v10;
	v13 =	vmul.f32 v57, v10  }
0x2ac: {  	[tilespmem:$0x1FC90] =	vst v63;
	v18 =	vld [tilespmem:$0x4730];
	v8 =	vadd.f32 v9, v8;
	v9 =	vmul.f32 v58, v10;
	v10 =	vmul.f32 v59, v10  }
0x2ad: {  	[tilespmem:$0x1FC00] =	vst v30;
	v19 =	vld [tilespmem:$0x4440]  }
0x2ae: {  	[tilespmem:$0x1FD00] =	vst v50;
	v63 =	vld [tilespmem:$0x44C0];
	v5 =	vadd.f32 v16, v5;
	v0 =	vadd.f32 v10, v0;
	v10 =	vmul.f32 v62, v17  }
0x2af: {  	[tilespmem:$0x1FD30] =	vst v53;
	v31 =	vld [tilespmem:$0x4740]  }
0x2b0: {  	[tilespmem:$0x1FDE0] =	vst v20;
	v5 =	vadd.f32 v10, v5;
	v10 =	vmul.f32 v20, v17;
	v20 =	vld [tilespmem:$0x1FE20]  }
0x2b1: {  	[tilespmem:$0x1FD10] =	vst v51;
	v51 =	vld [tilespmem:$0x1FEA0];
	v9 =	vadd.f32 v9, v11;
	v11 =	vmul.f32 v27, v17  }
0x2b2: {  	[tilespmem:$0x1FCE0] =	vst v23;
	v53 =	vld [tilespmem:$0x4760];
	v7 =	vadd.f32 v14, v7;
	v14 =	vmul.f32 v61, v17  }
0x2b3: {  	[tilespmem:$0x1FDF0] =	vst v15;
	v16 =	vmul.f32 v15, v17;
	v15 =	vld [tilespmem:$0x4750];
	v8 =	vadd.f32 v11, v8;
	v11 =	vmul.f32 v18, v17  }
0x2b4: {  	[tilespmem:$0x1FD50] =	vst v56;
	v56 =	vld [tilespmem:$0x1FF20];
	v12 =	vadd.f32 v13, v12;
	v13 =	vmul.f32 v28, v17  }
0x2b5: {  	[tilespmem:$0x1FD90] =	vst v28;
	v28 =	vld [tilespmem:$0x45D0];
	v7 =	vadd.f32 v14, v7;
	v0 =	vadd.f32 v11, v0;
	v11 =	vmul.f32 v39, v20  }
0x2b6: {  	[tilespmem:$0x1FCF0] =	vst v34;
	v6 =	vadd.f32 v13, v6;
	v13 =	vld [tilespmem:$0x4650];
	v10 =	vadd.f32 v10, v12;
	v12 =	vmul.f32 v63, v20  }
0x2b7: {  	[tilespmem:$0x1FD60] =	vst v57;
	v14 =	vld [tilespmem:$0x46D0];
	v9 =	vadd.f32 v16, v9;
	v5 =	vadd.f32 v11, v5;
	v11 =	vmul.f32 v45, v20  }
0x2b8: {  	[tilespmem:$0x1FD40] =	vst v54;
	v16 =	vld [tilespmem:$0x4460];
	v17 =	vmul.f32 v19, v20;
	v7 =	vadd.f32 v12, v7;
	v12 =	vmul.f32 v41, v20  }
0x2b9: {  	[tilespmem:$0x1FE00] =	vst v18;
	v18 =	vld [tilespmem:$0x4560];
	v49 =	vmul.f32 v44, v20;
	v9 =	vadd.f32 v11, v9;
	v11 =	vmul.f32 v47, v51  }
0x2ba: {  	[tilespmem:$0x1FE10] =	vst v19;
	v19 =	vld [tilespmem:$0x45E0];
	v6 =	vadd.f32 v17, v6;
	v8 =	vadd.f32 v12, v8;
	v12 =	vmul.f32 v46, v51  }
0x2bb: {  	[tilespmem:$0x1FDD0] =	vst v27;
	v17 =	vld [tilespmem:$0x44E0];
	v10 =	vadd.f32 v49, v10;
	v7 =	vadd.f32 v11, v7;
	v11 =	vmul.f32 v13, v51  }
0x2bc: {  	[tilespmem:$0x1FF00] =	vst v15;
	v50 =	vmul.f32 v31, v20;
	v20 =	vld [tilespmem:$0x4660];
	v6 =	vadd.f32 v12, v6;
	v12 =	vmul.f32 v48, v51  }
0x2bd: {  	[tilespmem:$0x1FEF0] =	vst v14;
	v27 =	vmul.f32 v14, v51;
	v14 =	vld [tilespmem:$0x44F0];
	v10 =	vadd.f32 v11, v10;
	v11 =	vmul.f32 v16, v56  }
0x2be: {  	[tilespmem:$0x1FEE0] =	vst v13;
	v0 =	vadd.f32 v50, v0;
	v5 =	vadd.f32 v12, v5;
	v12 =	vmul.f32 v15, v51;
	v15 =	vld [tilespmem:$0x4570]  }
0x2bf: {  	v54 =	vmul.f32 v28, v51;
	[tilespmem:$0x1FF50] =	vst v19;
	v6 =	vadd.f32 v11, v6;
	v11 =	vmul.f32 v19, v56;
	v19 =	vld [tilespmem:$0x1FF90]  }
0x2c0: {  	[tilespmem:$0x1FF10] =	vst v16;
	v13 =	vmul.f32 v18, v56;
	v16 =	vld [tilespmem:$0x45F0];
	v0 =	vadd.f32 v12, v0;
	v12 =	vmul.f32 v17, v56  }
0x2c1: {  	v8 =	vadd.f32 v54, v8;
	v9 =	vadd.f32 v27, v9;
	[tilespmem:$0x1FF30] =	vst v17;
	v57 =	vmul.f32 v20, v56;
	v17 =	vld [tilespmem:$0x4670]  }
0x2c2: {  	[tilespmem:$0x1FD70] =	vst v58;
	v5 =	vadd.f32 v13, v5;
	v13 =	vld [tilespmem:$0x46F0];
	v7 =	vadd.f32 v12, v7;
	v12 =	vmul.f32 v52, v56  }
0x2c3: {  	[tilespmem:$0x1FF40] =	vst v18;
	v18 =	vld [tilespmem:$0x4770];
	v8 =	vadd.f32 v11, v8;
	v11 =	vmul.f32 v53, v56  }
0x2c4: {  	[tilespmem:$0x1FD80] =	vst v59;
	v10 =	vadd.f32 v57, v10;
	v9 =	vadd.f32 v12, v9;
	v12 =	vmul.f32 v55, v19  }
0x2c5: {  	[tilespmem:$0x1FCD0] =	vst v33;
	v0 =	vadd.f32 v11, v0;
	v58 =	vmul.f32 v14, v19;
	v11 =	vmul.f32 v15, v19  }
0x2c6: {  	[tilespmem:$0x1FDB0] =	vst v61;
	v59 =	vmul.f32 v16, v19;
	v6 =	vadd.f32 v12, v6;
	v12 =	vmul.f32 v17, v19  }
0x2c7: {  	[tilespmem:$0x1FDC0] =	vst v62;
	v7 =	vadd.f32 v58, v7;
	v5 =	vadd.f32 v11, v5;
	v11 =	vmul.f32 v13, v19  }
0x2c8: {  	[tilespmem:$0x1FE90] =	vst v46;
	v8 =	vadd.f32 v59, v8;
	v10 =	vadd.f32 v12, v10;
	v12 =	vmul.f32 v18, v19  }
0x2c9: {  	[tilespmem:$0x1FE70] =	vst v45;
	v19 =	vperm.xlane v6, v1;
	v9 =	vadd.f32 v11, v9;
	v11 =	vperm.xlane v7, v1  }
0x2ca: {  	[tilespmem:$0x1FEC0] =	vst v48;
	v60 =	vperm.xlane v5, v1;
	v0 =	vadd.f32 v12, v0;
	v12 =	vperm.xlane v8, v1  }
0x2cb: {  	[tilespmem:$0x1FF70] =	vst v52;
	v6 =	vadd.f32 v19, v6;
	v7 =	vadd.f32 v11, v7;
	v11 =	vperm.xlane v10, v1  }
0x2cc: {  	[tilespmem:$0x1FEB0] =	vst v47;
	v5 =	vadd.f32 v60, v5;
	v12 =	vadd.f32 v12, v8;
	v19 =	vperm.xlane v0, v1  }
0x2cd: {  	[tilespmem:$0x1FE60] =	vst v44;
	v8 =	vperm.xlane v9, v1;
	v11 =	vadd.f32 v11, v10;
	v10 =	vperm.xlane v6, v2  }
0x2ce: {  	[tilespmem:$0x1FE40] =	vst v39;
	v19 =	vadd.f32 v19, v0;
	v0 =	vperm.xlane v5, v2  }
0x2cf: {  	[tilespmem:$0x1FE30] =	vst v63;
	v62 =	vadd.f32 v8, v9;
	v63 =	vadd.f32 v10, v6  }
0x2d0: {  	[tilespmem:$0x1FE50] =	vst v41;
	v6 =	vperm.xlane v12, v2;
	v9 =	vadd.f32 v0, v5;
	v0 =	vperm.xlane v11, v2  }
0x2d1: {  	[tilespmem:$0x1FE80] =	vst v31;
	v5 =	vperm.xlane v62, v2  }
0x2d2: {  	[tilespmem:$0x1FF80] =	vst v53;
	v61 =	vperm.xlane v7, v2;
	v10 =	vadd.f32 v6, v12;
	v6 =	vadd.f32 v0, v11  }
0x2d3: {  	[tilespmem:$0x1FED0] =	vst v28;
	v0 =	vadd.f32 v5, v62;
	v5 =	vmov s11;
	v11 =	vlaneseq.u32  }
0x2d4: {  	v35 =	vimm.f32 $0.0e+00;
	v36 =	vimm.f32 $0.0e+00;
	[tilespmem:$0x1FFA0] =	vst v14;
	vm0 =	veq.s32 v5, v11;
	v11 =	vld [tilespmem:$0x1FFF0]  }
0x2d5: {  	v37 =	vimm.f32 $0.0e+00;
	v32 =	vimm.f32 $0.0e+00;
	[tilespmem:$0x1FF60] =	vst v20;
	v8 =	vadd.f32 v61, v7  }
0x2d6: {  	v33 =	vimm.f32 $0.0e+00;
	[tilespmem:$0x1FFB0] =	vst v15;
	v7 =	vperm.xlane v19, v2;
	v12 =	vperm.xlane v63, v3  }
0x2d7: {  	v30 =	vmovc v55;
	v34 =	vimm.f32 $0.0e+00;
	v31 =	vimm.f32 $0.0e+00;
	v29 =	vmovc v18;
	[tilespmem:$0x1FFC0] =	vst v16;
	v38 =	vperm.xlane v8, v3  }
0x2d8: {  	[tilespmem:$0x1FFD0] =	vst v17;
	v39 =	vperm.xlane v10, v3;
	v5 =	vadd.f32 v7, v19;
	v7 =	vadd.f32 v12, v63  }
0x2d9: {  	s14 =	simm.s32 $0x0;
	s13 =	simm.s32 $0x2;
	s12 =	simm.s32 $0x1;
	[tilespmem:$0x1FFE0] =	vst v13;
	v12 =	vperm.xlane v9, v3;
	v19 =	vsel vm0, v11, v37;
	v11 =	vperm.xlane v6, v3  }
.LBB2_3:
0x2da: {  	s14 =	smul.u32 $0x6000, s14  }
0x2db: {  	s11 =	sadd.s32 $0x80, s11;
	v41 =	vperm.xlane v7, v4;
	v10 =	vadd.f32 v39, v10  }
0x2dc: {  	v8 =	vadd.f32 v38, v8;
	v40 =	vperm.xlane v5, v3;
	v9 =	vadd.f32 v12, v9;
	s15 =	sand.u32 $0x380, s11;
	s14 =	sshra.s32 s14, $0x2  }
0x2dd: {  	v13 =	vld [tilespmem:$0x1E830];
	v6 =	vadd.f32 v11, v6;
	s14 =	sor.u32 s15, s14;
	v56 =	vperm.xlane v10, v4;
	v7 =	vadd.f32 v41, v7  }
0x2de: {  	v12 =	vperm.xlane v8, v4;
	v11 =	vperm.xlane v9, v4;
	v5 =	vadd.f32 v40, v5;
	v57 =	vld [tilespmem:s14+$0x0]  }
0x2df: {  	v37 =	vsel vm0, v7, v37;
	v7 =	vadd.f32 v56, v10  }
0x2e0: {  	v8 =	vadd.f32 v12, v8;
	v9 =	vadd.f32 v11, v9;
	v11 =	vperm.xlane v5, v4;
	v12 =	vld [tilespmem:s14+$0x10]  }
0x2e1: {  	v33 =	vsel vm0, v7, v33;
	v7 =	vld [tilespmem:$0x1E760]  }
0x2e2: {  	v5 =	vadd.f32 v11, v5;
	v11 =	vld [tilespmem:$0x1E770]  }
0x2e3: {  	v60 =	vmul.f32 v13, v57;
	v13 =	vld [tilespmem:$0x1E840];
	_ =	sdelay $0x2  }
0x2e4: {  	v7 =	vmul.f32 v7, v57;
	_ =	sdelay $0x1  }
0x2e5: {  	v11 =	vmul.f32 v11, v12;
	v7 =	vadd.f32 $0.0e+00, v7;
	v61 =	vmul.f32 v13, v57;
	v13 =	vld [tilespmem:$0x1E890]  }
0x2e6: {  	v36 =	vsel vm0, v8, v36;
	v8 =	vld [tilespmem:s14+$0x20]  }
0x2e7: {  	v7 =	vadd.f32 v11, v7;
	v11 =	vld [tilespmem:$0x1E780]  }
0x2e8: {  	v55 =	vperm.xlane v0, v3;
	_ =	sdelay $0x1  }
0x2e9: {  	v0 =	vadd.f32 v55, v0;
	v39 =	vmul.f32 v13, v57;
	v13 =	vld [tilespmem:$0x1E7F0];
	_ =	sdelay $0x1  }
0x2ea: {  	v59 =	vperm.xlane v0, v4;
	v11 =	vmul.f32 v11, v8  }
0x2eb: {  	v10 =	vld [tilespmem:s14+$0x30]  }
0x2ec: {  	v0 =	vadd.f32 v59, v0;
	v7 =	vadd.f32 v11, v7;
	v11 =	vld [tilespmem:$0x1E7A0]  }
0x2ed: {  	v46 =	vmul.f32 v13, v12;
	v13 =	vld [tilespmem:$0x1E800]  }
0x2ee: {  	v32 =	vsel vm0, v0, v32;
	v0 =	vld [tilespmem:$0x1E7B0];
	_ =	sdelay $0x3  }
0x2ef: {  	v11 =	vmul.f32 v11, v10;
	v47 =	vmul.f32 v13, v12;
	v13 =	vld [tilespmem:$0x1E850]  }
0x2f0: {  	v45 =	vld [tilespmem:s14+$0x40];
	v0 =	vmul.f32 v0, v57  }
0x2f1: {  	v7 =	vadd.f32 v11, v7;
	v11 =	vld [tilespmem:$0x1E7E0]  }
0x2f2: {  	v62 =	vadd.f32 $0.0e+00, v0;
	v0 =	vld [tilespmem:$0x1E7C0];
	_ =	sdelay $0x1  }
0x2f3: {  	v48 =	vmul.f32 v13, v12;
	v13 =	vld [tilespmem:$0x1E860];
	_ =	sdelay $0x1  }
0x2f4: {  	v11 =	vmul.f32 v11, v45  }
0x2f5: {  	v42 =	vmul.f32 v0, v12;
	v0 =	vld [tilespmem:s14+$0x50]  }
0x2f6: {  	v7 =	vadd.f32 v11, v7;
	v11 =	vld [tilespmem:$0x1E820]  }
0x2f7: {  	v49 =	vmul.f32 v13, v12;
	v13 =	vld [tilespmem:$0x1E870];
	_ =	sdelay $0x3  }
0x2f8: {  	v44 =	vld [tilespmem:s14+$0x60];
	v11 =	vmul.f32 v11, v0  }
0x2f9: {  	v50 =	vmul.f32 v13, v12;
	v13 =	vld [tilespmem:$0x1E8B0]  }
0x2fa: {  	v58 =	vperm.xlane v6, v4;
	v7 =	vadd.f32 v11, v7;
	v11 =	vld [tilespmem:$0x1E880];
	_ =	sdelay $0x1  }
0x2fb: {  	v6 =	vadd.f32 v58, v6;
	_ =	sdelay $0x1  }
0x2fc: {  	v34 =	vsel vm0, v6, v34;
	v6 =	vld [tilespmem:$0x1E790]  }
0x2fd: {  	v12 =	vmul.f32 v13, v12;
	v11 =	vmul.f32 v11, v44;
	v13 =	vld [tilespmem:$0x1E8C0]  }
0x2fe: {  	v43 =	vld [tilespmem:s14+$0x70]  }
0x2ff: {  	v7 =	vadd.f32 v11, v7;
	v11 =	vld [tilespmem:$0x1E8A0];
	_ =	sdelay $0x1  }
0x300: {  	v6 =	vmul.f32 v6, v57  }
0x301: {  	v21 =	vmul.f32 v13, v8;
	v13 =	vld [tilespmem:$0x1E8F0]  }
0x302: {  	v6 =	vadd.f32 $0.0e+00, v6  }
0x303: {  	v11 =	vmul.f32 v11, v43  }
0x304: {  	v6 =	vadd.f32 v42, v6;
	v42 =	vld [tilespmem:s14+$0x400]  }
0x305: {  	v7 =	vadd.f32 v11, v7;
	v11 =	vld [tilespmem:$0x1E8E0]  }
0x306: {  	v24 =	vmul.f32 v13, v8;
	v13 =	vld [tilespmem:$0x1E910];
	_ =	sdelay $0x3  }
0x307: {  	v41 =	vld [tilespmem:s14+$0x410];
	v11 =	vmul.f32 v11, v42  }
0x308: {  	v51 =	vmul.f32 v13, v8;
	v13 =	vld [tilespmem:$0x1E920]  }
0x309: {  	v7 =	vadd.f32 v11, v7;
	v11 =	vld [tilespmem:$0x1E900];
	_ =	sdelay $0x3  }
0x30a: {  	v40 =	vadd.f32 $0.0e+00, v61  }
0x30b: {  	v52 =	vmul.f32 v13, v8;
	v13 =	vld [tilespmem:$0x1E930];
	v11 =	vmul.f32 v11, v41  }
0x30c: {  	v22 =	vadd.f32 v50, v40;
	v40 =	vld [tilespmem:s14+$0x420]  }
0x30d: {  	v39 =	vadd.f32 $0.0e+00, v39;
	v7 =	vadd.f32 v11, v7;
	v11 =	vld [tilespmem:$0x1E940];
	_ =	sdelay $0x1  }
0x30e: {  	v23 =	vadd.f32 v12, v39;
	v12 =	vld [tilespmem:$0x1E8D0]  }
0x30f: {  	v53 =	vmul.f32 v13, v8;
	v13 =	vld [tilespmem:$0x1E950];
	_ =	sdelay $0x1  }
0x310: {  	v35 =	vsel vm0, v9, v35;
	v9 =	vld [tilespmem:$0x1E7D0];
	v11 =	vmul.f32 v11, v40  }
0x311: {  	v39 =	vld [tilespmem:s14+$0x430]  }
0x312: {  	v46 =	vadd.f32 v46, v62;
	v12 =	vmul.f32 v12, v8;
	v7 =	vadd.f32 v11, v7;
	v11 =	vld [tilespmem:$0x1E960]  }
0x313: {  	v8 =	vmul.f32 v13, v8;
	v13 =	vld [tilespmem:$0x1E9D0]  }
0x314: {  	v38 =	vadd.f32 $0.0e+00, v60;
	v46 =	vadd.f32 v12, v46;
	v12 =	vld [tilespmem:$0x1E970]  }
0x315: {  	v31 =	vsel vm0, v5, v31;
	v5 =	vld [tilespmem:$0x1E810]  }
0x316: {  	v63 =	vadd.f32 v49, v38;
	v38 =	vld [tilespmem:s14+$0x440]  }
0x317: {  	v9 =	vmul.f32 v9, v57;
	v56 =	vmul.f32 v11, v39;
	v11 =	vld [tilespmem:$0x1E990]  }
0x318: {  	v59 =	vmul.f32 v13, v10;
	v13 =	vld [tilespmem:$0x1E9A0]  }
0x319: {  	v9 =	vadd.f32 $0.0e+00, v9;
	v25 =	vmul.f32 v12, v10;
	v12 =	vld [tilespmem:$0x1E980];
	_ =	sdelay $0x1  }
0x31a: {  	v9 =	vadd.f32 v47, v9  }
0x31b: {  	v5 =	vmul.f32 v5, v57  }
0x31c: {  	v9 =	vadd.f32 v24, v9;
	v57 =	vmul.f32 v11, v10;
	v60 =	vmul.f32 v13, v38;
	v13 =	vld [tilespmem:$0x1E9E0]  }
0x31d: {  	v26 =	vmul.f32 v12, v10;
	v12 =	vld [tilespmem:s14+$0x450]  }
0x31e: {  	v50 =	vadd.f32 v57, v9;
	v9 =	vld [tilespmem:$0x1E9C0];
	_ =	sdelay $0x1  }
0x31f: {  	v11 =	vld [tilespmem:$0x1E9B0]  }
0x320: {  	v61 =	vmul.f32 v13, v10;
	v13 =	vld [tilespmem:$0x1E9F0];
	_ =	sdelay $0x1  }
0x321: {  	v5 =	vadd.f32 $0.0e+00, v5;
	v62 =	vmul.f32 v9, v12;
	v9 =	vld [tilespmem:$0x1EA10];
	_ =	sdelay $0x1  }
0x322: {  	v5 =	vadd.f32 v48, v5;
	v6 =	vadd.f32 v21, v6  }
0x323: {  	v8 =	vadd.f32 v8, v23;
	v58 =	vmul.f32 v11, v10;
	v11 =	vld [tilespmem:s14+$0x460];
	v54 =	vmul.f32 v13, v10  }
0x324: {  	v6 =	vadd.f32 v25, v6;
	v47 =	vadd.f32 v52, v63;
	v13 =	vld [tilespmem:$0x1EA00]  }
0x325: {  	v48 =	vadd.f32 v53, v22;
	v63 =	vmul.f32 v9, v45;
	v22 =	vadd.f32 v54, v8;
	v8 =	vld [tilespmem:$0x1EA30];
	_ =	sdelay $0x1  }
0x326: {  	v52 =	vadd.f32 v63, v6;
	v6 =	vld [tilespmem:$0x1EA70];
	_ =	sdelay $0x1  }
0x327: {  	v21 =	vmul.f32 v13, v11;
	v13 =	vld [tilespmem:$0x1EA50]  }
0x328: {  	v23 =	vmul.f32 v8, v45;
	v8 =	vld [tilespmem:$0x1EA40];
	_ =	sdelay $0x1  }
0x329: {  	v57 =	vmul.f32 v6, v45;
	v6 =	vld [tilespmem:$0x1EA90]  }
0x32a: {  	v7 =	vadd.f32 v56, v7  }
0x32b: {  	v55 =	vmul.f32 v13, v45;
	v13 =	vld [tilespmem:$0x1EA80]  }
0x32c: {  	v5 =	vadd.f32 v51, v5;
	v7 =	vadd.f32 v60, v7;
	v24 =	vmul.f32 v8, v45;
	v8 =	vld [tilespmem:s14+$0x810];
	_ =	sdelay $0x1  }
0x32d: {  	v5 =	vadd.f32 v58, v5;
	v7 =	vadd.f32 v62, v7;
	v58 =	vmul.f32 v6, v45;
	v6 =	vld [tilespmem:$0x1EAA0]  }
0x32e: {  	v10 =	vld [tilespmem:s14+$0x470]  }
0x32f: {  	v49 =	vadd.f32 v21, v7;
	v7 =	vld [tilespmem:$0x1EA20]  }
0x330: {  	v47 =	vadd.f32 v59, v47;
	v59 =	vmul.f32 v13, v8;
	v13 =	vld [tilespmem:$0x1EAD0]  }
0x331: {  	v9 =	vld [tilespmem:s14+$0x800]  }
0x332: {  	v45 =	vmul.f32 v6, v45;
	v6 =	vld [tilespmem:$0x1EA60];
	_ =	sdelay $0x2  }
0x333: {  	v56 =	vmul.f32 v7, v10;
	v21 =	vmul.f32 v13, v0;
	v13 =	vld [tilespmem:$0x1EB10];
	_ =	sdelay $0x1  }
0x334: {  	v49 =	vadd.f32 v56, v49;
	v25 =	vmul.f32 v6, v9;
	v6 =	vld [tilespmem:$0x1EAB0];
	_ =	sdelay $0x1  }
0x335: {  	v7 =	vld [tilespmem:s14+$0x820];
	v54 =	vadd.f32 v55, v5;
	v5 =	vadd.f32 v25, v49  }
0x336: {  	v25 =	vmul.f32 v13, v0;
	v13 =	vld [tilespmem:$0x1EAE0]  }
0x337: {  	v49 =	vadd.f32 v59, v5;
	v5 =	vld [tilespmem:$0x1EAC0]  }
0x338: {  	v46 =	vadd.f32 v26, v46;
	v26 =	vmul.f32 v6, v0;
	v6 =	vld [tilespmem:s14+$0x830];
	_ =	sdelay $0x3  }
0x339: {  	v45 =	vadd.f32 v45, v22;
	v22 =	vmul.f32 v5, v7;
	v5 =	vld [tilespmem:$0x1EAF0]  }
0x33a: {  	v52 =	vadd.f32 v26, v52;
	v26 =	vmul.f32 v13, v6;
	v13 =	vld [tilespmem:$0x1EB30];
	_ =	sdelay $0x2  }
0x33b: {  	v48 =	vadd.f32 v61, v48  }
0x33c: {  	v46 =	vadd.f32 v23, v46;
	v23 =	vmul.f32 v5, v0;
	v5 =	vld [tilespmem:$0x1EB00]  }
0x33d: {  	v48 =	vadd.f32 v58, v48;
	v58 =	vmul.f32 v13, v0;
	v13 =	vld [tilespmem:$0x1EB50];
	_ =	sdelay $0x3  }
0x33e: {  	v63 =	vld [tilespmem:s14+$0x840]  }
0x33f: {  	v50 =	vadd.f32 v24, v50;
	v24 =	vmul.f32 v5, v0;
	v0 =	vmul.f32 v13, v0;
	v13 =	vld [tilespmem:$0x1EB20];
	_ =	sdelay $0x4  }
0x340: {  	v59 =	vmul.f32 v13, v63;
	v13 =	vld [tilespmem:$0x1EB60];
	_ =	sdelay $0x3  }
0x341: {  	v5 =	vld [tilespmem:s14+$0x850]  }
0x342: {  	v46 =	vadd.f32 v21, v46;
	v21 =	vmul.f32 v13, v44;
	v13 =	vld [tilespmem:$0x1EB40];
	_ =	sdelay $0x4  }
0x343: {  	v49 =	vadd.f32 v22, v49;
	v22 =	vmul.f32 v13, v5;
	v13 =	vld [tilespmem:$0x1EBB0];
	_ =	sdelay $0x3  }
0x344: {  	v62 =	vld [tilespmem:s14+$0x860]  }
0x345: {  	v53 =	vadd.f32 v24, v54;
	v24 =	vmul.f32 v13, v44;
	v13 =	vld [tilespmem:$0x1EB80];
	_ =	sdelay $0x2  }
0x346: {  	v47 =	vadd.f32 v57, v47;
	_ =	sdelay $0x1  }
0x347: {  	v47 =	vadd.f32 v25, v47;
	v25 =	vmul.f32 v13, v62;
	v13 =	vld [tilespmem:$0x1EBC0];
	_ =	sdelay $0x3  }
0x348: {  	v45 =	vadd.f32 v0, v45;
	v0 =	vld [tilespmem:$0x1EB70]  }
0x349: {  	v49 =	vadd.f32 v26, v49;
	v26 =	vmul.f32 v13, v44;
	v13 =	vld [tilespmem:$0x1EBD0];
	_ =	sdelay $0x3  }
0x34a: {  	v55 =	vmul.f32 v0, v44;
	v0 =	vld [tilespmem:$0x1EB90]  }
0x34b: {  	v52 =	vadd.f32 v21, v52;
	v21 =	vmul.f32 v13, v44;
	v13 =	vld [tilespmem:$0x1EBF0];
	_ =	sdelay $0x3  }
0x34c: {  	v61 =	vld [tilespmem:s14+$0x870]  }
0x34d: {  	v50 =	vadd.f32 v23, v50;
	v23 =	vmul.f32 v0, v44;
	v44 =	vmul.f32 v13, v44;
	v13 =	vld [tilespmem:$0x1EBA0];
	_ =	sdelay $0x2  }
0x34e: {  	v49 =	vadd.f32 v59, v49;
	_ =	sdelay $0x1  }
0x34f: {  	v49 =	vadd.f32 v22, v49;
	v22 =	vmul.f32 v13, v61;
	v13 =	vld [tilespmem:$0x1EC10];
	_ =	sdelay $0x3  }
0x350: {  	v0 =	vld [tilespmem:s14+$0xC00]  }
0x351: {  	v50 =	vadd.f32 v23, v50;
	v23 =	vmul.f32 v13, v43;
	v13 =	vld [tilespmem:$0x1EBE0];
	_ =	sdelay $0x4  }
0x352: {  	v53 =	vadd.f32 v24, v53;
	v24 =	vmul.f32 v13, v0;
	v13 =	vld [tilespmem:$0x1EC20];
	_ =	sdelay $0x3  }
0x353: {  	v60 =	vld [tilespmem:s14+$0xC10]  }
0x354: {  	v49 =	vadd.f32 v25, v49;
	v25 =	vmul.f32 v13, v43;
	v13 =	vld [tilespmem:$0x1EC00];
	_ =	sdelay $0x1  }
0x355: {  	v14 =	vld [tilespmem:$0x1EC40]  }
0x356: {  	v48 =	vadd.f32 v58, v48;
	v59 =	vld [tilespmem:s14+$0xC20];
	_ =	sdelay $0x1  }
0x357: {  	v48 =	vadd.f32 v21, v48;
	v21 =	vmul.f32 v13, v60;
	v13 =	vld [tilespmem:$0x1EC30]  }
0x358: {  	v49 =	vadd.f32 v22, v49;
	_ =	sdelay $0x1  }
0x359: {  	v47 =	vadd.f32 v26, v47;
	v26 =	vadd.f32 v24, v49;
	v24 =	vmul.f32 v14, v59;
	v14 =	vld [tilespmem:$0x1EC80]  }
0x35a: {  	v15 =	vld [tilespmem:$0x1ECB0]  }
0x35b: {  	v22 =	vmul.f32 v13, v43;
	v13 =	vld [tilespmem:$0x1EC50]  }
0x35c: {  	v46 =	vadd.f32 v55, v46  }
0x35d: {  	v57 =	vld [tilespmem:s14+$0xC40]  }
0x35e: {  	v46 =	vadd.f32 v25, v46;
	v25 =	vmul.f32 v14, v43;
	v14 =	vld [tilespmem:$0x1EC90]  }
0x35f: {  	v44 =	vadd.f32 v44, v45;
	v45 =	vadd.f32 v21, v26;
	v21 =	vmul.f32 v15, v42;
	v15 =	vld [tilespmem:$0x1ECA0]  }
0x360: {  	v51 =	vadd.f32 v23, v52;
	v23 =	vmul.f32 v13, v43;
	v13 =	vld [tilespmem:$0x1EC70]  }
0x361: {  	v16 =	vld [tilespmem:$0x1ECC0]  }
0x362: {  	v56 =	vld [tilespmem:s14+$0xC50]  }
0x363: {  	v58 =	vld [tilespmem:s14+$0xC30]  }
0x364: {  	v50 =	vadd.f32 v22, v50;
	v22 =	vmul.f32 v15, v57;
	v15 =	vld [tilespmem:$0x1ECD0]  }
0x365: {  	v13 =	vmul.f32 v13, v43;
	v43 =	vmul.f32 v14, v43;
	v14 =	vld [tilespmem:$0x1EC60];
	_ =	sdelay $0x3  }
0x366: {  	v48 =	vadd.f32 v25, v48;
	v25 =	vmul.f32 v16, v56;
	v16 =	vld [tilespmem:$0x1ED10]  }
0x367: {  	v26 =	vmul.f32 v14, v58;
	v14 =	vadd.f32 v23, v53;
	v23 =	vmul.f32 v15, v42;
	v15 =	vld [tilespmem:$0x1ECE0];
	_ =	sdelay $0x1  }
0x368: {  	v45 =	vadd.f32 v24, v45  }
0x369: {  	v17 =	vld [tilespmem:$0x1ED40]  }
0x36a: {  	v45 =	vadd.f32 v26, v45;
	v26 =	vmul.f32 v16, v42;
	v16 =	vld [tilespmem:$0x1ED30]  }
0x36b: {  	v24 =	vmul.f32 v15, v42;
	v15 =	vld [tilespmem:$0x1ECF0];
	_ =	sdelay $0x3  }
0x36c: {  	v55 =	vld [tilespmem:s14+$0xC60];
	v16 =	vmul.f32 v16, v42  }
0x36d: {  	v15 =	vmul.f32 v15, v42;
	v42 =	vmul.f32 v17, v42;
	v17 =	vld [tilespmem:$0x1ED00];
	_ =	sdelay $0x4  }
0x36e: {  	v13 =	vadd.f32 v13, v47;
	v47 =	vadd.f32 v21, v51;
	v21 =	vmul.f32 v17, v55;
	v17 =	vld [tilespmem:$0x1ED50];
	_ =	sdelay $0x3  }
0x36f: {  	v54 =	vld [tilespmem:s14+$0xC70]  }
0x370: {  	v45 =	vadd.f32 v22, v45;
	v22 =	vmul.f32 v17, v41;
	v17 =	vld [tilespmem:$0x1ED20];
	_ =	sdelay $0x4  }
0x371: {  	v43 =	vadd.f32 v43, v44;
	v44 =	vadd.f32 v23, v46;
	v23 =	vmul.f32 v17, v54;
	v17 =	vld [tilespmem:$0x1ED70];
	_ =	sdelay $0x3  }
0x372: {  	v53 =	vld [tilespmem:s14+$0x1000]  }
0x373: {  	v16 =	vadd.f32 v16, v48;
	v48 =	vmul.f32 v17, v41;
	v17 =	vld [tilespmem:$0x1ED60];
	_ =	sdelay $0x1  }
0x374: {  	v20 =	vld [tilespmem:$0x1ED80]  }
0x375: {  	v52 =	vld [tilespmem:s14+$0x1010]  }
0x376: {  	v18 =	vld [tilespmem:$0x1EDB0]  }
0x377: {  	v46 =	vadd.f32 v24, v50;
	v24 =	vmul.f32 v17, v53;
	v17 =	vld [tilespmem:$0x1ED90];
	_ =	sdelay $0x1  }
0x378: {  	v51 =	vld [tilespmem:s14+$0x1020];
	v45 =	vadd.f32 v25, v45  }
0x379: {  	v13 =	vadd.f32 v26, v13;
	v26 =	vmul.f32 v20, v52;
	v20 =	vld [tilespmem:$0x1EDD0]  }
0x37a: {  	v14 =	vadd.f32 v15, v14;
	v15 =	vadd.f32 v21, v45;
	v21 =	vld [tilespmem:$0x1EDF0]  }
0x37b: {  	v18 =	vmul.f32 v18, v41;
	v25 =	vmul.f32 v17, v41;
	v17 =	vld [tilespmem:$0x1EDA0]  }
0x37c: {  	v45 =	vadd.f32 v22, v47;
	v22 =	vld [tilespmem:$0x1EDC0];
	v15 =	vadd.f32 v23, v15  }
0x37d: {  	v13 =	vadd.f32 v18, v13;
	v18 =	vld [tilespmem:$0x1EDE0]  }
0x37e: {  	v50 =	vld [tilespmem:s14+$0x1030];
	v15 =	vadd.f32 v24, v15;
	_ =	sdelay $0x1  }
0x37f: {  	v20 =	vmul.f32 v20, v41;
	v15 =	vadd.f32 v26, v15;
	v17 =	vmul.f32 v17, v41  }
0x380: {  	v41 =	vmul.f32 v21, v41;
	v21 =	vadd.f32 v25, v46;
	v46 =	vmul.f32 v22, v51;
	_ =	sdelay $0x1  }
0x381: {  	v18 =	vmul.f32 v18, v50;
	v15 =	vadd.f32 v46, v15  }
0x382: {  	v49 =	vld [tilespmem:s14+$0x1040]  }
0x383: {  	v15 =	vadd.f32 v18, v15;
	v18 =	vld [tilespmem:$0x1EE20];
	_ =	sdelay $0x4  }
0x384: {  	v18 =	vmul.f32 v18, v49  }
0x385: {  	v44 =	vadd.f32 v48, v44;
	v48 =	vld [tilespmem:s14+$0x1050]  }
0x386: {  	v15 =	vadd.f32 v18, v15;
	v18 =	vld [tilespmem:$0x1EE40]  }
0x387: {  	v47 =	vld [tilespmem:$0x1EE10];
	_ =	sdelay $0x2  }
0x388: {  	v42 =	vadd.f32 v42, v43  }
0x389: {  	v24 =	vld [tilespmem:$0x1EE30];
	v18 =	vmul.f32 v18, v48  }
0x38a: {  	v16 =	vadd.f32 v20, v16;
	v20 =	vadd.f32 v41, v42;
	v41 =	vmul.f32 v47, v40;
	v47 =	vld [tilespmem:s14+$0x1060]  }
0x38b: {  	v15 =	vadd.f32 v18, v15;
	v18 =	vld [tilespmem:$0x1EE80]  }
0x38c: {  	v14 =	vadd.f32 v17, v14;
	v17 =	vld [tilespmem:$0x1EE00]  }
0x38d: {  	v23 =	vld [tilespmem:$0x1EE70]  }
0x38e: {  	v26 =	vld [tilespmem:$0x1EE60]  }
0x38f: {  	v25 =	vld [tilespmem:$0x1EE50]  }
0x390: {  	v46 =	vld [tilespmem:s14+$0x1070];
	v18 =	vmul.f32 v18, v47  }
0x391: {  	v42 =	vmul.f32 v24, v40;
	v24 =	vld [tilespmem:$0x1EE90];
	v17 =	vmul.f32 v17, v40  }
0x392: {  	v15 =	vadd.f32 v18, v15;
	v18 =	vld [tilespmem:$0x1EEA0]  }
0x393: {  	v17 =	vadd.f32 v17, v45;
	v45 =	vld [tilespmem:$0x1EEB0];
	_ =	sdelay $0x2  }
0x394: {  	v23 =	vmul.f32 v23, v40;
	v22 =	vmul.f32 v26, v40  }
0x395: {  	v43 =	vmul.f32 v25, v40;
	v18 =	vmul.f32 v18, v46  }
0x396: {  	v40 =	vmul.f32 v24, v40;
	v24 =	vmul.f32 v45, v39;
	v45 =	vld [tilespmem:s14+$0x1400]  }
0x397: {  	v15 =	vadd.f32 v18, v15;
	v18 =	vld [tilespmem:$0x1EEE0];
	_ =	sdelay $0x2  }
0x398: {  	v26 =	vld [tilespmem:$0x1EED0]  }
0x399: {  	v25 =	vld [tilespmem:$0x1EEC0]  }
0x39a: {  	v41 =	vadd.f32 v41, v44;
	v44 =	vld [tilespmem:s14+$0x1410];
	v18 =	vmul.f32 v18, v45  }
0x39b: {  	v21 =	vadd.f32 v42, v21;
	v42 =	vld [tilespmem:$0x1EF10]  }
0x39c: {  	v15 =	vadd.f32 v18, v15;
	v18 =	vld [tilespmem:$0x1EF00]  }
0x39d: {  	v20 =	vadd.f32 v40, v20;
	v40 =	vld [tilespmem:$0x1EEF0]  }
0x39e: {  	v13 =	vadd.f32 v22, v13;
	v22 =	vmul.f32 v25, v39;
	v25 =	vld [tilespmem:$0x1EF20]  }
0x39f: {  	v16 =	vadd.f32 v23, v16;
	v23 =	vmul.f32 v26, v39;
	v26 =	vld [tilespmem:$0x1EF30];
	_ =	sdelay $0x1  }
0x3a0: {  	v18 =	vmul.f32 v18, v44  }
0x3a1: {  	v14 =	vadd.f32 v43, v14;
	v43 =	vld [tilespmem:s14+$0x1420]  }
0x3a2: {  	v40 =	vmul.f32 v40, v39;
	v25 =	vmul.f32 v25, v39;
	v15 =	vadd.f32 v18, v15;
	v18 =	vld [tilespmem:$0x1EF40]  }
0x3a3: {  	v17 =	vadd.f32 v24, v17;
	v24 =	vmul.f32 v42, v39;
	v39 =	vmul.f32 v26, v39;
	_ =	sdelay $0x1  }
0x3a4: {  	v20 =	vadd.f32 v39, v20;
	v39 =	vld [tilespmem:$0x1EF70];
	_ =	sdelay $0x1  }
0x3a5: {  	v42 =	vld [tilespmem:s14+$0x1430];
	v18 =	vmul.f32 v18, v43  }
0x3a6: {  	v26 =	vld [tilespmem:$0x1EF50]  }
0x3a7: {  	v15 =	vadd.f32 v18, v15;
	v18 =	vld [tilespmem:$0x1EF60]  }
0x3a8: {  	v13 =	vadd.f32 v24, v13;
	v24 =	vmul.f32 v39, v38;
	v39 =	vld [tilespmem:$0x1EF90]  }
0x3a9: {  	v27 =	vld [tilespmem:$0x1EFD0]  }
0x3aa: {  	v28 =	vld [tilespmem:$0x1EFE0]  }
0x3ab: {  	v22 =	vadd.f32 v22, v41;
	v41 =	vld [tilespmem:s14+$0x1440]  }
0x3ac: {  	v14 =	vadd.f32 v40, v14;
	v40 =	vld [tilespmem:$0x1EF80];
	v18 =	vmul.f32 v18, v42  }
0x3ad: {  	v21 =	vadd.f32 v23, v21;
	v23 =	vmul.f32 v26, v38;
	v26 =	vmul.f32 v39, v38;
	v39 =	vld [tilespmem:$0x1EFB0]  }
0x3ae: {  	v15 =	vadd.f32 v18, v15;
	v18 =	vld [tilespmem:$0x1EFA0];
	_ =	sdelay $0x2  }
0x3af: {  	v27 =	vmul.f32 v27, v38;
	v28 =	vmul.f32 v28, v38;
	v16 =	vadd.f32 v25, v16  }
0x3b0: {  	v25 =	vmul.f32 v40, v38;
	v17 =	vadd.f32 v23, v17;
	v23 =	vmul.f32 v39, v38;
	v38 =	vld [tilespmem:$0x1EFF0]  }
0x3b1: {  	v18 =	vmul.f32 v18, v41  }
0x3b2: {  	v40 =	vld [tilespmem:s14+$0x1450]  }
0x3b3: {  	v15 =	vadd.f32 v18, v15;
	v18 =	vld [tilespmem:$0x1EFC0];
	_ =	sdelay $0x1  }
0x3b4: {  	v22 =	vadd.f32 v24, v22;
	v24 =	vmul.f32 v38, v12;
	_ =	sdelay $0x1  }
0x3b5: {  	v17 =	vadd.f32 v24, v17;
	v24 =	vld [tilespmem:$0x1F020]  }
0x3b6: {  	v14 =	vadd.f32 v26, v14;
	v26 =	vld [tilespmem:$0x1F010];
	v18 =	vmul.f32 v18, v40  }
0x3b7: {  	v39 =	vld [tilespmem:s14+$0x1460]  }
0x3b8: {  	v15 =	vadd.f32 v18, v15;
	v18 =	vld [tilespmem:$0x1F000];
	_ =	sdelay $0x1  }
0x3b9: {  	v21 =	vadd.f32 v25, v21;
	v24 =	vmul.f32 v24, v12  }
0x3ba: {  	v25 =	vld [tilespmem:$0x1F030]  }
0x3bb: {  	v21 =	vadd.f32 v24, v21;
	v24 =	vld [tilespmem:$0x1F080]  }
0x3bc: {  	v13 =	vadd.f32 v23, v13;
	v23 =	vmul.f32 v26, v12;
	v26 =	vld [tilespmem:$0x1F050];
	v18 =	vmul.f32 v18, v39  }
0x3bd: {  	v38 =	vld [tilespmem:s14+$0x1470]  }
0x3be: {  	v15 =	vadd.f32 v18, v15;
	v18 =	vld [tilespmem:$0x1F040]  }
0x3bf: {  	v22 =	vadd.f32 v23, v22;
	v23 =	vld [tilespmem:$0x1F060]  }
0x3c0: {  	v16 =	vadd.f32 v27, v16;
	v27 =	vld [tilespmem:$0x1F070];
	v24 =	vmul.f32 v24, v11;
	_ =	sdelay $0x1  }
0x3c1: {  	v17 =	vadd.f32 v24, v17;
	v24 =	vld [tilespmem:$0x1F0A0]  }
0x3c2: {  	v25 =	vmul.f32 v25, v12;
	v18 =	vmul.f32 v18, v38  }
0x3c3: {  	v20 =	vadd.f32 v28, v20;
	v26 =	vmul.f32 v26, v12;
	v23 =	vmul.f32 v23, v12  }
0x3c4: {  	v14 =	vadd.f32 v25, v14;
	v25 =	vld [tilespmem:$0x1F0C0];
	v12 =	vmul.f32 v27, v12;
	v15 =	vadd.f32 v18, v15  }
0x3c5: {  	v13 =	vadd.f32 v26, v13;
	v26 =	vld [tilespmem:$0x1F0D0];
	v16 =	vadd.f32 v23, v16  }
0x3c6: {  	v12 =	vadd.f32 v12, v20;
	v23 =	vmul.f32 v24, v11;
	v24 =	vld [tilespmem:$0x1F0B0];
	v20 =	vperm.xlane v15, v1  }
0x3c7: {  	v18 =	vld [tilespmem:$0x1F090]  }
0x3c8: {  	v15 =	vadd.f32 v20, v15;
	v20 =	vadd.f32 v23, v21;
	v21 =	vld [tilespmem:$0x1F0E0];
	_ =	sdelay $0x2  }
0x3c9: {  	v25 =	vmul.f32 v25, v11  }
0x3ca: {  	v26 =	vmul.f32 v26, v11;
	v24 =	vmul.f32 v24, v11  }
0x3cb: {  	v18 =	vmul.f32 v18, v11;
	v11 =	vmul.f32 v21, v11;
	_ =	sdelay $0x1  }
0x3cc: {  	v11 =	vadd.f32 v11, v12;
	v12 =	vld [tilespmem:$0x1F0F0];
	_ =	sdelay $0x4  }
0x3cd: {  	v12 =	vmul.f32 v12, v10  }
0x3ce: {  	v16 =	vadd.f32 v26, v16;
	v26 =	vld [tilespmem:$0x1F100]  }
0x3cf: {  	v12 =	vadd.f32 v12, v17;
	v17 =	vld [tilespmem:$0x1F120];
	_ =	sdelay $0x3  }
0x3d0: {  	v13 =	vadd.f32 v25, v13;
	v14 =	vadd.f32 v24, v14;
	v24 =	vld [tilespmem:$0x1F110];
	v25 =	vperm.xlane v15, v2  }
0x3d1: {  	v18 =	vadd.f32 v18, v22;
	v22 =	vmul.f32 v26, v10;
	v26 =	vld [tilespmem:$0x1F140];
	v17 =	vmul.f32 v17, v10  }
0x3d2: {  	v15 =	vadd.f32 v25, v15;
	v25 =	vld [tilespmem:$0x1F130]  }
0x3d3: {  	v14 =	vadd.f32 v17, v14;
	v17 =	vld [tilespmem:$0x1F150];
	_ =	sdelay $0x3  }
0x3d4: {  	v23 =	vmul.f32 v24, v10;
	v18 =	vadd.f32 v22, v18;
	v22 =	vmul.f32 v26, v10  }
0x3d5: {  	v21 =	vmul.f32 v25, v10;
	v10 =	vmul.f32 v17, v10;
	v17 =	vld [tilespmem:$0x1F160];
	_ =	sdelay $0x4  }
0x3d6: {  	v17 =	vmul.f32 v17, v9  }
0x3d7: {  	v10 =	vadd.f32 v10, v11;
	v11 =	vld [tilespmem:$0x1F170]  }
0x3d8: {  	v12 =	vadd.f32 v17, v12;
	v17 =	vld [tilespmem:$0x1F180];
	_ =	sdelay $0x1  }
0x3d9: {  	v24 =	vperm.xlane v15, v3;
	_ =	sdelay $0x1  }
0x3da: {  	v15 =	vadd.f32 v24, v15;
	v24 =	vld [tilespmem:$0x1F1A0];
	v11 =	vmul.f32 v11, v9  }
0x3db: {  	v20 =	vadd.f32 v23, v20;
	v25 =	vld [tilespmem:$0x1F1B0];
	v17 =	vmul.f32 v17, v9  }
0x3dc: {  	v11 =	vadd.f32 v11, v18;
	v18 =	vld [tilespmem:$0x1F190]  }
0x3dd: {  	v17 =	vadd.f32 v17, v20;
	v20 =	vld [tilespmem:$0x1F1C0];
	_ =	sdelay $0x3  }
0x3de: {  	v16 =	vadd.f32 v22, v16;
	v22 =	vmul.f32 v24, v9;
	v23 =	vmul.f32 v25, v9  }
0x3df: {  	v18 =	vmul.f32 v18, v9;
	v9 =	vmul.f32 v20, v9;
	_ =	sdelay $0x1  }
0x3e0: {  	v9 =	vadd.f32 v9, v10;
	v10 =	vld [tilespmem:$0x1F1D0];
	_ =	sdelay $0x1  }
0x3e1: {  	v13 =	vadd.f32 v21, v13;
	v21 =	vperm.xlane v15, v4;
	_ =	sdelay $0x1  }
0x3e2: {  	v24 =	vmov s12;
	v15 =	vadd.f32 v21, v15;
	v20 =	vlaneseq.u32  }
0x3e3: {  	vm0 =	veq.s32 v24, v20;
	v10 =	vmul.f32 v10, v8  }
0x3e4: {  	v19 =	vsel vm0, v15, v19;
	v15 =	vadd.f32 v23, v16;
	v16 =	vld [tilespmem:$0x1F1E0]  }
0x3e5: {  	v10 =	vadd.f32 v10, v12;
	v12 =	vld [tilespmem:$0x1F200];
	_ =	sdelay $0x3  }
0x3e6: {  	v16 =	vmul.f32 v16, v8  }
0x3e7: {  	v14 =	vadd.f32 v18, v14;
	v12 =	vmul.f32 v12, v8  }
0x3e8: {  	v11 =	vadd.f32 v16, v11;
	v16 =	vld [tilespmem:$0x1F220]  }
0x3e9: {  	v12 =	vadd.f32 v12, v14;
	v14 =	vld [tilespmem:$0x1F240];
	_ =	sdelay $0x2  }
0x3ea: {  	v18 =	vld [tilespmem:$0x1F1F0]  }
0x3eb: {  	v20 =	vld [tilespmem:$0x1F210];
	v16 =	vmul.f32 v16, v8  }
0x3ec: {  	v26 =	vld [tilespmem:$0x1F230];
	v14 =	vmul.f32 v14, v7  }
0x3ed: {  	v15 =	vadd.f32 v16, v15;
	v16 =	vld [tilespmem:$0x1F250]  }
0x3ee: {  	v10 =	vadd.f32 v14, v10;
	v14 =	vld [tilespmem:$0x1F280]  }
0x3ef: {  	v18 =	vmul.f32 v18, v8  }
0x3f0: {  	v13 =	vadd.f32 v22, v13;
	v20 =	vmul.f32 v20, v8  }
0x3f1: {  	v17 =	vadd.f32 v18, v17;
	v18 =	vld [tilespmem:$0x1F270];
	v8 =	vmul.f32 v26, v8  }
0x3f2: {  	v13 =	vadd.f32 v20, v13;
	v20 =	vld [tilespmem:$0x1F290];
	v16 =	vmul.f32 v16, v7  }
0x3f3: {  	v8 =	vadd.f32 v8, v9;
	v9 =	vld [tilespmem:$0x1F260];
	v14 =	vmul.f32 v14, v7  }
0x3f4: {  	v11 =	vadd.f32 v16, v11;
	v16 =	vld [tilespmem:$0x1F2A0]  }
0x3f5: {  	v13 =	vadd.f32 v14, v13;
	v14 =	vld [tilespmem:$0x1F2B0];
	_ =	sdelay $0x2  }
0x3f6: {  	v18 =	vmul.f32 v18, v7;
	v20 =	vmul.f32 v20, v7  }
0x3f7: {  	v9 =	vmul.f32 v9, v7;
	v7 =	vmul.f32 v16, v7  }
0x3f8: {  	v14 =	vmul.f32 v14, v6  }
0x3f9: {  	v7 =	vadd.f32 v7, v8;
	v8 =	vld [tilespmem:$0x1F2C0]  }
0x3fa: {  	v10 =	vadd.f32 v14, v10;
	v14 =	vld [tilespmem:$0x1F2D0];
	_ =	sdelay $0x3  }
0x3fb: {  	v9 =	vadd.f32 v9, v17;
	v17 =	vld [tilespmem:$0x1F300];
	v8 =	vmul.f32 v8, v6  }
0x3fc: {  	v16 =	vld [tilespmem:$0x1F2E0];
	v14 =	vmul.f32 v14, v6  }
0x3fd: {  	v8 =	vadd.f32 v8, v11;
	v11 =	vld [tilespmem:$0x1F2F0]  }
0x3fe: {  	v9 =	vadd.f32 v14, v9;
	v14 =	vld [tilespmem:$0x1F310];
	_ =	sdelay $0x3  }
0x3ff: {  	v17 =	vmul.f32 v17, v6;
	v16 =	vmul.f32 v16, v6  }
0x400: {  	v11 =	vmul.f32 v11, v6;
	v6 =	vmul.f32 v14, v6  }
0x401: {  	v14 =	vld [tilespmem:$0x1F320]  }
0x402: {  	v6 =	vadd.f32 v6, v7;
	v7 =	vld [tilespmem:$0x1F330];
	_ =	sdelay $0x3  }
0x403: {  	v14 =	vmul.f32 v14, v63  }
0x404: {  	v7 =	vmul.f32 v7, v63  }
0x405: {  	v10 =	vadd.f32 v14, v10;
	v14 =	vld [tilespmem:$0x1F350]  }
0x406: {  	v7 =	vadd.f32 v7, v8;
	v8 =	vld [tilespmem:$0x1F370]  }
0x407: {  	v12 =	vadd.f32 v18, v12  }
0x408: {  	v15 =	vadd.f32 v20, v15  }
0x409: {  	v12 =	vadd.f32 v16, v12;
	v16 =	vld [tilespmem:$0x1F360]  }
0x40a: {  	v11 =	vadd.f32 v11, v13;
	v13 =	vadd.f32 v17, v15;
	v15 =	vld [tilespmem:$0x1F340];
	v14 =	vmul.f32 v14, v63  }
0x40b: {  	v17 =	vld [tilespmem:$0x1F380];
	v8 =	vmul.f32 v8, v63  }
0x40c: {  	v12 =	vadd.f32 v14, v12;
	v14 =	vld [tilespmem:$0x1F390]  }
0x40d: {  	v8 =	vadd.f32 v8, v13;
	v13 =	vld [tilespmem:$0x1F3A0]  }
0x40e: {  	v16 =	vmul.f32 v16, v63  }
0x40f: {  	v15 =	vmul.f32 v15, v63  }
0x410: {  	v11 =	vadd.f32 v16, v11;
	v16 =	vld [tilespmem:$0x1F3C0];
	v17 =	vmul.f32 v17, v63  }
0x411: {  	v9 =	vadd.f32 v15, v9;
	v15 =	vld [tilespmem:$0x1F3B0];
	v14 =	vmul.f32 v14, v5  }
0x412: {  	v6 =	vadd.f32 v17, v6;
	v17 =	vld [tilespmem:$0x1F3E0];
	v13 =	vmul.f32 v13, v5  }
0x413: {  	v10 =	vadd.f32 v14, v10;
	v14 =	vld [tilespmem:$0x1F3D0]  }
0x414: {  	v7 =	vadd.f32 v13, v7;
	v13 =	vld [tilespmem:$0x1F3F0];
	_ =	sdelay $0x2  }
0x415: {  	v16 =	vmul.f32 v16, v5  }
0x416: {  	v15 =	vmul.f32 v15, v5;
	v17 =	vmul.f32 v17, v5  }
0x417: {  	v14 =	vmul.f32 v14, v5;
	v5 =	vmul.f32 v13, v5;
	v13 =	vld [tilespmem:$0x1F400];
	_ =	sdelay $0x4  }
0x418: {  	v13 =	vmul.f32 v13, v62  }
0x419: {  	v5 =	vadd.f32 v5, v6;
	v6 =	vld [tilespmem:$0x1F410]  }
0x41a: {  	v10 =	vadd.f32 v13, v10;
	v13 =	vld [tilespmem:$0x1F420];
	_ =	sdelay $0x3  }
0x41b: {  	v6 =	vmul.f32 v6, v62  }
0x41c: {  	v9 =	vadd.f32 v15, v9;
	v13 =	vmul.f32 v13, v62  }
0x41d: {  	v6 =	vadd.f32 v6, v7;
	v7 =	vld [tilespmem:$0x1F440]  }
0x41e: {  	v9 =	vadd.f32 v13, v9;
	v13 =	vld [tilespmem:$0x1F460];
	_ =	sdelay $0x3  }
0x41f: {  	v11 =	vadd.f32 v14, v11;
	v7 =	vmul.f32 v7, v62  }
0x420: {  	v13 =	vmul.f32 v13, v62  }
0x421: {  	v7 =	vadd.f32 v7, v11;
	v11 =	vld [tilespmem:$0x1F470]  }
0x422: {  	v5 =	vadd.f32 v13, v5;
	v13 =	vld [tilespmem:$0x1F480];
	_ =	sdelay $0x2  }
0x423: {  	v14 =	vld [tilespmem:$0x1F430]  }
0x424: {  	v15 =	vld [tilespmem:$0x1F450];
	v11 =	vmul.f32 v11, v61  }
0x425: {  	v13 =	vmul.f32 v13, v61  }
0x426: {  	v10 =	vadd.f32 v11, v10;
	v11 =	vld [tilespmem:$0x1F4A0]  }
0x427: {  	v6 =	vadd.f32 v13, v6;
	v13 =	vld [tilespmem:$0x1F4C0]  }
0x428: {  	v12 =	vadd.f32 v16, v12;
	v14 =	vmul.f32 v14, v62  }
0x429: {  	v15 =	vmul.f32 v15, v62;
	v8 =	vadd.f32 v17, v8  }
0x42a: {  	v12 =	vadd.f32 v14, v12;
	v14 =	vld [tilespmem:$0x1F490]  }
0x42b: {  	v8 =	vadd.f32 v15, v8;
	v15 =	vld [tilespmem:$0x1F4B0];
	v11 =	vmul.f32 v11, v61  }
0x42c: {  	v16 =	vld [tilespmem:$0x1F4D0];
	v13 =	vmul.f32 v13, v61  }
0x42d: {  	v11 =	vadd.f32 v11, v12;
	v12 =	vld [tilespmem:$0x1F4E0]  }
0x42e: {  	v8 =	vadd.f32 v13, v8;
	v13 =	vld [tilespmem:$0x1F4F0]  }
0x42f: {  	v14 =	vmul.f32 v14, v61  }
0x430: {  	v15 =	vmul.f32 v15, v61  }
0x431: {  	v16 =	vmul.f32 v16, v61;
	v9 =	vadd.f32 v14, v9;
	v14 =	vld [tilespmem:$0x1F500]  }
0x432: {  	v7 =	vadd.f32 v15, v7;
	v15 =	vld [tilespmem:$0x1F510];
	v12 =	vmul.f32 v12, v0  }
0x433: {  	v5 =	vadd.f32 v16, v5;
	v16 =	vld [tilespmem:$0x1F530];
	v13 =	vmul.f32 v13, v0  }
0x434: {  	v10 =	vadd.f32 v12, v10;
	v12 =	vld [tilespmem:$0x1F520]  }
0x435: {  	v6 =	vadd.f32 v13, v6;
	v13 =	vld [tilespmem:$0x1F540];
	_ =	sdelay $0x2  }
0x436: {  	v14 =	vmul.f32 v14, v0  }
0x437: {  	v15 =	vmul.f32 v15, v0;
	v16 =	vmul.f32 v16, v0  }
0x438: {  	v12 =	vmul.f32 v12, v0;
	v0 =	vmul.f32 v13, v0;
	_ =	sdelay $0x1  }
0x439: {  	v0 =	vadd.f32 v0, v5;
	v5 =	vld [tilespmem:$0x1F560]  }
0x43a: {  	v7 =	vadd.f32 v12, v7;
	v12 =	vld [tilespmem:$0x1F550];
	_ =	sdelay $0x3  }
0x43b: {  	v5 =	vmul.f32 v5, v60  }
0x43c: {  	v9 =	vadd.f32 v14, v9;
	v14 =	vld [tilespmem:$0x1F5A0];
	v12 =	vmul.f32 v12, v60  }
0x43d: {  	v5 =	vadd.f32 v5, v6;
	v6 =	vld [tilespmem:$0x1F590]  }
0x43e: {  	v10 =	vadd.f32 v12, v10;
	v12 =	vld [tilespmem:$0x1F570];
	_ =	sdelay $0x3  }
0x43f: {  	v14 =	vmul.f32 v14, v60;
	v8 =	vadd.f32 v16, v8;
	v6 =	vmul.f32 v6, v60  }
0x440: {  	v12 =	vmul.f32 v12, v60  }
0x441: {  	v6 =	vadd.f32 v6, v7;
	v7 =	vadd.f32 v14, v8;
	v8 =	vld [tilespmem:$0x1F5C0]  }
0x442: {  	v9 =	vadd.f32 v12, v9;
	v12 =	vld [tilespmem:$0x1F5B0];
	_ =	sdelay $0x3  }
0x443: {  	v13 =	vld [tilespmem:$0x1F580];
	v8 =	vmul.f32 v8, v59  }
0x444: {  	v12 =	vmul.f32 v12, v60  }
0x445: {  	v8 =	vadd.f32 v8, v10;
	v10 =	vld [tilespmem:$0x1F5F0]  }
0x446: {  	v0 =	vadd.f32 v12, v0;
	v12 =	vld [tilespmem:$0x1F5D0];
	_ =	sdelay $0x1  }
0x447: {  	v11 =	vadd.f32 v15, v11;
	v13 =	vmul.f32 v13, v60;
	_ =	sdelay $0x1  }
0x448: {  	v11 =	vadd.f32 v13, v11;
	v10 =	vmul.f32 v10, v59  }
0x449: {  	v12 =	vmul.f32 v12, v59  }
0x44a: {  	v10 =	vadd.f32 v10, v11;
	v11 =	vld [tilespmem:$0x1F630]  }
0x44b: {  	v5 =	vadd.f32 v12, v5;
	v12 =	vld [tilespmem:$0x1F610];
	_ =	sdelay $0x3  }
0x44c: {  	v14 =	vld [tilespmem:$0x1F600];
	v11 =	vmul.f32 v11, v58  }
0x44d: {  	v12 =	vmul.f32 v12, v59  }
0x44e: {  	v8 =	vadd.f32 v11, v8;
	v11 =	vld [tilespmem:$0x1F670]  }
0x44f: {  	v7 =	vadd.f32 v12, v7;
	v12 =	vld [tilespmem:$0x1F640];
	_ =	sdelay $0x1  }
0x450: {  	v14 =	vmul.f32 v14, v59;
	_ =	sdelay $0x1  }
0x451: {  	v13 =	vld [tilespmem:$0x1F5E0];
	v6 =	vadd.f32 v14, v6;
	v11 =	vmul.f32 v11, v58  }
0x452: {  	v15 =	vld [tilespmem:$0x1F620];
	v12 =	vmul.f32 v12, v58  }
0x453: {  	v6 =	vadd.f32 v11, v6;
	v11 =	vld [tilespmem:$0x1F6A0]  }
0x454: {  	v5 =	vadd.f32 v12, v5;
	v12 =	vld [tilespmem:$0x1F690];
	_ =	sdelay $0x1  }
0x455: {  	v13 =	vmul.f32 v13, v59  }
0x456: {  	v15 =	vmul.f32 v15, v59  }
0x457: {  	v9 =	vadd.f32 v13, v9;
	v13 =	vld [tilespmem:$0x1F650];
	v11 =	vmul.f32 v11, v57  }
0x458: {  	v0 =	vadd.f32 v15, v0;
	v12 =	vmul.f32 v12, v58  }
0x459: {  	v8 =	vadd.f32 v11, v8;
	v11 =	vld [tilespmem:$0x1F6C0]  }
0x45a: {  	v0 =	vadd.f32 v12, v0;
	v12 =	vld [tilespmem:$0x1F6B0];
	_ =	sdelay $0x1  }
0x45b: {  	v13 =	vmul.f32 v13, v58;
	_ =	sdelay $0x1  }
0x45c: {  	v9 =	vadd.f32 v13, v9;
	v11 =	vmul.f32 v11, v57  }
0x45d: {  	v12 =	vmul.f32 v12, v57  }
0x45e: {  	v9 =	vadd.f32 v11, v9;
	v11 =	vld [tilespmem:$0x1F700]  }
0x45f: {  	v5 =	vadd.f32 v12, v5;
	v12 =	vld [tilespmem:$0x1F6E0];
	_ =	sdelay $0x3  }
0x460: {  	v14 =	vld [tilespmem:$0x1F660];
	v11 =	vmul.f32 v11, v57  }
0x461: {  	v12 =	vmul.f32 v12, v57  }
0x462: {  	v0 =	vadd.f32 v11, v0;
	v11 =	vld [tilespmem:$0x1F720]  }
0x463: {  	v6 =	vadd.f32 v12, v6;
	v12 =	vld [tilespmem:$0x1F710];
	_ =	sdelay $0x1  }
0x464: {  	v15 =	vld [tilespmem:$0x1F680];
	v14 =	vmul.f32 v14, v58;
	_ =	sdelay $0x1  }
0x465: {  	v10 =	vadd.f32 v14, v10;
	v14 =	vld [tilespmem:$0x1F6F0];
	v11 =	vmul.f32 v11, v56  }
0x466: {  	v13 =	vld [tilespmem:$0x1F6D0];
	v12 =	vmul.f32 v12, v56  }
0x467: {  	v5 =	vadd.f32 v11, v5;
	v11 =	vld [tilespmem:$0x1F760]  }
0x468: {  	v15 =	vmul.f32 v15, v58;
	v8 =	vadd.f32 v12, v8;
	v12 =	vld [tilespmem:$0x1F740];
	_ =	sdelay $0x1  }
0x469: {  	v7 =	vadd.f32 v15, v7;
	v14 =	vmul.f32 v14, v57  }
0x46a: {  	v13 =	vmul.f32 v13, v57  }
0x46b: {  	v7 =	vadd.f32 v14, v7;
	v11 =	vmul.f32 v11, v56  }
0x46c: {  	v10 =	vadd.f32 v13, v10;
	v12 =	vmul.f32 v12, v56  }
0x46d: {  	v7 =	vadd.f32 v11, v7;
	v11 =	vld [tilespmem:$0x1F790]  }
0x46e: {  	v10 =	vadd.f32 v12, v10;
	v12 =	vld [tilespmem:$0x1F780];
	_ =	sdelay $0x3  }
0x46f: {  	v15 =	vld [tilespmem:$0x1F770];
	v11 =	vmul.f32 v11, v55  }
0x470: {  	v14 =	vld [tilespmem:$0x1F750];
	v12 =	vmul.f32 v12, v55  }
0x471: {  	v5 =	vadd.f32 v11, v5;
	v11 =	vld [tilespmem:$0x1F7E0]  }
0x472: {  	v8 =	vadd.f32 v12, v8;
	v12 =	vld [tilespmem:$0x1F7C0];
	_ =	sdelay $0x1  }
0x473: {  	v15 =	vmul.f32 v15, v56  }
0x474: {  	v14 =	vmul.f32 v14, v56  }
0x475: {  	v0 =	vadd.f32 v15, v0;
	v11 =	vmul.f32 v11, v55  }
0x476: {  	v13 =	vld [tilespmem:$0x1F730];
	v6 =	vadd.f32 v14, v6;
	v12 =	vmul.f32 v12, v55  }
0x477: {  	v0 =	vadd.f32 v11, v0;
	v11 =	vld [tilespmem:$0x1F800]  }
0x478: {  	v6 =	vadd.f32 v12, v6;
	v12 =	vld [tilespmem:$0x1F7F0];
	_ =	sdelay $0x2  }
0x479: {  	v13 =	vmul.f32 v13, v56  }
0x47a: {  	v11 =	vmul.f32 v11, v54  }
0x47b: {  	v9 =	vadd.f32 v13, v9;
	v13 =	vld [tilespmem:$0x1F7A0];
	v12 =	vmul.f32 v12, v54  }
0x47c: {  	v5 =	vadd.f32 v11, v5;
	v11 =	vld [tilespmem:$0x1F830]  }
0x47d: {  	v8 =	vadd.f32 v12, v8;
	v12 =	vld [tilespmem:$0x1F810];
	_ =	sdelay $0x2  }
0x47e: {  	v13 =	vmul.f32 v13, v55  }
0x47f: {  	v11 =	vmul.f32 v11, v54  }
0x480: {  	v9 =	vadd.f32 v13, v9;
	v12 =	vmul.f32 v12, v54  }
0x481: {  	v6 =	vadd.f32 v11, v6;
	v11 =	vld [tilespmem:$0x1F860]  }
0x482: {  	v9 =	vadd.f32 v12, v9;
	v12 =	vld [tilespmem:$0x1F850];
	_ =	sdelay $0x1  }
0x483: {  	v14 =	vld [tilespmem:$0x1F7B0];
	_ =	sdelay $0x1  }
0x484: {  	v13 =	vld [tilespmem:$0x1F820];
	v11 =	vmul.f32 v11, v53  }
0x485: {  	v12 =	vmul.f32 v12, v54  }
0x486: {  	v8 =	vadd.f32 v11, v8;
	v11 =	vld [tilespmem:$0x1F890]  }
0x487: {  	v14 =	vmul.f32 v14, v55;
	v0 =	vadd.f32 v12, v0;
	v12 =	vld [tilespmem:$0x1F870];
	_ =	sdelay $0x1  }
0x488: {  	v15 =	vld [tilespmem:$0x1F7D0];
	v13 =	vmul.f32 v13, v54;
	v10 =	vadd.f32 v14, v10;
	_ =	sdelay $0x1  }
0x489: {  	v14 =	vld [tilespmem:$0x1F840];
	v10 =	vadd.f32 v13, v10;
	v11 =	vmul.f32 v11, v53  }
0x48a: {  	v12 =	vmul.f32 v12, v53  }
0x48b: {  	v10 =	vadd.f32 v11, v10;
	v11 =	vld [tilespmem:$0x1F8D0]  }
0x48c: {  	v15 =	vmul.f32 v15, v55;
	v5 =	vadd.f32 v12, v5;
	v12 =	vld [tilespmem:$0x1F8B0];
	_ =	sdelay $0x1  }
0x48d: {  	v7 =	vadd.f32 v15, v7;
	v14 =	vmul.f32 v14, v54;
	_ =	sdelay $0x1  }
0x48e: {  	v7 =	vadd.f32 v14, v7;
	v14 =	vld [tilespmem:$0x1F8A0];
	v11 =	vmul.f32 v11, v52  }
0x48f: {  	v12 =	vmul.f32 v12, v53  }
0x490: {  	v8 =	vadd.f32 v11, v8;
	v11 =	vld [tilespmem:$0x1F910]  }
0x491: {  	v7 =	vadd.f32 v12, v7;
	v12 =	vld [tilespmem:$0x1F8E0];
	_ =	sdelay $0x1  }
0x492: {  	v14 =	vmul.f32 v14, v53;
	_ =	sdelay $0x1  }
0x493: {  	v13 =	vld [tilespmem:$0x1F880];
	v6 =	vadd.f32 v14, v6;
	v11 =	vmul.f32 v11, v52  }
0x494: {  	v15 =	vld [tilespmem:$0x1F8C0];
	v12 =	vmul.f32 v12, v52  }
0x495: {  	v6 =	vadd.f32 v11, v6;
	v11 =	vld [tilespmem:$0x1F940]  }
0x496: {  	v5 =	vadd.f32 v12, v5;
	v12 =	vld [tilespmem:$0x1F930];
	_ =	sdelay $0x1  }
0x497: {  	v13 =	vmul.f32 v13, v53  }
0x498: {  	v15 =	vmul.f32 v15, v53  }
0x499: {  	v9 =	vadd.f32 v13, v9;
	v13 =	vld [tilespmem:$0x1F8F0];
	v11 =	vmul.f32 v11, v51  }
0x49a: {  	v0 =	vadd.f32 v15, v0;
	v12 =	vmul.f32 v12, v52  }
0x49b: {  	v8 =	vadd.f32 v11, v8;
	v11 =	vld [tilespmem:$0x1F960]  }
0x49c: {  	v0 =	vadd.f32 v12, v0;
	v12 =	vld [tilespmem:$0x1F950];
	_ =	sdelay $0x1  }
0x49d: {  	v13 =	vmul.f32 v13, v52;
	_ =	sdelay $0x1  }
0x49e: {  	v9 =	vadd.f32 v13, v9;
	v11 =	vmul.f32 v11, v51  }
0x49f: {  	v12 =	vmul.f32 v12, v51  }
0x4a0: {  	v9 =	vadd.f32 v11, v9;
	v11 =	vld [tilespmem:$0x1F9A0]  }
0x4a1: {  	v5 =	vadd.f32 v12, v5;
	v12 =	vld [tilespmem:$0x1F980];
	_ =	sdelay $0x3  }
0x4a2: {  	v14 =	vld [tilespmem:$0x1F900];
	v11 =	vmul.f32 v11, v51  }
0x4a3: {  	v12 =	vmul.f32 v12, v51  }
0x4a4: {  	v0 =	vadd.f32 v11, v0;
	v11 =	vld [tilespmem:$0x1F9C0]  }
0x4a5: {  	v6 =	vadd.f32 v12, v6;
	v12 =	vld [tilespmem:$0x1F9B0];
	_ =	sdelay $0x1  }
0x4a6: {  	v15 =	vld [tilespmem:$0x1F920];
	v14 =	vmul.f32 v14, v52;
	_ =	sdelay $0x1  }
0x4a7: {  	v10 =	vadd.f32 v14, v10;
	v14 =	vld [tilespmem:$0x1F990];
	v11 =	vmul.f32 v11, v50  }
0x4a8: {  	v13 =	vld [tilespmem:$0x1F970];
	v12 =	vmul.f32 v12, v50  }
0x4a9: {  	v5 =	vadd.f32 v11, v5;
	v11 =	vld [tilespmem:$0x1FA00]  }
0x4aa: {  	v15 =	vmul.f32 v15, v52;
	v8 =	vadd.f32 v12, v8;
	v12 =	vld [tilespmem:$0x1F9E0];
	_ =	sdelay $0x1  }
0x4ab: {  	v7 =	vadd.f32 v15, v7;
	v14 =	vmul.f32 v14, v51  }
0x4ac: {  	v13 =	vmul.f32 v13, v51  }
0x4ad: {  	v7 =	vadd.f32 v14, v7;
	v11 =	vmul.f32 v11, v50  }
0x4ae: {  	v10 =	vadd.f32 v13, v10;
	v12 =	vmul.f32 v12, v50  }
0x4af: {  	v7 =	vadd.f32 v11, v7;
	v11 =	vld [tilespmem:$0x1FA30]  }
0x4b0: {  	v10 =	vadd.f32 v12, v10;
	v12 =	vld [tilespmem:$0x1FA20];
	_ =	sdelay $0x3  }
0x4b1: {  	v15 =	vld [tilespmem:$0x1FA10];
	v11 =	vmul.f32 v11, v49  }
0x4b2: {  	v14 =	vld [tilespmem:$0x1F9F0];
	v12 =	vmul.f32 v12, v49  }
0x4b3: {  	v5 =	vadd.f32 v11, v5;
	v11 =	vld [tilespmem:$0x1FA80]  }
0x4b4: {  	v8 =	vadd.f32 v12, v8;
	v12 =	vld [tilespmem:$0x1FA60];
	_ =	sdelay $0x1  }
0x4b5: {  	v15 =	vmul.f32 v15, v50  }
0x4b6: {  	v14 =	vmul.f32 v14, v50  }
0x4b7: {  	v0 =	vadd.f32 v15, v0;
	v11 =	vmul.f32 v11, v49  }
0x4b8: {  	v13 =	vld [tilespmem:$0x1F9D0];
	v6 =	vadd.f32 v14, v6;
	v12 =	vmul.f32 v12, v49  }
0x4b9: {  	v0 =	vadd.f32 v11, v0;
	v11 =	vld [tilespmem:$0x1FAB0]  }
0x4ba: {  	v6 =	vadd.f32 v12, v6;
	v12 =	vld [tilespmem:$0x1FA90];
	_ =	sdelay $0x2  }
0x4bb: {  	v13 =	vmul.f32 v13, v50  }
0x4bc: {  	v11 =	vmul.f32 v11, v48  }
0x4bd: {  	v9 =	vadd.f32 v13, v9;
	v13 =	vld [tilespmem:$0x1FA40];
	v12 =	vmul.f32 v12, v48  }
0x4be: {  	v5 =	vadd.f32 v11, v5;
	v11 =	vld [tilespmem:$0x1FAE0]  }
0x4bf: {  	v8 =	vadd.f32 v12, v8;
	v12 =	vld [tilespmem:$0x1FAC0];
	_ =	sdelay $0x2  }
0x4c0: {  	v13 =	vmul.f32 v13, v49  }
0x4c1: {  	v11 =	vmul.f32 v11, v48  }
0x4c2: {  	v9 =	vadd.f32 v13, v9;
	v12 =	vmul.f32 v12, v48  }
0x4c3: {  	v6 =	vadd.f32 v11, v6;
	v11 =	vld [tilespmem:$0x1FB10]  }
0x4c4: {  	v9 =	vadd.f32 v12, v9;
	v12 =	vld [tilespmem:$0x1FB00];
	_ =	sdelay $0x1  }
0x4c5: {  	v14 =	vld [tilespmem:$0x1FA50];
	_ =	sdelay $0x1  }
0x4c6: {  	v13 =	vld [tilespmem:$0x1FAD0];
	v11 =	vmul.f32 v11, v47  }
0x4c7: {  	v12 =	vmul.f32 v12, v48  }
0x4c8: {  	v8 =	vadd.f32 v11, v8;
	v11 =	vld [tilespmem:$0x1FB50]  }
0x4c9: {  	v14 =	vmul.f32 v14, v49;
	v0 =	vadd.f32 v12, v0;
	v12 =	vld [tilespmem:$0x1FB30];
	_ =	sdelay $0x1  }
0x4ca: {  	v15 =	vld [tilespmem:$0x1FA70];
	v13 =	vmul.f32 v13, v48;
	v10 =	vadd.f32 v14, v10;
	_ =	sdelay $0x1  }
0x4cb: {  	v14 =	vld [tilespmem:$0x1FAF0];
	v10 =	vadd.f32 v13, v10;
	v11 =	vmul.f32 v11, v47  }
0x4cc: {  	v12 =	vmul.f32 v12, v47  }
0x4cd: {  	v10 =	vadd.f32 v11, v10;
	v11 =	vld [tilespmem:$0x1FB90]  }
0x4ce: {  	v15 =	vmul.f32 v15, v49;
	v5 =	vadd.f32 v12, v5;
	v12 =	vld [tilespmem:$0x1FB70];
	_ =	sdelay $0x1  }
0x4cf: {  	v7 =	vadd.f32 v15, v7;
	v14 =	vmul.f32 v14, v48;
	_ =	sdelay $0x1  }
0x4d0: {  	v7 =	vadd.f32 v14, v7;
	v14 =	vld [tilespmem:$0x1FB60];
	v11 =	vmul.f32 v11, v46  }
0x4d1: {  	v12 =	vmul.f32 v12, v47  }
0x4d2: {  	v8 =	vadd.f32 v11, v8;
	v11 =	vld [tilespmem:$0x1FBE0]  }
0x4d3: {  	v7 =	vadd.f32 v12, v7;
	v12 =	vld [tilespmem:$0x1FBB0];
	_ =	sdelay $0x1  }
0x4d4: {  	v14 =	vmul.f32 v14, v47;
	_ =	sdelay $0x1  }
0x4d5: {  	v13 =	vld [tilespmem:$0x1FB40];
	v6 =	vadd.f32 v14, v6;
	v11 =	vmul.f32 v11, v46  }
0x4d6: {  	v15 =	vld [tilespmem:$0x1FB80];
	v12 =	vmul.f32 v12, v46  }
0x4d7: {  	v6 =	vadd.f32 v11, v6;
	v11 =	vld [tilespmem:$0x1FC10]  }
0x4d8: {  	v5 =	vadd.f32 v12, v5;
	v12 =	vld [tilespmem:$0x1FC00];
	_ =	sdelay $0x1  }
0x4d9: {  	v13 =	vmul.f32 v13, v47  }
0x4da: {  	v15 =	vmul.f32 v15, v47  }
0x4db: {  	v9 =	vadd.f32 v13, v9;
	v13 =	vld [tilespmem:$0x1FBC0];
	v11 =	vmul.f32 v11, v45  }
0x4dc: {  	v0 =	vadd.f32 v15, v0;
	v12 =	vmul.f32 v12, v46  }
0x4dd: {  	v8 =	vadd.f32 v11, v8;
	v11 =	vld [tilespmem:$0x1FC40]  }
0x4de: {  	v0 =	vadd.f32 v12, v0;
	v12 =	vld [tilespmem:$0x1FC30];
	_ =	sdelay $0x1  }
0x4df: {  	v13 =	vmul.f32 v13, v46;
	_ =	sdelay $0x1  }
0x4e0: {  	v9 =	vadd.f32 v13, v9;
	v11 =	vmul.f32 v11, v45  }
0x4e1: {  	v12 =	vmul.f32 v12, v45  }
0x4e2: {  	v9 =	vadd.f32 v11, v9;
	v11 =	vld [tilespmem:$0x1FC80]  }
0x4e3: {  	v5 =	vadd.f32 v12, v5;
	v12 =	vld [tilespmem:$0x1FC60];
	_ =	sdelay $0x3  }
0x4e4: {  	v14 =	vld [tilespmem:$0x1FBD0];
	v11 =	vmul.f32 v11, v45  }
0x4e5: {  	v12 =	vmul.f32 v12, v45  }
0x4e6: {  	v0 =	vadd.f32 v11, v0;
	v11 =	vld [tilespmem:$0x1FCB0]  }
0x4e7: {  	v6 =	vadd.f32 v12, v6;
	v12 =	vld [tilespmem:$0x1FC90];
	_ =	sdelay $0x1  }
0x4e8: {  	v15 =	vld [tilespmem:$0x1FBF0];
	v14 =	vmul.f32 v14, v46;
	_ =	sdelay $0x1  }
0x4e9: {  	v10 =	vadd.f32 v14, v10;
	v14 =	vld [tilespmem:$0x1FC70];
	v11 =	vmul.f32 v11, v44  }
0x4ea: {  	v13 =	vld [tilespmem:$0x1FC50];
	v12 =	vmul.f32 v12, v44  }
0x4eb: {  	v5 =	vadd.f32 v11, v5;
	v11 =	vld [tilespmem:$0x1FCF0]  }
0x4ec: {  	v15 =	vmul.f32 v15, v46;
	v8 =	vadd.f32 v12, v8;
	v12 =	vld [tilespmem:$0x1FCD0];
	_ =	sdelay $0x1  }
0x4ed: {  	v7 =	vadd.f32 v15, v7;
	v14 =	vmul.f32 v14, v45  }
0x4ee: {  	v13 =	vmul.f32 v13, v45  }
0x4ef: {  	v7 =	vadd.f32 v14, v7;
	v11 =	vmul.f32 v11, v44  }
0x4f0: {  	v10 =	vadd.f32 v13, v10;
	v12 =	vmul.f32 v12, v44  }
0x4f1: {  	v7 =	vadd.f32 v11, v7;
	v11 =	vld [tilespmem:$0x1FD30]  }
0x4f2: {  	v10 =	vadd.f32 v12, v10;
	v12 =	vld [tilespmem:$0x1FD10];
	_ =	sdelay $0x3  }
0x4f3: {  	v15 =	vld [tilespmem:$0x1FD00];
	v11 =	vmul.f32 v11, v43  }
0x4f4: {  	v14 =	vld [tilespmem:$0x1FCE0];
	v12 =	vmul.f32 v12, v43  }
0x4f5: {  	v5 =	vadd.f32 v11, v5;
	v11 =	vld [tilespmem:$0x1FD80]  }
0x4f6: {  	v8 =	vadd.f32 v12, v8;
	v12 =	vld [tilespmem:$0x1FD60];
	_ =	sdelay $0x1  }
0x4f7: {  	v15 =	vmul.f32 v15, v44  }
0x4f8: {  	v14 =	vmul.f32 v14, v44  }
0x4f9: {  	v0 =	vadd.f32 v15, v0;
	v11 =	vmul.f32 v11, v43  }
0x4fa: {  	v13 =	vld [tilespmem:$0x1FCC0];
	v6 =	vadd.f32 v14, v6;
	v12 =	vmul.f32 v12, v43  }
0x4fb: {  	v0 =	vadd.f32 v11, v0;
	v11 =	vld [tilespmem:$0x1FDB0]  }
0x4fc: {  	v6 =	vadd.f32 v12, v6;
	v12 =	vld [tilespmem:$0x1FD90];
	_ =	sdelay $0x2  }
0x4fd: {  	v13 =	vmul.f32 v13, v44  }
0x4fe: {  	v11 =	vmul.f32 v11, v42  }
0x4ff: {  	v9 =	vadd.f32 v13, v9;
	v13 =	vld [tilespmem:$0x1FD40];
	v12 =	vmul.f32 v12, v42  }
0x500: {  	v5 =	vadd.f32 v11, v5;
	v11 =	vld [tilespmem:$0x1FDE0]  }
0x501: {  	v8 =	vadd.f32 v12, v8;
	v12 =	vld [tilespmem:$0x1FDC0];
	_ =	sdelay $0x2  }
0x502: {  	v13 =	vmul.f32 v13, v43  }
0x503: {  	v11 =	vmul.f32 v11, v42  }
0x504: {  	v9 =	vadd.f32 v13, v9;
	v12 =	vmul.f32 v12, v42  }
0x505: {  	v6 =	vadd.f32 v11, v6;
	v11 =	vld [tilespmem:$0x1FE10]  }
0x506: {  	v9 =	vadd.f32 v12, v9;
	v12 =	vld [tilespmem:$0x1FE00];
	_ =	sdelay $0x1  }
0x507: {  	v14 =	vld [tilespmem:$0x1FD50];
	_ =	sdelay $0x1  }
0x508: {  	v13 =	vld [tilespmem:$0x1FDD0];
	v11 =	vmul.f32 v11, v41  }
0x509: {  	v12 =	vmul.f32 v12, v42  }
0x50a: {  	v8 =	vadd.f32 v11, v8;
	v11 =	vld [tilespmem:$0x1FE50]  }
0x50b: {  	v14 =	vmul.f32 v14, v43;
	v0 =	vadd.f32 v12, v0;
	v12 =	vld [tilespmem:$0x1FE30];
	_ =	sdelay $0x1  }
0x50c: {  	v15 =	vld [tilespmem:$0x1FD70];
	v13 =	vmul.f32 v13, v42;
	v10 =	vadd.f32 v14, v10;
	_ =	sdelay $0x1  }
0x50d: {  	v14 =	vld [tilespmem:$0x1FDF0];
	v10 =	vadd.f32 v13, v10;
	v11 =	vmul.f32 v11, v41  }
0x50e: {  	v12 =	vmul.f32 v12, v41  }
0x50f: {  	v10 =	vadd.f32 v11, v10;
	v11 =	vld [tilespmem:$0x1FE90]  }
0x510: {  	v15 =	vmul.f32 v15, v43;
	v5 =	vadd.f32 v12, v5;
	v12 =	vld [tilespmem:$0x1FE70];
	_ =	sdelay $0x1  }
0x511: {  	v7 =	vadd.f32 v15, v7;
	v14 =	vmul.f32 v14, v42;
	_ =	sdelay $0x1  }
0x512: {  	v7 =	vadd.f32 v14, v7;
	v14 =	vld [tilespmem:$0x1FE60];
	v11 =	vmul.f32 v11, v40  }
0x513: {  	v12 =	vmul.f32 v12, v41  }
0x514: {  	v8 =	vadd.f32 v11, v8;
	v11 =	vld [tilespmem:$0x1FEE0]  }
0x515: {  	v7 =	vadd.f32 v12, v7;
	v12 =	vld [tilespmem:$0x1FEB0];
	_ =	sdelay $0x1  }
0x516: {  	v14 =	vmul.f32 v14, v41;
	_ =	sdelay $0x1  }
0x517: {  	v13 =	vld [tilespmem:$0x1FE40];
	v6 =	vadd.f32 v14, v6;
	v11 =	vmul.f32 v11, v40  }
0x518: {  	v15 =	vld [tilespmem:$0x1FE80];
	v12 =	vmul.f32 v12, v40  }
0x519: {  	v6 =	vadd.f32 v11, v6;
	v11 =	vld [tilespmem:$0x1FF10]  }
0x51a: {  	v5 =	vadd.f32 v12, v5;
	v12 =	vld [tilespmem:$0x1FF00];
	_ =	sdelay $0x1  }
0x51b: {  	v13 =	vmul.f32 v13, v41  }
0x51c: {  	v15 =	vmul.f32 v15, v41  }
0x51d: {  	v9 =	vadd.f32 v13, v9;
	v13 =	vld [tilespmem:$0x1FEC0];
	v11 =	vmul.f32 v11, v39  }
0x51e: {  	v0 =	vadd.f32 v15, v0;
	v12 =	vmul.f32 v12, v40  }
0x51f: {  	v8 =	vadd.f32 v11, v8;
	v11 =	vld [tilespmem:$0x1FF40]  }
0x520: {  	v0 =	vadd.f32 v12, v0;
	v12 =	vld [tilespmem:$0x1FF30];
	_ =	sdelay $0x1  }
0x521: {  	v13 =	vmul.f32 v13, v40;
	_ =	sdelay $0x1  }
0x522: {  	v14 =	vld [tilespmem:$0x1FED0];
	v9 =	vadd.f32 v13, v9;
	v11 =	vmul.f32 v11, v39  }
0x523: {  	v12 =	vmul.f32 v12, v39  }
0x524: {  	v9 =	vadd.f32 v11, v9;
	v11 =	vld [tilespmem:$0x1FF80]  }
0x525: {  	v5 =	vadd.f32 v12, v5;
	v12 =	vld [tilespmem:$0x1FF60];
	_ =	sdelay $0x1  }
0x526: {  	v15 =	vld [tilespmem:$0x1FEF0];
	v14 =	vmul.f32 v14, v40  }
0x527: {  	v13 =	vld [tilespmem:$0x1FF50]  }
0x528: {  	v10 =	vadd.f32 v14, v10;
	v14 =	vld [tilespmem:$0x1FF70];
	v11 =	vmul.f32 v11, v39  }
0x529: {  	v12 =	vmul.f32 v12, v39  }
0x52a: {  	v0 =	vadd.f32 v11, v0;
	v11 =	vld [tilespmem:$0x1FFA0]  }
0x52b: {  	v15 =	vmul.f32 v15, v40;
	v6 =	vadd.f32 v12, v6;
	v12 =	vmul.f32 v30, v38  }
0x52c: {  	v13 =	vmul.f32 v13, v39  }
0x52d: {  	v7 =	vadd.f32 v15, v7;
	v14 =	vmul.f32 v14, v39;
	v8 =	vadd.f32 v12, v8;
	v12 =	vld [tilespmem:$0x1FFC0]  }
0x52e: {  	v10 =	vadd.f32 v13, v10;
	v13 =	vld [tilespmem:$0x1FFB0]  }
0x52f: {  	v7 =	vadd.f32 v14, v7;
	v14 =	vld [tilespmem:$0x1FFD0];
	v11 =	vmul.f32 v11, v38;
	_ =	sdelay $0x1  }
0x530: {  	v5 =	vadd.f32 v11, v5;
	v11 =	vld [tilespmem:$0x1FFE0]  }
0x531: {  	v12 =	vmul.f32 v12, v38  }
0x532: {  	v13 =	vmul.f32 v13, v38  }
0x533: {  	v14 =	vmul.f32 v14, v38;
	v10 =	vadd.f32 v12, v10  }
0x534: {  	v9 =	vadd.f32 v13, v9;
	v12 =	vperm.xlane v8, v1  }
0x535: {  	v6 =	vadd.f32 v14, v6;
	v14 =	vperm.xlane v10, v1;
	v11 =	vmul.f32 v11, v38  }
0x536: {  	v15 =	vmul.f32 v29, v38;
	v13 =	vperm.xlane v9, v1;
	v8 =	vadd.f32 v12, v8  }
0x537: {  	v10 =	vadd.f32 v14, v10;
	v7 =	vadd.f32 v11, v7;
	v11 =	vperm.xlane v5, v1  }
0x538: {  	v9 =	vadd.f32 v13, v9;
	v0 =	vadd.f32 v15, v0;
	v12 =	vperm.xlane v6, v1  }
0x539: {  	v13 =	vperm.xlane v8, v2;
	v14 =	vperm.xlane v10, v2;
	v5 =	vadd.f32 v11, v5  }
0x53a: {  	v15 =	vperm.xlane v7, v1;
	v11 =	vperm.xlane v0, v1  }
0x53b: {  	v6 =	vadd.f32 v12, v6;
	v10 =	vadd.f32 v14, v10;
	v12 =	vperm.xlane v5, v2  }
0x53c: {  	p0 =	sne.s32 s13, $0xF;
	v7 =	vadd.f32 v15, v7;
	v11 =	vadd.f32 v11, v0;
	v0 =	vperm.xlane v9, v2  }
.Ltmp1:
0x53d: {  	v13 =	vadd.f32 v13, v8;
	v8 =	vadd.f32 v12, v5;
	v5 =	vperm.xlane v6, v2;
	(pc) =	sbr.rel @p0 .LBB2_3-.Ltmp1, $4  }
0x53e: {  	v39 =	vperm.xlane v10, v3;
	v12 =	vperm.xlane v7, v2;
	v9 =	vadd.f32 v0, v9  }
0x53f: {  	v15 =	vperm.xlane v13, v3;
	v14 =	vperm.xlane v11, v2;
	v6 =	vadd.f32 v5, v6  }
0x540: {  	s12 =	smov.u32 s13;
	v0 =	vadd.f32 v12, v7;
	v38 =	vperm.xlane v8, v3;
	v12 =	vperm.xlane v9, v3  }
0x541: {  	s13 =	sadd.s32 $0x1, s13;
	s14 =	sshrl.u32 s12, $0x3;
	v5 =	vadd.f32 v14, v11;
	v7 =	vadd.f32 v15, v13;
	v11 =	vperm.xlane v6, v3  }
0x542: {  	v24 =	vld [tilespmem:$0x1E760]  }
0x543: {  	v26 =	vld [tilespmem:$0x1E770]  }
0x544: {  	v28 =	vld [tilespmem:$0x1E780]  }
0x545: {  	v8 =	vadd.f32 v38, v8;
	v38 =	vld [tilespmem:$0x1E7C0]  }
0x546: {  	s13 =	smul.u32 $0x6000, s14;
	v45 =	vld [tilespmem:$0x1E870]  }
0x547: {  	s11 =	sadd.s32 $0x80, s11;
	v46 =	vld [tilespmem:$0x1E880]  }
0x548: {  	v47 =	vld [tilespmem:$0x1E8B0];
	s11 =	sand.u32 $0x380, s11;
	s13 =	sshra.s32 s13, $0x2  }
0x549: {  	v48 =	vld [tilespmem:$0x1E8A0];
	s11 =	sor.u32 s11, s13  }
0x54a: {  	v13 =	vld [tilespmem:s11+$0x0]  }
0x54b: {  	v49 =	vld [tilespmem:$0x1E8C0];
	v15 =	vperm.xlane v7, v4  }
0x54c: {  	v61 =	vperm.xlane v8, v4;
	v16 =	vld [tilespmem:s11+$0x10]  }
0x54d: {  	v9 =	vadd.f32 v12, v9;
	v50 =	vld [tilespmem:$0x1E8D0];
	v7 =	vadd.f32 v15, v7  }
0x54e: {  	v6 =	vadd.f32 v11, v6;
	v63 =	vld [tilespmem:s11+$0x20];
	v8 =	vadd.f32 v61, v8  }
0x54f: {  	v60 =	vperm.xlane v0, v3;
	v12 =	vld [tilespmem:s11+$0x30];
	v7 =	vsel vm0, v7, v37;
	v11 =	vmul.f32 v24, v13  }
0x550: {  	[tilespmem:$0x1E750] =	vst v7;
	v7 =	vperm.xlane v6, v4;
	v37 =	vsel vm0, v8, v36;
	v36 =	vld [tilespmem:$0x1E7A0]  }
0x551: {  	v51 =	vld [tilespmem:$0x1E8E0];
	v0 =	vadd.f32 v60, v0;
	v15 =	vmul.f32 v26, v16;
	v11 =	vadd.f32 $0.0e+00, v11  }
0x552: {  	v52 =	vld [tilespmem:$0x1E910];
	v6 =	vadd.f32 v7, v6  }
0x553: {  	v54 =	vld [tilespmem:$0x1E920];
	v7 =	vperm.xlane v0, v4;
	v27 =	vadd.f32 v15, v11;
	v11 =	vmul.f32 v28, v63  }
0x554: {  	v10 =	vadd.f32 v39, v10;
	v55 =	vld [tilespmem:$0x1E900];
	v14 =	vperm.xlane v5, v3  }
0x555: {  	v58 =	vld [tilespmem:$0x1E960];
	v0 =	vadd.f32 v7, v0;
	v8 =	vmul.f32 v36, v12;
	v7 =	vadd.f32 v11, v27  }
0x556: {  	v25 =	vperm.xlane v10, v4;
	v5 =	vadd.f32 v14, v5;
	v18 =	vld [tilespmem:s11+$0x40]  }
0x557: {  	v36 =	vsel vm0, v6, v34;
	v6 =	vadd.f32 v8, v7;
	v7 =	vld [tilespmem:$0x1E7E0]  }
0x558: {  	v10 =	vadd.f32 v25, v10;
	v25 =	vld [tilespmem:$0x1E930];
	v17 =	vperm.xlane v5, v4  }
0x559: {  	v62 =	vperm.xlane v9, v4;
	v61 =	vld [tilespmem:$0x1E980]  }
0x55a: {  	v53 =	vadd.f32 v17, v5;
	v5 =	vld [tilespmem:$0x1E790]  }
0x55b: {  	v9 =	vadd.f32 v62, v9;
	v62 =	vld [tilespmem:$0x1E990]  }
0x55c: {  	v60 =	vld [tilespmem:s11+$0x820];
	v7 =	vmul.f32 v7, v18  }
0x55d: {  	v24 =	vld [tilespmem:$0x1E890]  }
0x55e: {  	v39 =	vadd.f32 v7, v6;
	v6 =	vld [tilespmem:$0x1E7D0]  }
0x55f: {  	v5 =	vmul.f32 v5, v13;
	v7 =	vld [tilespmem:$0x1E810]  }
0x560: {  	v26 =	vld [tilespmem:$0x1E950]  }
0x561: {  	v35 =	vsel vm0, v9, v35;
	v9 =	vmul.f32 v38, v16;
	v38 =	vld [tilespmem:s11+$0x470];
	v5 =	vadd.f32 $0.0e+00, v5  }
0x562: {  	v34 =	vsel vm0, v0, v32;
	v32 =	vld [tilespmem:s11+$0x410]  }
0x563: {  	v0 =	vadd.f32 v9, v5;
	v5 =	vld [tilespmem:$0x1E7B0];
	v6 =	vmul.f32 v6, v13  }
0x564: {  	v40 =	vmul.f32 v7, v13;
	v7 =	vld [tilespmem:$0x1E830]  }
0x565: {  	v43 =	vadd.f32 $0.0e+00, v6;
	v6 =	vld [tilespmem:$0x1E7F0]  }
0x566: {  	v28 =	vld [tilespmem:$0x1E9C0]  }
0x567: {  	v14 =	vmul.f32 v26, v63;
	v26 =	vld [tilespmem:$0x1E9D0]  }
0x568: {  	v27 =	vld [tilespmem:$0x1E9E0]  }
0x569: {  	v5 =	vmul.f32 v5, v13;
	v41 =	vmul.f32 v7, v13;
	v7 =	vld [tilespmem:$0x1E840]  }
0x56a: {  	v20 =	vmul.f32 v6, v16;
	v6 =	vld [tilespmem:$0x1E800]  }
0x56b: {  	v8 =	vld [tilespmem:s11+$0x50];
	v5 =	vadd.f32 $0.0e+00, v5  }
0x56c: {  	v33 =	vsel vm0, v10, v33;
	v10 =	vadd.f32 $0.0e+00, v40;
	v40 =	vld [tilespmem:s11+$0x430]  }
0x56d: {  	v20 =	vadd.f32 v20, v5;
	v5 =	vld [tilespmem:$0x1E860]  }
0x56e: {  	v11 =	vadd.f32 $0.0e+00, v41;
	v41 =	vld [tilespmem:s11+$0x420]  }
0x56f: {  	v42 =	vmul.f32 v7, v13;
	v21 =	vmul.f32 v6, v16;
	v6 =	vld [tilespmem:$0x1E850]  }
0x570: {  	v7 =	vld [tilespmem:s11+$0x60]  }
0x571: {  	v15 =	vadd.f32 $0.0e+00, v42;
	v42 =	vld [tilespmem:$0x1E9F0]  }
0x572: {  	v44 =	vmul.f32 v5, v16;
	v5 =	vld [tilespmem:s11+$0x400]  }
0x573: {  	v13 =	vmul.f32 v24, v13;
	v17 =	vadd.f32 v21, v43;
	v43 =	vld [tilespmem:$0x1EA00]  }
0x574: {  	v11 =	vadd.f32 v44, v11;
	v44 =	vld [tilespmem:$0x1EA10];
	v22 =	vmul.f32 v6, v16  }
0x575: {  	v13 =	vadd.f32 $0.0e+00, v13;
	v6 =	vld [tilespmem:$0x1E820]  }
0x576: {  	v10 =	vadd.f32 v22, v10;
	v22 =	vmul.f32 v45, v16;
	v16 =	vmul.f32 v47, v16;
	v45 =	vld [tilespmem:$0x1EA30]  }
0x577: {  	v47 =	vld [tilespmem:$0x1EA40]  }
0x578: {  	v13 =	vadd.f32 v16, v13;
	v16 =	vmul.f32 v49, v63;
	v49 =	vld [tilespmem:$0x1EA70]  }
0x579: {  	v15 =	vadd.f32 v22, v15;
	v22 =	vmul.f32 v51, v5;
	v51 =	vld [tilespmem:$0x1EA90]  }
0x57a: {  	v25 =	vmul.f32 v25, v63;
	v23 =	vmul.f32 v6, v8;
	v6 =	vld [tilespmem:s11+$0x70]  }
0x57b: {  	v16 =	vadd.f32 v16, v0;
	v0 =	vld [tilespmem:$0x1E8F0]  }
0x57c: {  	v15 =	vadd.f32 v25, v15;
	v25 =	vld [tilespmem:$0x1E9B0]  }
0x57d: {  	v9 =	vadd.f32 v23, v39;
	v23 =	vmul.f32 v46, v7;
	v39 =	vld [tilespmem:s11+$0x440]  }
0x57e: {  	v13 =	vadd.f32 v14, v13;
	v46 =	vld [tilespmem:$0x1EA20]  }
0x57f: {  	v14 =	vmul.f32 v47, v18;
	v47 =	vld [tilespmem:$0x1EB80];
	v9 =	vadd.f32 v23, v9;
	v23 =	vmul.f32 v52, v63  }
0x580: {  	v52 =	vld [tilespmem:$0x1EAA0];
	v21 =	vmul.f32 v48, v6;
	v0 =	vmul.f32 v0, v63  }
0x581: {  	v48 =	vld [tilespmem:$0x1EA50]  }
0x582: {  	v9 =	vadd.f32 v21, v9;
	v17 =	vadd.f32 v0, v17;
	v0 =	vld [tilespmem:$0x1E940]  }
0x583: {  	v10 =	vadd.f32 v23, v10;
	v23 =	vmul.f32 v26, v12;
	v26 =	vld [tilespmem:$0x1EB10]  }
0x584: {  	v24 =	vmul.f32 v55, v32;
	v21 =	vmul.f32 v50, v63;
	v50 =	vld [tilespmem:$0x1EA60];
	v9 =	vadd.f32 v22, v9  }
0x585: {  	v22 =	vmul.f32 v54, v63;
	v63 =	vld [tilespmem:s11+$0x460]  }
0x586: {  	v9 =	vadd.f32 v24, v9;
	v24 =	vld [tilespmem:$0x1E9A0]  }
0x587: {  	v56 =	vmul.f32 v0, v41;
	v0 =	vld [tilespmem:$0x1E970]  }
0x588: {  	v54 =	vld [tilespmem:$0x1EA80]  }
0x589: {  	v20 =	vadd.f32 v21, v20;
	v21 =	vmul.f32 v58, v40;
	v58 =	vld [tilespmem:$0x1EAB0];
	v9 =	vadd.f32 v56, v9  }
0x58a: {  	v11 =	vadd.f32 v22, v11;
	v56 =	vld [tilespmem:s11+$0xC00]  }
0x58b: {  	v22 =	vmul.f32 v24, v39;
	v9 =	vadd.f32 v21, v9;
	v21 =	vmul.f32 v62, v12;
	v62 =	vld [tilespmem:s11+$0x800]  }
0x58c: {  	v57 =	vmul.f32 v0, v12;
	v0 =	vld [tilespmem:s11+$0x450]  }
0x58d: {  	v9 =	vadd.f32 v22, v9;
	v22 =	vmul.f32 v27, v12;
	v27 =	vld [tilespmem:$0x1EB30]  }
0x58e: {  	v17 =	vadd.f32 v21, v17;
	v21 =	vmul.f32 v46, v38;
	v46 =	vld [tilespmem:$0x1EB70]  }
0x58f: {  	v59 =	vadd.f32 v57, v16;
	v16 =	vmul.f32 v61, v12;
	v61 =	vld [tilespmem:s11+$0x810]  }
0x590: {  	v57 =	vld [tilespmem:s11+$0x860]  }
0x591: {  	v15 =	vadd.f32 v22, v15;
	v22 =	vmul.f32 v48, v18;
	v48 =	vld [tilespmem:$0x1EB90]  }
0x592: {  	v16 =	vadd.f32 v16, v20;
	v20 =	vmul.f32 v25, v12;
	v25 =	vld [tilespmem:$0x1EB00]  }
0x593: {  	v12 =	vmul.f32 v42, v12;
	v42 =	vld [tilespmem:$0x1EB50]  }
0x594: {  	v11 =	vadd.f32 v23, v11;
	v23 =	vmul.f32 v50, v62;
	v50 =	vld [tilespmem:$0x1EBC0]  }
0x595: {  	v24 =	vmul.f32 v28, v0;
	v28 =	vld [tilespmem:$0x1EB20]  }
0x596: {  	v12 =	vadd.f32 v12, v13;
	v13 =	vmul.f32 v44, v18;
	v44 =	vld [tilespmem:$0x1EB40]  }
0x597: {  	v9 =	vadd.f32 v24, v9;
	v24 =	vmul.f32 v51, v18;
	v51 =	vld [tilespmem:$0x1EBA0]  }
0x598: {  	v14 =	vadd.f32 v14, v17;
	v10 =	vadd.f32 v20, v10;
	v17 =	vmul.f32 v54, v61;
	v54 =	vld [tilespmem:$0x1EBF0]  }
0x599: {  	v20 =	vmul.f32 v43, v63;
	v13 =	vadd.f32 v13, v59;
	v59 =	vld [tilespmem:s11+$0x830]  }
0x59a: {  	v10 =	vadd.f32 v22, v10;
	v22 =	vld [tilespmem:$0x1EAD0]  }
0x59b: {  	v9 =	vadd.f32 v20, v9;
	v15 =	vadd.f32 v24, v15;
	v24 =	vld [tilespmem:$0x1EAE0]  }
0x59c: {  	v20 =	vmul.f32 v45, v18;
	v45 =	vld [tilespmem:$0x1EB60]  }
0x59d: {  	v9 =	vadd.f32 v21, v9;
	v21 =	vmul.f32 v49, v18;
	v49 =	vld [tilespmem:$0x1EBB0]  }
0x59e: {  	v18 =	vmul.f32 v52, v18;
	v52 =	vld [tilespmem:$0x1EBD0]  }
0x59f: {  	v55 =	vadd.f32 v21, v11;
	v11 =	vmul.f32 v58, v8;
	v21 =	vld [tilespmem:$0x1EAC0]  }
0x5a0: {  	v16 =	vadd.f32 v20, v16;
	v58 =	vld [tilespmem:s11+$0x840];
	v18 =	vadd.f32 v18, v12  }
0x5a1: {  	v12 =	vld [tilespmem:s11+$0x850];
	v13 =	vadd.f32 v11, v13;
	v11 =	vmul.f32 v22, v8;
	v22 =	vmul.f32 v26, v8  }
0x5a2: {  	v9 =	vadd.f32 v23, v9;
	v23 =	vld [tilespmem:$0x1EAF0]  }
0x5a3: {  	v16 =	vadd.f32 v11, v16;
	v11 =	vmul.f32 v25, v8;
	v20 =	vadd.f32 v22, v55;
	v55 =	vld [tilespmem:s11+$0xC10]  }
0x5a4: {  	v9 =	vadd.f32 v17, v9;
	v22 =	vmul.f32 v49, v7;
	v49 =	vld [tilespmem:$0x1EC70];
	v17 =	vmul.f32 v21, v60  }
0x5a5: {  	v21 =	vmul.f32 v24, v59;
	v24 =	vmul.f32 v52, v7;
	v52 =	vld [tilespmem:$0x1EC60]  }
0x5a6: {  	v43 =	vadd.f32 v11, v10;
	v11 =	vld [tilespmem:s11+$0x870]  }
0x5a7: {  	v10 =	vmul.f32 v44, v12;
	v44 =	vld [tilespmem:$0x1EC20];
	v9 =	vadd.f32 v17, v9  }
0x5a8: {  	v17 =	vmul.f32 v23, v8;
	v23 =	vmul.f32 v28, v58;
	v28 =	vld [tilespmem:$0x1EC10]  }
0x5a9: {  	v9 =	vadd.f32 v21, v9;
	v21 =	vmul.f32 v27, v8;
	v8 =	vmul.f32 v42, v8;
	v27 =	vld [tilespmem:$0x1EBE0]  }
0x5aa: {  	v42 =	vld [tilespmem:$0x1EC00]  }
0x5ab: {  	v8 =	vadd.f32 v8, v18;
	v18 =	vmul.f32 v45, v7;
	v45 =	vld [tilespmem:$0x1EC30]  }
0x5ac: {  	v9 =	vadd.f32 v23, v9;
	v15 =	vadd.f32 v21, v15;
	v21 =	vmul.f32 v47, v57;
	v47 =	vld [tilespmem:$0x1EC50]  }
0x5ad: {  	v14 =	vadd.f32 v17, v14;
	v23 =	vmul.f32 v51, v11;
	v51 =	vld [tilespmem:$0x1EC80]  }
0x5ae: {  	v17 =	vadd.f32 v22, v43;
	v9 =	vadd.f32 v10, v9;
	v10 =	vmul.f32 v46, v7;
	v46 =	vld [tilespmem:$0x1EC40]  }
0x5af: {  	v13 =	vadd.f32 v18, v13;
	v15 =	vadd.f32 v24, v15;
	v24 =	vld [tilespmem:$0x1ED20]  }
0x5b0: {  	v18 =	vmul.f32 v48, v7;
	v43 =	vmul.f32 v42, v55;
	v42 =	vld [tilespmem:$0x1ECA0];
	v9 =	vadd.f32 v21, v9  }
0x5b1: {  	v21 =	vmul.f32 v50, v7;
	v7 =	vmul.f32 v54, v7;
	v16 =	vadd.f32 v10, v16;
	v10 =	vld [tilespmem:s11+$0xC20]  }
0x5b2: {  	v14 =	vadd.f32 v18, v14;
	v18 =	vmul.f32 v27, v56;
	v54 =	vld [tilespmem:s11+$0xC30];
	v9 =	vadd.f32 v23, v9  }
0x5b3: {  	v20 =	vadd.f32 v21, v20;
	v21 =	vmul.f32 v28, v6;
	v28 =	vld [tilespmem:$0x1EC90]  }
0x5b4: {  	v27 =	vld [tilespmem:$0x1ED30];
	v18 =	vadd.f32 v18, v9  }
0x5b5: {  	v50 =	vmul.f32 v49, v6;
	v49 =	vld [tilespmem:s11+$0x1040];
	v7 =	vadd.f32 v7, v8;
	v8 =	vmul.f32 v44, v6  }
0x5b6: {  	v48 =	vmul.f32 v47, v6;
	v44 =	vld [tilespmem:$0x1ECD0];
	v22 =	vmul.f32 v46, v10;
	v18 =	vadd.f32 v43, v18  }
0x5b7: {  	v13 =	vadd.f32 v21, v13;
	v9 =	vld [tilespmem:s11+$0xC40];
	v21 =	vmul.f32 v45, v6;
	v16 =	vadd.f32 v8, v16  }
0x5b8: {  	v8 =	vld [tilespmem:s11+$0xC50];
	v18 =	vadd.f32 v22, v18;
	v22 =	vmul.f32 v51, v6;
	v6 =	vmul.f32 v28, v6  }
0x5b9: {  	v45 =	vld [tilespmem:$0x1ECC0]  }
0x5ba: {  	v43 =	vadd.f32 v6, v7;
	v6 =	vld [tilespmem:$0x1ECB0]  }
0x5bb: {  	v25 =	vmul.f32 v52, v54;
	v52 =	vld [tilespmem:s11+$0xC60]  }
0x5bc: {  	v17 =	vadd.f32 v48, v17;
	v51 =	vld [tilespmem:$0x1ED00]  }
0x5bd: {  	v48 =	vld [tilespmem:$0x1EDF0];
	v14 =	vadd.f32 v21, v14;
	v21 =	vmul.f32 v42, v9;
	v18 =	vadd.f32 v25, v18  }
0x5be: {  	v20 =	vadd.f32 v50, v20;
	v50 =	vld [tilespmem:$0x1ED10]  }
0x5bf: {  	v28 =	vld [tilespmem:$0x1ED40];
	v23 =	vmul.f32 v45, v8;
	v18 =	vadd.f32 v21, v18;
	v6 =	vmul.f32 v6, v5  }
0x5c0: {  	v42 =	vld [tilespmem:$0x1ED90]  }
0x5c1: {  	v26 =	vmul.f32 v51, v52;
	v18 =	vadd.f32 v23, v18;
	v13 =	vadd.f32 v6, v13;
	v6 =	vld [tilespmem:$0x1ECE0]  }
0x5c2: {  	v45 =	vld [tilespmem:$0x1EDB0]  }
0x5c3: {  	v18 =	vadd.f32 v26, v18;
	v26 =	vld [tilespmem:$0x1ED50]  }
0x5c4: {  	v7 =	vld [tilespmem:s11+$0xC70]  }
0x5c5: {  	v27 =	vmul.f32 v27, v5;
	v15 =	vadd.f32 v22, v15;
	v21 =	vmul.f32 v44, v5;
	v44 =	vld [tilespmem:$0x1EDA0]  }
0x5c6: {  	v23 =	vmul.f32 v50, v5;
	v46 =	vmul.f32 v6, v5;
	v6 =	vld [tilespmem:$0x1ECF0]  }
0x5c7: {  	v15 =	vadd.f32 v27, v15;
	v27 =	vld [tilespmem:$0x1ED60]  }
0x5c8: {  	v51 =	vld [tilespmem:s11+$0x1010];
	v20 =	vadd.f32 v23, v20;
	v23 =	vmul.f32 v26, v32  }
0x5c9: {  	v50 =	vld [tilespmem:s11+$0x1020]  }
0x5ca: {  	v25 =	vmul.f32 v45, v32;
	v45 =	vld [tilespmem:$0x1EE30];
	v13 =	vadd.f32 v23, v13;
	v23 =	vmul.f32 v44, v32  }
0x5cb: {  	v44 =	vld [tilespmem:$0x1EE20];
	v47 =	vmul.f32 v6, v5;
	v5 =	vmul.f32 v28, v5  }
0x5cc: {  	v6 =	vld [tilespmem:s11+$0x1000]  }
0x5cd: {  	v22 =	vadd.f32 v5, v43;
	v5 =	vld [tilespmem:$0x1ED70]  }
0x5ce: {  	v43 =	vld [tilespmem:$0x1ED80]  }
0x5cf: {  	v16 =	vadd.f32 v21, v16;
	v21 =	vmul.f32 v24, v7;
	v17 =	vadd.f32 v47, v17;
	v47 =	vld [tilespmem:$0x1EDC0]  }
0x5d0: {  	v14 =	vadd.f32 v46, v14;
	v46 =	vld [tilespmem:$0x1EDD0]  }
0x5d1: {  	v18 =	vadd.f32 v21, v18;
	v21 =	vmul.f32 v27, v6;
	v27 =	vmul.f32 v48, v32;
	v48 =	vld [tilespmem:s11+$0x1050]  }
0x5d2: {  	v28 =	vmul.f32 v5, v32;
	v5 =	vld [tilespmem:s11+$0x1030]  }
0x5d3: {  	v18 =	vadd.f32 v21, v18;
	v21 =	vmul.f32 v42, v32;
	v24 =	vmul.f32 v43, v51;
	v42 =	vld [tilespmem:$0x1EE00]  }
0x5d4: {  	v26 =	vmul.f32 v47, v50;
	v47 =	vld [tilespmem:s11+$0x1060]  }
0x5d5: {  	v18 =	vadd.f32 v24, v18;
	v24 =	vmul.f32 v46, v32;
	v32 =	vld [tilespmem:$0x1EDE0]  }
0x5d6: {  	v43 =	vld [tilespmem:$0x1EE10]  }
0x5d7: {  	v46 =	vld [tilespmem:$0x1EE50]  }
0x5d8: {  	v17 =	vadd.f32 v23, v17;
	v16 =	vadd.f32 v28, v16;
	v28 =	vld [tilespmem:$0x1EE60]  }
0x5d9: {  	v14 =	vadd.f32 v21, v14;
	v18 =	vadd.f32 v26, v18;
	v23 =	vmul.f32 v42, v41;
	v42 =	vld [tilespmem:$0x1EE40]  }
0x5da: {  	v15 =	vadd.f32 v24, v15;
	v24 =	vmul.f32 v44, v49;
	v44 =	vld [tilespmem:$0x1EE90];
	v21 =	vmul.f32 v32, v5  }
0x5db: {  	v32 =	vld [tilespmem:s11+$0x1070]  }
0x5dc: {  	v18 =	vadd.f32 v21, v18;
	v21 =	vmul.f32 v43, v41;
	v43 =	vld [tilespmem:$0x1EE70]  }
0x5dd: {  	v20 =	vadd.f32 v25, v20;
	v13 =	vadd.f32 v23, v13;
	v25 =	vmul.f32 v46, v41;
	v46 =	vld [tilespmem:s11+$0x1400]  }
0x5de: {  	v23 =	vmul.f32 v45, v41;
	v45 =	vld [tilespmem:$0x1EE80];
	v26 =	vmul.f32 v42, v48;
	v18 =	vadd.f32 v24, v18  }
0x5df: {  	v17 =	vadd.f32 v25, v17;
	v25 =	vld [tilespmem:$0x1EEB0]  }
0x5e0: {  	v24 =	vmul.f32 v28, v41;
	v18 =	vadd.f32 v26, v18;
	v26 =	vld [tilespmem:$0x1EEA0]  }
0x5e1: {  	v22 =	vadd.f32 v27, v22;
	v28 =	vmul.f32 v44, v41;
	v27 =	vmul.f32 v43, v41;
	v41 =	vld [tilespmem:$0x1EEE0]  }
0x5e2: {  	v42 =	vld [tilespmem:$0x1EEF0]  }
0x5e3: {  	v16 =	vadd.f32 v21, v16;
	v21 =	vmul.f32 v45, v47;
	v45 =	vld [tilespmem:s11+$0x1410]  }
0x5e4: {  	v15 =	vadd.f32 v27, v15;
	v27 =	vld [tilespmem:$0x1EEC0]  }
0x5e5: {  	v20 =	vadd.f32 v24, v20;
	v22 =	vadd.f32 v28, v22;
	v28 =	vld [tilespmem:$0x1EED0]  }
0x5e6: {  	v18 =	vadd.f32 v21, v18;
	v21 =	vmul.f32 v26, v32;
	v24 =	vmul.f32 v41, v46;
	v41 =	vld [tilespmem:$0x1EF00]  }
0x5e7: {  	v14 =	vadd.f32 v23, v14;
	v23 =	vmul.f32 v25, v40  }
0x5e8: {  	v18 =	vadd.f32 v21, v18  }
0x5e9: {  	v13 =	vadd.f32 v23, v13;
	v23 =	vmul.f32 v27, v40  }
0x5ea: {  	v21 =	vmul.f32 v28, v40;
	v28 =	vld [tilespmem:$0x1EF20];
	v18 =	vadd.f32 v24, v18  }
0x5eb: {  	v16 =	vadd.f32 v23, v16;
	v23 =	vmul.f32 v42, v40;
	v42 =	vld [tilespmem:$0x1EF30];
	v26 =	vmul.f32 v41, v45  }
0x5ec: {  	v44 =	vld [tilespmem:s11+$0x1420]  }
0x5ed: {  	v18 =	vadd.f32 v26, v18;
	v26 =	vld [tilespmem:$0x1EF40];
	_ =	sdelay $0x1  }
0x5ee: {  	v24 =	vmul.f32 v28, v40;
	v28 =	vld [tilespmem:$0x1EF70]  }
0x5ef: {  	v27 =	vmul.f32 v42, v40  }
0x5f0: {  	v43 =	vld [tilespmem:$0x1EF10]  }
0x5f1: {  	v14 =	vadd.f32 v21, v14;
	v22 =	vadd.f32 v27, v22;
	v27 =	vld [tilespmem:$0x1EF50];
	v21 =	vmul.f32 v26, v44;
	_ =	sdelay $0x1  }
0x5f2: {  	v18 =	vadd.f32 v21, v18;
	v21 =	vmul.f32 v28, v39;
	v28 =	vld [tilespmem:$0x1EF80];
	_ =	sdelay $0x1  }
0x5f3: {  	v25 =	vmul.f32 v43, v40;
	v43 =	vld [tilespmem:s11+$0x1430]  }
0x5f4: {  	v17 =	vadd.f32 v23, v17;
	v40 =	vld [tilespmem:$0x1EF60];
	v23 =	vmul.f32 v27, v39;
	_ =	sdelay $0x1  }
0x5f5: {  	v13 =	vadd.f32 v23, v13;
	v23 =	vmul.f32 v28, v39;
	v28 =	vld [tilespmem:$0x1EFB0];
	_ =	sdelay $0x2  }
0x5f6: {  	v15 =	vadd.f32 v24, v15;
	v24 =	vmul.f32 v40, v43  }
0x5f7: {  	v42 =	vld [tilespmem:s11+$0x1440]  }
0x5f8: {  	v18 =	vadd.f32 v24, v18;
	v24 =	vmul.f32 v28, v39;
	v28 =	vld [tilespmem:$0x1EFA0]  }
0x5f9: {  	v40 =	vld [tilespmem:$0x1EF90];
	_ =	sdelay $0x2  }
0x5fa: {  	v41 =	vld [tilespmem:s11+$0x1450]  }
0x5fb: {  	v26 =	vmul.f32 v28, v42;
	v28 =	vld [tilespmem:$0x1EFE0]  }
0x5fc: {  	v20 =	vadd.f32 v25, v20;
	v27 =	vld [tilespmem:$0x1EFD0];
	v25 =	vmul.f32 v40, v39  }
0x5fd: {  	v40 =	vld [tilespmem:s11+$0x1460]  }
0x5fe: {  	v17 =	vadd.f32 v25, v17;
	v25 =	vld [tilespmem:$0x1F000]  }
0x5ff: {  	v18 =	vadd.f32 v26, v18;
	v26 =	vld [tilespmem:$0x1EFC0]  }
0x600: {  	v20 =	vadd.f32 v24, v20;
	v24 =	vld [tilespmem:$0x1EFF0];
	v28 =	vmul.f32 v28, v39  }
0x601: {  	v27 =	vmul.f32 v27, v39;
	v39 =	vld [tilespmem:s11+$0x1470]  }
0x602: {  	v22 =	vadd.f32 v28, v22;
	v28 =	vld [tilespmem:$0x1F040]  }
0x603: {  	v15 =	vadd.f32 v27, v15;
	v27 =	vld [tilespmem:$0x1F020]  }
0x604: {  	v16 =	vadd.f32 v21, v16;
	v21 =	vmul.f32 v26, v41;
	_ =	sdelay $0x1  }
0x605: {  	v26 =	vld [tilespmem:$0x1F010];
	v18 =	vadd.f32 v21, v18;
	v21 =	vmul.f32 v25, v40  }
0x606: {  	v14 =	vadd.f32 v23, v14;
	v23 =	vmul.f32 v24, v0;
	v24 =	vmul.f32 v28, v39;
	v28 =	vld [tilespmem:$0x1F050]  }
0x607: {  	v18 =	vadd.f32 v21, v18;
	v21 =	vmul.f32 v27, v0;
	v27 =	vld [tilespmem:$0x1F030];
	_ =	sdelay $0x2  }
0x608: {  	v13 =	vadd.f32 v23, v13;
	v23 =	vmul.f32 v26, v0  }
0x609: {  	v25 =	vmul.f32 v28, v0;
	v28 =	vld [tilespmem:$0x1F060]  }
0x60a: {  	v16 =	vadd.f32 v23, v16;
	v23 =	vmul.f32 v27, v0;
	v27 =	vld [tilespmem:$0x1F070];
	_ =	sdelay $0x2  }
0x60b: {  	v18 =	vadd.f32 v24, v18  }
0x60c: {  	v26 =	vmul.f32 v28, v0  }
0x60d: {  	v0 =	vmul.f32 v27, v0;
	v27 =	vld [tilespmem:$0x1F080];
	v28 =	vperm.xlane v18, v1  }
0x60e: {  	v24 =	vld [tilespmem:$0x1F090]  }
0x60f: {  	v18 =	vadd.f32 v28, v18;
	v28 =	vld [tilespmem:$0x1F0D0];
	_ =	sdelay $0x2  }
0x610: {  	v14 =	vadd.f32 v21, v14;
	v20 =	vadd.f32 v25, v20;
	v25 =	vld [tilespmem:$0x1F0A0];
	v21 =	vmul.f32 v27, v63  }
0x611: {  	v15 =	vadd.f32 v26, v15;
	v26 =	vld [tilespmem:$0x1F0B0]  }
0x612: {  	v13 =	vadd.f32 v21, v13;
	v21 =	vmul.f32 v24, v63;
	v24 =	vmul.f32 v28, v63;
	v28 =	vld [tilespmem:$0x1F0E0]  }
0x613: {  	v27 =	vld [tilespmem:$0x1F0C0];
	_ =	sdelay $0x1  }
0x614: {  	v0 =	vadd.f32 v0, v22;
	v22 =	vmul.f32 v25, v63;
	_ =	sdelay $0x1  }
0x615: {  	v17 =	vadd.f32 v23, v17;
	v14 =	vadd.f32 v22, v14;
	v22 =	vmul.f32 v28, v63;
	v28 =	vld [tilespmem:$0x1F110]  }
0x616: {  	v23 =	vmul.f32 v26, v63;
	v16 =	vadd.f32 v21, v16;
	v21 =	vmul.f32 v27, v63;
	v63 =	vld [tilespmem:$0x1F120];
	_ =	sdelay $0x1  }
0x617: {  	v27 =	vld [tilespmem:$0x1F100];
	_ =	sdelay $0x1  }
0x618: {  	v20 =	vadd.f32 v21, v20;
	v21 =	vmul.f32 v28, v38;
	v28 =	vld [tilespmem:$0x1F140]  }
0x619: {  	v15 =	vadd.f32 v24, v15;
	v24 =	vmul.f32 v63, v38;
	v63 =	vld [tilespmem:$0x1F150]  }
0x61a: {  	v25 =	vperm.xlane v18, v2  }
0x61b: {  	v26 =	vld [tilespmem:$0x1F0F0];
	v17 =	vadd.f32 v23, v17;
	v23 =	vmul.f32 v27, v38  }
0x61c: {  	v18 =	vadd.f32 v25, v18;
	v25 =	vld [tilespmem:$0x1F190]  }
0x61d: {  	v0 =	vadd.f32 v22, v0;
	v27 =	vld [tilespmem:$0x1F130];
	v16 =	vadd.f32 v23, v16  }
0x61e: {  	v17 =	vadd.f32 v24, v17;
	v23 =	vmul.f32 v28, v38;
	v24 =	vmul.f32 v63, v38;
	v28 =	vld [tilespmem:$0x1F160]  }
0x61f: {  	v63 =	vld [tilespmem:$0x1F170]  }
0x620: {  	v22 =	vmul.f32 v26, v38;
	v0 =	vadd.f32 v24, v0;
	v24 =	vld [tilespmem:$0x1F180]  }
0x621: {  	v26 =	vld [tilespmem:$0x1F1A0];
	v14 =	vadd.f32 v21, v14;
	v21 =	vperm.xlane v18, v3  }
0x622: {  	v13 =	vadd.f32 v22, v13;
	v22 =	vmul.f32 v27, v38;
	v27 =	vld [tilespmem:$0x1F1B0]  }
0x623: {  	v38 =	vadd.f32 v21, v18;
	v18 =	vmul.f32 v28, v62;
	v28 =	vld [tilespmem:$0x1F1C0]  }
0x624: {  	v21 =	vmul.f32 v63, v62;
	v63 =	vld [tilespmem:$0x1F1D0]  }
0x625: {  	v20 =	vadd.f32 v22, v20;
	v22 =	vmul.f32 v24, v62;
	v24 =	vld [tilespmem:$0x1F1E0]  }
0x626: {  	v13 =	vadd.f32 v18, v13;
	v18 =	vmul.f32 v25, v62;
	v25 =	vld [tilespmem:$0x1F1F0]  }
0x627: {  	v16 =	vadd.f32 v21, v16;
	v21 =	vmul.f32 v26, v62;
	v26 =	vld [tilespmem:$0x1F200]  }
0x628: {  	v31 =	vsel vm0, v53, v31;
	v14 =	vadd.f32 v22, v14;
	v22 =	vmul.f32 v27, v62;
	v27 =	vld [tilespmem:$0x1F210]  }
0x629: {  	v53 =	vmov s12;
	v15 =	vadd.f32 v23, v15;
	v23 =	vmul.f32 v28, v62;
	v28 =	vld [tilespmem:$0x1F220]  }
0x62a: {  	v17 =	vadd.f32 v18, v17;
	v62 =	vlaneseq.u32;
	v18 =	vmul.f32 v63, v61;
	v63 =	vld [tilespmem:$0x1F250]  }
0x62b: {  	vm7 =	veq.s32 v53, v62;
	v53 =	vld [tilespmem:$0x1F230]  }
0x62c: {  	v20 =	vadd.f32 v21, v20;
	v62 =	vld [tilespmem:$0x1F240];
	v21 =	vmul.f32 v24, v61  }
0x62d: {  	v13 =	vadd.f32 v18, v13;
	v18 =	vmul.f32 v25, v61;
	v25 =	vld [tilespmem:$0x1F260]  }
0x62e: {  	v16 =	vadd.f32 v21, v16;
	v21 =	vmul.f32 v26, v61;
	v26 =	vld [tilespmem:$0x1F270]  }
0x62f: {  	v15 =	vadd.f32 v22, v15;
	v22 =	vmul.f32 v27, v61;
	v27 =	vld [tilespmem:$0x1F280]  }
0x630: {  	v0 =	vadd.f32 v23, v0;
	v23 =	vmul.f32 v28, v61;
	v28 =	vld [tilespmem:$0x1F290]  }
0x631: {  	v24 =	vmul.f32 v53, v61;
	v53 =	vld [tilespmem:$0x1F2A0]  }
0x632: {  	v61 =	vadd.f32 v22, v20;
	v20 =	vmul.f32 v62, v60;
	v62 =	vld [tilespmem:$0x1F2C0]  }
0x633: {  	v17 =	vadd.f32 v21, v17;
	v21 =	vmul.f32 v63, v60;
	v63 =	vld [tilespmem:$0x1F2D0]  }
0x634: {  	v22 =	vmul.f32 v25, v60;
	v25 =	vld [tilespmem:$0x1F2F0]  }
0x635: {  	v0 =	vadd.f32 v24, v0;
	v24 =	vld [tilespmem:$0x1F2E0]  }
0x636: {  	v14 =	vadd.f32 v18, v14;
	v13 =	vadd.f32 v20, v13;
	v20 =	vmul.f32 v26, v60;
	v26 =	vld [tilespmem:$0x1F300]  }
0x637: {  	v16 =	vadd.f32 v21, v16;
	v21 =	vmul.f32 v27, v60;
	v27 =	vld [tilespmem:$0x1F310]  }
0x638: {  	v14 =	vadd.f32 v22, v14;
	v22 =	vmul.f32 v28, v60;
	v28 =	vld [tilespmem:$0x1F320]  }
0x639: {  	v18 =	vadd.f32 v21, v61;
	v61 =	vld [tilespmem:$0x1F2B0]  }
0x63a: {  	v15 =	vadd.f32 v23, v15;
	v23 =	vmul.f32 v53, v60;
	v53 =	vld [tilespmem:$0x1F330]  }
0x63b: {  	v60 =	vld [tilespmem:$0x1F350]  }
0x63c: {  	v21 =	vmul.f32 v62, v59;
	v62 =	vld [tilespmem:$0x1F370]  }
0x63d: {  	v15 =	vadd.f32 v22, v15;
	v22 =	vmul.f32 v63, v59;
	v63 =	vld [tilespmem:$0x1F380]  }
0x63e: {  	v16 =	vadd.f32 v21, v16;
	v21 =	vmul.f32 v25, v59;
	v25 =	vld [tilespmem:$0x1F440]  }
0x63f: {  	v17 =	vadd.f32 v20, v17;
	v14 =	vadd.f32 v22, v14;
	v22 =	vmul.f32 v26, v59;
	v26 =	vld [tilespmem:$0x1F450]  }
0x640: {  	v0 =	vadd.f32 v23, v0;
	v23 =	vmul.f32 v28, v58;
	v28 =	vld [tilespmem:$0x1F3A0];
	v20 =	vmul.f32 v61, v59  }
0x641: {  	v18 =	vadd.f32 v21, v18;
	v21 =	vmul.f32 v53, v58;
	v61 =	vld [tilespmem:$0x1F360]  }
0x642: {  	v53 =	vld [tilespmem:$0x1F3B0];
	v13 =	vadd.f32 v20, v13  }
0x643: {  	v20 =	vmul.f32 v24, v59;
	v16 =	vadd.f32 v21, v16;
	v21 =	vmul.f32 v60, v58;
	v60 =	vld [tilespmem:$0x1F3E0]  }
0x644: {  	v24 =	vmul.f32 v63, v58;
	v63 =	vld [tilespmem:$0x1F410]  }
0x645: {  	v17 =	vadd.f32 v20, v17;
	v20 =	vmul.f32 v27, v59;
	v59 =	vld [tilespmem:$0x1F340]  }
0x646: {  	v27 =	vld [tilespmem:$0x1F390]  }
0x647: {  	v15 =	vadd.f32 v22, v15;
	v13 =	vadd.f32 v23, v13;
	v23 =	vmul.f32 v62, v58;
	v62 =	vld [tilespmem:$0x1F400]  }
0x648: {  	v22 =	vmul.f32 v61, v58;
	v61 =	vld [tilespmem:$0x1F3F0]  }
0x649: {  	v15 =	vadd.f32 v23, v15;
	v23 =	vld [tilespmem:$0x1F420]  }
0x64a: {  	v17 =	vadd.f32 v21, v17;
	v21 =	vmul.f32 v28, v12;
	v28 =	vld [tilespmem:$0x1F470]  }
0x64b: {  	v18 =	vadd.f32 v22, v18;
	v22 =	vmul.f32 v53, v12;
	v53 =	vld [tilespmem:$0x1F480]  }
0x64c: {  	v0 =	vadd.f32 v20, v0;
	v20 =	vmul.f32 v59, v58;
	v58 =	vld [tilespmem:$0x1F3C0]  }
0x64d: {  	v59 =	vld [tilespmem:$0x1F3D0]  }
0x64e: {  	v0 =	vadd.f32 v24, v0;
	v24 =	vld [tilespmem:$0x1F430];
	v14 =	vadd.f32 v20, v14  }
0x64f: {  	v20 =	vmul.f32 v27, v12;
	v27 =	vld [tilespmem:$0x1F460]  }
0x650: {  	v14 =	vadd.f32 v22, v14;
	v22 =	vmul.f32 v60, v12;
	v60 =	vld [tilespmem:$0x1F4C0]  }
0x651: {  	v13 =	vadd.f32 v20, v13;
	v20 =	vmul.f32 v58, v12;
	v58 =	vld [tilespmem:$0x1F4A0]  }
0x652: {  	v16 =	vadd.f32 v21, v16;
	v21 =	vmul.f32 v59, v12;
	v59 =	vld [tilespmem:$0x1F4B0]  }
0x653: {  	v12 =	vmul.f32 v61, v12;
	v61 =	vld [tilespmem:$0x1F4D0]  }
0x654: {  	v15 =	vadd.f32 v22, v15;
	v22 =	vmul.f32 v28, v11;
	v28 =	vld [tilespmem:$0x1F530]  }
0x655: {  	v17 =	vadd.f32 v20, v17;
	v20 =	vmul.f32 v62, v57;
	v62 =	vld [tilespmem:$0x1F4E0]  }
0x656: {  	v18 =	vadd.f32 v21, v18;
	v21 =	vmul.f32 v63, v57;
	v63 =	vld [tilespmem:$0x1F4F0]  }
0x657: {  	v0 =	vadd.f32 v12, v0;
	v12 =	vmul.f32 v23, v57;
	v23 =	vld [tilespmem:$0x1F5E0]  }
0x658: {  	v13 =	vadd.f32 v20, v13;
	v20 =	vmul.f32 v24, v57;
	v24 =	vld [tilespmem:$0x1F500]  }
0x659: {  	v16 =	vadd.f32 v21, v16;
	v12 =	vadd.f32 v12, v14;
	v21 =	vmul.f32 v26, v57;
	v26 =	vld [tilespmem:$0x1F510]  }
0x65a: {  	v14 =	vmul.f32 v25, v57;
	v17 =	vadd.f32 v20, v17;
	v20 =	vmul.f32 v27, v57;
	v57 =	vld [tilespmem:$0x1F490]  }
0x65b: {  	v27 =	vld [tilespmem:$0x1F520]  }
0x65c: {  	v14 =	vadd.f32 v14, v18;
	v18 =	vmul.f32 v53, v11;
	v53 =	vld [tilespmem:$0x1F540]  }
0x65d: {  	v15 =	vadd.f32 v21, v15;
	v21 =	vmul.f32 v59, v11;
	v59 =	vld [tilespmem:$0x1F580]  }
0x65e: {  	v13 =	vadd.f32 v22, v13;
	v22 =	vmul.f32 v60, v11;
	v60 =	vld [tilespmem:$0x1F590]  }
0x65f: {  	v16 =	vadd.f32 v18, v16;
	v18 =	vmul.f32 v58, v11;
	v58 =	vld [tilespmem:$0x1F570]  }
0x660: {  	v15 =	vadd.f32 v22, v15;
	v22 =	vld [tilespmem:$0x1F5D0]  }
0x661: {  	v14 =	vadd.f32 v21, v14;
	v21 =	vmul.f32 v24, v56;
	v24 =	vld [tilespmem:$0x1F5F0]  }
0x662: {  	v17 =	vadd.f32 v18, v17;
	v18 =	vmul.f32 v62, v56;
	v62 =	vld [tilespmem:$0x1F5B0]  }
0x663: {  	v0 =	vadd.f32 v20, v0;
	v20 =	vmul.f32 v57, v11;
	v57 =	vld [tilespmem:$0x1F560]  }
0x664: {  	v11 =	vmul.f32 v61, v11;
	v61 =	vld [tilespmem:$0x1F5A0];
	v25 =	vadd.f32 v18, v13  }
0x665: {  	v13 =	vmul.f32 v26, v56;
	v26 =	vld [tilespmem:$0x1F610];
	v12 =	vadd.f32 v20, v12;
	v20 =	vmul.f32 v63, v56  }
0x666: {  	v18 =	vmul.f32 v27, v56;
	v27 =	vld [tilespmem:$0x1F620]  }
0x667: {  	v63 =	vld [tilespmem:$0x1F5C0];
	v16 =	vadd.f32 v20, v16  }
0x668: {  	v12 =	vadd.f32 v21, v12;
	v20 =	vmul.f32 v28, v56;
	v21 =	vmul.f32 v53, v56;
	v56 =	vld [tilespmem:$0x1F550]  }
0x669: {  	v28 =	vld [tilespmem:$0x1F630]  }
0x66a: {  	v53 =	vld [tilespmem:$0x1F640]  }
0x66b: {  	v0 =	vadd.f32 v11, v0;
	v14 =	vadd.f32 v18, v14;
	v18 =	vmul.f32 v57, v55;
	v57 =	vld [tilespmem:$0x1F660]  }
0x66c: {  	v13 =	vadd.f32 v13, v17;
	v15 =	vadd.f32 v20, v15;
	v20 =	vmul.f32 v58, v55;
	v58 =	vld [tilespmem:$0x1F670]  }
0x66d: {  	v16 =	vadd.f32 v18, v16;
	v18 =	vmul.f32 v60, v55;
	v60 =	vld [tilespmem:$0x1F690];
	v17 =	vmul.f32 v56, v55  }
0x66e: {  	v0 =	vadd.f32 v21, v0;
	v21 =	vmul.f32 v63, v10;
	v63 =	vld [tilespmem:$0x1F6B0]  }
0x66f: {  	v14 =	vadd.f32 v18, v14;
	v18 =	vmul.f32 v22, v10;
	v11 =	vadd.f32 v17, v25;
	v25 =	vld [tilespmem:$0x1F600]  }
0x670: {  	v12 =	vadd.f32 v20, v12;
	v17 =	vmul.f32 v59, v55;
	v59 =	vld [tilespmem:$0x1F680]  }
0x671: {  	v20 =	vmul.f32 v61, v55;
	v16 =	vadd.f32 v18, v16;
	v18 =	vmul.f32 v24, v10;
	v24 =	vld [tilespmem:$0x1F6E0]  }
0x672: {  	v13 =	vadd.f32 v17, v13;
	v17 =	vmul.f32 v62, v55;
	v55 =	vld [tilespmem:$0x1F650]  }
0x673: {  	v15 =	vadd.f32 v20, v15;
	v11 =	vadd.f32 v21, v11;
	v21 =	vmul.f32 v26, v10;
	v62 =	vld [tilespmem:$0x1F6A0]  }
0x674: {  	v26 =	vld [tilespmem:$0x1F700]  }
0x675: {  	v15 =	vadd.f32 v21, v15;
	v21 =	vld [tilespmem:$0x1F6C0]  }
0x676: {  	v0 =	vadd.f32 v17, v0;
	v17 =	vmul.f32 v23, v10;
	v23 =	vld [tilespmem:$0x1F6D0]  }
0x677: {  	v20 =	vmul.f32 v25, v10;
	v25 =	vld [tilespmem:$0x1F6F0]  }
0x678: {  	v10 =	vmul.f32 v27, v10;
	v27 =	vld [tilespmem:$0x1F710]  }
0x679: {  	v13 =	vadd.f32 v18, v13;
	v12 =	vadd.f32 v17, v12;
	v17 =	vmul.f32 v28, v54;
	v28 =	vld [tilespmem:$0x1F720]  }
0x67a: {  	v18 =	vmul.f32 v53, v54;
	v14 =	vadd.f32 v20, v14;
	v20 =	vmul.f32 v55, v54;
	v55 =	vld [tilespmem:$0x1F740]  }
0x67b: {  	v56 =	vadd.f32 v17, v11;
	v11 =	vmul.f32 v57, v54;
	v57 =	vld [tilespmem:$0x1F760]  }
0x67c: {  	v16 =	vadd.f32 v18, v16;
	v17 =	vmul.f32 v58, v54;
	v58 =	vld [tilespmem:$0x1F770]  }
0x67d: {  	v18 =	vmul.f32 v59, v54;
	v12 =	vadd.f32 v20, v12;
	v20 =	vmul.f32 v60, v54;
	v54 =	vld [tilespmem:$0x1F730]  }
0x67e: {  	v60 =	vld [tilespmem:$0x1F780]  }
0x67f: {  	v15 =	vadd.f32 v18, v15;
	v18 =	vmul.f32 v21, v9;
	v21 =	vld [tilespmem:$0x1F7C0]  }
0x680: {  	v61 =	vadd.f32 v17, v14;
	v14 =	vmul.f32 v62, v9;
	v62 =	vld [tilespmem:$0x1F7A0]  }
0x681: {  	v17 =	vmul.f32 v63, v9;
	v12 =	vadd.f32 v18, v12;
	v18 =	vmul.f32 v25, v9;
	v25 =	vld [tilespmem:$0x1F7F0]  }
0x682: {  	v0 =	vadd.f32 v10, v0;
	v10 =	vadd.f32 v14, v56;
	v56 =	vld [tilespmem:$0x1F750]  }
0x683: {  	v22 =	vadd.f32 v17, v16;
	v16 =	vmul.f32 v23, v9;
	v17 =	vmul.f32 v24, v9;
	v23 =	vld [tilespmem:$0x1F7E0]  }
0x684: {  	v11 =	vadd.f32 v11, v13;
	v9 =	vmul.f32 v26, v9;
	v26 =	vld [tilespmem:$0x1F800]  }
0x685: {  	v15 =	vadd.f32 v18, v15;
	v18 =	vmul.f32 v57, v8;
	v13 =	vadd.f32 v17, v61;
	v61 =	vld [tilespmem:$0x1F790]  }
0x686: {  	v11 =	vadd.f32 v16, v11;
	v16 =	vmul.f32 v27, v8;
	v17 =	vmul.f32 v28, v8;
	v27 =	vld [tilespmem:$0x1F810]  }
0x687: {  	v15 =	vadd.f32 v18, v15;
	v18 =	vld [tilespmem:$0x1F7B0]  }
0x688: {  	v14 =	vadd.f32 v17, v22;
	v22 =	vld [tilespmem:$0x1F7D0]  }
0x689: {  	v53 =	vadd.f32 v16, v10;
	v10 =	vmul.f32 v54, v8;
	v54 =	vld [tilespmem:$0x1F840]  }
0x68a: {  	v16 =	vmul.f32 v55, v8;
	v55 =	vld [tilespmem:$0x1F850]  }
0x68b: {  	v17 =	vmul.f32 v56, v8;
	v56 =	vld [tilespmem:$0x1F860]  }
0x68c: {  	v8 =	vmul.f32 v58, v8;
	v58 =	vld [tilespmem:$0x1F870]  }
0x68d: {  	v0 =	vadd.f32 v20, v0;
	v59 =	vadd.f32 v17, v13;
	v13 =	vmul.f32 v60, v52;
	v60 =	vld [tilespmem:$0x1F890]  }
0x68e: {  	v11 =	vadd.f32 v16, v11;
	v16 =	vmul.f32 v61, v52;
	v61 =	vld [tilespmem:$0x1F8A0]  }
0x68f: {  	v0 =	vadd.f32 v9, v0;
	v10 =	vadd.f32 v10, v12;
	v17 =	vmul.f32 v62, v52;
	v62 =	vld [tilespmem:$0x1F8B0]  }
0x690: {  	v9 =	vmul.f32 v18, v52;
	v18 =	vld [tilespmem:$0x1F9F0];
	v20 =	vadd.f32 v16, v14;
	v14 =	vmul.f32 v21, v52  }
0x691: {  	v10 =	vadd.f32 v17, v10;
	v16 =	vmul.f32 v22, v52;
	v17 =	vmul.f32 v23, v52;
	v52 =	vld [tilespmem:$0x1F820]  }
0x692: {  	v63 =	vadd.f32 v13, v53;
	v53 =	vld [tilespmem:$0x1F830]  }
0x693: {  	v21 =	vld [tilespmem:$0x1F8D0]  }
0x694: {  	v12 =	vmul.f32 v25, v7;
	v23 =	vld [tilespmem:$0x1F8E0]  }
0x695: {  	v24 =	vadd.f32 v14, v59;
	v59 =	vld [tilespmem:$0x1F880]  }
0x696: {  	v0 =	vadd.f32 v8, v0;
	v8 =	vadd.f32 v12, v63;
	v63 =	vld [tilespmem:$0x1F8C0]  }
0x697: {  	v14 =	vmul.f32 v26, v7;
	v26 =	vld [tilespmem:$0x1F910]  }
0x698: {  	v15 =	vadd.f32 v16, v15;
	v16 =	vmul.f32 v27, v7;
	v27 =	vld [tilespmem:$0x1F920]  }
0x699: {  	v0 =	vadd.f32 v17, v0;
	v17 =	vld [tilespmem:$0x1F9E0]  }
0x69a: {  	v10 =	vadd.f32 v16, v10;
	v16 =	vmul.f32 v54, v7;
	v54 =	vld [tilespmem:$0x1F950]  }
0x69b: {  	v28 =	vadd.f32 v14, v20;
	v14 =	vmul.f32 v53, v7;
	v53 =	vld [tilespmem:$0x1F940]  }
0x69c: {  	v13 =	vmul.f32 v52, v7;
	v7 =	vmul.f32 v55, v7;
	v55 =	vld [tilespmem:$0x1F960]  }
0x69d: {  	v57 =	vadd.f32 v16, v15;
	v15 =	vmul.f32 v58, v6;
	v58 =	vld [tilespmem:$0x1F980]  }
0x69e: {  	v9 =	vadd.f32 v9, v11;
	v11 =	vadd.f32 v14, v24;
	v24 =	vld [tilespmem:$0x1F8F0]  }
0x69f: {  	v16 =	vmul.f32 v62, v6;
	v14 =	vmul.f32 v23, v51;
	v23 =	vld [tilespmem:$0x1FA30]  }
0x6a0: {  	v12 =	vadd.f32 v15, v28;
	v28 =	vld [tilespmem:$0x1F930]  }
0x6a1: {  	v22 =	vadd.f32 v16, v57;
	v57 =	vld [tilespmem:$0x1F970]  }
0x6a2: {  	v9 =	vadd.f32 v13, v9;
	v13 =	vmul.f32 v56, v6;
	v15 =	vmul.f32 v61, v6;
	v61 =	vld [tilespmem:$0x1F9B0]  }
0x6a3: {  	v16 =	vld [tilespmem:$0x1F9D0]  }
0x6a4: {  	v0 =	vadd.f32 v7, v0;
	v7 =	vadd.f32 v13, v8;
	v8 =	vmul.f32 v59, v6;
	v59 =	vld [tilespmem:$0x1F990]  }
0x6a5: {  	v13 =	vmul.f32 v60, v6;
	v60 =	vld [tilespmem:$0x1F9A0]  }
0x6a6: {  	v6 =	vmul.f32 v63, v6;
	v63 =	vld [tilespmem:$0x1F9C0]  }
0x6a7: {  	v20 =	vadd.f32 v15, v11;
	v11 =	vmul.f32 v21, v51;
	v21 =	vld [tilespmem:$0x1FA10]  }
0x6a8: {  	v25 =	vadd.f32 v14, v12;
	v12 =	vmul.f32 v26, v51;
	v26 =	vld [tilespmem:$0x1FA70]  }
0x6a9: {  	v14 =	vmul.f32 v27, v51;
	v27 =	vld [tilespmem:$0x1FA80]  }
0x6aa: {  	v8 =	vadd.f32 v8, v10;
	v10 =	vmul.f32 v53, v50;
	v53 =	vld [tilespmem:$0x1FAE0]  }
0x6ab: {  	v0 =	vadd.f32 v6, v0;
	v6 =	vadd.f32 v11, v7;
	v7 =	vld [tilespmem:$0x1F900]  }
0x6ac: {  	v52 =	vadd.f32 v12, v20;
	v20 =	vld [tilespmem:$0x1FA00]  }
0x6ad: {  	v9 =	vadd.f32 v13, v9;
	v13 =	vadd.f32 v14, v22;
	v22 =	vld [tilespmem:$0x1FA20]  }
0x6ae: {  	v15 =	vmul.f32 v24, v51;
	v24 =	vld [tilespmem:$0x1FA40]  }
0x6af: {  	v12 =	vmul.f32 v54, v50;
	v54 =	vld [tilespmem:$0x1FAF0]  }
0x6b0: {  	v14 =	vmul.f32 v55, v50;
	v55 =	vld [tilespmem:$0x1FB00]  }
0x6b1: {  	v56 =	vadd.f32 v12, v25;
	v25 =	vld [tilespmem:$0x1FA60]  }
0x6b2: {  	v8 =	vadd.f32 v15, v8;
	v15 =	vmul.f32 v28, v51;
	v28 =	vld [tilespmem:$0x1FA90]  }
0x6b3: {  	v12 =	vmul.f32 v58, v50;
	v58 =	vld [tilespmem:$0x1FB30]  }
0x6b4: {  	v8 =	vadd.f32 v14, v8;
	v14 =	vmul.f32 v59, v50;
	v59 =	vld [tilespmem:$0x1FB40]  }
0x6b5: {  	v0 =	vadd.f32 v15, v0;
	v15 =	vmul.f32 v61, v5;
	v61 =	vld [tilespmem:$0x1FB60]  }
0x6b6: {  	v6 =	vadd.f32 v10, v6;
	v62 =	vadd.f32 v14, v13;
	v13 =	vmul.f32 v63, v5;
	v63 =	vld [tilespmem:$0x1FB80]  }
0x6b7: {  	v7 =	vmul.f32 v7, v51;
	v14 =	vmul.f32 v18, v5;
	v18 =	vld [tilespmem:$0x1FBD0]  }
0x6b8: {  	v6 =	vadd.f32 v15, v6;
	v15 =	vmul.f32 v20, v5;
	v20 =	vld [tilespmem:$0x1FBE0]  }
0x6b9: {  	v7 =	vadd.f32 v7, v9;
	v9 =	vadd.f32 v12, v52;
	v52 =	vld [tilespmem:$0x1FAD0]  }
0x6ba: {  	v11 =	vmul.f32 v57, v50;
	v10 =	vadd.f32 v13, v56;
	v56 =	vld [tilespmem:$0x1FB10]  }
0x6bb: {  	v12 =	vadd.f32 v15, v62;
	v62 =	vld [tilespmem:$0x1FB70]  }
0x6bc: {  	v13 =	vmul.f32 v17, v5;
	v17 =	vld [tilespmem:$0x1FBC0];
	v7 =	vadd.f32 v11, v7;
	v11 =	vmul.f32 v60, v50  }
0x6bd: {  	v50 =	vld [tilespmem:$0x1FAC0]  }
0x6be: {  	v60 =	vld [tilespmem:$0x1FB50];
	v0 =	vadd.f32 v11, v0;
	v11 =	vmul.f32 v16, v5  }
0x6bf: {  	v9 =	vadd.f32 v14, v9;
	v14 =	vmul.f32 v24, v49;
	v24 =	vld [tilespmem:$0x1FC30]  }
0x6c0: {  	v5 =	vmul.f32 v21, v5;
	v16 =	vld [tilespmem:$0x1FBB0];
	v8 =	vadd.f32 v11, v8;
	v11 =	vmul.f32 v22, v49  }
0x6c1: {  	v21 =	vld [tilespmem:$0x1FBF0]  }
0x6c2: {  	v0 =	vadd.f32 v5, v0;
	v5 =	vadd.f32 v11, v6;
	v6 =	vld [tilespmem:$0x1FA50]  }
0x6c3: {  	v7 =	vadd.f32 v13, v7;
	v13 =	vmul.f32 v23, v49;
	v23 =	vld [tilespmem:$0x1FC10]  }
0x6c4: {  	v15 =	vmul.f32 v63, v47;
	v63 =	vld [tilespmem:$0x1FDC0]  }
0x6c5: {  	v22 =	vld [tilespmem:$0x1FC00]  }
0x6c6: {  	v10 =	vadd.f32 v13, v10;
	v13 =	vmul.f32 v26, v49;
	v26 =	vld [tilespmem:$0x1FC50];
	v11 =	vmul.f32 v25, v49  }
0x6c7: {  	v8 =	vadd.f32 v14, v8;
	v14 =	vmul.f32 v27, v49;
	v6 =	vmul.f32 v6, v49;
	v49 =	vld [tilespmem:$0x1FAB0]  }
0x6c8: {  	v25 =	vld [tilespmem:$0x1FC40]  }
0x6c9: {  	v12 =	vadd.f32 v13, v12;
	v13 =	vmul.f32 v50, v48;
	v27 =	vld [tilespmem:$0x1FC60]  }
0x6ca: {  	v50 =	vld [tilespmem:$0x1FCD0];
	v0 =	vadd.f32 v14, v0  }
0x6cb: {  	v8 =	vadd.f32 v13, v8;
	v13 =	vmul.f32 v54, v48;
	v14 =	vmul.f32 v56, v47;
	v54 =	vld [tilespmem:$0x1FD10]  }
0x6cc: {  	v56 =	vld [tilespmem:$0x1FD40];
	v6 =	vadd.f32 v6, v7;
	v7 =	vadd.f32 v11, v9;
	v11 =	vmul.f32 v49, v48  }
0x6cd: {  	v57 =	vadd.f32 v13, v12;
	v12 =	vmul.f32 v58, v47;
	v58 =	vld [tilespmem:$0x1FD60];
	v9 =	vmul.f32 v28, v48  }
0x6ce: {  	v13 =	vmul.f32 v61, v47;
	v61 =	vld [tilespmem:$0x1FD90];
	v51 =	vadd.f32 v11, v10;
	v11 =	vmul.f32 v53, v48  }
0x6cf: {  	v28 =	vld [tilespmem:$0x1FC70];
	v5 =	vadd.f32 v9, v5;
	v10 =	vmul.f32 v52, v48  }
0x6d0: {  	v49 =	vld [tilespmem:$0x1FCC0];
	v7 =	vadd.f32 v11, v7  }
0x6d1: {  	v5 =	vadd.f32 v14, v5;
	v14 =	vmul.f32 v62, v47;
	v62 =	vld [tilespmem:$0x1FDB0];
	v6 =	vadd.f32 v10, v6  }
0x6d2: {  	v9 =	vadd.f32 v12, v51;
	v12 =	vmul.f32 v60, v47;
	v7 =	vadd.f32 v13, v7;
	v13 =	vld [tilespmem:$0x1FB90]  }
0x6d3: {  	v52 =	vld [tilespmem:$0x1FCF0];
	v10 =	vmul.f32 v55, v48  }
0x6d4: {  	v53 =	vld [tilespmem:$0x1FD00];
	v6 =	vadd.f32 v12, v6;
	v12 =	vmul.f32 v16, v32  }
0x6d5: {  	v11 =	vadd.f32 v14, v57;
	v48 =	vld [tilespmem:$0x1FCB0];
	v0 =	vadd.f32 v10, v0;
	v10 =	vmul.f32 v59, v47  }
0x6d6: {  	v14 =	vmul.f32 v22, v32;
	v51 =	vld [tilespmem:$0x1FCE0];
	v9 =	vadd.f32 v12, v9;
	v12 =	vmul.f32 v20, v32  }
0x6d7: {  	v55 =	vld [tilespmem:$0x1FD30];
	v8 =	vadd.f32 v10, v8;
	v0 =	vadd.f32 v15, v0;
	v10 =	vmul.f32 v13, v32  }
0x6d8: {  	v57 =	vld [tilespmem:$0x1FD50];
	v7 =	vadd.f32 v12, v7;
	v12 =	vmul.f32 v24, v46;
	v13 =	vmul.f32 v17, v32  }
0x6d9: {  	v60 =	vld [tilespmem:$0x1FD80];
	v15 =	vmul.f32 v53, v45;
	v5 =	vadd.f32 v10, v5;
	v10 =	vmul.f32 v18, v32  }
0x6da: {  	v47 =	vld [tilespmem:$0x1FC90];
	v9 =	vadd.f32 v12, v9;
	v8 =	vadd.f32 v13, v8;
	v13 =	vmul.f32 v21, v32  }
0x6db: {  	v12 =	vmul.f32 v27, v46;
	v32 =	vld [tilespmem:$0x1FC80];
	v6 =	vadd.f32 v10, v6;
	v10 =	vmul.f32 v23, v46  }
0x6dc: {  	v22 =	vld [tilespmem:$0x1FE40];
	v0 =	vadd.f32 v14, v0;
	v11 =	vadd.f32 v13, v11;
	v13 =	vmul.f32 v25, v46  }
0x6dd: {  	v59 =	vld [tilespmem:$0x1FD70];
	v7 =	vadd.f32 v12, v7;
	v12 =	vmul.f32 v48, v45;
	v5 =	vadd.f32 v10, v5  }
0x6de: {  	v16 =	vld [tilespmem:$0x1FDE0];
	v10 =	vmul.f32 v26, v46;
	v8 =	vadd.f32 v13, v8;
	v13 =	vmul.f32 v28, v46  }
0x6df: {  	v20 =	vld [tilespmem:$0x1FE10];
	v14 =	vmul.f32 v47, v45;
	v9 =	vadd.f32 v12, v9;
	v12 =	vmul.f32 v50, v45  }
0x6e0: {  	v24 =	vld [tilespmem:$0x1FE60];
	v6 =	vadd.f32 v10, v6;
	v10 =	vmul.f32 v32, v46;
	v11 =	vadd.f32 v13, v11  }
0x6e1: {  	v17 =	vld [tilespmem:$0x1FDF0];
	v5 =	vadd.f32 v14, v5;
	v13 =	vmul.f32 v51, v45;
	v14 =	vmul.f32 v52, v45  }
0x6e2: {  	v47 =	vld [tilespmem:$0x1FF30];
	v0 =	vadd.f32 v10, v0;
	v10 =	vmul.f32 v49, v45;
	v6 =	vadd.f32 v12, v6  }
0x6e3: {  	v53 =	vmul.f32 v30, v39;
	v27 =	vld [tilespmem:$0x1FE90];
	v7 =	vadd.f32 v13, v7;
	v11 =	vadd.f32 v14, v11  }
0x6e4: {  	v18 =	vld [tilespmem:$0x1FE00];
	v12 =	vmul.f32 v55, v44;
	v8 =	vadd.f32 v10, v8;
	v10 =	vmul.f32 v54, v44  }
0x6e5: {  	v21 =	vld [tilespmem:$0x1FE30];
	v13 =	vmul.f32 v56, v44;
	v14 =	vmul.f32 v60, v44;
	v0 =	vadd.f32 v15, v0  }
0x6e6: {  	v48 =	vld [tilespmem:$0x1FF40];
	v9 =	vadd.f32 v12, v9;
	v12 =	vmul.f32 v58, v44;
	v5 =	vadd.f32 v10, v5  }
0x6e7: {  	v15 =	vld [tilespmem:$0x1FDD0];
	v10 =	vmul.f32 v57, v44;
	v8 =	vadd.f32 v13, v8;
	v13 =	vmul.f32 v59, v44  }
0x6e8: {  	v26 =	vld [tilespmem:$0x1FE80];
	v7 =	vadd.f32 v12, v7;
	v12 =	vmul.f32 v62, v43;
	v0 =	vadd.f32 v14, v0  }
0x6e9: {  	v23 =	vld [tilespmem:$0x1FE50];
	v14 =	vmul.f32 v20, v42;
	v6 =	vadd.f32 v10, v6;
	v10 =	vmul.f32 v61, v43  }
0x6ea: {  	v25 =	vld [tilespmem:$0x1FE70];
	v59 =	vmul.f32 v29, v39;
	v11 =	vadd.f32 v13, v11;
	v13 =	vmul.f32 v63, v43  }
0x6eb: {  	v50 =	vld [tilespmem:$0x1FF60];
	v9 =	vadd.f32 v12, v9;
	v12 =	vmul.f32 v16, v43;
	v5 =	vadd.f32 v10, v5  }
0x6ec: {  	v28 =	vld [tilespmem:$0x1FEB0];
	v10 =	vmul.f32 v15, v43;
	v8 =	vadd.f32 v13, v8;
	v13 =	vmul.f32 v17, v43  }
0x6ed: {  	v32 =	vld [tilespmem:$0x1FEC0];
	v7 =	vadd.f32 v12, v7;
	v12 =	vmul.f32 v21, v42;
	v15 =	vmul.f32 v26, v42  }
0x6ee: {  	v45 =	vld [tilespmem:$0x1FF00];
	v6 =	vadd.f32 v10, v6;
	v10 =	vmul.f32 v18, v43;
	v11 =	vadd.f32 v13, v11  }
0x6ef: {  	v9 =	vadd.f32 v12, v9;
	v12 =	vmul.f32 v23, v42;
	v13 =	vmul.f32 v24, v42;
	v43 =	vld [tilespmem:$0x1FEE0]  }
0x6f0: {  	v44 =	vld [tilespmem:$0x1FEF0];
	v5 =	vadd.f32 v14, v5;
	v14 =	vmul.f32 v25, v42;
	v0 =	vadd.f32 v10, v0  }
0x6f1: {  	v10 =	vmul.f32 v22, v42;
	v6 =	vadd.f32 v12, v6;
	v7 =	vadd.f32 v13, v7;
	v42 =	vld [tilespmem:$0x1FED0]  }
0x6f2: {  	v46 =	vld [tilespmem:$0x1FF10];
	v11 =	vadd.f32 v14, v11;
	v12 =	vmul.f32 v28, v41;
	v13 =	vmul.f32 v32, v41  }
0x6f3: {  	v58 =	vld [tilespmem:$0x1FFE0];
	v14 =	vmul.f32 v45, v41;
	v8 =	vadd.f32 v10, v8;
	v10 =	vmul.f32 v27, v41  }
0x6f4: {  	v51 =	vld [tilespmem:$0x1FF70];
	v0 =	vadd.f32 v15, v0;
	v9 =	vadd.f32 v12, v9;
	v12 =	vmul.f32 v43, v41  }
0x6f5: {  	v49 =	vld [tilespmem:$0x1FF50];
	v5 =	vadd.f32 v10, v5;
	v8 =	vadd.f32 v13, v8;
	v13 =	vmul.f32 v44, v41  }
0x6f6: {  	v54 =	vld [tilespmem:$0x1FFA0];
	v0 =	vadd.f32 v14, v0;
	v10 =	vmul.f32 v42, v41;
	v7 =	vadd.f32 v12, v7  }
0x6f7: {  	v57 =	vld [tilespmem:$0x1FFD0];
	v12 =	vmul.f32 v47, v40;
	v11 =	vadd.f32 v13, v11;
	v13 =	vmul.f32 v48, v40  }
0x6f8: {  	v52 =	vld [tilespmem:$0x1FF80];
	v14 =	vmul.f32 v58, v39;
	v6 =	vadd.f32 v10, v6;
	v10 =	vmul.f32 v46, v40  }
0x6f9: {  	v56 =	vld [tilespmem:$0x1FFC0];
	v9 =	vadd.f32 v12, v9;
	v12 =	vmul.f32 v50, v40;
	v8 =	vadd.f32 v13, v8  }
0x6fa: {  	v55 =	vld [tilespmem:$0x1FFB0];
	v13 =	vmul.f32 v51, v40;
	v5 =	vadd.f32 v10, v5;
	v10 =	vmul.f32 v49, v40  }
0x6fb: {  	v51 =	vperm.xlane v38, v4;
	v7 =	vadd.f32 v12, v7;
	v12 =	vmul.f32 v54, v39  }
0x6fc: {  	v11 =	vadd.f32 v13, v11;
	v13 =	vmul.f32 v57, v39;
	v6 =	vadd.f32 v10, v6  }
0x6fd: {  	v10 =	vmul.f32 v52, v40;
	v5 =	vadd.f32 v53, v5;
	v9 =	vadd.f32 v12, v9  }
0x6fe: {  	v12 =	vmul.f32 v56, v39;
	v7 =	vadd.f32 v13, v7;
	v11 =	vadd.f32 v14, v11  }
0x6ff: {  	v0 =	vadd.f32 v10, v0;
	v10 =	vmul.f32 v55, v39;
	v60 =	vperm.xlane v5, v1  }
0x700: {  	v6 =	vadd.f32 v12, v6;
	v61 =	vperm.xlane v9, v1;
	v16 =	vperm.xlane v7, v1  }
0x701: {  	v17 =	vperm.xlane v11, v1;
	v8 =	vadd.f32 v10, v8;
	v0 =	vadd.f32 v59, v0  }
0x702: {  	v63 =	vperm.xlane v6, v1;
	v5 =	vadd.f32 v60, v5;
	v9 =	vadd.f32 v61, v9  }
0x703: {  	v7 =	vadd.f32 v16, v7;
	v11 =	vadd.f32 v17, v11;
	v62 =	vperm.xlane v8, v1  }
0x704: {  	v18 =	vperm.xlane v0, v1;
	v6 =	vadd.f32 v63, v6;
	v20 =	vperm.xlane v5, v2  }
0x705: {  	v21 =	vperm.xlane v9, v2;
	v24 =	vperm.xlane v7, v2;
	v8 =	vadd.f32 v62, v8  }
0x706: {  	v25 =	vperm.xlane v11, v2;
	v0 =	vadd.f32 v18, v0;
	v5 =	vadd.f32 v20, v5  }
0x707: {  	v23 =	vperm.xlane v6, v2;
	v9 =	vadd.f32 v21, v9;
	v22 =	vperm.xlane v8, v2  }
0x708: {  	v7 =	vadd.f32 v24, v7;
	v28 =	vadd.f32 v25, v11;
	v26 =	vperm.xlane v0, v2  }
0x709: {  	v27 =	vperm.xlane v5, v3;
	v29 =	vperm.xlane v9, v3;
	v8 =	vadd.f32 v22, v8  }
0x70a: {  	v6 =	vadd.f32 v23, v6;
	v39 =	vperm.xlane v7, v3;
	v40 =	vperm.xlane v28, v3  }
0x70b: {  	v0 =	vadd.f32 v26, v0;
	v5 =	vadd.f32 v27, v5;
	v30 =	vperm.xlane v8, v3  }
0x70c: {  	v32 =	vperm.xlane v6, v3;
	v9 =	vadd.f32 v29, v9;
	v7 =	vadd.f32 v39, v7  }
0x70d: {  	v48 =	vld [tilespmem:$0x1E750];
	v10 =	vadd.f32 v40, v28;
	v41 =	vperm.xlane v0, v3;
	v8 =	vadd.f32 v30, v8  }
0x70e: {  	v6 =	vadd.f32 v32, v6;
	v42 =	vperm.xlane v5, v4;
	v43 =	vperm.xlane v9, v4  }
0x70f: {  	v46 =	vperm.xlane v7, v4;
	v0 =	vadd.f32 v41, v0;
	v44 =	vperm.xlane v8, v4  }
0x710: {  	v45 =	vperm.xlane v6, v4;
	v5 =	vadd.f32 v42, v5;
	v9 =	vadd.f32 v43, v9  }
0x711: {  	v47 =	vperm.xlane v10, v4;
	v7 =	vadd.f32 v46, v7;
	v8 =	vadd.f32 v44, v8  }
0x712: {  	v5 =	vsel vm7, v5, v48;
	v6 =	vadd.f32 v45, v6;
	v9 =	vsel vm7, v9, v37  }
0x713: {  	v49 =	vperm.xlane v0, v4;
	v50 =	vmax.f32 v5, v9;
	v8 =	vsel vm7, v8, v35  }
0x714: {  	v10 =	vadd.f32 v47, v10;
	v6 =	vsel vm7, v6, v33;
	v12 =	vmax.f32 v50, v8  }
0x715: {  	v7 =	vsel vm7, v7, v36;
	v0 =	vadd.f32 v49, v0;
	v52 =	vmax.f32 v12, v6  }
0x716: {  	v53 =	vadd.f32 v51, v38;
	v10 =	vsel vm7, v10, v34;
	v11 =	vmax.f32 v52, v7  }
0x717: {  	v0 =	vsel vm7, v0, v31;
	v11 =	vmax.f32 v11, v10  }
0x718: {  	v12 =	vsel vm7, v53, v19;
	v11 =	vmax.f32 v11, v0  }
0x719: {  	v11 =	vmax.f32 v11, v12  }
0x71a: {  	v54 =	vimm.s32 $0x8;
	vm0 =	veq.f32 v12, v11  }
0x71b: {  	vm8 =	veq.f32 v0, v11;
	v55 =	vsel vm0, $0x7, v54  }
0x71c: {  	vm9 =	veq.f32 v10, v11;
	v13 =	vsel vm8, $0x6, v55  }
0x71d: {  	vm10 =	veq.f32 v7, v11;
	v13 =	vsel vm9, $0x5, v13  }
0x71e: {  	vm11 =	veq.f32 v6, v11;
	v13 =	vsel vm10, $0x4, v13  }
0x71f: {  	vm12 =	veq.f32 v8, v11;
	v13 =	vsel vm11, $0x3, v13  }
0x720: {  	vm13 =	veq.f32 v9, v11;
	v13 =	vsel vm12, $0x2, v13  }
0x721: {  	vm7 =	vne.f32 v5, v11;
	v13 =	vsel vm13, $0x1, v13  }
0x722: {  	vm6 =	vmand vm7, vm13;
	v13 =	vnsel vm7, $0x0, v13  }
0x723: {  	v5 =	vnsel vm7, $0xFF61B1E6, v5;
	v9 =	vsel vm6, $0xFF61B1E6, v9;
	vm5 =	veq.s32 v13, $0x2  }
0x724: {  	v56 =	vmax.f32 v5, v9;
	vm4 =	veq.s32 v13, $0x3;
	v8 =	vsel vm5, $0xFF61B1E6, v8  }
0x725: {  	vm3 =	veq.s32 v13, $0x4;
	v6 =	vsel vm4, $0xFF61B1E6, v6;
	v14 =	vmax.f32 v56, v8  }
0x726: {  	vm2 =	veq.s32 v13, $0x5;
	v7 =	vsel vm3, $0xFF61B1E6, v7;
	v14 =	vmax.f32 v14, v6  }
0x727: {  	vm0 =	veq.s32 v13, $0x6;
	v10 =	vsel vm2, $0xFF61B1E6, v10;
	v14 =	vmax.f32 v14, v7  }
0x728: {  	vm1 =	veq.s32 v13, $0x7;
	v0 =	vsel vm0, $0xFF61B1E6, v0;
	v57 =	vmax.f32 v14, v10  }
0x729: {  	v12 =	vsel vm1, $0xFF61B1E6, v12;
	v13 =	vmax.f32 v57, v0  }
0x72a: {  	v13 =	vmax.f32 v13, v12  }
0x72b: {  	v11 =	vsub.f32 v13, v11;
	_ =	sdelay $0x1  }
0x72c: {  	v11 =	vmul.f32 $1.442695020e+00, v11;
	_ =	sdelay $0x1  }
0x72d: {  	(erf) = vpow2.f32 v11;
	_ =	sdelay $0x8  }
0x72e: {  	v11 =	vpop (erf)  }
0x72f: {  	v58 =	vadd.f32 $1.000000000e+00, v11;
	_ =	sdelay $0x1  }
0x730: {  	(erf) = vrcp.f32 v58;
	_ =	sdelay $0x3  }
0x731: {  	vm8 =	veq.f32 v12, v13  }
0x732: {  	vm9 =	veq.f32 v0, v13;
	v0 =	vsel vm8, $0x7, v54  }
0x733: {  	vm14 =	veq.f32 v10, v13;
	v0 =	vsel vm9, $0x6, v0  }
0x734: {  	vm15 =	veq.f32 v7, v13;
	v0 =	vsel vm14, $0x5, v0  }
0x735: {  	vm12 =	veq.f32 v6, v13;
	v0 =	vsel vm15, $0x4, v0  }
0x736: {  	vm13 =	veq.f32 v8, v13;
	v0 =	vsel vm12, $0x3, v0;
	v6 =	vpop (erf)  }
0x737: {  	vm14 =	veq.f32 v9, v13;
	v0 =	vsel vm13, $0x2, v0;
	v7 =	vmul.f32 v6, v11  }
0x738: {  	vm15 =	vne.f32 v5, v13;
	v0 =	vsel vm14, $0x1, v0  }
0x739: {  	vm9 =	vmand vm15, vm14;
	v0 =	vnsel vm15, $0x0, v0;
	v5 =	vsel vm15, $0x0, v7  }
0x73a: {  	vm10 =	veq.s32 v0, $0x2;
	v59 =	vnsel vm9, $0x0, v7;
	v5 =	vsel vm7, v5, v6  }
0x73b: {  	vm11 =	veq.s32 v0, $0x3;
	v60 =	vnsel vm10, $0x0, v7;
	[tilespmem:$0x4800] =	vst v5;
	v5 =	vsel vm6, v6, v59  }
0x73c: {  	vm12 =	veq.s32 v0, $0x4;
	v61 =	vnsel vm11, $0x0, v7;
	[tilespmem:$0x4880] =	vst v5;
	v5 =	vsel vm5, v6, v60  }
0x73d: {  	vm13 =	veq.s32 v0, $0x5;
	v62 =	vnsel vm12, $0x0, v7;
	[tilespmem:$0x4900] =	vst v5;
	v5 =	vsel vm4, v6, v61  }
0x73e: {  	vm14 =	veq.s32 v0, $0x6;
	v63 =	vnsel vm13, $0x0, v7;
	[tilespmem:$0x4980] =	vst v5;
	v5 =	vsel vm3, v6, v62  }
0x73f: {  	vm15 =	veq.s32 v0, $0x7;
	v0 =	vnsel vm14, $0x0, v7;
	[tilespmem:$0x4A00] =	vst v5;
	v5 =	vsel vm2, v6, v63  }
0x740: {  	s10 =	sadd.s32 $0x1, s10;
	v0 =	vsel vm0, v6, v0;
	[tilespmem:$0x4A80] =	vst v5;
	v5 =	vnsel vm15, $0x0, v7  }
0x741: {  	p0 =	sne.s32 s10, s6;
	[tilespmem:$0x4B00] =	vst v0;
	v0 =	vsel vm1, v6, v5  }
.Ltmp2:
0x742: {  	[tilespmem:$0x4B80] =	vst v0;
	(pc) =	sbr.rel @p0 .LBB2_2-.Ltmp2, $4  }
0x743: {  	[hbm4b:s4+s3] =	stream.linear.scatter [tilespmem:s9], [sflag:$0x1], $0x400, $0x38;
	[tilespmem:$0x4C00] =	vst v63  }
0x744: {  	_ =	swait.ge [sflag:s7], $0x400  }
0x745: {  	[sflag:s7] =	ssyncset.done $0x0  }
0x746: {  	[sflag:s7] =	ssyncadd.s32 $0xFFFFFC00  }
.LBB2_5:
0x747: {  	_ =	sfence.sel $0x180000  }
0x748: {  	[bflag:$0x0] =	sbarrier.arrive $0xFFFF  }
0x749: {  	p0 =	sne.s32 s1, $0x0;
	_ =	strace $0x90000047  }
0x74a: {  	s0 =	sadd.s32 @!p0 $0x100000, s0;
	[bflag:$0x2] =	sbarrier.arrive $0xFFFF  }
0x74b: {  	[sflag:s0] =	ssyncadd.tile.s32 @!p0 $0x1;
	_ =	shalt  }
.Lfunc_end2:
_tile_overlayer_lowered:
.L_overlay_start_2:
0x74c: {  	(tag) =	ssettag $0x2  }
0x74d: {  	s0 =	rddreg [dreg:$0x0];
	s2 =	stileid.u32  }
0x74e: {  	s1 =	rddreg [dreg:$0x1];
	p0 =	sne.s32 s2, $0x0  }
0x74f: {  	s3 =	rddreg [dreg:$0x2];
	[bflag:$0x3] =	sbarrier.arrive $0xFFFF;
	s2 =	simm.s32 @!p0 $0x1C01  }
0x750: {  	[timem:s3], [sflag:s2] =	dma.local @!p0 [hbm:s0], s1  }
0x751: {  	s0 =	simm.s32 @!p0 $0x1  }
0x752: {  	_ =	swait.ge @!p0 [sflag:s0], s1  }
0x753: {  	s1 =	ssub.s32 @!p0 $0x0, s1;
	[sflag:s0] =	ssyncset.done @!p0 $0x0  }
0x754: {  	[sflag:s0] =	ssyncadd.s32 @!p0 s1  }
0x755: {  	[bflag:$0x3] =	sbarrier.arrive $0xFFFF  }
0x756: {  	_ =	shalt  }

</sc_bundles>
